<compile_context>
chip_gen: v7x
topology: tpu7x:2x2x1
jax: 0.10.2.dev20260603
libtpu: 0.0.44.dev20260713+nightly
codegen_flags: <defaults>
</compile_context>

<pallas_src>
import jax
import jax.numpy as jnp
from jax import lax
from jax.experimental import pallas as pl
from jax.experimental.pallas import tpu as pltpu
from jax.experimental.pallas import tpu_sc as plsc

_NC = 2
_NS = 16
_NW = _NC * _NS
_L = 16
_CR = 16
_NBUF = 4
_LOOKAHEAD = 2


def _sc_body(x_hbm, pos_hbm, alpha_hbm, pe_hbm, out_hbm, comb0_v, comb1_v,
             tmp_v, xa_v, xb_v, xc_v, xd_v, alpha_v, sl0, sl1, sl2, sl3,
             ss0, ss1, ss2, ss3, st0, st1):
    b, s, d = x_hbm.shape
    rows_per_w = s // _NW
    n_chunks = rows_per_w // _CR
    vecs = (_CR * d) // _L

    wid = lax.axis_index("s") * _NC + lax.axis_index("c")
    base = wid * rows_per_w

    pltpu.sync_copy(alpha_hbm, alpha_v)
    a_vec = alpha_v[...]
    a = 1.0 / (1.0 + jnp.exp(-a_vec))
    om_a = 1.0 - a

    combs = (comb0_v, comb1_v)
    tsems = (st0, st1)
    xbufs = (xa_v, xb_v, xc_v, xd_v)
    lsems = (sl0, sl1, sl2, sl3)
    ssems = (ss0, ss1, ss2, ss3)
    n_items = n_chunks * b

    def item_cb(k):
        return k // b, k % b

    def start_load(k):
        c, bi = item_cb(k)
        p = k % _NBUF
        return pltpu.async_copy(
            x_hbm.at[bi, pl.ds(base + c * _CR, _CR), :], xbufs[p], lsems[p])

    def start_store(k):
        c, bi = item_cb(k)
        p = k % _NBUF
        return pltpu.async_copy(
            xbufs[p], out_hbm.at[bi, pl.ds(base + c * _CR, _CR), :], ssems[p])

    def start_tables(c):
        r0 = base + c * _CR
        q = c % 2
        return (
            pltpu.async_copy(pos_hbm.at[pl.ds(r0, _CR), :], combs[q],
                             tsems[q]),
            pltpu.async_copy(pe_hbm.at[pl.ds(r0, _CR), :], tmp_v, tsems[q]),
        )

    loads = {}
    stores = {}
    for k in range(min(_LOOKAHEAD, n_items)):
        loads[k] = start_load(k)
    tloads = {0: start_tables(0)}

    for k in range(n_items):
        c, bi = item_cb(k)
        comb_v = combs[c % 2]
        if bi == 0:
            tloads[c][0].wait()
            tloads[c][1].wait()

            @plsc.parallel_loop(0, vecs, unroll=8)
            def _(i):
                r = i >> 6
                cc = pl.multiple_of((i & 63) << 4, _L)
                comb_v[r, pl.ds(cc, _L)] = (
                    a * comb_v[r, pl.ds(cc, _L)]
                    + om_a * tmp_v[r, pl.ds(cc, _L)])

            if c + 1 < n_chunks:
                tloads[c + 1] = start_tables(c + 1)


        nxt = k + _LOOKAHEAD
        if nxt < n_items:
            if nxt - _NBUF >= 0:
                stores[nxt - _NBUF].wait()
            loads[nxt] = start_load(nxt)
        loads[k].wait()

        xv = xbufs[k % _NBUF]

        @plsc.parallel_loop(0, vecs, unroll=8)
        def _(i):
            r = i >> 6
            cc = pl.multiple_of((i & 63) << 4, _L)
            plsc.addupdate(xv.at[r, pl.ds(cc, _L)], comb_v[r, pl.ds(cc, _L)])

        stores[k] = start_store(k)

    for k in range(max(0, n_items - _NBUF), n_items):
        stores[k].wait()


def kernel(x, pos_emb, alpha, pe):
    b, s, d = x.shape
    alpha1 = jnp.full((_L,), alpha, dtype=jnp.float32)
    mesh = plsc.VectorSubcoreMesh(core_axis_name="c", subcore_axis_name="s")
    f = pl.kernel(
        _sc_body,
        out_type=jax.ShapeDtypeStruct((b, s, d), jnp.float32),
        mesh=mesh,
        compiler_params=pltpu.CompilerParams(use_tc_tiling_on_sc=True),
        scratch_types=(
            [pltpu.VMEM((_CR, d), jnp.float32)] * (3 + _NBUF)
            + [pltpu.VMEM((_L,), jnp.float32)]
            + [pltpu.SemaphoreType.DMA] * (2 * _NBUF + 2)
        ),
    )
    return f(x, pos_emb[:s], alpha1, pe[:s])

# --- scband reference (transcript-rebuilt; emitter-appended) ---
"""Pipeline reference for scband-frequency-aware-positional-encoding-49426483642672 (READ-ONLY COPY).

The authoritative reference and input builder live on the scoring server;
editing this copy changes nothing except your own understanding.
"""

import math
import jax, jax.numpy as jnp
import numpy as np

N_TOKENS = 4096
D_MODEL = 1024
BATCH = 4
SEQ_LEN = 4096


def _make_pe(n_tokens, d_model):
    position = jnp.arange(n_tokens, dtype=jnp.float32)[:, None]
    div_term = jnp.exp(jnp.arange(0, d_model, 2, dtype=jnp.float32) * (-math.log(10000.0) / d_model))
    pe = jnp.zeros((n_tokens, d_model), dtype=jnp.float32)
    pe = pe.at[:, 0::2].set(jnp.sin(position * div_term))
    pe = pe.at[:, 1::2].set(jnp.cos(position * div_term))
    return pe


def setup_inputs(seed: int = 0) -> dict:
    key = jax.random.key(seed)
    k1, k2 = jax.random.split(key, 2)
    x = jax.random.normal(k1, (BATCH, SEQ_LEN, D_MODEL), dtype=jnp.float32)
    pos_emb = jax.random.normal(k2, (N_TOKENS, D_MODEL), dtype=jnp.float32) * 0.02
    alpha = jnp.array(0.5, dtype=jnp.float32)
    pe = _make_pe(N_TOKENS, D_MODEL)
    return {"x": x, "pos_emb": pos_emb, "alpha": alpha, "pe": pe}


def reference(x, pos_emb, alpha, pe):
    seq_len = x.shape[1]
    positions = jnp.arange(seq_len)
    learned = jnp.take(pos_emb, positions, axis=0)[None, :, :]
    sinusoidal = pe[None, :seq_len, :]
    a = jax.nn.sigmoid(alpha)
    combined = a * learned + (1.0 - a) * sinusoidal
    # dropout p=0.0 -> identity
    return x + combined

if __name__ == "__main__":
    import jax
    _d = setup_inputs()
    print(jax.jit(kernel)(*tuple(_d.values())))

</pallas_src>

<mosaic_0001>
#map = affine_map<(d0, d1) -> (0, 0, 0)>
#map1 = affine_map<(d0, d1) -> (0, 0)>
#map2 = affine_map<(d0, d1) -> (0)>
module attributes {stable_mosaic.version = 14 : i64} {
  func.func @_sc_body(%arg0: i32, %arg1: i32, %arg2: memref<4x4096x1024xf32, #tpu.memory_space<hbm>>, %arg3: memref<4096x1024xf32, #tpu.memory_space<hbm>>, %arg4: memref<16xf32, #tpu.memory_space<hbm>>, %arg5: memref<4096x1024xf32, #tpu.memory_space<hbm>>, %arg6: memref<4x4096x1024xf32, #tpu.memory_space<hbm>>, %arg7: memref<16x1024xf32, #tpu.memory_space<vmem>>, %arg8: memref<16x1024xf32, #tpu.memory_space<vmem>>, %arg9: memref<16x1024xf32, #tpu.memory_space<vmem>>, %arg10: memref<16x1024xf32, #tpu.memory_space<vmem>>, %arg11: memref<16x1024xf32, #tpu.memory_space<vmem>>, %arg12: memref<16x1024xf32, #tpu.memory_space<vmem>>, %arg13: memref<16x1024xf32, #tpu.memory_space<vmem>>, %arg14: memref<16xf32, #tpu.memory_space<vmem>>, %arg15: memref<!tpu.dma_semaphore, #tpu.memory_space<semaphore_mem>>, %arg16: memref<!tpu.dma_semaphore, #tpu.memory_space<semaphore_mem>>, %arg17: memref<!tpu.dma_semaphore, #tpu.memory_space<semaphore_mem>>, %arg18: memref<!tpu.dma_semaphore, #tpu.memory_space<semaphore_mem>>, %arg19: memref<!tpu.dma_semaphore, #tpu.memory_space<semaphore_mem>>, %arg20: memref<!tpu.dma_semaphore, #tpu.memory_space<semaphore_mem>>, %arg21: memref<!tpu.dma_semaphore, #tpu.memory_space<semaphore_mem>>, %arg22: memref<!tpu.dma_semaphore, #tpu.memory_space<semaphore_mem>>, %arg23: memref<!tpu.dma_semaphore, #tpu.memory_space<semaphore_mem>>, %arg24: memref<!tpu.dma_semaphore, #tpu.memory_space<semaphore_mem>>) attributes {dimension_semantics = [#tpu.dimension_semantics<core_parallel>, #tpu.dimension_semantics<subcore_parallel>], iteration_bounds = array<i64: 2, 16>, scalar_prefetch = 0 : i64, scratch_operands = 18 : i64, tpu.core_type = #tpu.core_type<sc_vector_subcore>, window_params = [{transform_indices = #map}, {transform_indices = #map1}, {transform_indices = #map2}, {transform_indices = #map1}, {transform_indices = #map}]} {
    %mul3A = arith.constant 2 : i32
    %mul3A_0 = arith.muli %arg1, %mul3A : i32
    %add3A = arith.addi %mul3A_0, %arg0 : i32
    %mul3A_1 = arith.constant 128 : i32
    %mul3A_2 = arith.muli %add3A, %mul3A_1 : i32
    "tpu.region"() ({
      %run_scoped3A = tpu.sem_alloc : memref<!tpu.dma_semaphore, #tpu.memory_space<semaphore_mem>>
      tpu.enqueue_dma source(%arg4 : memref<16xf32, #tpu.memory_space<hbm>>) target(%arg14 : memref<16xf32, #tpu.memory_space<vmem>>) target_semaphore(%run_scoped3A : memref<!tpu.dma_semaphore, #tpu.memory_space<semaphore_mem>>)
      tpu.wait_dma2 semaphore(%run_scoped3A : memref<!tpu.dma_semaphore, #tpu.memory_space<semaphore_mem>>) src(%arg4 : memref<16xf32, #tpu.memory_space<hbm>>) dst(%arg14 : memref<16xf32, #tpu.memory_space<vmem>>)
      tpu.yield
    }) : () -> ()
    %get3A = arith.constant 0 : index
    %get3A_3 = tpu.vector_load %arg14[%get3A] {strides = array<i32>} : memref<16xf32, #tpu.memory_space<vmem>>, vector<16xf32>,
    %get3A_4 = vector.shape_cast %get3A_3 : vector<16xf32> to vector<16xf32>
    %neg3A = arith.constant 0.000000e+00 : f32
    %neg3A_5 = vector.broadcast %neg3A : f32 to vector<16xf32>
    %neg3A_6 = arith.subf %neg3A_5, %get3A_4 : vector<16xf32>
    %exp3A = math.exp %neg3A_6 : vector<16xf32>
    %add3A_7 = arith.constant 1.000000e+00 : f32
    %add3A_8 = vector.broadcast %add3A_7 : f32 to vector<16xf32>
    %add3A_9 = arith.addf %add3A_8, %exp3A : vector<16xf32>
    %div3A = arith.constant 1.000000e+00 : f32
    %div3A_10 = vector.broadcast %div3A : f32 to vector<16xf32>
    %div3A_11 = arith.divf %div3A_10, %add3A_9 : vector<16xf32>
    %sub3A = arith.constant 1.000000e+00 : f32
    %sub3A_12 = vector.broadcast %sub3A : f32 to vector<16xf32>
    %sub3A_13 = arith.subf %sub3A_12, %div3A_11 : vector<16xf32>
    %add3A_14 = arith.constant 0 : i32
    %add3A_15 = arith.addi %mul3A_2, %add3A_14 : i32
    %dma_start3A = arith.constant 0 : i32
    %dma_start3A_16 = arith.constant 0 : i32
    %dma_start3A_17 = tpu.memref_slice %arg2[%dma_start3A, %add3A_15, %dma_start3A_16] : memref<4x4096x1024xf32, #tpu.memory_space<hbm>> -> memref<1x16x1024xf32, #tpu.memory_space<hbm>>
    %dma_start3A_18 = tpu.memref_squeeze %dma_start3A_17 : memref<1x16x1024xf32, #tpu.memory_space<hbm>> -> memref<16x1024xf32, #tpu.memory_space<hbm>>
    %dma_start3A_19 = arith.constant 0 : i32
    %dma_start3A_20 = tpu.memref_slice %arg2[%dma_start3A, %add3A_15, %dma_start3A_19] : memref<4x4096x1024xf32, #tpu.memory_space<hbm>> -> memref<1x16x1024xf32, #tpu.memory_space<hbm>>
    %dma_start3A_21 = tpu.memref_squeeze %dma_start3A_20 : memref<1x16x1024xf32, #tpu.memory_space<hbm>> -> memref<16x1024xf32, #tpu.memory_space<hbm>>
    tpu.enqueue_dma source(%dma_start3A_21 : memref<16x1024xf32, #tpu.memory_space<hbm>>) target(%arg10 : memref<16x1024xf32, #tpu.memory_space<vmem>>) target_semaphore(%arg15 : memref<!tpu.dma_semaphore, #tpu.memory_space<semaphore_mem>>)
    %add3A_22 = arith.constant 0 : i32
    %add3A_23 = arith.addi %mul3A_2, %add3A_22 : i32
    %dma_start3A_24 = arith.constant 1 : i32
    %dma_start3A_25 = arith.constant 0 : i32
    %dma_start3A_26 = tpu.memref_slice %arg2[%dma_start3A_24, %add3A_23, %dma_start3A_25] : memref<4x4096x1024xf32, #tpu.memory_space<hbm>> -> memref<1x16x1024xf32, #tpu.memory_space<hbm>>
    %dma_start3A_27 = tpu.memref_squeeze %dma_start3A_26 : memref<1x16x1024xf32, #tpu.memory_space<hbm>> -> memref<16x1024xf32, #tpu.memory_space<hbm>>
    %dma_start3A_28 = arith.constant 0 : i32
    %dma_start3A_29 = tpu.memref_slice %arg2[%dma_start3A_24, %add3A_23, %dma_start3A_28] : memref<4x4096x1024xf32, #tpu.memory_space<hbm>> -> memref<1x16x1024xf32, #tpu.memory_space<hbm>>
    %dma_start3A_30 = tpu.memref_squeeze %dma_start3A_29 : memref<1x16x1024xf32, #tpu.memory_space<hbm>> -> memref<16x1024xf32, #tpu.memory_space<hbm>>
    tpu.enqueue_dma source(%dma_start3A_30 : memref<16x1024xf32, #tpu.memory_space<hbm>>) target(%arg11 : memref<16x1024xf32, #tpu.memory_space<vmem>>) target_semaphore(%arg16 : memref<!tpu.dma_semaphore, #tpu.memory_space<semaphore_mem>>)
    %add3A_31 = arith.constant 0 : i32
    %add3A_32 = arith.addi %mul3A_2, %add3A_31 : i32
    %dma_start3A_33 = arith.constant 0 : i32
    %dma_start3A_34 = tpu.memref_slice %arg3[%add3A_32, %dma_start3A_33] : memref<4096x1024xf32, #tpu.memory_space<hbm>> -> memref<16x1024xf32, #tpu.memory_space<hbm>>
    %dma_start3A_35 = arith.constant 0 : i32
    %dma_start3A_36 = tpu.memref_slice %arg3[%add3A_32, %dma_start3A_35] : memref<4096x1024xf32, #tpu.memory_space<hbm>> -> memref<16x1024xf32, #tpu.memory_space<hbm>>
    tpu.enqueue_dma source(%dma_start3A_36 : memref<16x1024xf32, #tpu.memory_space<hbm>>) target(%arg7 : memref<16x1024xf32, #tpu.memory_space<vmem>>) target_semaphore(%arg23 : memref<!tpu.dma_semaphore, #tpu.memory_space<semaphore_mem>>)
    %dma_start3A_37 = arith.constant 0 : i32
    %dma_start3A_38 = tpu.memref_slice %arg5[%add3A_32, %dma_start3A_37] : memref<4096x1024xf32, #tpu.memory_space<hbm>> -> memref<16x1024xf32, #tpu.memory_space<hbm>>
    %dma_start3A_39 = arith.constant 0 : i32
    %dma_start3A_40 = tpu.memref_slice %arg5[%add3A_32, %dma_start3A_39] : memref<4096x1024xf32, #tpu.memory_space<hbm>> -> memref<16x1024xf32, #tpu.memory_space<hbm>>
    tpu.enqueue_dma source(%dma_start3A_40 : memref<16x1024xf32, #tpu.memory_space<hbm>>) target(%arg9 : memref<16x1024xf32, #tpu.memory_space<vmem>>) target_semaphore(%arg23 : memref<!tpu.dma_semaphore, #tpu.memory_space<semaphore_mem>>)
    %dma_wait3A = arith.constant 0 : i32
    %dma_wait3A_41 = tpu.memref_slice %arg3[%add3A_32, %dma_wait3A] : memref<4096x1024xf32, #tpu.memory_space<hbm>> -> memref<16x1024xf32, #tpu.memory_space<hbm>>
    %dma_wait3A_42 = arith.constant 0 : i32
    %dma_wait3A_43 = tpu.memref_slice %arg3[%add3A_32, %dma_wait3A_42] : memref<4096x1024xf32, #tpu.memory_space<hbm>> -> memref<16x1024xf32, #tpu.memory_space<hbm>>
    tpu.wait_dma2 semaphore(%arg23 : memref<!tpu.dma_semaphore, #tpu.memory_space<semaphore_mem>>) src(%dma_wait3A_43 : memref<16x1024xf32, #tpu.memory_space<hbm>>) dst(%arg7 : memref<16x1024xf32, #tpu.memory_space<vmem>>)
    %dma_wait3A_44 = arith.constant 0 : i32
    %dma_wait3A_45 = tpu.memref_slice %arg5[%add3A_32, %dma_wait3A_44] : memref<4096x1024xf32, #tpu.memory_space<hbm>> -> memref<16x1024xf32, #tpu.memory_space<hbm>>
    %dma_wait3A_46 = arith.constant 0 : i32
    %dma_wait3A_47 = tpu.memref_slice %arg5[%add3A_32, %dma_wait3A_46] : memref<4096x1024xf32, #tpu.memory_space<hbm>> -> memref<16x1024xf32, #tpu.memory_space<hbm>>
    tpu.wait_dma2 semaphore(%arg23 : memref<!tpu.dma_semaphore, #tpu.memory_space<semaphore_mem>>) src(%dma_wait3A_47 : memref<16x1024xf32, #tpu.memory_space<hbm>>) dst(%arg9 : memref<16x1024xf32, #tpu.memory_space<vmem>>)
    %parallel_loop3A = arith.constant 0 : i32
    %parallel_loop3A_48 = arith.constant 1024 : i32
    %parallel_loop3A_49 = arith.constant 1 : i32
    scf.for %parallel_loop3A_1299 = %parallel_loop3A to %parallel_loop3A_48 step %parallel_loop3A_49  : i32 {
      %parallel_loop3A_1300 = arith.constant 6 : i32
      %parallel_loop3A_1301 = arith.shrsi %parallel_loop3A_1299, %parallel_loop3A_1300 : i32
      %parallel_loop3A_1302 = arith.constant 63 : i32
      %parallel_loop3A_1303 = arith.andi %parallel_loop3A_1299, %parallel_loop3A_1302 : i32
      %parallel_loop3A_1304 = arith.constant 4 : i32
      %parallel_loop3A_1305 = arith.shli %parallel_loop3A_1303, %parallel_loop3A_1304 : i32
      %parallel_loop3A_1306 = tpu.assume_multiple %parallel_loop3A_1305, 16 : i32
      %parallel_loop3A_1307 = arith.index_cast %parallel_loop3A_1301 : i32 to index
      %parallel_loop3A_1308 = arith.index_cast %parallel_loop3A_1306 : i32 to index
      %parallel_loop3A_1309 = tpu.vector_load %arg7[%parallel_loop3A_1307, %parallel_loop3A_1308] {strides = array<i32>} : memref<16x1024xf32, #tpu.memory_space<vmem>>, vector<1x16xf32>,
      %parallel_loop3A_1310 = vector.shape_cast %parallel_loop3A_1309 : vector<1x16xf32> to vector<16xf32>
      %parallel_loop3A_1311 = arith.mulf %div3A_11, %parallel_loop3A_1310 : vector<16xf32>
      %parallel_loop3A_1312 = arith.index_cast %parallel_loop3A_1301 : i32 to index
      %parallel_loop3A_1313 = arith.index_cast %parallel_loop3A_1306 : i32 to index
      %parallel_loop3A_1314 = tpu.vector_load %arg9[%parallel_loop3A_1312, %parallel_loop3A_1313] {strides = array<i32>} : memref<16x1024xf32, #tpu.memory_space<vmem>>, vector<1x16xf32>,
      %parallel_loop3A_1315 = vector.shape_cast %parallel_loop3A_1314 : vector<1x16xf32> to vector<16xf32>
      %parallel_loop3A_1316 = arith.mulf %sub3A_13, %parallel_loop3A_1315 : vector<16xf32>
      %parallel_loop3A_1317 = arith.addf %parallel_loop3A_1311, %parallel_loop3A_1316 : vector<16xf32>
      %parallel_loop3A_1318 = arith.index_cast %parallel_loop3A_1301 : i32 to index
      %parallel_loop3A_1319 = arith.index_cast %parallel_loop3A_1306 : i32 to index
      %parallel_loop3A_1320 = tpu.vector_load %arg7[%parallel_loop3A_1318, %parallel_loop3A_1319] {strides = array<i32>} : memref<16x1024xf32, #tpu.memory_space<vmem>>, vector<1x16xf32>,
      %parallel_loop3A_1321 = vector.shape_cast %parallel_loop3A_1320 : vector<1x16xf32> to vector<16xf32>
      %parallel_loop3A_1322 = vector.shape_cast %parallel_loop3A_1317 : vector<16xf32> to vector<1x16xf32>
      tpu.vector_store %arg7[%parallel_loop3A_1318, %parallel_loop3A_1319], %parallel_loop3A_1322 {strides = array<i32>} : memref<16x1024xf32, #tpu.memory_space<vmem>>, vector<1x16xf32>,
    } {sc.loop_unroll_factor = 8 : i64, sc.parallel_access}
    %add3A_50 = arith.constant 16 : i32
    %add3A_51 = arith.addi %mul3A_2, %add3A_50 : i32
    %dma_start3A_52 = arith.constant 0 : i32
    %dma_start3A_53 = tpu.memref_slice %arg3[%add3A_51, %dma_start3A_52] : memref<4096x1024xf32, #tpu.memory_space<hbm>> -> memref<16x1024xf32, #tpu.memory_space<hbm>>
    %dma_start3A_54 = arith.constant 0 : i32
    %dma_start3A_55 = tpu.memref_slice %arg3[%add3A_51, %dma_start3A_54] : memref<4096x1024xf32, #tpu.memory_space<hbm>> -> memref<16x1024xf32, #tpu.memory_space<hbm>>
    tpu.enqueue_dma source(%dma_start3A_55 : memref<16x1024xf32, #tpu.memory_space<hbm>>) target(%arg8 : memref<16x1024xf32, #tpu.memory_space<vmem>>) target_semaphore(%arg24 : memref<!tpu.dma_semaphore, #tpu.memory_space<semaphore_mem>>)
    %dma_start3A_56 = arith.constant 0 : i32
    %dma_start3A_57 = tpu.memref_slice %arg5[%add3A_51, %dma_start3A_56] : memref<4096x1024xf32, #tpu.memory_space<hbm>> -> memref<16x1024xf32, #tpu.memory_space<hbm>>
    %dma_start3A_58 = arith.constant 0 : i32
    %dma_start3A_59 = tpu.memref_slice %arg5[%add3A_51, %dma_start3A_58] : memref<4096x1024xf32, #tpu.memory_space<hbm>> -> memref<16x1024xf32, #tpu.memory_space<hbm>>
    tpu.enqueue_dma source(%dma_start3A_59 : memref<16x1024xf32, #tpu.memory_space<hbm>>) target(%arg9 : memref<16x1024xf32, #tpu.memory_space<vmem>>) target_semaphore(%arg24 : memref<!tpu.dma_semaphore, #tpu.memory_space<semaphore_mem>>)
    %add3A_60 = arith.constant 0 : i32
    %add3A_61 = arith.addi %mul3A_2, %add3A_60 : i32
    %dma_start3A_62 = arith.constant 2 : i32
    %dma_start3A_63 = arith.constant 0 : i32
    %dma_start3A_64 = tpu.memref_slice %arg2[%dma_start3A_62, %add3A_61, %dma_start3A_63] : memref<4x4096x1024xf32, #tpu.memory_space<hbm>> -> memref<1x16x1024xf32, #tpu.memory_space<hbm>>
    %dma_start3A_65 = tpu.memref_squeeze %dma_start3A_64 : memref<1x16x1024xf32, #tpu.memory_space<hbm>> -> memref<16x1024xf32, #tpu.memory_space<hbm>>
    %dma_start3A_66 = arith.constant 0 : i32
    %dma_start3A_67 = tpu.memref_slice %arg2[%dma_start3A_62, %add3A_61, %dma_start3A_66] : memref<4x4096x1024xf32, #tpu.memory_space<hbm>> -> memref<1x16x1024xf32, #tpu.memory_space<hbm>>
    %dma_start3A_68 = tpu.memref_squeeze %dma_start3A_67 : memref<1x16x1024xf32, #tpu.memory_space<hbm>> -> memref<16x1024xf32, #tpu.memory_space<hbm>>
    tpu.enqueue_dma source(%dma_start3A_68 : memref<16x1024xf32, #tpu.memory_space<hbm>>) target(%arg12 : memref<16x1024xf32, #tpu.memory_space<vmem>>) target_semaphore(%arg17 : memref<!tpu.dma_semaphore, #tpu.memory_space<semaphore_mem>>)
    %dma_wait3A_69 = arith.constant 0 : i32
    %dma_wait3A_70 = arith.constant 0 : i32
    %dma_wait3A_71 = tpu.memref_slice %arg2[%dma_wait3A_69, %add3A_15, %dma_wait3A_70] : memref<4x4096x1024xf32, #tpu.memory_space<hbm>> -> memref<1x16x1024xf32, #tpu.memory_space<hbm>>
    %dma_wait3A_72 = tpu.memref_squeeze %dma_wait3A_71 : memref<1x16x1024xf32, #tpu.memory_space<hbm>> -> memref<16x1024xf32, #tpu.memory_space<hbm>>
    %dma_wait3A_73 = arith.constant 0 : i32
    %dma_wait3A_74 = tpu.memref_slice %arg2[%dma_wait3A_69, %add3A_15, %dma_wait3A_73] : memref<4x4096x1024xf32, #tpu.memory_space<hbm>> -> memref<1x16x1024xf32, #tpu.memory_space<hbm>>
    %dma_wait3A_75 = tpu.memref_squeeze %dma_wait3A_74 : memref<1x16x1024xf32, #tpu.memory_space<hbm>> -> memref<16x1024xf32, #tpu.memory_space<hbm>>
    tpu.wait_dma2 semaphore(%arg15 : memref<!tpu.dma_semaphore, #tpu.memory_space<semaphore_mem>>) src(%dma_wait3A_75 : memref<16x1024xf32, #tpu.memory_space<hbm>>) dst(%arg10 : memref<16x1024xf32, #tpu.memory_space<vmem>>)
    %parallel_loop3A_76 = arith.constant 0 : i32
    %parallel_loop3A_77 = arith.constant 1024 : i32
    %parallel_loop3A_78 = arith.constant 1 : i32
    scf.for %parallel_loop3A_1299 = %parallel_loop3A_76 to %parallel_loop3A_77 step %parallel_loop3A_78  : i32 {
      %parallel_loop3A_1300 = arith.constant 6 : i32
      %parallel_loop3A_1301 = arith.shrsi %parallel_loop3A_1299, %parallel_loop3A_1300 : i32
      %parallel_loop3A_1302 = arith.constant 63 : i32
      %parallel_loop3A_1303 = arith.andi %parallel_loop3A_1299, %parallel_loop3A_1302 : i32
      %parallel_loop3A_1304 = arith.constant 4 : i32
      %parallel_loop3A_1305 = arith.shli %parallel_loop3A_1303, %parallel_loop3A_1304 : i32
      %parallel_loop3A_1306 = tpu.assume_multiple %parallel_loop3A_1305, 16 : i32
      %parallel_loop3A_1307 = arith.index_cast %parallel_loop3A_1301 : i32 to index
      %parallel_loop3A_1308 = arith.index_cast %parallel_loop3A_1306 : i32 to index
      %parallel_loop3A_1309 = tpu.vector_load %arg7[%parallel_loop3A_1307, %parallel_loop3A_1308] {strides = array<i32>} : memref<16x1024xf32, #tpu.memory_space<vmem>>, vector<1x16xf32>,
      %parallel_loop3A_1310 = vector.shape_cast %parallel_loop3A_1309 : vector<1x16xf32> to vector<16xf32>
      %parallel_loop3A_1311 = arith.index_cast %parallel_loop3A_1301 : i32 to index
      %parallel_loop3A_1312 = arith.index_cast %parallel_loop3A_1306 : i32 to index
      %parallel_loop3A_1313 = tpu.vector_load %arg10[%parallel_loop3A_1311, %parallel_loop3A_1312] {strides = array<i32>} : memref<16x1024xf32, #tpu.memory_space<vmem>>, vector<1x16xf32>,
      %parallel_loop3A_1314 = vector.shape_cast %parallel_loop3A_1313 : vector<1x16xf32> to vector<16xf32>
      %parallel_loop3A_1315 = vector.shape_cast %parallel_loop3A_1310 : vector<16xf32> to vector<1x16xf32>
      tpu.vector_store %arg10[%parallel_loop3A_1311, %parallel_loop3A_1312], %parallel_loop3A_1315 {add = true, strides = array<i32>} : memref<16x1024xf32, #tpu.memory_space<vmem>>, vector<1x16xf32>,
    } {sc.loop_unroll_factor = 8 : i64, sc.parallel_access}
    %add3A_79 = arith.constant 0 : i32
    %add3A_80 = arith.addi %mul3A_2, %add3A_79 : i32
    %dma_start3A_81 = arith.constant 0 : i32
    %dma_start3A_82 = arith.constant 0 : i32
    %dma_start3A_83 = tpu.memref_slice %arg6[%dma_start3A_81, %add3A_80, %dma_start3A_82] : memref<4x4096x1024xf32, #tpu.memory_space<hbm>> -> memref<1x16x1024xf32, #tpu.memory_space<hbm>>
    %dma_start3A_84 = tpu.memref_squeeze %dma_start3A_83 : memref<1x16x1024xf32, #tpu.memory_space<hbm>> -> memref<16x1024xf32, #tpu.memory_space<hbm>>
    %dma_start3A_85 = arith.constant 0 : i32
    %dma_start3A_86 = tpu.memref_slice %arg6[%dma_start3A_81, %add3A_80, %dma_start3A_85] : memref<4x4096x1024xf32, #tpu.memory_space<hbm>> -> memref<1x16x1024xf32, #tpu.memory_space<hbm>>
    %dma_start3A_87 = tpu.memref_squeeze %dma_start3A_86 : memref<1x16x1024xf32, #tpu.memory_space<hbm>> -> memref<16x1024xf32, #tpu.memory_space<hbm>>
    tpu.enqueue_dma source(%arg10 : memref<16x1024xf32, #tpu.memory_space<vmem>>) target(%dma_start3A_87 : memref<16x1024xf32, #tpu.memory_space<hbm>>) target_semaphore(%arg19 : memref<!tpu.dma_semaphore, #tpu.memory_space<semaphore_mem>>)
    %add3A_88 = arith.constant 0 : i32
    %add3A_89 = arith.addi %mul3A_2, %add3A_88 : i32
    %dma_start3A_90 = arith.constant 3 : i32
    %dma_start3A_91 = arith.constant 0 : i32
    %dma_start3A_92 = tpu.memref_slice %arg2[%dma_start3A_90, %add3A_89, %dma_start3A_91] : memref<4x4096x1024xf32, #tpu.memory_space<hbm>> -> memref<1x16x1024xf32, #tpu.memory_space<hbm>>
    %dma_start3A_93 = tpu.memref_squeeze %dma_start3A_92 : memref<1x16x1024xf32, #tpu.memory_space<hbm>> -> memref<16x1024xf32, #tpu.memory_space<hbm>>
    %dma_start3A_94 = arith.constant 0 : i32
    %dma_start3A_95 = tpu.memref_slice %arg2[%dma_start3A_90, %add3A_89, %dma_start3A_94] : memref<4x4096x1024xf32, #tpu.memory_space<hbm>> -> memref<1x16x1024xf32, #tpu.memory_space<hbm>>
    %dma_start3A_96 = tpu.memref_squeeze %dma_start3A_95 : memref<1x16x1024xf32, #tpu.memory_space<hbm>> -> memref<16x1024xf32, #tpu.memory_space<hbm>>
    tpu.enqueue_dma source(%dma_start3A_96 : memref<16x1024xf32, #tpu.memory_space<hbm>>) target(%arg13 : memref<16x1024xf32, #tpu.memory_space<vmem>>) target_semaphore(%arg18 : memref<!tpu.dma_semaphore, #tpu.memory_space<semaphore_mem>>)
    %dma_wait3A_97 = arith.constant 1 : i32
    %dma_wait3A_98 = arith.constant 0 : i32
    %dma_wait3A_99 = tpu.memref_slice %arg2[%dma_wait3A_97, %add3A_23, %dma_wait3A_98] : memref<4x4096x1024xf32, #tpu.memory_space<hbm>> -> memref<1x16x1024xf32, #tpu.memory_space<hbm>>
    %dma_wait3A_100 = tpu.memref_squeeze %dma_wait3A_99 : memref<1x16x1024xf32, #tpu.memory_space<hbm>> -> memref<16x1024xf32, #tpu.memory_space<hbm>>
    %dma_wait3A_101 = arith.constant 0 : i32
    %dma_wait3A_102 = tpu.memref_slice %arg2[%dma_wait3A_97, %add3A_23, %dma_wait3A_101] : memref<4x4096x1024xf32, #tpu.memory_space<hbm>> -> memref<1x16x1024xf32, #tpu.memory_space<hbm>>
    %dma_wait3A_103 = tpu.memref_squeeze %dma_wait3A_102 : memref<1x16x1024xf32, #tpu.memory_space<hbm>> -> memref<16x1024xf32, #tpu.memory_space<hbm>>
    tpu.wait_dma2 semaphore(%arg16 : memref<!tpu.dma_semaphore, #tpu.memory_space<semaphore_mem>>) src(%dma_wait3A_103 : memref<16x1024xf32, #tpu.memory_space<hbm>>) dst(%arg11 : memref<16x1024xf32, #tpu.memory_space<vmem>>)
    %parallel_loop3A_104 = arith.constant 0 : i32
    %parallel_loop3A_105 = arith.constant 1024 : i32
    %parallel_loop3A_106 = arith.constant 1 : i32
    scf.for %parallel_loop3A_1299 = %parallel_loop3A_104 to %parallel_loop3A_105 step %parallel_loop3A_106  : i32 {
      %parallel_loop3A_1300 = arith.constant 6 : i32
      %parallel_loop3A_1301 = arith.shrsi %parallel_loop3A_1299, %parallel_loop3A_1300 : i32
      %parallel_loop3A_1302 = arith.constant 63 : i32
      %parallel_loop3A_1303 = arith.andi %parallel_loop3A_1299, %parallel_loop3A_1302 : i32
      %parallel_loop3A_1304 = arith.constant 4 : i32
      %parallel_loop3A_1305 = arith.shli %parallel_loop3A_1303, %parallel_loop3A_1304 : i32
      %parallel_loop3A_1306 = tpu.assume_multiple %parallel_loop3A_1305, 16 : i32
      %parallel_loop3A_1307 = arith.index_cast %parallel_loop3A_1301 : i32 to index
      %parallel_loop3A_1308 = arith.index_cast %parallel_loop3A_1306 : i32 to index
      %parallel_loop3A_1309 = tpu.vector_load %arg7[%parallel_loop3A_1307, %parallel_loop3A_1308] {strides = array<i32>} : memref<16x1024xf32, #tpu.memory_space<vmem>>, vector<1x16xf32>,
      %parallel_loop3A_1310 = vector.shape_cast %parallel_loop3A_1309 : vector<1x16xf32> to vector<16xf32>
      %parallel_loop3A_1311 = arith.index_cast %parallel_loop3A_1301 : i32 to index
      %parallel_loop3A_1312 = arith.index_cast %parallel_loop3A_1306 : i32 to index
      %parallel_loop3A_1313 = tpu.vector_load %arg11[%parallel_loop3A_1311, %parallel_loop3A_1312] {strides = array<i32>} : memref<16x1024xf32, #tpu.memory_space<vmem>>, vector<1x16xf32>,
      %parallel_loop3A_1314 = vector.shape_cast %parallel_loop3A_1313 : vector<1x16xf32> to vector<16xf32>
      %parallel_loop3A_1315 = vector.shape_cast %parallel_loop3A_1310 : vector<16xf32> to vector<1x16xf32>
      tpu.vector_store %arg11[%parallel_loop3A_1311, %parallel_loop3A_1312], %parallel_loop3A_1315 {add = true, strides = array<i32>} : memref<16x1024xf32, #tpu.memory_space<vmem>>, vector<1x16xf32>,
    } {sc.loop_unroll_factor = 8 : i64, sc.parallel_access}
    %add3A_107 = arith.constant 0 : i32
    %add3A_108 = arith.addi %mul3A_2, %add3A_107 : i32
    %dma_start3A_109 = arith.constant 1 : i32
    %dma_start3A_110 = arith.constant 0 : i32
    %dma_start3A_111 = tpu.memref_slice %arg6[%dma_start3A_109, %add3A_108, %dma_start3A_110] : memref<4x4096x1024xf32, #tpu.memory_space<hbm>> -> memref<1x16x1024xf32, #tpu.memory_space<hbm>>
    %dma_start3A_112 = tpu.memref_squeeze %dma_start3A_111 : memref<1x16x1024xf32, #tpu.memory_space<hbm>> -> memref<16x1024xf32, #tpu.memory_space<hbm>>
    %dma_start3A_113 = arith.constant 0 : i32
    %dma_start3A_114 = tpu.memref_slice %arg6[%dma_start3A_109, %add3A_108, %dma_start3A_113] : memref<4x4096x1024xf32, #tpu.memory_space<hbm>> -> memref<1x16x1024xf32, #tpu.memory_space<hbm>>
    %dma_start3A_115 = tpu.memref_squeeze %dma_start3A_114 : memref<1x16x1024xf32, #tpu.memory_space<hbm>> -> memref<16x1024xf32, #tpu.memory_space<hbm>>
    tpu.enqueue_dma source(%arg11 : memref<16x1024xf32, #tpu.memory_space<vmem>>) target(%dma_start3A_115 : memref<16x1024xf32, #tpu.memory_space<hbm>>) target_semaphore(%arg20 : memref<!tpu.dma_semaphore, #tpu.memory_space<semaphore_mem>>)
    %dma_wait3A_116 = arith.constant 0 : i32
    %dma_wait3A_117 = arith.constant 0 : i32
    %dma_wait3A_118 = tpu.memref_slice %arg6[%dma_wait3A_116, %add3A_80, %dma_wait3A_117] : memref<4x4096x1024xf32, #tpu.memory_space<hbm>> -> memref<1x16x1024xf32, #tpu.memory_space<hbm>>
    %dma_wait3A_119 = tpu.memref_squeeze %dma_wait3A_118 : memref<1x16x1024xf32, #tpu.memory_space<hbm>> -> memref<16x1024xf32, #tpu.memory_space<hbm>>
    %dma_wait3A_120 = arith.constant 0 : i32
    %dma_wait3A_121 = tpu.memref_slice %arg6[%dma_wait3A_116, %add3A_80, %dma_wait3A_120] : memref<4x4096x1024xf32, #tpu.memory_space<hbm>> -> memref<1x16x1024xf32, #tpu.memory_space<hbm>>
    %dma_wait3A_122 = tpu.memref_squeeze %dma_wait3A_121 : memref<1x16x1024xf32, #tpu.memory_space<hbm>> -> memref<16x1024xf32, #tpu.memory_space<hbm>>
    tpu.wait_dma2 semaphore(%arg19 : memref<!tpu.dma_semaphore, #tpu.memory_space<semaphore_mem>>) src(%arg10 : memref<16x1024xf32, #tpu.memory_space<vmem>>) dst(%dma_wait3A_122 : memref<16x1024xf32, #tpu.memory_space<hbm>>)
    %add3A_123 = arith.constant 16 : i32
    %add3A_124 = arith.addi %mul3A_2, %add3A_123 : i32
    %dma_start3A_125 = arith.constant 0 : i32
    %dma_start3A_126 = arith.constant 0 : i32
    %dma_start3A_127 = tpu.memref_slice %arg2[%dma_start3A_125, %add3A_124, %dma_start3A_126] : memref<4x4096x1024xf32, #tpu.memory_space<hbm>> -> memref<1x16x1024xf32, #tpu.memory_space<hbm>>
    %dma_start3A_128 = tpu.memref_squeeze %dma_start3A_127 : memref<1x16x1024xf32, #tpu.memory_space<hbm>> -> memref<16x1024xf32, #tpu.memory_space<hbm>>
    %dma_start3A_129 = arith.constant 0 : i32
    %dma_start3A_130 = tpu.memref_slice %arg2[%dma_start3A_125, %add3A_124, %dma_start3A_129] : memref<4x4096x1024xf32, #tpu.memory_space<hbm>> -> memref<1x16x1024xf32, #tpu.memory_space<hbm>>
    %dma_start3A_131 = tpu.memref_squeeze %dma_start3A_130 : memref<1x16x1024xf32, #tpu.memory_space<hbm>> -> memref<16x1024xf32, #tpu.memory_space<hbm>>
    tpu.enqueue_dma source(%dma_start3A_131 : memref<16x1024xf32, #tpu.memory_space<hbm>>) target(%arg10 : memref<16x1024xf32, #tpu.memory_space<vmem>>) target_semaphore(%arg15 : memref<!tpu.dma_semaphore, #tpu.memory_space<semaphore_mem>>)
    %dma_wait3A_132 = arith.constant 2 : i32
    %dma_wait3A_133 = arith.constant 0 : i32
    %dma_wait3A_134 = tpu.memref_slice %arg2[%dma_wait3A_132, %add3A_61, %dma_wait3A_133] : memref<4x4096x1024xf32, #tpu.memory_space<hbm>> -> memref<1x16x1024xf32, #tpu.memory_space<hbm>>
    %dma_wait3A_135 = tpu.memref_squeeze %dma_wait3A_134 : memref<1x16x1024xf32, #tpu.memory_space<hbm>> -> memref<16x1024xf32, #tpu.memory_space<hbm>>
    %dma_wait3A_136 = arith.constant 0 : i32
    %dma_wait3A_137 = tpu.memref_slice %arg2[%dma_wait3A_132, %add3A_61, %dma_wait3A_136] : memref<4x4096x1024xf32, #tpu.memory_space<hbm>> -> memref<1x16x1024xf32, #tpu.memory_space<hbm>>
    %dma_wait3A_138 = tpu.memref_squeeze %dma_wait3A_137 : memref<1x16x1024xf32, #tpu.memory_space<hbm>> -> memref<16x1024xf32, #tpu.memory_space<hbm>>
    tpu.wait_dma2 semaphore(%arg17 : memref<!tpu.dma_semaphore, #tpu.memory_space<semaphore_mem>>) src(%dma_wait3A_138 : memref<16x1024xf32, #tpu.memory_space<hbm>>) dst(%arg12 : memref<16x1024xf32, #tpu.memory_space<vmem>>)
    %parallel_loop3A_139 = arith.constant 0 : i32
    %parallel_loop3A_140 = arith.constant 1024 : i32
    %parallel_loop3A_141 = arith.constant 1 : i32
    scf.for %parallel_loop3A_1299 = %parallel_loop3A_139 to %parallel_loop3A_140 step %parallel_loop3A_141  : i32 {
      %parallel_loop3A_1300 = arith.constant 6 : i32
      %parallel_loop3A_1301 = arith.shrsi %parallel_loop3A_1299, %parallel_loop3A_1300 : i32
      %parallel_loop3A_1302 = arith.constant 63 : i32
      %parallel_loop3A_1303 = arith.andi %parallel_loop3A_1299, %parallel_loop3A_1302 : i32
      %parallel_loop3A_1304 = arith.constant 4 : i32
      %parallel_loop3A_1305 = arith.shli %parallel_loop3A_1303, %parallel_loop3A_1304 : i32
      %parallel_loop3A_1306 = tpu.assume_multiple %parallel_loop3A_1305, 16 : i32
      %parallel_loop3A_1307 = arith.index_cast %parallel_loop3A_1301 : i32 to index
      %parallel_loop3A_1308 = arith.index_cast %parallel_loop3A_1306 : i32 to index
      %parallel_loop3A_1309 = tpu.vector_load %arg7[%parallel_loop3A_1307, %parallel_loop3A_1308] {strides = array<i32>} : memref<16x1024xf32, #tpu.memory_space<vmem>>, vector<1x16xf32>,
      %parallel_loop3A_1310 = vector.shape_cast %parallel_loop3A_1309 : vector<1x16xf32> to vector<16xf32>
      %parallel_loop3A_1311 = arith.index_cast %parallel_loop3A_1301 : i32 to index
      %parallel_loop3A_1312 = arith.index_cast %parallel_loop3A_1306 : i32 to index
      %parallel_loop3A_1313 = tpu.vector_load %arg12[%parallel_loop3A_1311, %parallel_loop3A_1312] {strides = array<i32>} : memref<16x1024xf32, #tpu.memory_space<vmem>>, vector<1x16xf32>,
      %parallel_loop3A_1314 = vector.shape_cast %parallel_loop3A_1313 : vector<1x16xf32> to vector<16xf32>
      %parallel_loop3A_1315 = vector.shape_cast %parallel_loop3A_1310 : vector<16xf32> to vector<1x16xf32>
      tpu.vector_store %arg12[%parallel_loop3A_1311, %parallel_loop3A_1312], %parallel_loop3A_1315 {add = true, strides = array<i32>} : memref<16x1024xf32, #tpu.memory_space<vmem>>, vector<1x16xf32>,
    } {sc.loop_unroll_factor = 8 : i64, sc.parallel_access}
    %add3A_142 = arith.constant 0 : i32
    %add3A_143 = arith.addi %mul3A_2, %add3A_142 : i32
    %dma_start3A_144 = arith.constant 2 : i32
    %dma_start3A_145 = arith.constant 0 : i32
    %dma_start3A_146 = tpu.memref_slice %arg6[%dma_start3A_144, %add3A_143, %dma_start3A_145] : memref<4x4096x1024xf32, #tpu.memory_space<hbm>> -> memref<1x16x1024xf32, #tpu.memory_space<hbm>>
    %dma_start3A_147 = tpu.memref_squeeze %dma_start3A_146 : memref<1x16x1024xf32, #tpu.memory_space<hbm>> -> memref<16x1024xf32, #tpu.memory_space<hbm>>
    %dma_start3A_148 = arith.constant 0 : i32
    %dma_start3A_149 = tpu.memref_slice %arg6[%dma_start3A_144, %add3A_143, %dma_start3A_148] : memref<4x4096x1024xf32, #tpu.memory_space<hbm>> -> memref<1x16x1024xf32, #tpu.memory_space<hbm>>
    %dma_start3A_150 = tpu.memref_squeeze %dma_start3A_149 : memref<1x16x1024xf32, #tpu.memory_space<hbm>> -> memref<16x1024xf32, #tpu.memory_space<hbm>>
    tpu.enqueue_dma source(%arg12 : memref<16x1024xf32, #tpu.memory_space<vmem>>) target(%dma_start3A_150 : memref<16x1024xf32, #tpu.memory_space<hbm>>) target_semaphore(%arg21 : memref<!tpu.dma_semaphore, #tpu.memory_space<semaphore_mem>>)
    %dma_wait3A_151 = arith.constant 1 : i32
    %dma_wait3A_152 = arith.constant 0 : i32
    %dma_wait3A_153 = tpu.memref_slice %arg6[%dma_wait3A_151, %add3A_108, %dma_wait3A_152] : memref<4x4096x1024xf32, #tpu.memory_space<hbm>> -> memref<1x16x1024xf32, #tpu.memory_space<hbm>>
    %dma_wait3A_154 = tpu.memref_squeeze %dma_wait3A_153 : memref<1x16x1024xf32, #tpu.memory_space<hbm>> -> memref<16x1024xf32, #tpu.memory_space<hbm>>
    %dma_wait3A_155 = arith.constant 0 : i32
    %dma_wait3A_156 = tpu.memref_slice %arg6[%dma_wait3A_151, %add3A_108, %dma_wait3A_155] : memref<4x4096x1024xf32, #tpu.memory_space<hbm>> -> memref<1x16x1024xf32, #tpu.memory_space<hbm>>
    %dma_wait3A_157 = tpu.memref_squeeze %dma_wait3A_156 : memref<1x16x1024xf32, #tpu.memory_space<hbm>> -> memref<16x1024xf32, #tpu.memory_space<hbm>>
    tpu.wait_dma2 semaphore(%arg20 : memref<!tpu.dma_semaphore, #tpu.memory_space<semaphore_mem>>) src(%arg11 : memref<16x1024xf32, #tpu.memory_space<vmem>>) dst(%dma_wait3A_157 : memref<16x1024xf32, #tpu.memory_space<hbm>>)
    %add3A_158 = arith.constant 16 : i32
    %add3A_159 = arith.addi %mul3A_2, %add3A_158 : i32
    %dma_start3A_160 = arith.constant 1 : i32
    %dma_start3A_161 = arith.constant 0 : i32
    %dma_start3A_162 = tpu.memref_slice %arg2[%dma_start3A_160, %add3A_159, %dma_start3A_161] : memref<4x4096x1024xf32, #tpu.memory_space<hbm>> -> memref<1x16x1024xf32, #tpu.memory_space<hbm>>
    %dma_start3A_163 = tpu.memref_squeeze %dma_start3A_162 : memref<1x16x1024xf32, #tpu.memory_space<hbm>> -> memref<16x1024xf32, #tpu.memory_space<hbm>>
    %dma_start3A_164 = arith.constant 0 : i32
    %dma_start3A_165 = tpu.memref_slice %arg2[%dma_start3A_160, %add3A_159, %dma_start3A_164] : memref<4x4096x1024xf32, #tpu.memory_space<hbm>> -> memref<1x16x1024xf32, #tpu.memory_space<hbm>>
    %dma_start3A_166 = tpu.memref_squeeze %dma_start3A_165 : memref<1x16x1024xf32, #tpu.memory_space<hbm>> -> memref<16x1024xf32, #tpu.memory_space<hbm>>
    tpu.enqueue_dma source(%dma_start3A_166 : memref<16x1024xf32, #tpu.memory_space<hbm>>) target(%arg11 : memref<16x1024xf32, #tpu.memory_space<vmem>>) target_semaphore(%arg16 : memref<!tpu.dma_semaphore, #tpu.memory_space<semaphore_mem>>)
    %dma_wait3A_167 = arith.constant 3 : i32
    %dma_wait3A_168 = arith.constant 0 : i32
    %dma_wait3A_169 = tpu.memref_slice %arg2[%dma_wait3A_167, %add3A_89, %dma_wait3A_168] : memref<4x4096x1024xf32, #tpu.memory_space<hbm>> -> memref<1x16x1024xf32, #tpu.memory_space<hbm>>
    %dma_wait3A_170 = tpu.memref_squeeze %dma_wait3A_169 : memref<1x16x1024xf32, #tpu.memory_space<hbm>> -> memref<16x1024xf32, #tpu.memory_space<hbm>>
    %dma_wait3A_171 = arith.constant 0 : i32
    %dma_wait3A_172 = tpu.memref_slice %arg2[%dma_wait3A_167, %add3A_89, %dma_wait3A_171] : memref<4x4096x1024xf32, #tpu.memory_space<hbm>> -> memref<1x16x1024xf32, #tpu.memory_space<hbm>>
    %dma_wait3A_173 = tpu.memref_squeeze %dma_wait3A_172 : memref<1x16x1024xf32, #tpu.memory_space<hbm>> -> memref<16x1024xf32, #tpu.memory_space<hbm>>
    tpu.wait_dma2 semaphore(%arg18 : memref<!tpu.dma_semaphore, #tpu.memory_space<semaphore_mem>>) src(%dma_wait3A_173 : memref<16x1024xf32, #tpu.memory_space<hbm>>) dst(%arg13 : memref<16x1024xf32, #tpu.memory_space<vmem>>)
    %parallel_loop3A_174 = arith.constant 0 : i32
    %parallel_loop3A_175 = arith.constant 1024 : i32
    %parallel_loop3A_176 = arith.constant 1 : i32
    scf.for %parallel_loop3A_1299 = %parallel_loop3A_174 to %parallel_loop3A_175 step %parallel_loop3A_176  : i32 {
      %parallel_loop3A_1300 = arith.constant 6 : i32
      %parallel_loop3A_1301 = arith.shrsi %parallel_loop3A_1299, %parallel_loop3A_1300 : i32
      %parallel_loop3A_1302 = arith.constant 63 : i32
      %parallel_loop3A_1303 = arith.andi %parallel_loop3A_1299, %parallel_loop3A_1302 : i32
      %parallel_loop3A_1304 = arith.constant 4 : i32
      %parallel_loop3A_1305 = arith.shli %parallel_loop3A_1303, %parallel_loop3A_1304 : i32
      %parallel_loop3A_1306 = tpu.assume_multiple %parallel_loop3A_1305, 16 : i32
      %parallel_loop3A_1307 = arith.index_cast %parallel_loop3A_1301 : i32 to index
      %parallel_loop3A_1308 = arith.index_cast %parallel_loop3A_1306 : i32 to index
      %parallel_loop3A_1309 = tpu.vector_load %arg7[%parallel_loop3A_1307, %parallel_loop3A_1308] {strides = array<i32>} : memref<16x1024xf32, #tpu.memory_space<vmem>>, vector<1x16xf32>,
      %parallel_loop3A_1310 = vector.shape_cast %parallel_loop3A_1309 : vector<1x16xf32> to vector<16xf32>
      %parallel_loop3A_1311 = arith.index_cast %parallel_loop3A_1301 : i32 to index
      %parallel_loop3A_1312 = arith.index_cast %parallel_loop3A_1306 : i32 to index
      %parallel_loop3A_1313 = tpu.vector_load %arg13[%parallel_loop3A_1311, %parallel_loop3A_1312] {strides = array<i32>} : memref<16x1024xf32, #tpu.memory_space<vmem>>, vector<1x16xf32>,
      %parallel_loop3A_1314 = vector.shape_cast %parallel_loop3A_1313 : vector<1x16xf32> to vector<16xf32>
      %parallel_loop3A_1315 = vector.shape_cast %parallel_loop3A_1310 : vector<16xf32> to vector<1x16xf32>
      tpu.vector_store %arg13[%parallel_loop3A_1311, %parallel_loop3A_1312], %parallel_loop3A_1315 {add = true, strides = array<i32>} : memref<16x1024xf32, #tpu.memory_space<vmem>>, vector<1x16xf32>,
    } {sc.loop_unroll_factor = 8 : i64, sc.parallel_access}
    %add3A_177 = arith.constant 0 : i32
    %add3A_178 = arith.addi %mul3A_2, %add3A_177 : i32
    %dma_start3A_179 = arith.constant 3 : i32
    %dma_start3A_180 = arith.constant 0 : i32
    %dma_start3A_181 = tpu.memref_slice %arg6[%dma_start3A_179, %add3A_178, %dma_start3A_180] : memref<4x4096x1024xf32, #tpu.memory_space<hbm>> -> memref<1x16x1024xf32, #tpu.memory_space<hbm>>
    %dma_start3A_182 = tpu.memref_squeeze %dma_start3A_181 : memref<1x16x1024xf32, #tpu.memory_space<hbm>> -> memref<16x1024xf32, #tpu.memory_space<hbm>>
    %dma_start3A_183 = arith.constant 0 : i32
    %dma_start3A_184 = tpu.memref_slice %arg6[%dma_start3A_179, %add3A_178, %dma_start3A_183] : memref<4x4096x1024xf32, #tpu.memory_space<hbm>> -> memref<1x16x1024xf32, #tpu.memory_space<hbm>>
    %dma_start3A_185 = tpu.memref_squeeze %dma_start3A_184 : memref<1x16x1024xf32, #tpu.memory_space<hbm>> -> memref<16x1024xf32, #tpu.memory_space<hbm>>
    tpu.enqueue_dma source(%arg13 : memref<16x1024xf32, #tpu.memory_space<vmem>>) target(%dma_start3A_185 : memref<16x1024xf32, #tpu.memory_space<hbm>>) target_semaphore(%arg22 : memref<!tpu.dma_semaphore, #tpu.memory_space<semaphore_mem>>)
    %dma_wait3A_186 = arith.constant 0 : i32
    %dma_wait3A_187 = tpu.memref_slice %arg3[%add3A_51, %dma_wait3A_186] : memref<4096x1024xf32, #tpu.memory_space<hbm>> -> memref<16x1024xf32, #tpu.memory_space<hbm>>
    %dma_wait3A_188 = arith.constant 0 : i32
    %dma_wait3A_189 = tpu.memref_slice %arg3[%add3A_51, %dma_wait3A_188] : memref<4096x1024xf32, #tpu.memory_space<hbm>> -> memref<16x1024xf32, #tpu.memory_space<hbm>>
    tpu.wait_dma2 semaphore(%arg24 : memref<!tpu.dma_semaphore, #tpu.memory_space<semaphore_mem>>) src(%dma_wait3A_189 : memref<16x1024xf32, #tpu.memory_space<hbm>>) dst(%arg8 : memref<16x1024xf32, #tpu.memory_space<vmem>>)
    %dma_wait3A_190 = arith.constant 0 : i32
    %dma_wait3A_191 = tpu.memref_slice %arg5[%add3A_51, %dma_wait3A_190] : memref<4096x1024xf32, #tpu.memory_space<hbm>> -> memref<16x1024xf32, #tpu.memory_space<hbm>>
    %dma_wait3A_192 = arith.constant 0 : i32
    %dma_wait3A_193 = tpu.memref_slice %arg5[%add3A_51, %dma_wait3A_192] : memref<4096x1024xf32, #tpu.memory_space<hbm>> -> memref<16x1024xf32, #tpu.memory_space<hbm>>
    tpu.wait_dma2 semaphore(%arg24 : memref<!tpu.dma_semaphore, #tpu.memory_space<semaphore_mem>>) src(%dma_wait3A_193 : memref<16x1024xf32, #tpu.memory_space<hbm>>) dst(%arg9 : memref<16x1024xf32, #tpu.memory_space<vmem>>)
    %parallel_loop3A_194 = arith.constant 0 : i32
    %parallel_loop3A_195 = arith.constant 1024 : i32
    %parallel_loop3A_196 = arith.constant 1 : i32
    scf.for %parallel_loop3A_1299 = %parallel_loop3A_194 to %parallel_loop3A_195 step %parallel_loop3A_196  : i32 {
      %parallel_loop3A_1300 = arith.constant 6 : i32
      %parallel_loop3A_1301 = arith.shrsi %parallel_loop3A_1299, %parallel_loop3A_1300 : i32
      %parallel_loop3A_1302 = arith.constant 63 : i32
      %parallel_loop3A_1303 = arith.andi %parallel_loop3A_1299, %parallel_loop3A_1302 : i32
      %parallel_loop3A_1304 = arith.constant 4 : i32
      %parallel_loop3A_1305 = arith.shli %parallel_loop3A_1303, %parallel_loop3A_1304 : i32
      %parallel_loop3A_1306 = tpu.assume_multiple %parallel_loop3A_1305, 16 : i32
      %parallel_loop3A_1307 = arith.index_cast %parallel_loop3A_1301 : i32 to index
      %parallel_loop3A_1308 = arith.index_cast %parallel_loop3A_1306 : i32 to index
      %parallel_loop3A_1309 = tpu.vector_load %arg8[%parallel_loop3A_1307, %parallel_loop3A_1308] {strides = array<i32>} : memref<16x1024xf32, #tpu.memory_space<vmem>>, vector<1x16xf32>,
      %parallel_loop3A_1310 = vector.shape_cast %parallel_loop3A_1309 : vector<1x16xf32> to vector<16xf32>
      %parallel_loop3A_1311 = arith.mulf %div3A_11, %parallel_loop3A_1310 : vector<16xf32>
      %parallel_loop3A_1312 = arith.index_cast %parallel_loop3A_1301 : i32 to index
      %parallel_loop3A_1313 = arith.index_cast %parallel_loop3A_1306 : i32 to index
      %parallel_loop3A_1314 = tpu.vector_load %arg9[%parallel_loop3A_1312, %parallel_loop3A_1313] {strides = array<i32>} : memref<16x1024xf32, #tpu.memory_space<vmem>>, vector<1x16xf32>,
      %parallel_loop3A_1315 = vector.shape_cast %parallel_loop3A_1314 : vector<1x16xf32> to vector<16xf32>
      %parallel_loop3A_1316 = arith.mulf %sub3A_13, %parallel_loop3A_1315 : vector<16xf32>
      %parallel_loop3A_1317 = arith.addf %parallel_loop3A_1311, %parallel_loop3A_1316 : vector<16xf32>
      %parallel_loop3A_1318 = arith.index_cast %parallel_loop3A_1301 : i32 to index
      %parallel_loop3A_1319 = arith.index_cast %parallel_loop3A_1306 : i32 to index
      %parallel_loop3A_1320 = tpu.vector_load %arg8[%parallel_loop3A_1318, %parallel_loop3A_1319] {strides = array<i32>} : memref<16x1024xf32, #tpu.memory_space<vmem>>, vector<1x16xf32>,
      %parallel_loop3A_1321 = vector.shape_cast %parallel_loop3A_1320 : vector<1x16xf32> to vector<16xf32>
      %parallel_loop3A_1322 = vector.shape_cast %parallel_loop3A_1317 : vector<16xf32> to vector<1x16xf32>
      tpu.vector_store %arg8[%parallel_loop3A_1318, %parallel_loop3A_1319], %parallel_loop3A_1322 {strides = array<i32>} : memref<16x1024xf32, #tpu.memory_space<vmem>>, vector<1x16xf32>,
    } {sc.loop_unroll_factor = 8 : i64, sc.parallel_access}
    %add3A_197 = arith.constant 32 : i32
    %add3A_198 = arith.addi %mul3A_2, %add3A_197 : i32
    %dma_start3A_199 = arith.constant 0 : i32
    %dma_start3A_200 = tpu.memref_slice %arg3[%add3A_198, %dma_start3A_199] : memref<4096x1024xf32, #tpu.memory_space<hbm>> -> memref<16x1024xf32, #tpu.memory_space<hbm>>
    %dma_start3A_201 = arith.constant 0 : i32
    %dma_start3A_202 = tpu.memref_slice %arg3[%add3A_198, %dma_start3A_201] : memref<4096x1024xf32, #tpu.memory_space<hbm>> -> memref<16x1024xf32, #tpu.memory_space<hbm>>
    tpu.enqueue_dma source(%dma_start3A_202 : memref<16x1024xf32, #tpu.memory_space<hbm>>) target(%arg7 : memref<16x1024xf32, #tpu.memory_space<vmem>>) target_semaphore(%arg23 : memref<!tpu.dma_semaphore, #tpu.memory_space<semaphore_mem>>)
    %dma_start3A_203 = arith.constant 0 : i32
    %dma_start3A_204 = tpu.memref_slice %arg5[%add3A_198, %dma_start3A_203] : memref<4096x1024xf32, #tpu.memory_space<hbm>> -> memref<16x1024xf32, #tpu.memory_space<hbm>>
    %dma_start3A_205 = arith.constant 0 : i32
    %dma_start3A_206 = tpu.memref_slice %arg5[%add3A_198, %dma_start3A_205] : memref<4096x1024xf32, #tpu.memory_space<hbm>> -> memref<16x1024xf32, #tpu.memory_space<hbm>>
    tpu.enqueue_dma source(%dma_start3A_206 : memref<16x1024xf32, #tpu.memory_space<hbm>>) target(%arg9 : memref<16x1024xf32, #tpu.memory_space<vmem>>) target_semaphore(%arg23 : memref<!tpu.dma_semaphore, #tpu.memory_space<semaphore_mem>>)
    %dma_wait3A_207 = arith.constant 2 : i32
    %dma_wait3A_208 = arith.constant 0 : i32
    %dma_wait3A_209 = tpu.memref_slice %arg6[%dma_wait3A_207, %add3A_143, %dma_wait3A_208] : memref<4x4096x1024xf32, #tpu.memory_space<hbm>> -> memref<1x16x1024xf32, #tpu.memory_space<hbm>>
    %dma_wait3A_210 = tpu.memref_squeeze %dma_wait3A_209 : memref<1x16x1024xf32, #tpu.memory_space<hbm>> -> memref<16x1024xf32, #tpu.memory_space<hbm>>
    %dma_wait3A_211 = arith.constant 0 : i32
    %dma_wait3A_212 = tpu.memref_slice %arg6[%dma_wait3A_207, %add3A_143, %dma_wait3A_211] : memref<4x4096x1024xf32, #tpu.memory_space<hbm>> -> memref<1x16x1024xf32, #tpu.memory_space<hbm>>
    %dma_wait3A_213 = tpu.memref_squeeze %dma_wait3A_212 : memref<1x16x1024xf32, #tpu.memory_space<hbm>> -> memref<16x1024xf32, #tpu.memory_space<hbm>>
    tpu.wait_dma2 semaphore(%arg21 : memref<!tpu.dma_semaphore, #tpu.memory_space<semaphore_mem>>) src(%arg12 : memref<16x1024xf32, #tpu.memory_space<vmem>>) dst(%dma_wait3A_213 : memref<16x1024xf32, #tpu.memory_space<hbm>>)
    %add3A_214 = arith.constant 16 : i32
    %add3A_215 = arith.addi %mul3A_2, %add3A_214 : i32
    %dma_start3A_216 = arith.constant 2 : i32
    %dma_start3A_217 = arith.constant 0 : i32
    %dma_start3A_218 = tpu.memref_slice %arg2[%dma_start3A_216, %add3A_215, %dma_start3A_217] : memref<4x4096x1024xf32, #tpu.memory_space<hbm>> -> memref<1x16x1024xf32, #tpu.memory_space<hbm>>
    %dma_start3A_219 = tpu.memref_squeeze %dma_start3A_218 : memref<1x16x1024xf32, #tpu.memory_space<hbm>> -> memref<16x1024xf32, #tpu.memory_space<hbm>>
    %dma_start3A_220 = arith.constant 0 : i32
    %dma_start3A_221 = tpu.memref_slice %arg2[%dma_start3A_216, %add3A_215, %dma_start3A_220] : memref<4x4096x1024xf32, #tpu.memory_space<hbm>> -> memref<1x16x1024xf32, #tpu.memory_space<hbm>>
    %dma_start3A_222 = tpu.memref_squeeze %dma_start3A_221 : memref<1x16x1024xf32, #tpu.memory_space<hbm>> -> memref<16x1024xf32, #tpu.memory_space<hbm>>
    tpu.enqueue_dma source(%dma_start3A_222 : memref<16x1024xf32, #tpu.memory_space<hbm>>) target(%arg12 : memref<16x1024xf32, #tpu.memory_space<vmem>>) target_semaphore(%arg17 : memref<!tpu.dma_semaphore, #tpu.memory_space<semaphore_mem>>)
    %dma_wait3A_223 = arith.constant 0 : i32
    %dma_wait3A_224 = arith.constant 0 : i32
    %dma_wait3A_225 = tpu.memref_slice %arg2[%dma_wait3A_223, %add3A_124, %dma_wait3A_224] : memref<4x4096x1024xf32, #tpu.memory_space<hbm>> -> memref<1x16x1024xf32, #tpu.memory_space<hbm>>
    %dma_wait3A_226 = tpu.memref_squeeze %dma_wait3A_225 : memref<1x16x1024xf32, #tpu.memory_space<hbm>> -> memref<16x1024xf32, #tpu.memory_space<hbm>>
    %dma_wait3A_227 = arith.constant 0 : i32
    %dma_wait3A_228 = tpu.memref_slice %arg2[%dma_wait3A_223, %add3A_124, %dma_wait3A_227] : memref<4x4096x1024xf32, #tpu.memory_space<hbm>> -> memref<1x16x1024xf32, #tpu.memory_space<hbm>>
    %dma_wait3A_229 = tpu.memref_squeeze %dma_wait3A_228 : memref<1x16x1024xf32, #tpu.memory_space<hbm>> -> memref<16x1024xf32, #tpu.memory_space<hbm>>
    tpu.wait_dma2 semaphore(%arg15 : memref<!tpu.dma_semaphore, #tpu.memory_space<semaphore_mem>>) src(%dma_wait3A_229 : memref<16x1024xf32, #tpu.memory_space<hbm>>) dst(%arg10 : memref<16x1024xf32, #tpu.memory_space<vmem>>)
    %parallel_loop3A_230 = arith.constant 0 : i32
    %parallel_loop3A_231 = arith.constant 1024 : i32
    %parallel_loop3A_232 = arith.constant 1 : i32
    scf.for %parallel_loop3A_1299 = %parallel_loop3A_230 to %parallel_loop3A_231 step %parallel_loop3A_232  : i32 {
      %parallel_loop3A_1300 = arith.constant 6 : i32
      %parallel_loop3A_1301 = arith.shrsi %parallel_loop3A_1299, %parallel_loop3A_1300 : i32
      %parallel_loop3A_1302 = arith.constant 63 : i32
      %parallel_loop3A_1303 = arith.andi %parallel_loop3A_1299, %parallel_loop3A_1302 : i32
      %parallel_loop3A_1304 = arith.constant 4 : i32
      %parallel_loop3A_1305 = arith.shli %parallel_loop3A_1303, %parallel_loop3A_1304 : i32
      %parallel_loop3A_1306 = tpu.assume_multiple %parallel_loop3A_1305, 16 : i32
      %parallel_loop3A_1307 = arith.index_cast %parallel_loop3A_1301 : i32 to index
      %parallel_loop3A_1308 = arith.index_cast %parallel_loop3A_1306 : i32 to index
      %parallel_loop3A_1309 = tpu.vector_load %arg8[%parallel_loop3A_1307, %parallel_loop3A_1308] {strides = array<i32>} : memref<16x1024xf32, #tpu.memory_space<vmem>>, vector<1x16xf32>,
      %parallel_loop3A_1310 = vector.shape_cast %parallel_loop3A_1309 : vector<1x16xf32> to vector<16xf32>
      %parallel_loop3A_1311 = arith.index_cast %parallel_loop3A_1301 : i32 to index
      %parallel_loop3A_1312 = arith.index_cast %parallel_loop3A_1306 : i32 to index
      %parallel_loop3A_1313 = tpu.vector_load %arg10[%parallel_loop3A_1311, %parallel_loop3A_1312] {strides = array<i32>} : memref<16x1024xf32, #tpu.memory_space<vmem>>, vector<1x16xf32>,
      %parallel_loop3A_1314 = vector.shape_cast %parallel_loop3A_1313 : vector<1x16xf32> to vector<16xf32>
      %parallel_loop3A_1315 = vector.shape_cast %parallel_loop3A_1310 : vector<16xf32> to vector<1x16xf32>
      tpu.vector_store %arg10[%parallel_loop3A_1311, %parallel_loop3A_1312], %parallel_loop3A_1315 {add = true, strides = array<i32>} : memref<16x1024xf32, #tpu.memory_space<vmem>>, vector<1x16xf32>,
    } {sc.loop_unroll_factor = 8 : i64, sc.parallel_access}
    %add3A_233 = arith.constant 16 : i32
    %add3A_234 = arith.addi %mul3A_2, %add3A_233 : i32
    %dma_start3A_235 = arith.constant 0 : i32
    %dma_start3A_236 = arith.constant 0 : i32
    %dma_start3A_237 = tpu.memref_slice %arg6[%dma_start3A_235, %add3A_234, %dma_start3A_236] : memref<4x4096x1024xf32, #tpu.memory_space<hbm>> -> memref<1x16x1024xf32, #tpu.memory_space<hbm>>
    %dma_start3A_238 = tpu.memref_squeeze %dma_start3A_237 : memref<1x16x1024xf32, #tpu.memory_space<hbm>> -> memref<16x1024xf32, #tpu.memory_space<hbm>>
    %dma_start3A_239 = arith.constant 0 : i32
    %dma_start3A_240 = tpu.memref_slice %arg6[%dma_start3A_235, %add3A_234, %dma_start3A_239] : memref<4x4096x1024xf32, #tpu.memory_space<hbm>> -> memref<1x16x1024xf32, #tpu.memory_space<hbm>>
    %dma_start3A_241 = tpu.memref_squeeze %dma_start3A_240 : memref<1x16x1024xf32, #tpu.memory_space<hbm>> -> memref<16x1024xf32, #tpu.memory_space<hbm>>
    tpu.enqueue_dma source(%arg10 : memref<16x1024xf32, #tpu.memory_space<vmem>>) target(%dma_start3A_241 : memref<16x1024xf32, #tpu.memory_space<hbm>>) target_semaphore(%arg19 : memref<!tpu.dma_semaphore, #tpu.memory_space<semaphore_mem>>)
    %dma_wait3A_242 = arith.constant 3 : i32
    %dma_wait3A_243 = arith.constant 0 : i32
    %dma_wait3A_244 = tpu.memref_slice %arg6[%dma_wait3A_242, %add3A_178, %dma_wait3A_243] : memref<4x4096x1024xf32, #tpu.memory_space<hbm>> -> memref<1x16x1024xf32, #tpu.memory_space<hbm>>
    %dma_wait3A_245 = tpu.memref_squeeze %dma_wait3A_244 : memref<1x16x1024xf32, #tpu.memory_space<hbm>> -> memref<16x1024xf32, #tpu.memory_space<hbm>>
    %dma_wait3A_246 = arith.constant 0 : i32
    %dma_wait3A_247 = tpu.memref_slice %arg6[%dma_wait3A_242, %add3A_178, %dma_wait3A_246] : memref<4x4096x1024xf32, #tpu.memory_space<hbm>> -> memref<1x16x1024xf32, #tpu.memory_space<hbm>>
    %dma_wait3A_248 = tpu.memref_squeeze %dma_wait3A_247 : memref<1x16x1024xf32, #tpu.memory_space<hbm>> -> memref<16x1024xf32, #tpu.memory_space<hbm>>
    tpu.wait_dma2 semaphore(%arg22 : memref<!tpu.dma_semaphore, #tpu.memory_space<semaphore_mem>>) src(%arg13 : memref<16x1024xf32, #tpu.memory_space<vmem>>) dst(%dma_wait3A_248 : memref<16x1024xf32, #tpu.memory_space<hbm>>)
    %add3A_249 = arith.constant 16 : i32
    %add3A_250 = arith.addi %mul3A_2, %add3A_249 : i32
    %dma_start3A_251 = arith.constant 3 : i32
    %dma_start3A_252 = arith.constant 0 : i32
    %dma_start3A_253 = tpu.memref_slice %arg2[%dma_start3A_251, %add3A_250, %dma_start3A_252] : memref<4x4096x1024xf32, #tpu.memory_space<hbm>> -> memref<1x16x1024xf32, #tpu.memory_space<hbm>>
    %dma_start3A_254 = tpu.memref_squeeze %dma_start3A_253 : memref<1x16x1024xf32, #tpu.memory_space<hbm>> -> memref<16x1024xf32, #tpu.memory_space<hbm>>
    %dma_start3A_255 = arith.constant 0 : i32
    %dma_start3A_256 = tpu.memref_slice %arg2[%dma_start3A_251, %add3A_250, %dma_start3A_255] : memref<4x4096x1024xf32, #tpu.memory_space<hbm>> -> memref<1x16x1024xf32, #tpu.memory_space<hbm>>
    %dma_start3A_257 = tpu.memref_squeeze %dma_start3A_256 : memref<1x16x1024xf32, #tpu.memory_space<hbm>> -> memref<16x1024xf32, #tpu.memory_space<hbm>>
    tpu.enqueue_dma source(%dma_start3A_257 : memref<16x1024xf32, #tpu.memory_space<hbm>>) target(%arg13 : memref<16x1024xf32, #tpu.memory_space<vmem>>) target_semaphore(%arg18 : memref<!tpu.dma_semaphore, #tpu.memory_space<semaphore_mem>>)
    %dma_wait3A_258 = arith.constant 1 : i32
    %dma_wait3A_259 = arith.constant 0 : i32
    %dma_wait3A_260 = tpu.memref_slice %arg2[%dma_wait3A_258, %add3A_159, %dma_wait3A_259] : memref<4x4096x1024xf32, #tpu.memory_space<hbm>> -> memref<1x16x1024xf32, #tpu.memory_space<hbm>>
    %dma_wait3A_261 = tpu.memref_squeeze %dma_wait3A_260 : memref<1x16x1024xf32, #tpu.memory_space<hbm>> -> memref<16x1024xf32, #tpu.memory_space<hbm>>
    %dma_wait3A_262 = arith.constant 0 : i32
    %dma_wait3A_263 = tpu.memref_slice %arg2[%dma_wait3A_258, %add3A_159, %dma_wait3A_262] : memref<4x4096x1024xf32, #tpu.memory_space<hbm>> -> memref<1x16x1024xf32, #tpu.memory_space<hbm>>
    %dma_wait3A_264 = tpu.memref_squeeze %dma_wait3A_263 : memref<1x16x1024xf32, #tpu.memory_space<hbm>> -> memref<16x1024xf32, #tpu.memory_space<hbm>>
    tpu.wait_dma2 semaphore(%arg16 : memref<!tpu.dma_semaphore, #tpu.memory_space<semaphore_mem>>) src(%dma_wait3A_264 : memref<16x1024xf32, #tpu.memory_space<hbm>>) dst(%arg11 : memref<16x1024xf32, #tpu.memory_space<vmem>>)
    %parallel_loop3A_265 = arith.constant 0 : i32
    %parallel_loop3A_266 = arith.constant 1024 : i32
    %parallel_loop3A_267 = arith.constant 1 : i32
    scf.for %parallel_loop3A_1299 = %parallel_loop3A_265 to %parallel_loop3A_266 step %parallel_loop3A_267  : i32 {
      %parallel_loop3A_1300 = arith.constant 6 : i32
      %parallel_loop3A_1301 = arith.shrsi %parallel_loop3A_1299, %parallel_loop3A_1300 : i32
      %parallel_loop3A_1302 = arith.constant 63 : i32
      %parallel_loop3A_1303 = arith.andi %parallel_loop3A_1299, %parallel_loop3A_1302 : i32
      %parallel_loop3A_1304 = arith.constant 4 : i32
      %parallel_loop3A_1305 = arith.shli %parallel_loop3A_1303, %parallel_loop3A_1304 : i32
      %parallel_loop3A_1306 = tpu.assume_multiple %parallel_loop3A_1305, 16 : i32
      %parallel_loop3A_1307 = arith.index_cast %parallel_loop3A_1301 : i32 to index
      %parallel_loop3A_1308 = arith.index_cast %parallel_loop3A_1306 : i32 to index
      %parallel_loop3A_1309 = tpu.vector_load %arg8[%parallel_loop3A_1307, %parallel_loop3A_1308] {strides = array<i32>} : memref<16x1024xf32, #tpu.memory_space<vmem>>, vector<1x16xf32>,
      %parallel_loop3A_1310 = vector.shape_cast %parallel_loop3A_1309 : vector<1x16xf32> to vector<16xf32>
      %parallel_loop3A_1311 = arith.index_cast %parallel_loop3A_1301 : i32 to index
      %parallel_loop3A_1312 = arith.index_cast %parallel_loop3A_1306 : i32 to index
      %parallel_loop3A_1313 = tpu.vector_load %arg11[%parallel_loop3A_1311, %parallel_loop3A_1312] {strides = array<i32>} : memref<16x1024xf32, #tpu.memory_space<vmem>>, vector<1x16xf32>,
      %parallel_loop3A_1314 = vector.shape_cast %parallel_loop3A_1313 : vector<1x16xf32> to vector<16xf32>
      %parallel_loop3A_1315 = vector.shape_cast %parallel_loop3A_1310 : vector<16xf32> to vector<1x16xf32>
      tpu.vector_store %arg11[%parallel_loop3A_1311, %parallel_loop3A_1312], %parallel_loop3A_1315 {add = true, strides = array<i32>} : memref<16x1024xf32, #tpu.memory_space<vmem>>, vector<1x16xf32>,
    } {sc.loop_unroll_factor = 8 : i64, sc.parallel_access}
    %add3A_268 = arith.constant 16 : i32
    %add3A_269 = arith.addi %mul3A_2, %add3A_268 : i32
    %dma_start3A_270 = arith.constant 1 : i32
    %dma_start3A_271 = arith.constant 0 : i32
    %dma_start3A_272 = tpu.memref_slice %arg6[%dma_start3A_270, %add3A_269, %dma_start3A_271] : memref<4x4096x1024xf32, #tpu.memory_space<hbm>> -> memref<1x16x1024xf32, #tpu.memory_space<hbm>>
    %dma_start3A_273 = tpu.memref_squeeze %dma_start3A_272 : memref<1x16x1024xf32, #tpu.memory_space<hbm>> -> memref<16x1024xf32, #tpu.memory_space<hbm>>
    %dma_start3A_274 = arith.constant 0 : i32
    %dma_start3A_275 = tpu.memref_slice %arg6[%dma_start3A_270, %add3A_269, %dma_start3A_274] : memref<4x4096x1024xf32, #tpu.memory_space<hbm>> -> memref<1x16x1024xf32, #tpu.memory_space<hbm>>
    %dma_start3A_276 = tpu.memref_squeeze %dma_start3A_275 : memref<1x16x1024xf32, #tpu.memory_space<hbm>> -> memref<16x1024xf32, #tpu.memory_space<hbm>>
    tpu.enqueue_dma source(%arg11 : memref<16x1024xf32, #tpu.memory_space<vmem>>) target(%dma_start3A_276 : memref<16x1024xf32, #tpu.memory_space<hbm>>) target_semaphore(%arg20 : memref<!tpu.dma_semaphore, #tpu.memory_space<semaphore_mem>>)
    %dma_wait3A_277 = arith.constant 0 : i32
    %dma_wait3A_278 = arith.constant 0 : i32
    %dma_wait3A_279 = tpu.memref_slice %arg6[%dma_wait3A_277, %add3A_234, %dma_wait3A_278] : memref<4x4096x1024xf32, #tpu.memory_space<hbm>> -> memref<1x16x1024xf32, #tpu.memory_space<hbm>>
    %dma_wait3A_280 = tpu.memref_squeeze %dma_wait3A_279 : memref<1x16x1024xf32, #tpu.memory_space<hbm>> -> memref<16x1024xf32, #tpu.memory_space<hbm>>
    %dma_wait3A_281 = arith.constant 0 : i32
    %dma_wait3A_282 = tpu.memref_slice %arg6[%dma_wait3A_277, %add3A_234, %dma_wait3A_281] : memref<4x4096x1024xf32, #tpu.memory_space<hbm>> -> memref<1x16x1024xf32, #tpu.memory_space<hbm>>
    %dma_wait3A_283 = tpu.memref_squeeze %dma_wait3A_282 : memref<1x16x1024xf32, #tpu.memory_space<hbm>> -> memref<16x1024xf32, #tpu.memory_space<hbm>>
    tpu.wait_dma2 semaphore(%arg19 : memref<!tpu.dma_semaphore, #tpu.memory_space<semaphore_mem>>) src(%arg10 : memref<16x1024xf32, #tpu.memory_space<vmem>>) dst(%dma_wait3A_283 : memref<16x1024xf32, #tpu.memory_space<hbm>>)
    %add3A_284 = arith.constant 32 : i32
    %add3A_285 = arith.addi %mul3A_2, %add3A_284 : i32
    %dma_start3A_286 = arith.constant 0 : i32
    %dma_start3A_287 = arith.constant 0 : i32
    %dma_start3A_288 = tpu.memref_slice %arg2[%dma_start3A_286, %add3A_285, %dma_start3A_287] : memref<4x4096x1024xf32, #tpu.memory_space<hbm>> -> memref<1x16x1024xf32, #tpu.memory_space<hbm>>
    %dma_start3A_289 = tpu.memref_squeeze %dma_start3A_288 : memref<1x16x1024xf32, #tpu.memory_space<hbm>> -> memref<16x1024xf32, #tpu.memory_space<hbm>>
    %dma_start3A_290 = arith.constant 0 : i32
    %dma_start3A_291 = tpu.memref_slice %arg2[%dma_start3A_286, %add3A_285, %dma_start3A_290] : memref<4x4096x1024xf32, #tpu.memory_space<hbm>> -> memref<1x16x1024xf32, #tpu.memory_space<hbm>>
    %dma_start3A_292 = tpu.memref_squeeze %dma_start3A_291 : memref<1x16x1024xf32, #tpu.memory_space<hbm>> -> memref<16x1024xf32, #tpu.memory_space<hbm>>
    tpu.enqueue_dma source(%dma_start3A_292 : memref<16x1024xf32, #tpu.memory_space<hbm>>) target(%arg10 : memref<16x1024xf32, #tpu.memory_space<vmem>>) target_semaphore(%arg15 : memref<!tpu.dma_semaphore, #tpu.memory_space<semaphore_mem>>)
    %dma_wait3A_293 = arith.constant 2 : i32
    %dma_wait3A_294 = arith.constant 0 : i32
    %dma_wait3A_295 = tpu.memref_slice %arg2[%dma_wait3A_293, %add3A_215, %dma_wait3A_294] : memref<4x4096x1024xf32, #tpu.memory_space<hbm>> -> memref<1x16x1024xf32, #tpu.memory_space<hbm>>
    %dma_wait3A_296 = tpu.memref_squeeze %dma_wait3A_295 : memref<1x16x1024xf32, #tpu.memory_space<hbm>> -> memref<16x1024xf32, #tpu.memory_space<hbm>>
    %dma_wait3A_297 = arith.constant 0 : i32
    %dma_wait3A_298 = tpu.memref_slice %arg2[%dma_wait3A_293, %add3A_215, %dma_wait3A_297] : memref<4x4096x1024xf32, #tpu.memory_space<hbm>> -> memref<1x16x1024xf32, #tpu.memory_space<hbm>>
    %dma_wait3A_299 = tpu.memref_squeeze %dma_wait3A_298 : memref<1x16x1024xf32, #tpu.memory_space<hbm>> -> memref<16x1024xf32, #tpu.memory_space<hbm>>
    tpu.wait_dma2 semaphore(%arg17 : memref<!tpu.dma_semaphore, #tpu.memory_space<semaphore_mem>>) src(%dma_wait3A_299 : memref<16x1024xf32, #tpu.memory_space<hbm>>) dst(%arg12 : memref<16x1024xf32, #tpu.memory_space<vmem>>)
    %parallel_loop3A_300 = arith.constant 0 : i32
    %parallel_loop3A_301 = arith.constant 1024 : i32
    %parallel_loop3A_302 = arith.constant 1 : i32
    scf.for %parallel_loop3A_1299 = %parallel_loop3A_300 to %parallel_loop3A_301 step %parallel_loop3A_302  : i32 {
      %parallel_loop3A_1300 = arith.constant 6 : i32
      %parallel_loop3A_1301 = arith.shrsi %parallel_loop3A_1299, %parallel_loop3A_1300 : i32
      %parallel_loop3A_1302 = arith.constant 63 : i32
      %parallel_loop3A_1303 = arith.andi %parallel_loop3A_1299, %parallel_loop3A_1302 : i32
      %parallel_loop3A_1304 = arith.constant 4 : i32
      %parallel_loop3A_1305 = arith.shli %parallel_loop3A_1303, %parallel_loop3A_1304 : i32
      %parallel_loop3A_1306 = tpu.assume_multiple %parallel_loop3A_1305, 16 : i32
      %parallel_loop3A_1307 = arith.index_cast %parallel_loop3A_1301 : i32 to index
      %parallel_loop3A_1308 = arith.index_cast %parallel_loop3A_1306 : i32 to index
      %parallel_loop3A_1309 = tpu.vector_load %arg8[%parallel_loop3A_1307, %parallel_loop3A_1308] {strides = array<i32>} : memref<16x1024xf32, #tpu.memory_space<vmem>>, vector<1x16xf32>,
      %parallel_loop3A_1310 = vector.shape_cast %parallel_loop3A_1309 : vector<1x16xf32> to vector<16xf32>
      %parallel_loop3A_1311 = arith.index_cast %parallel_loop3A_1301 : i32 to index
      %parallel_loop3A_1312 = arith.index_cast %parallel_loop3A_1306 : i32 to index
      %parallel_loop3A_1313 = tpu.vector_load %arg12[%parallel_loop3A_1311, %parallel_loop3A_1312] {strides = array<i32>} : memref<16x1024xf32, #tpu.memory_space<vmem>>, vector<1x16xf32>,
      %parallel_loop3A_1314 = vector.shape_cast %parallel_loop3A_1313 : vector<1x16xf32> to vector<16xf32>
      %parallel_loop3A_1315 = vector.shape_cast %parallel_loop3A_1310 : vector<16xf32> to vector<1x16xf32>
      tpu.vector_store %arg12[%parallel_loop3A_1311, %parallel_loop3A_1312], %parallel_loop3A_1315 {add = true, strides = array<i32>} : memref<16x1024xf32, #tpu.memory_space<vmem>>, vector<1x16xf32>,
    } {sc.loop_unroll_factor = 8 : i64, sc.parallel_access}
    %add3A_303 = arith.constant 16 : i32
    %add3A_304 = arith.addi %mul3A_2, %add3A_303 : i32
    %dma_start3A_305 = arith.constant 2 : i32
    %dma_start3A_306 = arith.constant 0 : i32
    %dma_start3A_307 = tpu.memref_slice %arg6[%dma_start3A_305, %add3A_304, %dma_start3A_306] : memref<4x4096x1024xf32, #tpu.memory_space<hbm>> -> memref<1x16x1024xf32, #tpu.memory_space<hbm>>
    %dma_start3A_308 = tpu.memref_squeeze %dma_start3A_307 : memref<1x16x1024xf32, #tpu.memory_space<hbm>> -> memref<16x1024xf32, #tpu.memory_space<hbm>>
    %dma_start3A_309 = arith.constant 0 : i32
    %dma_start3A_310 = tpu.memref_slice %arg6[%dma_start3A_305, %add3A_304, %dma_start3A_309] : memref<4x4096x1024xf32, #tpu.memory_space<hbm>> -> memref<1x16x1024xf32, #tpu.memory_space<hbm>>
    %dma_start3A_311 = tpu.memref_squeeze %dma_start3A_310 : memref<1x16x1024xf32, #tpu.memory_space<hbm>> -> memref<16x1024xf32, #tpu.memory_space<hbm>>
    tpu.enqueue_dma source(%arg12 : memref<16x1024xf32, #tpu.memory_space<vmem>>) target(%dma_start3A_311 : memref<16x1024xf32, #tpu.memory_space<hbm>>) target_semaphore(%arg21 : memref<!tpu.dma_semaphore, #tpu.memory_space<semaphore_mem>>)
    %dma_wait3A_312 = arith.constant 1 : i32
    %dma_wait3A_313 = arith.constant 0 : i32
    %dma_wait3A_314 = tpu.memref_slice %arg6[%dma_wait3A_312, %add3A_269, %dma_wait3A_313] : memref<4x4096x1024xf32, #tpu.memory_space<hbm>> -> memref<1x16x1024xf32, #tpu.memory_space<hbm>>
    %dma_wait3A_315 = tpu.memref_squeeze %dma_wait3A_314 : memref<1x16x1024xf32, #tpu.memory_space<hbm>> -> memref<16x1024xf32, #tpu.memory_space<hbm>>
    %dma_wait3A_316 = arith.constant 0 : i32
    %dma_wait3A_317 = tpu.memref_slice %arg6[%dma_wait3A_312, %add3A_269, %dma_wait3A_316] : memref<4x4096x1024xf32, #tpu.memory_space<hbm>> -> memref<1x16x1024xf32, #tpu.memory_space<hbm>>
    %dma_wait3A_318 = tpu.memref_squeeze %dma_wait3A_317 : memref<1x16x1024xf32, #tpu.memory_space<hbm>> -> memref<16x1024xf32, #tpu.memory_space<hbm>>
    tpu.wait_dma2 semaphore(%arg20 : memref<!tpu.dma_semaphore, #tpu.memory_space<semaphore_mem>>) src(%arg11 : memref<16x1024xf32, #tpu.memory_space<vmem>>) dst(%dma_wait3A_318 : memref<16x1024xf32, #tpu.memory_space<hbm>>)
    %add3A_319 = arith.constant 32 : i32
    %add3A_320 = arith.addi %mul3A_2, %add3A_319 : i32
    %dma_start3A_321 = arith.constant 1 : i32
    %dma_start3A_322 = arith.constant 0 : i32
    %dma_start3A_323 = tpu.memref_slice %arg2[%dma_start3A_321, %add3A_320, %dma_start3A_322] : memref<4x4096x1024xf32, #tpu.memory_space<hbm>> -> memref<1x16x1024xf32, #tpu.memory_space<hbm>>
    %dma_start3A_324 = tpu.memref_squeeze %dma_start3A_323 : memref<1x16x1024xf32, #tpu.memory_space<hbm>> -> memref<16x1024xf32, #tpu.memory_space<hbm>>
    %dma_start3A_325 = arith.constant 0 : i32
    %dma_start3A_326 = tpu.memref_slice %arg2[%dma_start3A_321, %add3A_320, %dma_start3A_325] : memref<4x4096x1024xf32, #tpu.memory_space<hbm>> -> memref<1x16x1024xf32, #tpu.memory_space<hbm>>
    %dma_start3A_327 = tpu.memref_squeeze %dma_start3A_326 : memref<1x16x1024xf32, #tpu.memory_space<hbm>> -> memref<16x1024xf32, #tpu.memory_space<hbm>>
    tpu.enqueue_dma source(%dma_start3A_327 : memref<16x1024xf32, #tpu.memory_space<hbm>>) target(%arg11 : memref<16x1024xf32, #tpu.memory_space<vmem>>) target_semaphore(%arg16 : memref<!tpu.dma_semaphore, #tpu.memory_space<semaphore_mem>>)
    %dma_wait3A_328 = arith.constant 3 : i32
    %dma_wait3A_329 = arith.constant 0 : i32
    %dma_wait3A_330 = tpu.memref_slice %arg2[%dma_wait3A_328, %add3A_250, %dma_wait3A_329] : memref<4x4096x1024xf32, #tpu.memory_space<hbm>> -> memref<1x16x1024xf32, #tpu.memory_space<hbm>>
    %dma_wait3A_331 = tpu.memref_squeeze %dma_wait3A_330 : memref<1x16x1024xf32, #tpu.memory_space<hbm>> -> memref<16x1024xf32, #tpu.memory_space<hbm>>
    %dma_wait3A_332 = arith.constant 0 : i32
    %dma_wait3A_333 = tpu.memref_slice %arg2[%dma_wait3A_328, %add3A_250, %dma_wait3A_332] : memref<4x4096x1024xf32, #tpu.memory_space<hbm>> -> memref<1x16x1024xf32, #tpu.memory_space<hbm>>
    %dma_wait3A_334 = tpu.memref_squeeze %dma_wait3A_333 : memref<1x16x1024xf32, #tpu.memory_space<hbm>> -> memref<16x1024xf32, #tpu.memory_space<hbm>>
    tpu.wait_dma2 semaphore(%arg18 : memref<!tpu.dma_semaphore, #tpu.memory_space<semaphore_mem>>) src(%dma_wait3A_334 : memref<16x1024xf32, #tpu.memory_space<hbm>>) dst(%arg13 : memref<16x1024xf32, #tpu.memory_space<vmem>>)
    %parallel_loop3A_335 = arith.constant 0 : i32
    %parallel_loop3A_336 = arith.constant 1024 : i32
    %parallel_loop3A_337 = arith.constant 1 : i32
    scf.for %parallel_loop3A_1299 = %parallel_loop3A_335 to %parallel_loop3A_336 step %parallel_loop3A_337  : i32 {
      %parallel_loop3A_1300 = arith.constant 6 : i32
      %parallel_loop3A_1301 = arith.shrsi %parallel_loop3A_1299, %parallel_loop3A_1300 : i32
      %parallel_loop3A_1302 = arith.constant 63 : i32
      %parallel_loop3A_1303 = arith.andi %parallel_loop3A_1299, %parallel_loop3A_1302 : i32
      %parallel_loop3A_1304 = arith.constant 4 : i32
      %parallel_loop3A_1305 = arith.shli %parallel_loop3A_1303, %parallel_loop3A_1304 : i32
      %parallel_loop3A_1306 = tpu.assume_multiple %parallel_loop3A_1305, 16 : i32
      %parallel_loop3A_1307 = arith.index_cast %parallel_loop3A_1301 : i32 to index
      %parallel_loop3A_1308 = arith.index_cast %parallel_loop3A_1306 : i32 to index
      %parallel_loop3A_1309 = tpu.vector_load %arg8[%parallel_loop3A_1307, %parallel_loop3A_1308] {strides = array<i32>} : memref<16x1024xf32, #tpu.memory_space<vmem>>, vector<1x16xf32>,
      %parallel_loop3A_1310 = vector.shape_cast %parallel_loop3A_1309 : vector<1x16xf32> to vector<16xf32>
      %parallel_loop3A_1311 = arith.index_cast %parallel_loop3A_1301 : i32 to index
      %parallel_loop3A_1312 = arith.index_cast %parallel_loop3A_1306 : i32 to index
      %parallel_loop3A_1313 = tpu.vector_load %arg13[%parallel_loop3A_1311, %parallel_loop3A_1312] {strides = array<i32>} : memref<16x1024xf32, #tpu.memory_space<vmem>>, vector<1x16xf32>,
      %parallel_loop3A_1314 = vector.shape_cast %parallel_loop3A_1313 : vector<1x16xf32> to vector<16xf32>
      %parallel_loop3A_1315 = vector.shape_cast %parallel_loop3A_1310 : vector<16xf32> to vector<1x16xf32>
      tpu.vector_store %arg13[%parallel_loop3A_1311, %parallel_loop3A_1312], %parallel_loop3A_1315 {add = true, strides = array<i32>} : memref<16x1024xf32, #tpu.memory_space<vmem>>, vector<1x16xf32>,
    } {sc.loop_unroll_factor = 8 : i64, sc.parallel_access}
    %add3A_338 = arith.constant 16 : i32
    %add3A_339 = arith.addi %mul3A_2, %add3A_338 : i32
    %dma_start3A_340 = arith.constant 3 : i32
    %dma_start3A_341 = arith.constant 0 : i32
    %dma_start3A_342 = tpu.memref_slice %arg6[%dma_start3A_340, %add3A_339, %dma_start3A_341] : memref<4x4096x1024xf32, #tpu.memory_space<hbm>> -> memref<1x16x1024xf32, #tpu.memory_space<hbm>>
    %dma_start3A_343 = tpu.memref_squeeze %dma_start3A_342 : memref<1x16x1024xf32, #tpu.memory_space<hbm>> -> memref<16x1024xf32, #tpu.memory_space<hbm>>
    %dma_start3A_344 = arith.constant 0 : i32
    %dma_start3A_345 = tpu.memref_slice %arg6[%dma_start3A_340, %add3A_339, %dma_start3A_344] : memref<4x4096x1024xf32, #tpu.memory_space<hbm>> -> memref<1x16x1024xf32, #tpu.memory_space<hbm>>
    %dma_start3A_346 = tpu.memref_squeeze %dma_start3A_345 : memref<1x16x1024xf32, #tpu.memory_space<hbm>> -> memref<16x1024xf32, #tpu.memory_space<hbm>>
    tpu.enqueue_dma source(%arg13 : memref<16x1024xf32, #tpu.memory_space<vmem>>) target(%dma_start3A_346 : memref<16x1024xf32, #tpu.memory_space<hbm>>) target_semaphore(%arg22 : memref<!tpu.dma_semaphore, #tpu.memory_space<semaphore_mem>>)
    %dma_wait3A_347 = arith.constant 0 : i32
    %dma_wait3A_348 = tpu.memref_slice %arg3[%add3A_198, %dma_wait3A_347] : memref<4096x1024xf32, #tpu.memory_space<hbm>> -> memref<16x1024xf32, #tpu.memory_space<hbm>>
    %dma_wait3A_349 = arith.constant 0 : i32
    %dma_wait3A_350 = tpu.memref_slice %arg3[%add3A_198, %dma_wait3A_349] : memref<4096x1024xf32, #tpu.memory_space<hbm>> -> memref<16x1024xf32, #tpu.memory_space<hbm>>
    tpu.wait_dma2 semaphore(%arg23 : memref<!tpu.dma_semaphore, #tpu.memory_space<semaphore_mem>>) src(%dma_wait3A_350 : memref<16x1024xf32, #tpu.memory_space<hbm>>) dst(%arg7 : memref<16x1024xf32, #tpu.memory_space<vmem>>)
    %dma_wait3A_351 = arith.constant 0 : i32
    %dma_wait3A_352 = tpu.memref_slice %arg5[%add3A_198, %dma_wait3A_351] : memref<4096x1024xf32, #tpu.memory_space<hbm>> -> memref<16x1024xf32, #tpu.memory_space<hbm>>
    %dma_wait3A_353 = arith.constant 0 : i32
    %dma_wait3A_354 = tpu.memref_slice %arg5[%add3A_198, %dma_wait3A_353] : memref<4096x1024xf32, #tpu.memory_space<hbm>> -> memref<16x1024xf32, #tpu.memory_space<hbm>>
    tpu.wait_dma2 semaphore(%arg23 : memref<!tpu.dma_semaphore, #tpu.memory_space<semaphore_mem>>) src(%dma_wait3A_354 : memref<16x1024xf32, #tpu.memory_space<hbm>>) dst(%arg9 : memref<16x1024xf32, #tpu.memory_space<vmem>>)
    %parallel_loop3A_355 = arith.constant 0 : i32
    %parallel_loop3A_356 = arith.constant 1024 : i32
    %parallel_loop3A_357 = arith.constant 1 : i32
    scf.for %parallel_loop3A_1299 = %parallel_loop3A_355 to %parallel_loop3A_356 step %parallel_loop3A_357  : i32 {
      %parallel_loop3A_1300 = arith.constant 6 : i32
      %parallel_loop3A_1301 = arith.shrsi %parallel_loop3A_1299, %parallel_loop3A_1300 : i32
      %parallel_loop3A_1302 = arith.constant 63 : i32
      %parallel_loop3A_1303 = arith.andi %parallel_loop3A_1299, %parallel_loop3A_1302 : i32
      %parallel_loop3A_1304 = arith.constant 4 : i32
      %parallel_loop3A_1305 = arith.shli %parallel_loop3A_1303, %parallel_loop3A_1304 : i32
      %parallel_loop3A_1306 = tpu.assume_multiple %parallel_loop3A_1305, 16 : i32
      %parallel_loop3A_1307 = arith.index_cast %parallel_loop3A_1301 : i32 to index
      %parallel_loop3A_1308 = arith.index_cast %parallel_loop3A_1306 : i32 to index
      %parallel_loop3A_1309 = tpu.vector_load %arg7[%parallel_loop3A_1307, %parallel_loop3A_1308] {strides = array<i32>} : memref<16x1024xf32, #tpu.memory_space<vmem>>, vector<1x16xf32>,
      %parallel_loop3A_1310 = vector.shape_cast %parallel_loop3A_1309 : vector<1x16xf32> to vector<16xf32>
      %parallel_loop3A_1311 = arith.mulf %div3A_11, %parallel_loop3A_1310 : vector<16xf32>
      %parallel_loop3A_1312 = arith.index_cast %parallel_loop3A_1301 : i32 to index
      %parallel_loop3A_1313 = arith.index_cast %parallel_loop3A_1306 : i32 to index
      %parallel_loop3A_1314 = tpu.vector_load %arg9[%parallel_loop3A_1312, %parallel_loop3A_1313] {strides = array<i32>} : memref<16x1024xf32, #tpu.memory_space<vmem>>, vector<1x16xf32>,
      %parallel_loop3A_1315 = vector.shape_cast %parallel_loop3A_1314 : vector<1x16xf32> to vector<16xf32>
      %parallel_loop3A_1316 = arith.mulf %sub3A_13, %parallel_loop3A_1315 : vector<16xf32>
      %parallel_loop3A_1317 = arith.addf %parallel_loop3A_1311, %parallel_loop3A_1316 : vector<16xf32>
      %parallel_loop3A_1318 = arith.index_cast %parallel_loop3A_1301 : i32 to index
      %parallel_loop3A_1319 = arith.index_cast %parallel_loop3A_1306 : i32 to index
      %parallel_loop3A_1320 = tpu.vector_load %arg7[%parallel_loop3A_1318, %parallel_loop3A_1319] {strides = array<i32>} : memref<16x1024xf32, #tpu.memory_space<vmem>>, vector<1x16xf32>,
      %parallel_loop3A_1321 = vector.shape_cast %parallel_loop3A_1320 : vector<1x16xf32> to vector<16xf32>
      %parallel_loop3A_1322 = vector.shape_cast %parallel_loop3A_1317 : vector<16xf32> to vector<1x16xf32>
      tpu.vector_store %arg7[%parallel_loop3A_1318, %parallel_loop3A_1319], %parallel_loop3A_1322 {strides = array<i32>} : memref<16x1024xf32, #tpu.memory_space<vmem>>, vector<1x16xf32>,
    } {sc.loop_unroll_factor = 8 : i64, sc.parallel_access}
    %add3A_358 = arith.constant 48 : i32
    %add3A_359 = arith.addi %mul3A_2, %add3A_358 : i32
    %dma_start3A_360 = arith.constant 0 : i32
    %dma_start3A_361 = tpu.memref_slice %arg3[%add3A_359, %dma_start3A_360] : memref<4096x1024xf32, #tpu.memory_space<hbm>> -> memref<16x1024xf32, #tpu.memory_space<hbm>>
    %dma_start3A_362 = arith.constant 0 : i32
    %dma_start3A_363 = tpu.memref_slice %arg3[%add3A_359, %dma_start3A_362] : memref<4096x1024xf32, #tpu.memory_space<hbm>> -> memref<16x1024xf32, #tpu.memory_space<hbm>>
    tpu.enqueue_dma source(%dma_start3A_363 : memref<16x1024xf32, #tpu.memory_space<hbm>>) target(%arg8 : memref<16x1024xf32, #tpu.memory_space<vmem>>) target_semaphore(%arg24 : memref<!tpu.dma_semaphore, #tpu.memory_space<semaphore_mem>>)
    %dma_start3A_364 = arith.constant 0 : i32
    %dma_start3A_365 = tpu.memref_slice %arg5[%add3A_359, %dma_start3A_364] : memref<4096x1024xf32, #tpu.memory_space<hbm>> -> memref<16x1024xf32, #tpu.memory_space<hbm>>
    %dma_start3A_366 = arith.constant 0 : i32
    %dma_start3A_367 = tpu.memref_slice %arg5[%add3A_359, %dma_start3A_366] : memref<4096x1024xf32, #tpu.memory_space<hbm>> -> memref<16x1024xf32, #tpu.memory_space<hbm>>
    tpu.enqueue_dma source(%dma_start3A_367 : memref<16x1024xf32, #tpu.memory_space<hbm>>) target(%arg9 : memref<16x1024xf32, #tpu.memory_space<vmem>>) target_semaphore(%arg24 : memref<!tpu.dma_semaphore, #tpu.memory_space<semaphore_mem>>)
    %dma_wait3A_368 = arith.constant 2 : i32
    %dma_wait3A_369 = arith.constant 0 : i32
    %dma_wait3A_370 = tpu.memref_slice %arg6[%dma_wait3A_368, %add3A_304, %dma_wait3A_369] : memref<4x4096x1024xf32, #tpu.memory_space<hbm>> -> memref<1x16x1024xf32, #tpu.memory_space<hbm>>
    %dma_wait3A_371 = tpu.memref_squeeze %dma_wait3A_370 : memref<1x16x1024xf32, #tpu.memory_space<hbm>> -> memref<16x1024xf32, #tpu.memory_space<hbm>>
    %dma_wait3A_372 = arith.constant 0 : i32
    %dma_wait3A_373 = tpu.memref_slice %arg6[%dma_wait3A_368, %add3A_304, %dma_wait3A_372] : memref<4x4096x1024xf32, #tpu.memory_space<hbm>> -> memref<1x16x1024xf32, #tpu.memory_space<hbm>>
    %dma_wait3A_374 = tpu.memref_squeeze %dma_wait3A_373 : memref<1x16x1024xf32, #tpu.memory_space<hbm>> -> memref<16x1024xf32, #tpu.memory_space<hbm>>
    tpu.wait_dma2 semaphore(%arg21 : memref<!tpu.dma_semaphore, #tpu.memory_space<semaphore_mem>>) src(%arg12 : memref<16x1024xf32, #tpu.memory_space<vmem>>) dst(%dma_wait3A_374 : memref<16x1024xf32, #tpu.memory_space<hbm>>)
    %add3A_375 = arith.constant 32 : i32
    %add3A_376 = arith.addi %mul3A_2, %add3A_375 : i32
    %dma_start3A_377 = arith.constant 2 : i32
    %dma_start3A_378 = arith.constant 0 : i32
    %dma_start3A_379 = tpu.memref_slice %arg2[%dma_start3A_377, %add3A_376, %dma_start3A_378] : memref<4x4096x1024xf32, #tpu.memory_space<hbm>> -> memref<1x16x1024xf32, #tpu.memory_space<hbm>>
    %dma_start3A_380 = tpu.memref_squeeze %dma_start3A_379 : memref<1x16x1024xf32, #tpu.memory_space<hbm>> -> memref<16x1024xf32, #tpu.memory_space<hbm>>
    %dma_start3A_381 = arith.constant 0 : i32
    %dma_start3A_382 = tpu.memref_slice %arg2[%dma_start3A_377, %add3A_376, %dma_start3A_381] : memref<4x4096x1024xf32, #tpu.memory_space<hbm>> -> memref<1x16x1024xf32, #tpu.memory_space<hbm>>
    %dma_start3A_383 = tpu.memref_squeeze %dma_start3A_382 : memref<1x16x1024xf32, #tpu.memory_space<hbm>> -> memref<16x1024xf32, #tpu.memory_space<hbm>>
    tpu.enqueue_dma source(%dma_start3A_383 : memref<16x1024xf32, #tpu.memory_space<hbm>>) target(%arg12 : memref<16x1024xf32, #tpu.memory_space<vmem>>) target_semaphore(%arg17 : memref<!tpu.dma_semaphore, #tpu.memory_space<semaphore_mem>>)
    %dma_wait3A_384 = arith.constant 0 : i32
    %dma_wait3A_385 = arith.constant 0 : i32
    %dma_wait3A_386 = tpu.memref_slice %arg2[%dma_wait3A_384, %add3A_285, %dma_wait3A_385] : memref<4x4096x1024xf32, #tpu.memory_space<hbm>> -> memref<1x16x1024xf32, #tpu.memory_space<hbm>>
    %dma_wait3A_387 = tpu.memref_squeeze %dma_wait3A_386 : memref<1x16x1024xf32, #tpu.memory_space<hbm>> -> memref<16x1024xf32, #tpu.memory_space<hbm>>
    %dma_wait3A_388 = arith.constant 0 : i32
    %dma_wait3A_389 = tpu.memref_slice %arg2[%dma_wait3A_384, %add3A_285, %dma_wait3A_388] : memref<4x4096x1024xf32, #tpu.memory_space<hbm>> -> memref<1x16x1024xf32, #tpu.memory_space<hbm>>
    %dma_wait3A_390 = tpu.memref_squeeze %dma_wait3A_389 : memref<1x16x1024xf32, #tpu.memory_space<hbm>> -> memref<16x1024xf32, #tpu.memory_space<hbm>>
    tpu.wait_dma2 semaphore(%arg15 : memref<!tpu.dma_semaphore, #tpu.memory_space<semaphore_mem>>) src(%dma_wait3A_390 : memref<16x1024xf32, #tpu.memory_space<hbm>>) dst(%arg10 : memref<16x1024xf32, #tpu.memory_space<vmem>>)
    %parallel_loop3A_391 = arith.constant 0 : i32
    %parallel_loop3A_392 = arith.constant 1024 : i32
    %parallel_loop3A_393 = arith.constant 1 : i32
    scf.for %parallel_loop3A_1299 = %parallel_loop3A_391 to %parallel_loop3A_392 step %parallel_loop3A_393  : i32 {
      %parallel_loop3A_1300 = arith.constant 6 : i32
      %parallel_loop3A_1301 = arith.shrsi %parallel_loop3A_1299, %parallel_loop3A_1300 : i32
      %parallel_loop3A_1302 = arith.constant 63 : i32
      %parallel_loop3A_1303 = arith.andi %parallel_loop3A_1299, %parallel_loop3A_1302 : i32
      %parallel_loop3A_1304 = arith.constant 4 : i32
      %parallel_loop3A_1305 = arith.shli %parallel_loop3A_1303, %parallel_loop3A_1304 : i32
      %parallel_loop3A_1306 = tpu.assume_multiple %parallel_loop3A_1305, 16 : i32
      %parallel_loop3A_1307 = arith.index_cast %parallel_loop3A_1301 : i32 to index
      %parallel_loop3A_1308 = arith.index_cast %parallel_loop3A_1306 : i32 to index
      %parallel_loop3A_1309 = tpu.vector_load %arg7[%parallel_loop3A_1307, %parallel_loop3A_1308] {strides = array<i32>} : memref<16x1024xf32, #tpu.memory_space<vmem>>, vector<1x16xf32>,
      %parallel_loop3A_1310 = vector.shape_cast %parallel_loop3A_1309 : vector<1x16xf32> to vector<16xf32>
      %parallel_loop3A_1311 = arith.index_cast %parallel_loop3A_1301 : i32 to index
      %parallel_loop3A_1312 = arith.index_cast %parallel_loop3A_1306 : i32 to index
      %parallel_loop3A_1313 = tpu.vector_load %arg10[%parallel_loop3A_1311, %parallel_loop3A_1312] {strides = array<i32>} : memref<16x1024xf32, #tpu.memory_space<vmem>>, vector<1x16xf32>,
      %parallel_loop3A_1314 = vector.shape_cast %parallel_loop3A_1313 : vector<1x16xf32> to vector<16xf32>
      %parallel_loop3A_1315 = vector.shape_cast %parallel_loop3A_1310 : vector<16xf32> to vector<1x16xf32>
      tpu.vector_store %arg10[%parallel_loop3A_1311, %parallel_loop3A_1312], %parallel_loop3A_1315 {add = true, strides = array<i32>} : memref<16x1024xf32, #tpu.memory_space<vmem>>, vector<1x16xf32>,
    } {sc.loop_unroll_factor = 8 : i64, sc.parallel_access}
    %add3A_394 = arith.constant 32 : i32
    %add3A_395 = arith.addi %mul3A_2, %add3A_394 : i32
    %dma_start3A_396 = arith.constant 0 : i32
    %dma_start3A_397 = arith.constant 0 : i32
    %dma_start3A_398 = tpu.memref_slice %arg6[%dma_start3A_396, %add3A_395, %dma_start3A_397] : memref<4x4096x1024xf32, #tpu.memory_space<hbm>> -> memref<1x16x1024xf32, #tpu.memory_space<hbm>>
    %dma_start3A_399 = tpu.memref_squeeze %dma_start3A_398 : memref<1x16x1024xf32, #tpu.memory_space<hbm>> -> memref<16x1024xf32, #tpu.memory_space<hbm>>
    %dma_start3A_400 = arith.constant 0 : i32
    %dma_start3A_401 = tpu.memref_slice %arg6[%dma_start3A_396, %add3A_395, %dma_start3A_400] : memref<4x4096x1024xf32, #tpu.memory_space<hbm>> -> memref<1x16x1024xf32, #tpu.memory_space<hbm>>
    %dma_start3A_402 = tpu.memref_squeeze %dma_start3A_401 : memref<1x16x1024xf32, #tpu.memory_space<hbm>> -> memref<16x1024xf32, #tpu.memory_space<hbm>>
    tpu.enqueue_dma source(%arg10 : memref<16x1024xf32, #tpu.memory_space<vmem>>) target(%dma_start3A_402 : memref<16x1024xf32, #tpu.memory_space<hbm>>) target_semaphore(%arg19 : memref<!tpu.dma_semaphore, #tpu.memory_space<semaphore_mem>>)
    %dma_wait3A_403 = arith.constant 3 : i32
    %dma_wait3A_404 = arith.constant 0 : i32
    %dma_wait3A_405 = tpu.memref_slice %arg6[%dma_wait3A_403, %add3A_339, %dma_wait3A_404] : memref<4x4096x1024xf32, #tpu.memory_space<hbm>> -> memref<1x16x1024xf32, #tpu.memory_space<hbm>>
    %dma_wait3A_406 = tpu.memref_squeeze %dma_wait3A_405 : memref<1x16x1024xf32, #tpu.memory_space<hbm>> -> memref<16x1024xf32, #tpu.memory_space<hbm>>
    %dma_wait3A_407 = arith.constant 0 : i32
    %dma_wait3A_408 = tpu.memref_slice %arg6[%dma_wait3A_403, %add3A_339, %dma_wait3A_407] : memref<4x4096x1024xf32, #tpu.memory_space<hbm>> -> memref<1x16x1024xf32, #tpu.memory_space<hbm>>
    %dma_wait3A_409 = tpu.memref_squeeze %dma_wait3A_408 : memref<1x16x1024xf32, #tpu.memory_space<hbm>> -> memref<16x1024xf32, #tpu.memory_space<hbm>>
    tpu.wait_dma2 semaphore(%arg22 : memref<!tpu.dma_semaphore, #tpu.memory_space<semaphore_mem>>) src(%arg13 : memref<16x1024xf32, #tpu.memory_space<vmem>>) dst(%dma_wait3A_409 : memref<16x1024xf32, #tpu.memory_space<hbm>>)
    %add3A_410 = arith.constant 32 : i32
    %add3A_411 = arith.addi %mul3A_2, %add3A_410 : i32
    %dma_start3A_412 = arith.constant 3 : i32
    %dma_start3A_413 = arith.constant 0 : i32
    %dma_start3A_414 = tpu.memref_slice %arg2[%dma_start3A_412, %add3A_411, %dma_start3A_413] : memref<4x4096x1024xf32, #tpu.memory_space<hbm>> -> memref<1x16x1024xf32, #tpu.memory_space<hbm>>
    %dma_start3A_415 = tpu.memref_squeeze %dma_start3A_414 : memref<1x16x1024xf32, #tpu.memory_space<hbm>> -> memref<16x1024xf32, #tpu.memory_space<hbm>>
    %dma_start3A_416 = arith.constant 0 : i32
    %dma_start3A_417 = tpu.memref_slice %arg2[%dma_start3A_412, %add3A_411, %dma_start3A_416] : memref<4x4096x1024xf32, #tpu.memory_space<hbm>> -> memref<1x16x1024xf32, #tpu.memory_space<hbm>>
    %dma_start3A_418 = tpu.memref_squeeze %dma_start3A_417 : memref<1x16x1024xf32, #tpu.memory_space<hbm>> -> memref<16x1024xf32, #tpu.memory_space<hbm>>
    tpu.enqueue_dma source(%dma_start3A_418 : memref<16x1024xf32, #tpu.memory_space<hbm>>) target(%arg13 : memref<16x1024xf32, #tpu.memory_space<vmem>>) target_semaphore(%arg18 : memref<!tpu.dma_semaphore, #tpu.memory_space<semaphore_mem>>)
    %dma_wait3A_419 = arith.constant 1 : i32
    %dma_wait3A_420 = arith.constant 0 : i32
    %dma_wait3A_421 = tpu.memref_slice %arg2[%dma_wait3A_419, %add3A_320, %dma_wait3A_420] : memref<4x4096x1024xf32, #tpu.memory_space<hbm>> -> memref<1x16x1024xf32, #tpu.memory_space<hbm>>
    %dma_wait3A_422 = tpu.memref_squeeze %dma_wait3A_421 : memref<1x16x1024xf32, #tpu.memory_space<hbm>> -> memref<16x1024xf32, #tpu.memory_space<hbm>>
    %dma_wait3A_423 = arith.constant 0 : i32
    %dma_wait3A_424 = tpu.memref_slice %arg2[%dma_wait3A_419, %add3A_320, %dma_wait3A_423] : memref<4x4096x1024xf32, #tpu.memory_space<hbm>> -> memref<1x16x1024xf32, #tpu.memory_space<hbm>>
    %dma_wait3A_425 = tpu.memref_squeeze %dma_wait3A_424 : memref<1x16x1024xf32, #tpu.memory_space<hbm>> -> memref<16x1024xf32, #tpu.memory_space<hbm>>
    tpu.wait_dma2 semaphore(%arg16 : memref<!tpu.dma_semaphore, #tpu.memory_space<semaphore_mem>>) src(%dma_wait3A_425 : memref<16x1024xf32, #tpu.memory_space<hbm>>) dst(%arg11 : memref<16x1024xf32, #tpu.memory_space<vmem>>)
    %parallel_loop3A_426 = arith.constant 0 : i32
    %parallel_loop3A_427 = arith.constant 1024 : i32
    %parallel_loop3A_428 = arith.constant 1 : i32
    scf.for %parallel_loop3A_1299 = %parallel_loop3A_426 to %parallel_loop3A_427 step %parallel_loop3A_428  : i32 {
      %parallel_loop3A_1300 = arith.constant 6 : i32
      %parallel_loop3A_1301 = arith.shrsi %parallel_loop3A_1299, %parallel_loop3A_1300 : i32
      %parallel_loop3A_1302 = arith.constant 63 : i32
      %parallel_loop3A_1303 = arith.andi %parallel_loop3A_1299, %parallel_loop3A_1302 : i32
      %parallel_loop3A_1304 = arith.constant 4 : i32
      %parallel_loop3A_1305 = arith.shli %parallel_loop3A_1303, %parallel_loop3A_1304 : i32
      %parallel_loop3A_1306 = tpu.assume_multiple %parallel_loop3A_1305, 16 : i32
      %parallel_loop3A_1307 = arith.index_cast %parallel_loop3A_1301 : i32 to index
      %parallel_loop3A_1308 = arith.index_cast %parallel_loop3A_1306 : i32 to index
      %parallel_loop3A_1309 = tpu.vector_load %arg7[%parallel_loop3A_1307, %parallel_loop3A_1308] {strides = array<i32>} : memref<16x1024xf32, #tpu.memory_space<vmem>>, vector<1x16xf32>,
      %parallel_loop3A_1310 = vector.shape_cast %parallel_loop3A_1309 : vector<1x16xf32> to vector<16xf32>
      %parallel_loop3A_1311 = arith.index_cast %parallel_loop3A_1301 : i32 to index
      %parallel_loop3A_1312 = arith.index_cast %parallel_loop3A_1306 : i32 to index
      %parallel_loop3A_1313 = tpu.vector_load %arg11[%parallel_loop3A_1311, %parallel_loop3A_1312] {strides = array<i32>} : memref<16x1024xf32, #tpu.memory_space<vmem>>, vector<1x16xf32>,
      %parallel_loop3A_1314 = vector.shape_cast %parallel_loop3A_1313 : vector<1x16xf32> to vector<16xf32>
      %parallel_loop3A_1315 = vector.shape_cast %parallel_loop3A_1310 : vector<16xf32> to vector<1x16xf32>
      tpu.vector_store %arg11[%parallel_loop3A_1311, %parallel_loop3A_1312], %parallel_loop3A_1315 {add = true, strides = array<i32>} : memref<16x1024xf32, #tpu.memory_space<vmem>>, vector<1x16xf32>,
    } {sc.loop_unroll_factor = 8 : i64, sc.parallel_access}
    %add3A_429 = arith.constant 32 : i32
    %add3A_430 = arith.addi %mul3A_2, %add3A_429 : i32
    %dma_start3A_431 = arith.constant 1 : i32
    %dma_start3A_432 = arith.constant 0 : i32
    %dma_start3A_433 = tpu.memref_slice %arg6[%dma_start3A_431, %add3A_430, %dma_start3A_432] : memref<4x4096x1024xf32, #tpu.memory_space<hbm>> -> memref<1x16x1024xf32, #tpu.memory_space<hbm>>
    %dma_start3A_434 = tpu.memref_squeeze %dma_start3A_433 : memref<1x16x1024xf32, #tpu.memory_space<hbm>> -> memref<16x1024xf32, #tpu.memory_space<hbm>>
    %dma_start3A_435 = arith.constant 0 : i32
    %dma_start3A_436 = tpu.memref_slice %arg6[%dma_start3A_431, %add3A_430, %dma_start3A_435] : memref<4x4096x1024xf32, #tpu.memory_space<hbm>> -> memref<1x16x1024xf32, #tpu.memory_space<hbm>>
    %dma_start3A_437 = tpu.memref_squeeze %dma_start3A_436 : memref<1x16x1024xf32, #tpu.memory_space<hbm>> -> memref<16x1024xf32, #tpu.memory_space<hbm>>
    tpu.enqueue_dma source(%arg11 : memref<16x1024xf32, #tpu.memory_space<vmem>>) target(%dma_start3A_437 : memref<16x1024xf32, #tpu.memory_space<hbm>>) target_semaphore(%arg20 : memref<!tpu.dma_semaphore, #tpu.memory_space<semaphore_mem>>)
    %dma_wait3A_438 = arith.constant 0 : i32
    %dma_wait3A_439 = arith.constant 0 : i32
    %dma_wait3A_440 = tpu.memref_slice %arg6[%dma_wait3A_438, %add3A_395, %dma_wait3A_439] : memref<4x4096x1024xf32, #tpu.memory_space<hbm>> -> memref<1x16x1024xf32, #tpu.memory_space<hbm>>
    %dma_wait3A_441 = tpu.memref_squeeze %dma_wait3A_440 : memref<1x16x1024xf32, #tpu.memory_space<hbm>> -> memref<16x1024xf32, #tpu.memory_space<hbm>>
    %dma_wait3A_442 = arith.constant 0 : i32
    %dma_wait3A_443 = tpu.memref_slice %arg6[%dma_wait3A_438, %add3A_395, %dma_wait3A_442] : memref<4x4096x1024xf32, #tpu.memory_space<hbm>> -> memref<1x16x1024xf32, #tpu.memory_space<hbm>>
    %dma_wait3A_444 = tpu.memref_squeeze %dma_wait3A_443 : memref<1x16x1024xf32, #tpu.memory_space<hbm>> -> memref<16x1024xf32, #tpu.memory_space<hbm>>
    tpu.wait_dma2 semaphore(%arg19 : memref<!tpu.dma_semaphore, #tpu.memory_space<semaphore_mem>>) src(%arg10 : memref<16x1024xf32, #tpu.memory_space<vmem>>) dst(%dma_wait3A_444 : memref<16x1024xf32, #tpu.memory_space<hbm>>)
    %add3A_445 = arith.constant 48 : i32
    %add3A_446 = arith.addi %mul3A_2, %add3A_445 : i32
    %dma_start3A_447 = arith.constant 0 : i32
    %dma_start3A_448 = arith.constant 0 : i32
    %dma_start3A_449 = tpu.memref_slice %arg2[%dma_start3A_447, %add3A_446, %dma_start3A_448] : memref<4x4096x1024xf32, #tpu.memory_space<hbm>> -> memref<1x16x1024xf32, #tpu.memory_space<hbm>>
    %dma_start3A_450 = tpu.memref_squeeze %dma_start3A_449 : memref<1x16x1024xf32, #tpu.memory_space<hbm>> -> memref<16x1024xf32, #tpu.memory_space<hbm>>
    %dma_start3A_451 = arith.constant 0 : i32
    %dma_start3A_452 = tpu.memref_slice %arg2[%dma_start3A_447, %add3A_446, %dma_start3A_451] : memref<4x4096x1024xf32, #tpu.memory_space<hbm>> -> memref<1x16x1024xf32, #tpu.memory_space<hbm>>
    %dma_start3A_453 = tpu.memref_squeeze %dma_start3A_452 : memref<1x16x1024xf32, #tpu.memory_space<hbm>> -> memref<16x1024xf32, #tpu.memory_space<hbm>>
    tpu.enqueue_dma source(%dma_start3A_453 : memref<16x1024xf32, #tpu.memory_space<hbm>>) target(%arg10 : memref<16x1024xf32, #tpu.memory_space<vmem>>) target_semaphore(%arg15 : memref<!tpu.dma_semaphore, #tpu.memory_space<semaphore_mem>>)
    %dma_wait3A_454 = arith.constant 2 : i32
    %dma_wait3A_455 = arith.constant 0 : i32
    %dma_wait3A_456 = tpu.memref_slice %arg2[%dma_wait3A_454, %add3A_376, %dma_wait3A_455] : memref<4x4096x1024xf32, #tpu.memory_space<hbm>> -> memref<1x16x1024xf32, #tpu.memory_space<hbm>>
    %dma_wait3A_457 = tpu.memref_squeeze %dma_wait3A_456 : memref<1x16x1024xf32, #tpu.memory_space<hbm>> -> memref<16x1024xf32, #tpu.memory_space<hbm>>
    %dma_wait3A_458 = arith.constant 0 : i32
    %dma_wait3A_459 = tpu.memref_slice %arg2[%dma_wait3A_454, %add3A_376, %dma_wait3A_458] : memref<4x4096x1024xf32, #tpu.memory_space<hbm>> -> memref<1x16x1024xf32, #tpu.memory_space<hbm>>
    %dma_wait3A_460 = tpu.memref_squeeze %dma_wait3A_459 : memref<1x16x1024xf32, #tpu.memory_space<hbm>> -> memref<16x1024xf32, #tpu.memory_space<hbm>>
    tpu.wait_dma2 semaphore(%arg17 : memref<!tpu.dma_semaphore, #tpu.memory_space<semaphore_mem>>) src(%dma_wait3A_460 : memref<16x1024xf32, #tpu.memory_space<hbm>>) dst(%arg12 : memref<16x1024xf32, #tpu.memory_space<vmem>>)
    %parallel_loop3A_461 = arith.constant 0 : i32
    %parallel_loop3A_462 = arith.constant 1024 : i32
    %parallel_loop3A_463 = arith.constant 1 : i32
    scf.for %parallel_loop3A_1299 = %parallel_loop3A_461 to %parallel_loop3A_462 step %parallel_loop3A_463  : i32 {
      %parallel_loop3A_1300 = arith.constant 6 : i32
      %parallel_loop3A_1301 = arith.shrsi %parallel_loop3A_1299, %parallel_loop3A_1300 : i32
      %parallel_loop3A_1302 = arith.constant 63 : i32
      %parallel_loop3A_1303 = arith.andi %parallel_loop3A_1299, %parallel_loop3A_1302 : i32
      %parallel_loop3A_1304 = arith.constant 4 : i32
      %parallel_loop3A_1305 = arith.shli %parallel_loop3A_1303, %parallel_loop3A_1304 : i32
      %parallel_loop3A_1306 = tpu.assume_multiple %parallel_loop3A_1305, 16 : i32
      %parallel_loop3A_1307 = arith.index_cast %parallel_loop3A_1301 : i32 to index
      %parallel_loop3A_1308 = arith.index_cast %parallel_loop3A_1306 : i32 to index
      %parallel_loop3A_1309 = tpu.vector_load %arg7[%parallel_loop3A_1307, %parallel_loop3A_1308] {strides = array<i32>} : memref<16x1024xf32, #tpu.memory_space<vmem>>, vector<1x16xf32>,
      %parallel_loop3A_1310 = vector.shape_cast %parallel_loop3A_1309 : vector<1x16xf32> to vector<16xf32>
      %parallel_loop3A_1311 = arith.index_cast %parallel_loop3A_1301 : i32 to index
      %parallel_loop3A_1312 = arith.index_cast %parallel_loop3A_1306 : i32 to index
      %parallel_loop3A_1313 = tpu.vector_load %arg12[%parallel_loop3A_1311, %parallel_loop3A_1312] {strides = array<i32>} : memref<16x1024xf32, #tpu.memory_space<vmem>>, vector<1x16xf32>,
      %parallel_loop3A_1314 = vector.shape_cast %parallel_loop3A_1313 : vector<1x16xf32> to vector<16xf32>
      %parallel_loop3A_1315 = vector.shape_cast %parallel_loop3A_1310 : vector<16xf32> to vector<1x16xf32>
      tpu.vector_store %arg12[%parallel_loop3A_1311, %parallel_loop3A_1312], %parallel_loop3A_1315 {add = true, strides = array<i32>} : memref<16x1024xf32, #tpu.memory_space<vmem>>, vector<1x16xf32>,
    } {sc.loop_unroll_factor = 8 : i64, sc.parallel_access}
    %add3A_464 = arith.constant 32 : i32
    %add3A_465 = arith.addi %mul3A_2, %add3A_464 : i32
    %dma_start3A_466 = arith.constant 2 : i32
    %dma_start3A_467 = arith.constant 0 : i32
    %dma_start3A_468 = tpu.memref_slice %arg6[%dma_start3A_466, %add3A_465, %dma_start3A_467] : memref<4x4096x1024xf32, #tpu.memory_space<hbm>> -> memref<1x16x1024xf32, #tpu.memory_space<hbm>>
    %dma_start3A_469 = tpu.memref_squeeze %dma_start3A_468 : memref<1x16x1024xf32, #tpu.memory_space<hbm>> -> memref<16x1024xf32, #tpu.memory_space<hbm>>
    %dma_start3A_470 = arith.constant 0 : i32
    %dma_start3A_471 = tpu.memref_slice %arg6[%dma_start3A_466, %add3A_465, %dma_start3A_470] : memref<4x4096x1024xf32, #tpu.memory_space<hbm>> -> memref<1x16x1024xf32, #tpu.memory_space<hbm>>
    %dma_start3A_472 = tpu.memref_squeeze %dma_start3A_471 : memref<1x16x1024xf32, #tpu.memory_space<hbm>> -> memref<16x1024xf32, #tpu.memory_space<hbm>>
    tpu.enqueue_dma source(%arg12 : memref<16x1024xf32, #tpu.memory_space<vmem>>) target(%dma_start3A_472 : memref<16x1024xf32, #tpu.memory_space<hbm>>) target_semaphore(%arg21 : memref<!tpu.dma_semaphore, #tpu.memory_space<semaphore_mem>>)
    %dma_wait3A_473 = arith.constant 1 : i32
    %dma_wait3A_474 = arith.constant 0 : i32
    %dma_wait3A_475 = tpu.memref_slice %arg6[%dma_wait3A_473, %add3A_430, %dma_wait3A_474] : memref<4x4096x1024xf32, #tpu.memory_space<hbm>> -> memref<1x16x1024xf32, #tpu.memory_space<hbm>>
    %dma_wait3A_476 = tpu.memref_squeeze %dma_wait3A_475 : memref<1x16x1024xf32, #tpu.memory_space<hbm>> -> memref<16x1024xf32, #tpu.memory_space<hbm>>
    %dma_wait3A_477 = arith.constant 0 : i32
    %dma_wait3A_478 = tpu.memref_slice %arg6[%dma_wait3A_473, %add3A_430, %dma_wait3A_477] : memref<4x4096x1024xf32, #tpu.memory_space<hbm>> -> memref<1x16x1024xf32, #tpu.memory_space<hbm>>
    %dma_wait3A_479 = tpu.memref_squeeze %dma_wait3A_478 : memref<1x16x1024xf32, #tpu.memory_space<hbm>> -> memref<16x1024xf32, #tpu.memory_space<hbm>>
    tpu.wait_dma2 semaphore(%arg20 : memref<!tpu.dma_semaphore, #tpu.memory_space<semaphore_mem>>) src(%arg11 : memref<16x1024xf32, #tpu.memory_space<vmem>>) dst(%dma_wait3A_479 : memref<16x1024xf32, #tpu.memory_space<hbm>>)
    %add3A_480 = arith.constant 48 : i32
    %add3A_481 = arith.addi %mul3A_2, %add3A_480 : i32
    %dma_start3A_482 = arith.constant 1 : i32
    %dma_start3A_483 = arith.constant 0 : i32
    %dma_start3A_484 = tpu.memref_slice %arg2[%dma_start3A_482, %add3A_481, %dma_start3A_483] : memref<4x4096x1024xf32, #tpu.memory_space<hbm>> -> memref<1x16x1024xf32, #tpu.memory_space<hbm>>
    %dma_start3A_485 = tpu.memref_squeeze %dma_start3A_484 : memref<1x16x1024xf32, #tpu.memory_space<hbm>> -> memref<16x1024xf32, #tpu.memory_space<hbm>>
    %dma_start3A_486 = arith.constant 0 : i32
    %dma_start3A_487 = tpu.memref_slice %arg2[%dma_start3A_482, %add3A_481, %dma_start3A_486] : memref<4x4096x1024xf32, #tpu.memory_space<hbm>> -> memref<1x16x1024xf32, #tpu.memory_space<hbm>>
    %dma_start3A_488 = tpu.memref_squeeze %dma_start3A_487 : memref<1x16x1024xf32, #tpu.memory_space<hbm>> -> memref<16x1024xf32, #tpu.memory_space<hbm>>
    tpu.enqueue_dma source(%dma_start3A_488 : memref<16x1024xf32, #tpu.memory_space<hbm>>) target(%arg11 : memref<16x1024xf32, #tpu.memory_space<vmem>>) target_semaphore(%arg16 : memref<!tpu.dma_semaphore, #tpu.memory_space<semaphore_mem>>)
    %dma_wait3A_489 = arith.constant 3 : i32
    %dma_wait3A_490 = arith.constant 0 : i32
    %dma_wait3A_491 = tpu.memref_slice %arg2[%dma_wait3A_489, %add3A_411, %dma_wait3A_490] : memref<4x4096x1024xf32, #tpu.memory_space<hbm>> -> memref<1x16x1024xf32, #tpu.memory_space<hbm>>
    %dma_wait3A_492 = tpu.memref_squeeze %dma_wait3A_491 : memref<1x16x1024xf32, #tpu.memory_space<hbm>> -> memref<16x1024xf32, #tpu.memory_space<hbm>>
    %dma_wait3A_493 = arith.constant 0 : i32
    %dma_wait3A_494 = tpu.memref_slice %arg2[%dma_wait3A_489, %add3A_411, %dma_wait3A_493] : memref<4x4096x1024xf32, #tpu.memory_space<hbm>> -> memref<1x16x1024xf32, #tpu.memory_space<hbm>>
    %dma_wait3A_495 = tpu.memref_squeeze %dma_wait3A_494 : memref<1x16x1024xf32, #tpu.memory_space<hbm>> -> memref<16x1024xf32, #tpu.memory_space<hbm>>
    tpu.wait_dma2 semaphore(%arg18 : memref<!tpu.dma_semaphore, #tpu.memory_space<semaphore_mem>>) src(%dma_wait3A_495 : memref<16x1024xf32, #tpu.memory_space<hbm>>) dst(%arg13 : memref<16x1024xf32, #tpu.memory_space<vmem>>)
    %parallel_loop3A_496 = arith.constant 0 : i32
    %parallel_loop3A_497 = arith.constant 1024 : i32
    %parallel_loop3A_498 = arith.constant 1 : i32
    scf.for %parallel_loop3A_1299 = %parallel_loop3A_496 to %parallel_loop3A_497 step %parallel_loop3A_498  : i32 {
      %parallel_loop3A_1300 = arith.constant 6 : i32
      %parallel_loop3A_1301 = arith.shrsi %parallel_loop3A_1299, %parallel_loop3A_1300 : i32
      %parallel_loop3A_1302 = arith.constant 63 : i32
      %parallel_loop3A_1303 = arith.andi %parallel_loop3A_1299, %parallel_loop3A_1302 : i32
      %parallel_loop3A_1304 = arith.constant 4 : i32
      %parallel_loop3A_1305 = arith.shli %parallel_loop3A_1303, %parallel_loop3A_1304 : i32
      %parallel_loop3A_1306 = tpu.assume_multiple %parallel_loop3A_1305, 16 : i32
      %parallel_loop3A_1307 = arith.index_cast %parallel_loop3A_1301 : i32 to index
      %parallel_loop3A_1308 = arith.index_cast %parallel_loop3A_1306 : i32 to index
      %parallel_loop3A_1309 = tpu.vector_load %arg7[%parallel_loop3A_1307, %parallel_loop3A_1308] {strides = array<i32>} : memref<16x1024xf32, #tpu.memory_space<vmem>>, vector<1x16xf32>,
      %parallel_loop3A_1310 = vector.shape_cast %parallel_loop3A_1309 : vector<1x16xf32> to vector<16xf32>
      %parallel_loop3A_1311 = arith.index_cast %parallel_loop3A_1301 : i32 to index
      %parallel_loop3A_1312 = arith.index_cast %parallel_loop3A_1306 : i32 to index
      %parallel_loop3A_1313 = tpu.vector_load %arg13[%parallel_loop3A_1311, %parallel_loop3A_1312] {strides = array<i32>} : memref<16x1024xf32, #tpu.memory_space<vmem>>, vector<1x16xf32>,
      %parallel_loop3A_1314 = vector.shape_cast %parallel_loop3A_1313 : vector<1x16xf32> to vector<16xf32>
      %parallel_loop3A_1315 = vector.shape_cast %parallel_loop3A_1310 : vector<16xf32> to vector<1x16xf32>
      tpu.vector_store %arg13[%parallel_loop3A_1311, %parallel_loop3A_1312], %parallel_loop3A_1315 {add = true, strides = array<i32>} : memref<16x1024xf32, #tpu.memory_space<vmem>>, vector<1x16xf32>,
    } {sc.loop_unroll_factor = 8 : i64, sc.parallel_access}
    %add3A_499 = arith.constant 32 : i32
    %add3A_500 = arith.addi %mul3A_2, %add3A_499 : i32
    %dma_start3A_501 = arith.constant 3 : i32
    %dma_start3A_502 = arith.constant 0 : i32
    %dma_start3A_503 = tpu.memref_slice %arg6[%dma_start3A_501, %add3A_500, %dma_start3A_502] : memref<4x4096x1024xf32, #tpu.memory_space<hbm>> -> memref<1x16x1024xf32, #tpu.memory_space<hbm>>
    %dma_start3A_504 = tpu.memref_squeeze %dma_start3A_503 : memref<1x16x1024xf32, #tpu.memory_space<hbm>> -> memref<16x1024xf32, #tpu.memory_space<hbm>>
    %dma_start3A_505 = arith.constant 0 : i32
    %dma_start3A_506 = tpu.memref_slice %arg6[%dma_start3A_501, %add3A_500, %dma_start3A_505] : memref<4x4096x1024xf32, #tpu.memory_space<hbm>> -> memref<1x16x1024xf32, #tpu.memory_space<hbm>>
    %dma_start3A_507 = tpu.memref_squeeze %dma_start3A_506 : memref<1x16x1024xf32, #tpu.memory_space<hbm>> -> memref<16x1024xf32, #tpu.memory_space<hbm>>
    tpu.enqueue_dma source(%arg13 : memref<16x1024xf32, #tpu.memory_space<vmem>>) target(%dma_start3A_507 : memref<16x1024xf32, #tpu.memory_space<hbm>>) target_semaphore(%arg22 : memref<!tpu.dma_semaphore, #tpu.memory_space<semaphore_mem>>)
    %dma_wait3A_508 = arith.constant 0 : i32
    %dma_wait3A_509 = tpu.memref_slice %arg3[%add3A_359, %dma_wait3A_508] : memref<4096x1024xf32, #tpu.memory_space<hbm>> -> memref<16x1024xf32, #tpu.memory_space<hbm>>
    %dma_wait3A_510 = arith.constant 0 : i32
    %dma_wait3A_511 = tpu.memref_slice %arg3[%add3A_359, %dma_wait3A_510] : memref<4096x1024xf32, #tpu.memory_space<hbm>> -> memref<16x1024xf32, #tpu.memory_space<hbm>>
    tpu.wait_dma2 semaphore(%arg24 : memref<!tpu.dma_semaphore, #tpu.memory_space<semaphore_mem>>) src(%dma_wait3A_511 : memref<16x1024xf32, #tpu.memory_space<hbm>>) dst(%arg8 : memref<16x1024xf32, #tpu.memory_space<vmem>>)
    %dma_wait3A_512 = arith.constant 0 : i32
    %dma_wait3A_513 = tpu.memref_slice %arg5[%add3A_359, %dma_wait3A_512] : memref<4096x1024xf32, #tpu.memory_space<hbm>> -> memref<16x1024xf32, #tpu.memory_space<hbm>>
    %dma_wait3A_514 = arith.constant 0 : i32
    %dma_wait3A_515 = tpu.memref_slice %arg5[%add3A_359, %dma_wait3A_514] : memref<4096x1024xf32, #tpu.memory_space<hbm>> -> memref<16x1024xf32, #tpu.memory_space<hbm>>
    tpu.wait_dma2 semaphore(%arg24 : memref<!tpu.dma_semaphore, #tpu.memory_space<semaphore_mem>>) src(%dma_wait3A_515 : memref<16x1024xf32, #tpu.memory_space<hbm>>) dst(%arg9 : memref<16x1024xf32, #tpu.memory_space<vmem>>)
    %parallel_loop3A_516 = arith.constant 0 : i32
    %parallel_loop3A_517 = arith.constant 1024 : i32
    %parallel_loop3A_518 = arith.constant 1 : i32
    scf.for %parallel_loop3A_1299 = %parallel_loop3A_516 to %parallel_loop3A_517 step %parallel_loop3A_518  : i32 {
      %parallel_loop3A_1300 = arith.constant 6 : i32
      %parallel_loop3A_1301 = arith.shrsi %parallel_loop3A_1299, %parallel_loop3A_1300 : i32
      %parallel_loop3A_1302 = arith.constant 63 : i32
      %parallel_loop3A_1303 = arith.andi %parallel_loop3A_1299, %parallel_loop3A_1302 : i32
      %parallel_loop3A_1304 = arith.constant 4 : i32
      %parallel_loop3A_1305 = arith.shli %parallel_loop3A_1303, %parallel_loop3A_1304 : i32
      %parallel_loop3A_1306 = tpu.assume_multiple %parallel_loop3A_1305, 16 : i32
      %parallel_loop3A_1307 = arith.index_cast %parallel_loop3A_1301 : i32 to index
      %parallel_loop3A_1308 = arith.index_cast %parallel_loop3A_1306 : i32 to index
      %parallel_loop3A_1309 = tpu.vector_load %arg8[%parallel_loop3A_1307, %parallel_loop3A_1308] {strides = array<i32>} : memref<16x1024xf32, #tpu.memory_space<vmem>>, vector<1x16xf32>,
      %parallel_loop3A_1310 = vector.shape_cast %parallel_loop3A_1309 : vector<1x16xf32> to vector<16xf32>
      %parallel_loop3A_1311 = arith.mulf %div3A_11, %parallel_loop3A_1310 : vector<16xf32>
      %parallel_loop3A_1312 = arith.index_cast %parallel_loop3A_1301 : i32 to index
      %parallel_loop3A_1313 = arith.index_cast %parallel_loop3A_1306 : i32 to index
      %parallel_loop3A_1314 = tpu.vector_load %arg9[%parallel_loop3A_1312, %parallel_loop3A_1313] {strides = array<i32>} : memref<16x1024xf32, #tpu.memory_space<vmem>>, vector<1x16xf32>,
      %parallel_loop3A_1315 = vector.shape_cast %parallel_loop3A_1314 : vector<1x16xf32> to vector<16xf32>
      %parallel_loop3A_1316 = arith.mulf %sub3A_13, %parallel_loop3A_1315 : vector<16xf32>
      %parallel_loop3A_1317 = arith.addf %parallel_loop3A_1311, %parallel_loop3A_1316 : vector<16xf32>
      %parallel_loop3A_1318 = arith.index_cast %parallel_loop3A_1301 : i32 to index
      %parallel_loop3A_1319 = arith.index_cast %parallel_loop3A_1306 : i32 to index
      %parallel_loop3A_1320 = tpu.vector_load %arg8[%parallel_loop3A_1318, %parallel_loop3A_1319] {strides = array<i32>} : memref<16x1024xf32, #tpu.memory_space<vmem>>, vector<1x16xf32>,
      %parallel_loop3A_1321 = vector.shape_cast %parallel_loop3A_1320 : vector<1x16xf32> to vector<16xf32>
      %parallel_loop3A_1322 = vector.shape_cast %parallel_loop3A_1317 : vector<16xf32> to vector<1x16xf32>
      tpu.vector_store %arg8[%parallel_loop3A_1318, %parallel_loop3A_1319], %parallel_loop3A_1322 {strides = array<i32>} : memref<16x1024xf32, #tpu.memory_space<vmem>>, vector<1x16xf32>,
    } {sc.loop_unroll_factor = 8 : i64, sc.parallel_access}
    %add3A_519 = arith.constant 64 : i32
    %add3A_520 = arith.addi %mul3A_2, %add3A_519 : i32
    %dma_start3A_521 = arith.constant 0 : i32
    %dma_start3A_522 = tpu.memref_slice %arg3[%add3A_520, %dma_start3A_521] : memref<4096x1024xf32, #tpu.memory_space<hbm>> -> memref<16x1024xf32, #tpu.memory_space<hbm>>
    %dma_start3A_523 = arith.constant 0 : i32
    %dma_start3A_524 = tpu.memref_slice %arg3[%add3A_520, %dma_start3A_523] : memref<4096x1024xf32, #tpu.memory_space<hbm>> -> memref<16x1024xf32, #tpu.memory_space<hbm>>
    tpu.enqueue_dma source(%dma_start3A_524 : memref<16x1024xf32, #tpu.memory_space<hbm>>) target(%arg7 : memref<16x1024xf32, #tpu.memory_space<vmem>>) target_semaphore(%arg23 : memref<!tpu.dma_semaphore, #tpu.memory_space<semaphore_mem>>)
    %dma_start3A_525 = arith.constant 0 : i32
    %dma_start3A_526 = tpu.memref_slice %arg5[%add3A_520, %dma_start3A_525] : memref<4096x1024xf32, #tpu.memory_space<hbm>> -> memref<16x1024xf32, #tpu.memory_space<hbm>>
    %dma_start3A_527 = arith.constant 0 : i32
    %dma_start3A_528 = tpu.memref_slice %arg5[%add3A_520, %dma_start3A_527] : memref<4096x1024xf32, #tpu.memory_space<hbm>> -> memref<16x1024xf32, #tpu.memory_space<hbm>>
    tpu.enqueue_dma source(%dma_start3A_528 : memref<16x1024xf32, #tpu.memory_space<hbm>>) target(%arg9 : memref<16x1024xf32, #tpu.memory_space<vmem>>) target_semaphore(%arg23 : memref<!tpu.dma_semaphore, #tpu.memory_space<semaphore_mem>>)
    %dma_wait3A_529 = arith.constant 2 : i32
    %dma_wait3A_530 = arith.constant 0 : i32
    %dma_wait3A_531 = tpu.memref_slice %arg6[%dma_wait3A_529, %add3A_465, %dma_wait3A_530] : memref<4x4096x1024xf32, #tpu.memory_space<hbm>> -> memref<1x16x1024xf32, #tpu.memory_space<hbm>>
    %dma_wait3A_532 = tpu.memref_squeeze %dma_wait3A_531 : memref<1x16x1024xf32, #tpu.memory_space<hbm>> -> memref<16x1024xf32, #tpu.memory_space<hbm>>
    %dma_wait3A_533 = arith.constant 0 : i32
    %dma_wait3A_534 = tpu.memref_slice %arg6[%dma_wait3A_529, %add3A_465, %dma_wait3A_533] : memref<4x4096x1024xf32, #tpu.memory_space<hbm>> -> memref<1x16x1024xf32, #tpu.memory_space<hbm>>
    %dma_wait3A_535 = tpu.memref_squeeze %dma_wait3A_534 : memref<1x16x1024xf32, #tpu.memory_space<hbm>> -> memref<16x1024xf32, #tpu.memory_space<hbm>>
    tpu.wait_dma2 semaphore(%arg21 : memref<!tpu.dma_semaphore, #tpu.memory_space<semaphore_mem>>) src(%arg12 : memref<16x1024xf32, #tpu.memory_space<vmem>>) dst(%dma_wait3A_535 : memref<16x1024xf32, #tpu.memory_space<hbm>>)
    %add3A_536 = arith.constant 48 : i32
    %add3A_537 = arith.addi %mul3A_2, %add3A_536 : i32
    %dma_start3A_538 = arith.constant 2 : i32
    %dma_start3A_539 = arith.constant 0 : i32
    %dma_start3A_540 = tpu.memref_slice %arg2[%dma_start3A_538, %add3A_537, %dma_start3A_539] : memref<4x4096x1024xf32, #tpu.memory_space<hbm>> -> memref<1x16x1024xf32, #tpu.memory_space<hbm>>
    %dma_start3A_541 = tpu.memref_squeeze %dma_start3A_540 : memref<1x16x1024xf32, #tpu.memory_space<hbm>> -> memref<16x1024xf32, #tpu.memory_space<hbm>>
    %dma_start3A_542 = arith.constant 0 : i32
    %dma_start3A_543 = tpu.memref_slice %arg2[%dma_start3A_538, %add3A_537, %dma_start3A_542] : memref<4x4096x1024xf32, #tpu.memory_space<hbm>> -> memref<1x16x1024xf32, #tpu.memory_space<hbm>>
    %dma_start3A_544 = tpu.memref_squeeze %dma_start3A_543 : memref<1x16x1024xf32, #tpu.memory_space<hbm>> -> memref<16x1024xf32, #tpu.memory_space<hbm>>
    tpu.enqueue_dma source(%dma_start3A_544 : memref<16x1024xf32, #tpu.memory_space<hbm>>) target(%arg12 : memref<16x1024xf32, #tpu.memory_space<vmem>>) target_semaphore(%arg17 : memref<!tpu.dma_semaphore, #tpu.memory_space<semaphore_mem>>)
    %dma_wait3A_545 = arith.constant 0 : i32
    %dma_wait3A_546 = arith.constant 0 : i32
    %dma_wait3A_547 = tpu.memref_slice %arg2[%dma_wait3A_545, %add3A_446, %dma_wait3A_546] : memref<4x4096x1024xf32, #tpu.memory_space<hbm>> -> memref<1x16x1024xf32, #tpu.memory_space<hbm>>
    %dma_wait3A_548 = tpu.memref_squeeze %dma_wait3A_547 : memref<1x16x1024xf32, #tpu.memory_space<hbm>> -> memref<16x1024xf32, #tpu.memory_space<hbm>>
    %dma_wait3A_549 = arith.constant 0 : i32
    %dma_wait3A_550 = tpu.memref_slice %arg2[%dma_wait3A_545, %add3A_446, %dma_wait3A_549] : memref<4x4096x1024xf32, #tpu.memory_space<hbm>> -> memref<1x16x1024xf32, #tpu.memory_space<hbm>>
    %dma_wait3A_551 = tpu.memref_squeeze %dma_wait3A_550 : memref<1x16x1024xf32, #tpu.memory_space<hbm>> -> memref<16x1024xf32, #tpu.memory_space<hbm>>
    tpu.wait_dma2 semaphore(%arg15 : memref<!tpu.dma_semaphore, #tpu.memory_space<semaphore_mem>>) src(%dma_wait3A_551 : memref<16x1024xf32, #tpu.memory_space<hbm>>) dst(%arg10 : memref<16x1024xf32, #tpu.memory_space<vmem>>)
    %parallel_loop3A_552 = arith.constant 0 : i32
    %parallel_loop3A_553 = arith.constant 1024 : i32
    %parallel_loop3A_554 = arith.constant 1 : i32
    scf.for %parallel_loop3A_1299 = %parallel_loop3A_552 to %parallel_loop3A_553 step %parallel_loop3A_554  : i32 {
      %parallel_loop3A_1300 = arith.constant 6 : i32
      %parallel_loop3A_1301 = arith.shrsi %parallel_loop3A_1299, %parallel_loop3A_1300 : i32
      %parallel_loop3A_1302 = arith.constant 63 : i32
      %parallel_loop3A_1303 = arith.andi %parallel_loop3A_1299, %parallel_loop3A_1302 : i32
      %parallel_loop3A_1304 = arith.constant 4 : i32
      %parallel_loop3A_1305 = arith.shli %parallel_loop3A_1303, %parallel_loop3A_1304 : i32
      %parallel_loop3A_1306 = tpu.assume_multiple %parallel_loop3A_1305, 16 : i32
      %parallel_loop3A_1307 = arith.index_cast %parallel_loop3A_1301 : i32 to index
      %parallel_loop3A_1308 = arith.index_cast %parallel_loop3A_1306 : i32 to index
      %parallel_loop3A_1309 = tpu.vector_load %arg8[%parallel_loop3A_1307, %parallel_loop3A_1308] {strides = array<i32>} : memref<16x1024xf32, #tpu.memory_space<vmem>>, vector<1x16xf32>,
      %parallel_loop3A_1310 = vector.shape_cast %parallel_loop3A_1309 : vector<1x16xf32> to vector<16xf32>
      %parallel_loop3A_1311 = arith.index_cast %parallel_loop3A_1301 : i32 to index
      %parallel_loop3A_1312 = arith.index_cast %parallel_loop3A_1306 : i32 to index
      %parallel_loop3A_1313 = tpu.vector_load %arg10[%parallel_loop3A_1311, %parallel_loop3A_1312] {strides = array<i32>} : memref<16x1024xf32, #tpu.memory_space<vmem>>, vector<1x16xf32>,
      %parallel_loop3A_1314 = vector.shape_cast %parallel_loop3A_1313 : vector<1x16xf32> to vector<16xf32>
      %parallel_loop3A_1315 = vector.shape_cast %parallel_loop3A_1310 : vector<16xf32> to vector<1x16xf32>
      tpu.vector_store %arg10[%parallel_loop3A_1311, %parallel_loop3A_1312], %parallel_loop3A_1315 {add = true, strides = array<i32>} : memref<16x1024xf32, #tpu.memory_space<vmem>>, vector<1x16xf32>,
    } {sc.loop_unroll_factor = 8 : i64, sc.parallel_access}
    %add3A_555 = arith.constant 48 : i32
    %add3A_556 = arith.addi %mul3A_2, %add3A_555 : i32
    %dma_start3A_557 = arith.constant 0 : i32
    %dma_start3A_558 = arith.constant 0 : i32
    %dma_start3A_559 = tpu.memref_slice %arg6[%dma_start3A_557, %add3A_556, %dma_start3A_558] : memref<4x4096x1024xf32, #tpu.memory_space<hbm>> -> memref<1x16x1024xf32, #tpu.memory_space<hbm>>
    %dma_start3A_560 = tpu.memref_squeeze %dma_start3A_559 : memref<1x16x1024xf32, #tpu.memory_space<hbm>> -> memref<16x1024xf32, #tpu.memory_space<hbm>>
    %dma_start3A_561 = arith.constant 0 : i32
    %dma_start3A_562 = tpu.memref_slice %arg6[%dma_start3A_557, %add3A_556, %dma_start3A_561] : memref<4x4096x1024xf32, #tpu.memory_space<hbm>> -> memref<1x16x1024xf32, #tpu.memory_space<hbm>>
    %dma_start3A_563 = tpu.memref_squeeze %dma_start3A_562 : memref<1x16x1024xf32, #tpu.memory_space<hbm>> -> memref<16x1024xf32, #tpu.memory_space<hbm>>
    tpu.enqueue_dma source(%arg10 : memref<16x1024xf32, #tpu.memory_space<vmem>>) target(%dma_start3A_563 : memref<16x1024xf32, #tpu.memory_space<hbm>>) target_semaphore(%arg19 : memref<!tpu.dma_semaphore, #tpu.memory_space<semaphore_mem>>)
    %dma_wait3A_564 = arith.constant 3 : i32
    %dma_wait3A_565 = arith.constant 0 : i32
    %dma_wait3A_566 = tpu.memref_slice %arg6[%dma_wait3A_564, %add3A_500, %dma_wait3A_565] : memref<4x4096x1024xf32, #tpu.memory_space<hbm>> -> memref<1x16x1024xf32, #tpu.memory_space<hbm>>
    %dma_wait3A_567 = tpu.memref_squeeze %dma_wait3A_566 : memref<1x16x1024xf32, #tpu.memory_space<hbm>> -> memref<16x1024xf32, #tpu.memory_space<hbm>>
    %dma_wait3A_568 = arith.constant 0 : i32
    %dma_wait3A_569 = tpu.memref_slice %arg6[%dma_wait3A_564, %add3A_500, %dma_wait3A_568] : memref<4x4096x1024xf32, #tpu.memory_space<hbm>> -> memref<1x16x1024xf32, #tpu.memory_space<hbm>>
    %dma_wait3A_570 = tpu.memref_squeeze %dma_wait3A_569 : memref<1x16x1024xf32, #tpu.memory_space<hbm>> -> memref<16x1024xf32, #tpu.memory_space<hbm>>
    tpu.wait_dma2 semaphore(%arg22 : memref<!tpu.dma_semaphore, #tpu.memory_space<semaphore_mem>>) src(%arg13 : memref<16x1024xf32, #tpu.memory_space<vmem>>) dst(%dma_wait3A_570 : memref<16x1024xf32, #tpu.memory_space<hbm>>)
    %add3A_571 = arith.constant 48 : i32
    %add3A_572 = arith.addi %mul3A_2, %add3A_571 : i32
    %dma_start3A_573 = arith.constant 3 : i32
    %dma_start3A_574 = arith.constant 0 : i32
    %dma_start3A_575 = tpu.memref_slice %arg2[%dma_start3A_573, %add3A_572, %dma_start3A_574] : memref<4x4096x1024xf32, #tpu.memory_space<hbm>> -> memref<1x16x1024xf32, #tpu.memory_space<hbm>>
    %dma_start3A_576 = tpu.memref_squeeze %dma_start3A_575 : memref<1x16x1024xf32, #tpu.memory_space<hbm>> -> memref<16x1024xf32, #tpu.memory_space<hbm>>
    %dma_start3A_577 = arith.constant 0 : i32
    %dma_start3A_578 = tpu.memref_slice %arg2[%dma_start3A_573, %add3A_572, %dma_start3A_577] : memref<4x4096x1024xf32, #tpu.memory_space<hbm>> -> memref<1x16x1024xf32, #tpu.memory_space<hbm>>
    %dma_start3A_579 = tpu.memref_squeeze %dma_start3A_578 : memref<1x16x1024xf32, #tpu.memory_space<hbm>> -> memref<16x1024xf32, #tpu.memory_space<hbm>>
    tpu.enqueue_dma source(%dma_start3A_579 : memref<16x1024xf32, #tpu.memory_space<hbm>>) target(%arg13 : memref<16x1024xf32, #tpu.memory_space<vmem>>) target_semaphore(%arg18 : memref<!tpu.dma_semaphore, #tpu.memory_space<semaphore_mem>>)
    %dma_wait3A_580 = arith.constant 1 : i32
    %dma_wait3A_581 = arith.constant 0 : i32
    %dma_wait3A_582 = tpu.memref_slice %arg2[%dma_wait3A_580, %add3A_481, %dma_wait3A_581] : memref<4x4096x1024xf32, #tpu.memory_space<hbm>> -> memref<1x16x1024xf32, #tpu.memory_space<hbm>>
    %dma_wait3A_583 = tpu.memref_squeeze %dma_wait3A_582 : memref<1x16x1024xf32, #tpu.memory_space<hbm>> -> memref<16x1024xf32, #tpu.memory_space<hbm>>
    %dma_wait3A_584 = arith.constant 0 : i32
    %dma_wait3A_585 = tpu.memref_slice %arg2[%dma_wait3A_580, %add3A_481, %dma_wait3A_584] : memref<4x4096x1024xf32, #tpu.memory_space<hbm>> -> memref<1x16x1024xf32, #tpu.memory_space<hbm>>
    %dma_wait3A_586 = tpu.memref_squeeze %dma_wait3A_585 : memref<1x16x1024xf32, #tpu.memory_space<hbm>> -> memref<16x1024xf32, #tpu.memory_space<hbm>>
    tpu.wait_dma2 semaphore(%arg16 : memref<!tpu.dma_semaphore, #tpu.memory_space<semaphore_mem>>) src(%dma_wait3A_586 : memref<16x1024xf32, #tpu.memory_space<hbm>>) dst(%arg11 : memref<16x1024xf32, #tpu.memory_space<vmem>>)
    %parallel_loop3A_587 = arith.constant 0 : i32
    %parallel_loop3A_588 = arith.constant 1024 : i32
    %parallel_loop3A_589 = arith.constant 1 : i32
    scf.for %parallel_loop3A_1299 = %parallel_loop3A_587 to %parallel_loop3A_588 step %parallel_loop3A_589  : i32 {
      %parallel_loop3A_1300 = arith.constant 6 : i32
      %parallel_loop3A_1301 = arith.shrsi %parallel_loop3A_1299, %parallel_loop3A_1300 : i32
      %parallel_loop3A_1302 = arith.constant 63 : i32
      %parallel_loop3A_1303 = arith.andi %parallel_loop3A_1299, %parallel_loop3A_1302 : i32
      %parallel_loop3A_1304 = arith.constant 4 : i32
      %parallel_loop3A_1305 = arith.shli %parallel_loop3A_1303, %parallel_loop3A_1304 : i32
      %parallel_loop3A_1306 = tpu.assume_multiple %parallel_loop3A_1305, 16 : i32
      %parallel_loop3A_1307 = arith.index_cast %parallel_loop3A_1301 : i32 to index
      %parallel_loop3A_1308 = arith.index_cast %parallel_loop3A_1306 : i32 to index
      %parallel_loop3A_1309 = tpu.vector_load %arg8[%parallel_loop3A_1307, %parallel_loop3A_1308] {strides = array<i32>} : memref<16x1024xf32, #tpu.memory_space<vmem>>, vector<1x16xf32>,
      %parallel_loop3A_1310 = vector.shape_cast %parallel_loop3A_1309 : vector<1x16xf32> to vector<16xf32>
      %parallel_loop3A_1311 = arith.index_cast %parallel_loop3A_1301 : i32 to index
      %parallel_loop3A_1312 = arith.index_cast %parallel_loop3A_1306 : i32 to index
      %parallel_loop3A_1313 = tpu.vector_load %arg11[%parallel_loop3A_1311, %parallel_loop3A_1312] {strides = array<i32>} : memref<16x1024xf32, #tpu.memory_space<vmem>>, vector<1x16xf32>,
      %parallel_loop3A_1314 = vector.shape_cast %parallel_loop3A_1313 : vector<1x16xf32> to vector<16xf32>
      %parallel_loop3A_1315 = vector.shape_cast %parallel_loop3A_1310 : vector<16xf32> to vector<1x16xf32>
      tpu.vector_store %arg11[%parallel_loop3A_1311, %parallel_loop3A_1312], %parallel_loop3A_1315 {add = true, strides = array<i32>} : memref<16x1024xf32, #tpu.memory_space<vmem>>, vector<1x16xf32>,
    } {sc.loop_unroll_factor = 8 : i64, sc.parallel_access}
    %add3A_590 = arith.constant 48 : i32
    %add3A_591 = arith.addi %mul3A_2, %add3A_590 : i32
    %dma_start3A_592 = arith.constant 1 : i32
    %dma_start3A_593 = arith.constant 0 : i32
    %dma_start3A_594 = tpu.memref_slice %arg6[%dma_start3A_592, %add3A_591, %dma_start3A_593] : memref<4x4096x1024xf32, #tpu.memory_space<hbm>> -> memref<1x16x1024xf32, #tpu.memory_space<hbm>>
    %dma_start3A_595 = tpu.memref_squeeze %dma_start3A_594 : memref<1x16x1024xf32, #tpu.memory_space<hbm>> -> memref<16x1024xf32, #tpu.memory_space<hbm>>
    %dma_start3A_596 = arith.constant 0 : i32
    %dma_start3A_597 = tpu.memref_slice %arg6[%dma_start3A_592, %add3A_591, %dma_start3A_596] : memref<4x4096x1024xf32, #tpu.memory_space<hbm>> -> memref<1x16x1024xf32, #tpu.memory_space<hbm>>
    %dma_start3A_598 = tpu.memref_squeeze %dma_start3A_597 : memref<1x16x1024xf32, #tpu.memory_space<hbm>> -> memref<16x1024xf32, #tpu.memory_space<hbm>>
    tpu.enqueue_dma source(%arg11 : memref<16x1024xf32, #tpu.memory_space<vmem>>) target(%dma_start3A_598 : memref<16x1024xf32, #tpu.memory_space<hbm>>) target_semaphore(%arg20 : memref<!tpu.dma_semaphore, #tpu.memory_space<semaphore_mem>>)
    %dma_wait3A_599 = arith.constant 0 : i32
    %dma_wait3A_600 = arith.constant 0 : i32
    %dma_wait3A_601 = tpu.memref_slice %arg6[%dma_wait3A_599, %add3A_556, %dma_wait3A_600] : memref<4x4096x1024xf32, #tpu.memory_space<hbm>> -> memref<1x16x1024xf32, #tpu.memory_space<hbm>>
    %dma_wait3A_602 = tpu.memref_squeeze %dma_wait3A_601 : memref<1x16x1024xf32, #tpu.memory_space<hbm>> -> memref<16x1024xf32, #tpu.memory_space<hbm>>
    %dma_wait3A_603 = arith.constant 0 : i32
    %dma_wait3A_604 = tpu.memref_slice %arg6[%dma_wait3A_599, %add3A_556, %dma_wait3A_603] : memref<4x4096x1024xf32, #tpu.memory_space<hbm>> -> memref<1x16x1024xf32, #tpu.memory_space<hbm>>
    %dma_wait3A_605 = tpu.memref_squeeze %dma_wait3A_604 : memref<1x16x1024xf32, #tpu.memory_space<hbm>> -> memref<16x1024xf32, #tpu.memory_space<hbm>>
    tpu.wait_dma2 semaphore(%arg19 : memref<!tpu.dma_semaphore, #tpu.memory_space<semaphore_mem>>) src(%arg10 : memref<16x1024xf32, #tpu.memory_space<vmem>>) dst(%dma_wait3A_605 : memref<16x1024xf32, #tpu.memory_space<hbm>>)
    %add3A_606 = arith.constant 64 : i32
    %add3A_607 = arith.addi %mul3A_2, %add3A_606 : i32
    %dma_start3A_608 = arith.constant 0 : i32
    %dma_start3A_609 = arith.constant 0 : i32
    %dma_start3A_610 = tpu.memref_slice %arg2[%dma_start3A_608, %add3A_607, %dma_start3A_609] : memref<4x4096x1024xf32, #tpu.memory_space<hbm>> -> memref<1x16x1024xf32, #tpu.memory_space<hbm>>
    %dma_start3A_611 = tpu.memref_squeeze %dma_start3A_610 : memref<1x16x1024xf32, #tpu.memory_space<hbm>> -> memref<16x1024xf32, #tpu.memory_space<hbm>>
    %dma_start3A_612 = arith.constant 0 : i32
    %dma_start3A_613 = tpu.memref_slice %arg2[%dma_start3A_608, %add3A_607, %dma_start3A_612] : memref<4x4096x1024xf32, #tpu.memory_space<hbm>> -> memref<1x16x1024xf32, #tpu.memory_space<hbm>>
    %dma_start3A_614 = tpu.memref_squeeze %dma_start3A_613 : memref<1x16x1024xf32, #tpu.memory_space<hbm>> -> memref<16x1024xf32, #tpu.memory_space<hbm>>
    tpu.enqueue_dma source(%dma_start3A_614 : memref<16x1024xf32, #tpu.memory_space<hbm>>) target(%arg10 : memref<16x1024xf32, #tpu.memory_space<vmem>>) target_semaphore(%arg15 : memref<!tpu.dma_semaphore, #tpu.memory_space<semaphore_mem>>)
    %dma_wait3A_615 = arith.constant 2 : i32
    %dma_wait3A_616 = arith.constant 0 : i32
    %dma_wait3A_617 = tpu.memref_slice %arg2[%dma_wait3A_615, %add3A_537, %dma_wait3A_616] : memref<4x4096x1024xf32, #tpu.memory_space<hbm>> -> memref<1x16x1024xf32, #tpu.memory_space<hbm>>
    %dma_wait3A_618 = tpu.memref_squeeze %dma_wait3A_617 : memref<1x16x1024xf32, #tpu.memory_space<hbm>> -> memref<16x1024xf32, #tpu.memory_space<hbm>>
    %dma_wait3A_619 = arith.constant 0 : i32
    %dma_wait3A_620 = tpu.memref_slice %arg2[%dma_wait3A_615, %add3A_537, %dma_wait3A_619] : memref<4x4096x1024xf32, #tpu.memory_space<hbm>> -> memref<1x16x1024xf32, #tpu.memory_space<hbm>>
    %dma_wait3A_621 = tpu.memref_squeeze %dma_wait3A_620 : memref<1x16x1024xf32, #tpu.memory_space<hbm>> -> memref<16x1024xf32, #tpu.memory_space<hbm>>
    tpu.wait_dma2 semaphore(%arg17 : memref<!tpu.dma_semaphore, #tpu.memory_space<semaphore_mem>>) src(%dma_wait3A_621 : memref<16x1024xf32, #tpu.memory_space<hbm>>) dst(%arg12 : memref<16x1024xf32, #tpu.memory_space<vmem>>)
    %parallel_loop3A_622 = arith.constant 0 : i32
    %parallel_loop3A_623 = arith.constant 1024 : i32
    %parallel_loop3A_624 = arith.constant 1 : i32
    scf.for %parallel_loop3A_1299 = %parallel_loop3A_622 to %parallel_loop3A_623 step %parallel_loop3A_624  : i32 {
      %parallel_loop3A_1300 = arith.constant 6 : i32
      %parallel_loop3A_1301 = arith.shrsi %parallel_loop3A_1299, %parallel_loop3A_1300 : i32
      %parallel_loop3A_1302 = arith.constant 63 : i32
      %parallel_loop3A_1303 = arith.andi %parallel_loop3A_1299, %parallel_loop3A_1302 : i32
      %parallel_loop3A_1304 = arith.constant 4 : i32
      %parallel_loop3A_1305 = arith.shli %parallel_loop3A_1303, %parallel_loop3A_1304 : i32
      %parallel_loop3A_1306 = tpu.assume_multiple %parallel_loop3A_1305, 16 : i32
      %parallel_loop3A_1307 = arith.index_cast %parallel_loop3A_1301 : i32 to index
      %parallel_loop3A_1308 = arith.index_cast %parallel_loop3A_1306 : i32 to index
      %parallel_loop3A_1309 = tpu.vector_load %arg8[%parallel_loop3A_1307, %parallel_loop3A_1308] {strides = array<i32>} : memref<16x1024xf32, #tpu.memory_space<vmem>>, vector<1x16xf32>,
      %parallel_loop3A_1310 = vector.shape_cast %parallel_loop3A_1309 : vector<1x16xf32> to vector<16xf32>
      %parallel_loop3A_1311 = arith.index_cast %parallel_loop3A_1301 : i32 to index
      %parallel_loop3A_1312 = arith.index_cast %parallel_loop3A_1306 : i32 to index
      %parallel_loop3A_1313 = tpu.vector_load %arg12[%parallel_loop3A_1311, %parallel_loop3A_1312] {strides = array<i32>} : memref<16x1024xf32, #tpu.memory_space<vmem>>, vector<1x16xf32>,
      %parallel_loop3A_1314 = vector.shape_cast %parallel_loop3A_1313 : vector<1x16xf32> to vector<16xf32>
      %parallel_loop3A_1315 = vector.shape_cast %parallel_loop3A_1310 : vector<16xf32> to vector<1x16xf32>
      tpu.vector_store %arg12[%parallel_loop3A_1311, %parallel_loop3A_1312], %parallel_loop3A_1315 {add = true, strides = array<i32>} : memref<16x1024xf32, #tpu.memory_space<vmem>>, vector<1x16xf32>,
    } {sc.loop_unroll_factor = 8 : i64, sc.parallel_access}
    %add3A_625 = arith.constant 48 : i32
    %add3A_626 = arith.addi %mul3A_2, %add3A_625 : i32
    %dma_start3A_627 = arith.constant 2 : i32
    %dma_start3A_628 = arith.constant 0 : i32
    %dma_start3A_629 = tpu.memref_slice %arg6[%dma_start3A_627, %add3A_626, %dma_start3A_628] : memref<4x4096x1024xf32, #tpu.memory_space<hbm>> -> memref<1x16x1024xf32, #tpu.memory_space<hbm>>
    %dma_start3A_630 = tpu.memref_squeeze %dma_start3A_629 : memref<1x16x1024xf32, #tpu.memory_space<hbm>> -> memref<16x1024xf32, #tpu.memory_space<hbm>>
    %dma_start3A_631 = arith.constant 0 : i32
    %dma_start3A_632 = tpu.memref_slice %arg6[%dma_start3A_627, %add3A_626, %dma_start3A_631] : memref<4x4096x1024xf32, #tpu.memory_space<hbm>> -> memref<1x16x1024xf32, #tpu.memory_space<hbm>>
    %dma_start3A_633 = tpu.memref_squeeze %dma_start3A_632 : memref<1x16x1024xf32, #tpu.memory_space<hbm>> -> memref<16x1024xf32, #tpu.memory_space<hbm>>
    tpu.enqueue_dma source(%arg12 : memref<16x1024xf32, #tpu.memory_space<vmem>>) target(%dma_start3A_633 : memref<16x1024xf32, #tpu.memory_space<hbm>>) target_semaphore(%arg21 : memref<!tpu.dma_semaphore, #tpu.memory_space<semaphore_mem>>)
    %dma_wait3A_634 = arith.constant 1 : i32
    %dma_wait3A_635 = arith.constant 0 : i32
    %dma_wait3A_636 = tpu.memref_slice %arg6[%dma_wait3A_634, %add3A_591, %dma_wait3A_635] : memref<4x4096x1024xf32, #tpu.memory_space<hbm>> -> memref<1x16x1024xf32, #tpu.memory_space<hbm>>
    %dma_wait3A_637 = tpu.memref_squeeze %dma_wait3A_636 : memref<1x16x1024xf32, #tpu.memory_space<hbm>> -> memref<16x1024xf32, #tpu.memory_space<hbm>>
    %dma_wait3A_638 = arith.constant 0 : i32
    %dma_wait3A_639 = tpu.memref_slice %arg6[%dma_wait3A_634, %add3A_591, %dma_wait3A_638] : memref<4x4096x1024xf32, #tpu.memory_space<hbm>> -> memref<1x16x1024xf32, #tpu.memory_space<hbm>>
    %dma_wait3A_640 = tpu.memref_squeeze %dma_wait3A_639 : memref<1x16x1024xf32, #tpu.memory_space<hbm>> -> memref<16x1024xf32, #tpu.memory_space<hbm>>
    tpu.wait_dma2 semaphore(%arg20 : memref<!tpu.dma_semaphore, #tpu.memory_space<semaphore_mem>>) src(%arg11 : memref<16x1024xf32, #tpu.memory_space<vmem>>) dst(%dma_wait3A_640 : memref<16x1024xf32, #tpu.memory_space<hbm>>)
    %add3A_641 = arith.constant 64 : i32
    %add3A_642 = arith.addi %mul3A_2, %add3A_641 : i32
    %dma_start3A_643 = arith.constant 1 : i32
    %dma_start3A_644 = arith.constant 0 : i32
    %dma_start3A_645 = tpu.memref_slice %arg2[%dma_start3A_643, %add3A_642, %dma_start3A_644] : memref<4x4096x1024xf32, #tpu.memory_space<hbm>> -> memref<1x16x1024xf32, #tpu.memory_space<hbm>>
    %dma_start3A_646 = tpu.memref_squeeze %dma_start3A_645 : memref<1x16x1024xf32, #tpu.memory_space<hbm>> -> memref<16x1024xf32, #tpu.memory_space<hbm>>
    %dma_start3A_647 = arith.constant 0 : i32
    %dma_start3A_648 = tpu.memref_slice %arg2[%dma_start3A_643, %add3A_642, %dma_start3A_647] : memref<4x4096x1024xf32, #tpu.memory_space<hbm>> -> memref<1x16x1024xf32, #tpu.memory_space<hbm>>
    %dma_start3A_649 = tpu.memref_squeeze %dma_start3A_648 : memref<1x16x1024xf32, #tpu.memory_space<hbm>> -> memref<16x1024xf32, #tpu.memory_space<hbm>>
    tpu.enqueue_dma source(%dma_start3A_649 : memref<16x1024xf32, #tpu.memory_space<hbm>>) target(%arg11 : memref<16x1024xf32, #tpu.memory_space<vmem>>) target_semaphore(%arg16 : memref<!tpu.dma_semaphore, #tpu.memory_space<semaphore_mem>>)
    %dma_wait3A_650 = arith.constant 3 : i32
    %dma_wait3A_651 = arith.constant 0 : i32
    %dma_wait3A_652 = tpu.memref_slice %arg2[%dma_wait3A_650, %add3A_572, %dma_wait3A_651] : memref<4x4096x1024xf32, #tpu.memory_space<hbm>> -> memref<1x16x1024xf32, #tpu.memory_space<hbm>>
    %dma_wait3A_653 = tpu.memref_squeeze %dma_wait3A_652 : memref<1x16x1024xf32, #tpu.memory_space<hbm>> -> memref<16x1024xf32, #tpu.memory_space<hbm>>
    %dma_wait3A_654 = arith.constant 0 : i32
    %dma_wait3A_655 = tpu.memref_slice %arg2[%dma_wait3A_650, %add3A_572, %dma_wait3A_654] : memref<4x4096x1024xf32, #tpu.memory_space<hbm>> -> memref<1x16x1024xf32, #tpu.memory_space<hbm>>
    %dma_wait3A_656 = tpu.memref_squeeze %dma_wait3A_655 : memref<1x16x1024xf32, #tpu.memory_space<hbm>> -> memref<16x1024xf32, #tpu.memory_space<hbm>>
    tpu.wait_dma2 semaphore(%arg18 : memref<!tpu.dma_semaphore, #tpu.memory_space<semaphore_mem>>) src(%dma_wait3A_656 : memref<16x1024xf32, #tpu.memory_space<hbm>>) dst(%arg13 : memref<16x1024xf32, #tpu.memory_space<vmem>>)
    %parallel_loop3A_657 = arith.constant 0 : i32
    %parallel_loop3A_658 = arith.constant 1024 : i32
    %parallel_loop3A_659 = arith.constant 1 : i32
    scf.for %parallel_loop3A_1299 = %parallel_loop3A_657 to %parallel_loop3A_658 step %parallel_loop3A_659  : i32 {
      %parallel_loop3A_1300 = arith.constant 6 : i32
      %parallel_loop3A_1301 = arith.shrsi %parallel_loop3A_1299, %parallel_loop3A_1300 : i32
      %parallel_loop3A_1302 = arith.constant 63 : i32
      %parallel_loop3A_1303 = arith.andi %parallel_loop3A_1299, %parallel_loop3A_1302 : i32
      %parallel_loop3A_1304 = arith.constant 4 : i32
      %parallel_loop3A_1305 = arith.shli %parallel_loop3A_1303, %parallel_loop3A_1304 : i32
      %parallel_loop3A_1306 = tpu.assume_multiple %parallel_loop3A_1305, 16 : i32
      %parallel_loop3A_1307 = arith.index_cast %parallel_loop3A_1301 : i32 to index
      %parallel_loop3A_1308 = arith.index_cast %parallel_loop3A_1306 : i32 to index
      %parallel_loop3A_1309 = tpu.vector_load %arg8[%parallel_loop3A_1307, %parallel_loop3A_1308] {strides = array<i32>} : memref<16x1024xf32, #tpu.memory_space<vmem>>, vector<1x16xf32>,
      %parallel_loop3A_1310 = vector.shape_cast %parallel_loop3A_1309 : vector<1x16xf32> to vector<16xf32>
      %parallel_loop3A_1311 = arith.index_cast %parallel_loop3A_1301 : i32 to index
      %parallel_loop3A_1312 = arith.index_cast %parallel_loop3A_1306 : i32 to index
      %parallel_loop3A_1313 = tpu.vector_load %arg13[%parallel_loop3A_1311, %parallel_loop3A_1312] {strides = array<i32>} : memref<16x1024xf32, #tpu.memory_space<vmem>>, vector<1x16xf32>,
      %parallel_loop3A_1314 = vector.shape_cast %parallel_loop3A_1313 : vector<1x16xf32> to vector<16xf32>
      %parallel_loop3A_1315 = vector.shape_cast %parallel_loop3A_1310 : vector<16xf32> to vector<1x16xf32>
      tpu.vector_store %arg13[%parallel_loop3A_1311, %parallel_loop3A_1312], %parallel_loop3A_1315 {add = true, strides = array<i32>} : memref<16x1024xf32, #tpu.memory_space<vmem>>, vector<1x16xf32>,
    } {sc.loop_unroll_factor = 8 : i64, sc.parallel_access}
    %add3A_660 = arith.constant 48 : i32
    %add3A_661 = arith.addi %mul3A_2, %add3A_660 : i32
    %dma_start3A_662 = arith.constant 3 : i32
    %dma_start3A_663 = arith.constant 0 : i32
    %dma_start3A_664 = tpu.memref_slice %arg6[%dma_start3A_662, %add3A_661, %dma_start3A_663] : memref<4x4096x1024xf32, #tpu.memory_space<hbm>> -> memref<1x16x1024xf32, #tpu.memory_space<hbm>>
    %dma_start3A_665 = tpu.memref_squeeze %dma_start3A_664 : memref<1x16x1024xf32, #tpu.memory_space<hbm>> -> memref<16x1024xf32, #tpu.memory_space<hbm>>
    %dma_start3A_666 = arith.constant 0 : i32
    %dma_start3A_667 = tpu.memref_slice %arg6[%dma_start3A_662, %add3A_661, %dma_start3A_666] : memref<4x4096x1024xf32, #tpu.memory_space<hbm>> -> memref<1x16x1024xf32, #tpu.memory_space<hbm>>
    %dma_start3A_668 = tpu.memref_squeeze %dma_start3A_667 : memref<1x16x1024xf32, #tpu.memory_space<hbm>> -> memref<16x1024xf32, #tpu.memory_space<hbm>>
    tpu.enqueue_dma source(%arg13 : memref<16x1024xf32, #tpu.memory_space<vmem>>) target(%dma_start3A_668 : memref<16x1024xf32, #tpu.memory_space<hbm>>) target_semaphore(%arg22 : memref<!tpu.dma_semaphore, #tpu.memory_space<semaphore_mem>>)
    %dma_wait3A_669 = arith.constant 0 : i32
    %dma_wait3A_670 = tpu.memref_slice %arg3[%add3A_520, %dma_wait3A_669] : memref<4096x1024xf32, #tpu.memory_space<hbm>> -> memref<16x1024xf32, #tpu.memory_space<hbm>>
    %dma_wait3A_671 = arith.constant 0 : i32
    %dma_wait3A_672 = tpu.memref_slice %arg3[%add3A_520, %dma_wait3A_671] : memref<4096x1024xf32, #tpu.memory_space<hbm>> -> memref<16x1024xf32, #tpu.memory_space<hbm>>
    tpu.wait_dma2 semaphore(%arg23 : memref<!tpu.dma_semaphore, #tpu.memory_space<semaphore_mem>>) src(%dma_wait3A_672 : memref<16x1024xf32, #tpu.memory_space<hbm>>) dst(%arg7 : memref<16x1024xf32, #tpu.memory_space<vmem>>)
    %dma_wait3A_673 = arith.constant 0 : i32
    %dma_wait3A_674 = tpu.memref_slice %arg5[%add3A_520, %dma_wait3A_673] : memref<4096x1024xf32, #tpu.memory_space<hbm>> -> memref<16x1024xf32, #tpu.memory_space<hbm>>
    %dma_wait3A_675 = arith.constant 0 : i32
    %dma_wait3A_676 = tpu.memref_slice %arg5[%add3A_520, %dma_wait3A_675] : memref<4096x1024xf32, #tpu.memory_space<hbm>> -> memref<16x1024xf32, #tpu.memory_space<hbm>>
    tpu.wait_dma2 semaphore(%arg23 : memref<!tpu.dma_semaphore, #tpu.memory_space<semaphore_mem>>) src(%dma_wait3A_676 : memref<16x1024xf32, #tpu.memory_space<hbm>>) dst(%arg9 : memref<16x1024xf32, #tpu.memory_space<vmem>>)
    %parallel_loop3A_677 = arith.constant 0 : i32
    %parallel_loop3A_678 = arith.constant 1024 : i32
    %parallel_loop3A_679 = arith.constant 1 : i32
    scf.for %parallel_loop3A_1299 = %parallel_loop3A_677 to %parallel_loop3A_678 step %parallel_loop3A_679  : i32 {
      %parallel_loop3A_1300 = arith.constant 6 : i32
      %parallel_loop3A_1301 = arith.shrsi %parallel_loop3A_1299, %parallel_loop3A_1300 : i32
      %parallel_loop3A_1302 = arith.constant 63 : i32
      %parallel_loop3A_1303 = arith.andi %parallel_loop3A_1299, %parallel_loop3A_1302 : i32
      %parallel_loop3A_1304 = arith.constant 4 : i32
      %parallel_loop3A_1305 = arith.shli %parallel_loop3A_1303, %parallel_loop3A_1304 : i32
      %parallel_loop3A_1306 = tpu.assume_multiple %parallel_loop3A_1305, 16 : i32
      %parallel_loop3A_1307 = arith.index_cast %parallel_loop3A_1301 : i32 to index
      %parallel_loop3A_1308 = arith.index_cast %parallel_loop3A_1306 : i32 to index
      %parallel_loop3A_1309 = tpu.vector_load %arg7[%parallel_loop3A_1307, %parallel_loop3A_1308] {strides = array<i32>} : memref<16x1024xf32, #tpu.memory_space<vmem>>, vector<1x16xf32>,
      %parallel_loop3A_1310 = vector.shape_cast %parallel_loop3A_1309 : vector<1x16xf32> to vector<16xf32>
      %parallel_loop3A_1311 = arith.mulf %div3A_11, %parallel_loop3A_1310 : vector<16xf32>
      %parallel_loop3A_1312 = arith.index_cast %parallel_loop3A_1301 : i32 to index
      %parallel_loop3A_1313 = arith.index_cast %parallel_loop3A_1306 : i32 to index
      %parallel_loop3A_1314 = tpu.vector_load %arg9[%parallel_loop3A_1312, %parallel_loop3A_1313] {strides = array<i32>} : memref<16x1024xf32, #tpu.memory_space<vmem>>, vector<1x16xf32>,
      %parallel_loop3A_1315 = vector.shape_cast %parallel_loop3A_1314 : vector<1x16xf32> to vector<16xf32>
      %parallel_loop3A_1316 = arith.mulf %sub3A_13, %parallel_loop3A_1315 : vector<16xf32>
      %parallel_loop3A_1317 = arith.addf %parallel_loop3A_1311, %parallel_loop3A_1316 : vector<16xf32>
      %parallel_loop3A_1318 = arith.index_cast %parallel_loop3A_1301 : i32 to index
      %parallel_loop3A_1319 = arith.index_cast %parallel_loop3A_1306 : i32 to index
      %parallel_loop3A_1320 = tpu.vector_load %arg7[%parallel_loop3A_1318, %parallel_loop3A_1319] {strides = array<i32>} : memref<16x1024xf32, #tpu.memory_space<vmem>>, vector<1x16xf32>,
      %parallel_loop3A_1321 = vector.shape_cast %parallel_loop3A_1320 : vector<1x16xf32> to vector<16xf32>
      %parallel_loop3A_1322 = vector.shape_cast %parallel_loop3A_1317 : vector<16xf32> to vector<1x16xf32>
      tpu.vector_store %arg7[%parallel_loop3A_1318, %parallel_loop3A_1319], %parallel_loop3A_1322 {strides = array<i32>} : memref<16x1024xf32, #tpu.memory_space<vmem>>, vector<1x16xf32>,
    } {sc.loop_unroll_factor = 8 : i64, sc.parallel_access}
    %add3A_680 = arith.constant 80 : i32
    %add3A_681 = arith.addi %mul3A_2, %add3A_680 : i32
    %dma_start3A_682 = arith.constant 0 : i32
    %dma_start3A_683 = tpu.memref_slice %arg3[%add3A_681, %dma_start3A_682] : memref<4096x1024xf32, #tpu.memory_space<hbm>> -> memref<16x1024xf32, #tpu.memory_space<hbm>>
    %dma_start3A_684 = arith.constant 0 : i32
    %dma_start3A_685 = tpu.memref_slice %arg3[%add3A_681, %dma_start3A_684] : memref<4096x1024xf32, #tpu.memory_space<hbm>> -> memref<16x1024xf32, #tpu.memory_space<hbm>>
    tpu.enqueue_dma source(%dma_start3A_685 : memref<16x1024xf32, #tpu.memory_space<hbm>>) target(%arg8 : memref<16x1024xf32, #tpu.memory_space<vmem>>) target_semaphore(%arg24 : memref<!tpu.dma_semaphore, #tpu.memory_space<semaphore_mem>>)
    %dma_start3A_686 = arith.constant 0 : i32
    %dma_start3A_687 = tpu.memref_slice %arg5[%add3A_681, %dma_start3A_686] : memref<4096x1024xf32, #tpu.memory_space<hbm>> -> memref<16x1024xf32, #tpu.memory_space<hbm>>
    %dma_start3A_688 = arith.constant 0 : i32
    %dma_start3A_689 = tpu.memref_slice %arg5[%add3A_681, %dma_start3A_688] : memref<4096x1024xf32, #tpu.memory_space<hbm>> -> memref<16x1024xf32, #tpu.memory_space<hbm>>
    tpu.enqueue_dma source(%dma_start3A_689 : memref<16x1024xf32, #tpu.memory_space<hbm>>) target(%arg9 : memref<16x1024xf32, #tpu.memory_space<vmem>>) target_semaphore(%arg24 : memref<!tpu.dma_semaphore, #tpu.memory_space<semaphore_mem>>)
    %dma_wait3A_690 = arith.constant 2 : i32
    %dma_wait3A_691 = arith.constant 0 : i32
    %dma_wait3A_692 = tpu.memref_slice %arg6[%dma_wait3A_690, %add3A_626, %dma_wait3A_691] : memref<4x4096x1024xf32, #tpu.memory_space<hbm>> -> memref<1x16x1024xf32, #tpu.memory_space<hbm>>
    %dma_wait3A_693 = tpu.memref_squeeze %dma_wait3A_692 : memref<1x16x1024xf32, #tpu.memory_space<hbm>> -> memref<16x1024xf32, #tpu.memory_space<hbm>>
    %dma_wait3A_694 = arith.constant 0 : i32
    %dma_wait3A_695 = tpu.memref_slice %arg6[%dma_wait3A_690, %add3A_626, %dma_wait3A_694] : memref<4x4096x1024xf32, #tpu.memory_space<hbm>> -> memref<1x16x1024xf32, #tpu.memory_space<hbm>>
    %dma_wait3A_696 = tpu.memref_squeeze %dma_wait3A_695 : memref<1x16x1024xf32, #tpu.memory_space<hbm>> -> memref<16x1024xf32, #tpu.memory_space<hbm>>
    tpu.wait_dma2 semaphore(%arg21 : memref<!tpu.dma_semaphore, #tpu.memory_space<semaphore_mem>>) src(%arg12 : memref<16x1024xf32, #tpu.memory_space<vmem>>) dst(%dma_wait3A_696 : memref<16x1024xf32, #tpu.memory_space<hbm>>)
    %add3A_697 = arith.constant 64 : i32
    %add3A_698 = arith.addi %mul3A_2, %add3A_697 : i32
    %dma_start3A_699 = arith.constant 2 : i32
    %dma_start3A_700 = arith.constant 0 : i32
    %dma_start3A_701 = tpu.memref_slice %arg2[%dma_start3A_699, %add3A_698, %dma_start3A_700] : memref<4x4096x1024xf32, #tpu.memory_space<hbm>> -> memref<1x16x1024xf32, #tpu.memory_space<hbm>>
    %dma_start3A_702 = tpu.memref_squeeze %dma_start3A_701 : memref<1x16x1024xf32, #tpu.memory_space<hbm>> -> memref<16x1024xf32, #tpu.memory_space<hbm>>
    %dma_start3A_703 = arith.constant 0 : i32
    %dma_start3A_704 = tpu.memref_slice %arg2[%dma_start3A_699, %add3A_698, %dma_start3A_703] : memref<4x4096x1024xf32, #tpu.memory_space<hbm>> -> memref<1x16x1024xf32, #tpu.memory_space<hbm>>
    %dma_start3A_705 = tpu.memref_squeeze %dma_start3A_704 : memref<1x16x1024xf32, #tpu.memory_space<hbm>> -> memref<16x1024xf32, #tpu.memory_space<hbm>>
    tpu.enqueue_dma source(%dma_start3A_705 : memref<16x1024xf32, #tpu.memory_space<hbm>>) target(%arg12 : memref<16x1024xf32, #tpu.memory_space<vmem>>) target_semaphore(%arg17 : memref<!tpu.dma_semaphore, #tpu.memory_space<semaphore_mem>>)
    %dma_wait3A_706 = arith.constant 0 : i32
    %dma_wait3A_707 = arith.constant 0 : i32
    %dma_wait3A_708 = tpu.memref_slice %arg2[%dma_wait3A_706, %add3A_607, %dma_wait3A_707] : memref<4x4096x1024xf32, #tpu.memory_space<hbm>> -> memref<1x16x1024xf32, #tpu.memory_space<hbm>>
    %dma_wait3A_709 = tpu.memref_squeeze %dma_wait3A_708 : memref<1x16x1024xf32, #tpu.memory_space<hbm>> -> memref<16x1024xf32, #tpu.memory_space<hbm>>
    %dma_wait3A_710 = arith.constant 0 : i32
    %dma_wait3A_711 = tpu.memref_slice %arg2[%dma_wait3A_706, %add3A_607, %dma_wait3A_710] : memref<4x4096x1024xf32, #tpu.memory_space<hbm>> -> memref<1x16x1024xf32, #tpu.memory_space<hbm>>
    %dma_wait3A_712 = tpu.memref_squeeze %dma_wait3A_711 : memref<1x16x1024xf32, #tpu.memory_space<hbm>> -> memref<16x1024xf32, #tpu.memory_space<hbm>>
    tpu.wait_dma2 semaphore(%arg15 : memref<!tpu.dma_semaphore, #tpu.memory_space<semaphore_mem>>) src(%dma_wait3A_712 : memref<16x1024xf32, #tpu.memory_space<hbm>>) dst(%arg10 : memref<16x1024xf32, #tpu.memory_space<vmem>>)
    %parallel_loop3A_713 = arith.constant 0 : i32
    %parallel_loop3A_714 = arith.constant 1024 : i32
    %parallel_loop3A_715 = arith.constant 1 : i32
    scf.for %parallel_loop3A_1299 = %parallel_loop3A_713 to %parallel_loop3A_714 step %parallel_loop3A_715  : i32 {
      %parallel_loop3A_1300 = arith.constant 6 : i32
      %parallel_loop3A_1301 = arith.shrsi %parallel_loop3A_1299, %parallel_loop3A_1300 : i32
      %parallel_loop3A_1302 = arith.constant 63 : i32
      %parallel_loop3A_1303 = arith.andi %parallel_loop3A_1299, %parallel_loop3A_1302 : i32
      %parallel_loop3A_1304 = arith.constant 4 : i32
      %parallel_loop3A_1305 = arith.shli %parallel_loop3A_1303, %parallel_loop3A_1304 : i32
      %parallel_loop3A_1306 = tpu.assume_multiple %parallel_loop3A_1305, 16 : i32
      %parallel_loop3A_1307 = arith.index_cast %parallel_loop3A_1301 : i32 to index
      %parallel_loop3A_1308 = arith.index_cast %parallel_loop3A_1306 : i32 to index
      %parallel_loop3A_1309 = tpu.vector_load %arg7[%parallel_loop3A_1307, %parallel_loop3A_1308] {strides = array<i32>} : memref<16x1024xf32, #tpu.memory_space<vmem>>, vector<1x16xf32>,
      %parallel_loop3A_1310 = vector.shape_cast %parallel_loop3A_1309 : vector<1x16xf32> to vector<16xf32>
      %parallel_loop3A_1311 = arith.index_cast %parallel_loop3A_1301 : i32 to index
      %parallel_loop3A_1312 = arith.index_cast %parallel_loop3A_1306 : i32 to index
      %parallel_loop3A_1313 = tpu.vector_load %arg10[%parallel_loop3A_1311, %parallel_loop3A_1312] {strides = array<i32>} : memref<16x1024xf32, #tpu.memory_space<vmem>>, vector<1x16xf32>,
      %parallel_loop3A_1314 = vector.shape_cast %parallel_loop3A_1313 : vector<1x16xf32> to vector<16xf32>
      %parallel_loop3A_1315 = vector.shape_cast %parallel_loop3A_1310 : vector<16xf32> to vector<1x16xf32>
      tpu.vector_store %arg10[%parallel_loop3A_1311, %parallel_loop3A_1312], %parallel_loop3A_1315 {add = true, strides = array<i32>} : memref<16x1024xf32, #tpu.memory_space<vmem>>, vector<1x16xf32>,
    } {sc.loop_unroll_factor = 8 : i64, sc.parallel_access}
    %add3A_716 = arith.constant 64 : i32
    %add3A_717 = arith.addi %mul3A_2, %add3A_716 : i32
    %dma_start3A_718 = arith.constant 0 : i32
    %dma_start3A_719 = arith.constant 0 : i32
    %dma_start3A_720 = tpu.memref_slice %arg6[%dma_start3A_718, %add3A_717, %dma_start3A_719] : memref<4x4096x1024xf32, #tpu.memory_space<hbm>> -> memref<1x16x1024xf32, #tpu.memory_space<hbm>>
    %dma_start3A_721 = tpu.memref_squeeze %dma_start3A_720 : memref<1x16x1024xf32, #tpu.memory_space<hbm>> -> memref<16x1024xf32, #tpu.memory_space<hbm>>
    %dma_start3A_722 = arith.constant 0 : i32
    %dma_start3A_723 = tpu.memref_slice %arg6[%dma_start3A_718, %add3A_717, %dma_start3A_722] : memref<4x4096x1024xf32, #tpu.memory_space<hbm>> -> memref<1x16x1024xf32, #tpu.memory_space<hbm>>
    %dma_start3A_724 = tpu.memref_squeeze %dma_start3A_723 : memref<1x16x1024xf32, #tpu.memory_space<hbm>> -> memref<16x1024xf32, #tpu.memory_space<hbm>>
    tpu.enqueue_dma source(%arg10 : memref<16x1024xf32, #tpu.memory_space<vmem>>) target(%dma_start3A_724 : memref<16x1024xf32, #tpu.memory_space<hbm>>) target_semaphore(%arg19 : memref<!tpu.dma_semaphore, #tpu.memory_space<semaphore_mem>>)
    %dma_wait3A_725 = arith.constant 3 : i32
    %dma_wait3A_726 = arith.constant 0 : i32
    %dma_wait3A_727 = tpu.memref_slice %arg6[%dma_wait3A_725, %add3A_661, %dma_wait3A_726] : memref<4x4096x1024xf32, #tpu.memory_space<hbm>> -> memref<1x16x1024xf32, #tpu.memory_space<hbm>>
    %dma_wait3A_728 = tpu.memref_squeeze %dma_wait3A_727 : memref<1x16x1024xf32, #tpu.memory_space<hbm>> -> memref<16x1024xf32, #tpu.memory_space<hbm>>
    %dma_wait3A_729 = arith.constant 0 : i32
    %dma_wait3A_730 = tpu.memref_slice %arg6[%dma_wait3A_725, %add3A_661, %dma_wait3A_729] : memref<4x4096x1024xf32, #tpu.memory_space<hbm>> -> memref<1x16x1024xf32, #tpu.memory_space<hbm>>
    %dma_wait3A_731 = tpu.memref_squeeze %dma_wait3A_730 : memref<1x16x1024xf32, #tpu.memory_space<hbm>> -> memref<16x1024xf32, #tpu.memory_space<hbm>>
    tpu.wait_dma2 semaphore(%arg22 : memref<!tpu.dma_semaphore, #tpu.memory_space<semaphore_mem>>) src(%arg13 : memref<16x1024xf32, #tpu.memory_space<vmem>>) dst(%dma_wait3A_731 : memref<16x1024xf32, #tpu.memory_space<hbm>>)
    %add3A_732 = arith.constant 64 : i32
    %add3A_733 = arith.addi %mul3A_2, %add3A_732 : i32
    %dma_start3A_734 = arith.constant 3 : i32
    %dma_start3A_735 = arith.constant 0 : i32
    %dma_start3A_736 = tpu.memref_slice %arg2[%dma_start3A_734, %add3A_733, %dma_start3A_735] : memref<4x4096x1024xf32, #tpu.memory_space<hbm>> -> memref<1x16x1024xf32, #tpu.memory_space<hbm>>
    %dma_start3A_737 = tpu.memref_squeeze %dma_start3A_736 : memref<1x16x1024xf32, #tpu.memory_space<hbm>> -> memref<16x1024xf32, #tpu.memory_space<hbm>>
    %dma_start3A_738 = arith.constant 0 : i32
    %dma_start3A_739 = tpu.memref_slice %arg2[%dma_start3A_734, %add3A_733, %dma_start3A_738] : memref<4x4096x1024xf32, #tpu.memory_space<hbm>> -> memref<1x16x1024xf32, #tpu.memory_space<hbm>>
    %dma_start3A_740 = tpu.memref_squeeze %dma_start3A_739 : memref<1x16x1024xf32, #tpu.memory_space<hbm>> -> memref<16x1024xf32, #tpu.memory_space<hbm>>
    tpu.enqueue_dma source(%dma_start3A_740 : memref<16x1024xf32, #tpu.memory_space<hbm>>) target(%arg13 : memref<16x1024xf32, #tpu.memory_space<vmem>>) target_semaphore(%arg18 : memref<!tpu.dma_semaphore, #tpu.memory_space<semaphore_mem>>)
    %dma_wait3A_741 = arith.constant 1 : i32
    %dma_wait3A_742 = arith.constant 0 : i32
    %dma_wait3A_743 = tpu.memref_slice %arg2[%dma_wait3A_741, %add3A_642, %dma_wait3A_742] : memref<4x4096x1024xf32, #tpu.memory_space<hbm>> -> memref<1x16x1024xf32, #tpu.memory_space<hbm>>
    %dma_wait3A_744 = tpu.memref_squeeze %dma_wait3A_743 : memref<1x16x1024xf32, #tpu.memory_space<hbm>> -> memref<16x1024xf32, #tpu.memory_space<hbm>>
    %dma_wait3A_745 = arith.constant 0 : i32
    %dma_wait3A_746 = tpu.memref_slice %arg2[%dma_wait3A_741, %add3A_642, %dma_wait3A_745] : memref<4x4096x1024xf32, #tpu.memory_space<hbm>> -> memref<1x16x1024xf32, #tpu.memory_space<hbm>>
    %dma_wait3A_747 = tpu.memref_squeeze %dma_wait3A_746 : memref<1x16x1024xf32, #tpu.memory_space<hbm>> -> memref<16x1024xf32, #tpu.memory_space<hbm>>
    tpu.wait_dma2 semaphore(%arg16 : memref<!tpu.dma_semaphore, #tpu.memory_space<semaphore_mem>>) src(%dma_wait3A_747 : memref<16x1024xf32, #tpu.memory_space<hbm>>) dst(%arg11 : memref<16x1024xf32, #tpu.memory_space<vmem>>)
    %parallel_loop3A_748 = arith.constant 0 : i32
    %parallel_loop3A_749 = arith.constant 1024 : i32
    %parallel_loop3A_750 = arith.constant 1 : i32
    scf.for %parallel_loop3A_1299 = %parallel_loop3A_748 to %parallel_loop3A_749 step %parallel_loop3A_750  : i32 {
      %parallel_loop3A_1300 = arith.constant 6 : i32
      %parallel_loop3A_1301 = arith.shrsi %parallel_loop3A_1299, %parallel_loop3A_1300 : i32
      %parallel_loop3A_1302 = arith.constant 63 : i32
      %parallel_loop3A_1303 = arith.andi %parallel_loop3A_1299, %parallel_loop3A_1302 : i32
      %parallel_loop3A_1304 = arith.constant 4 : i32
      %parallel_loop3A_1305 = arith.shli %parallel_loop3A_1303, %parallel_loop3A_1304 : i32
      %parallel_loop3A_1306 = tpu.assume_multiple %parallel_loop3A_1305, 16 : i32
      %parallel_loop3A_1307 = arith.index_cast %parallel_loop3A_1301 : i32 to index
      %parallel_loop3A_1308 = arith.index_cast %parallel_loop3A_1306 : i32 to index
      %parallel_loop3A_1309 = tpu.vector_load %arg7[%parallel_loop3A_1307, %parallel_loop3A_1308] {strides = array<i32>} : memref<16x1024xf32, #tpu.memory_space<vmem>>, vector<1x16xf32>,
      %parallel_loop3A_1310 = vector.shape_cast %parallel_loop3A_1309 : vector<1x16xf32> to vector<16xf32>
      %parallel_loop3A_1311 = arith.index_cast %parallel_loop3A_1301 : i32 to index
      %parallel_loop3A_1312 = arith.index_cast %parallel_loop3A_1306 : i32 to index
      %parallel_loop3A_1313 = tpu.vector_load %arg11[%parallel_loop3A_1311, %parallel_loop3A_1312] {strides = array<i32>} : memref<16x1024xf32, #tpu.memory_space<vmem>>, vector<1x16xf32>,
      %parallel_loop3A_1314 = vector.shape_cast %parallel_loop3A_1313 : vector<1x16xf32> to vector<16xf32>
      %parallel_loop3A_1315 = vector.shape_cast %parallel_loop3A_1310 : vector<16xf32> to vector<1x16xf32>
      tpu.vector_store %arg11[%parallel_loop3A_1311, %parallel_loop3A_1312], %parallel_loop3A_1315 {add = true, strides = array<i32>} : memref<16x1024xf32, #tpu.memory_space<vmem>>, vector<1x16xf32>,
    } {sc.loop_unroll_factor = 8 : i64, sc.parallel_access}
    %add3A_751 = arith.constant 64 : i32
    %add3A_752 = arith.addi %mul3A_2, %add3A_751 : i32
    %dma_start3A_753 = arith.constant 1 : i32
    %dma_start3A_754 = arith.constant 0 : i32
    %dma_start3A_755 = tpu.memref_slice %arg6[%dma_start3A_753, %add3A_752, %dma_start3A_754] : memref<4x4096x1024xf32, #tpu.memory_space<hbm>> -> memref<1x16x1024xf32, #tpu.memory_space<hbm>>
    %dma_start3A_756 = tpu.memref_squeeze %dma_start3A_755 : memref<1x16x1024xf32, #tpu.memory_space<hbm>> -> memref<16x1024xf32, #tpu.memory_space<hbm>>
    %dma_start3A_757 = arith.constant 0 : i32
    %dma_start3A_758 = tpu.memref_slice %arg6[%dma_start3A_753, %add3A_752, %dma_start3A_757] : memref<4x4096x1024xf32, #tpu.memory_space<hbm>> -> memref<1x16x1024xf32, #tpu.memory_space<hbm>>
    %dma_start3A_759 = tpu.memref_squeeze %dma_start3A_758 : memref<1x16x1024xf32, #tpu.memory_space<hbm>> -> memref<16x1024xf32, #tpu.memory_space<hbm>>
    tpu.enqueue_dma source(%arg11 : memref<16x1024xf32, #tpu.memory_space<vmem>>) target(%dma_start3A_759 : memref<16x1024xf32, #tpu.memory_space<hbm>>) target_semaphore(%arg20 : memref<!tpu.dma_semaphore, #tpu.memory_space<semaphore_mem>>)
    %dma_wait3A_760 = arith.constant 0 : i32
    %dma_wait3A_761 = arith.constant 0 : i32
    %dma_wait3A_762 = tpu.memref_slice %arg6[%dma_wait3A_760, %add3A_717, %dma_wait3A_761] : memref<4x4096x1024xf32, #tpu.memory_space<hbm>> -> memref<1x16x1024xf32, #tpu.memory_space<hbm>>
    %dma_wait3A_763 = tpu.memref_squeeze %dma_wait3A_762 : memref<1x16x1024xf32, #tpu.memory_space<hbm>> -> memref<16x1024xf32, #tpu.memory_space<hbm>>
    %dma_wait3A_764 = arith.constant 0 : i32
    %dma_wait3A_765 = tpu.memref_slice %arg6[%dma_wait3A_760, %add3A_717, %dma_wait3A_764] : memref<4x4096x1024xf32, #tpu.memory_space<hbm>> -> memref<1x16x1024xf32, #tpu.memory_space<hbm>>
    %dma_wait3A_766 = tpu.memref_squeeze %dma_wait3A_765 : memref<1x16x1024xf32, #tpu.memory_space<hbm>> -> memref<16x1024xf32, #tpu.memory_space<hbm>>
    tpu.wait_dma2 semaphore(%arg19 : memref<!tpu.dma_semaphore, #tpu.memory_space<semaphore_mem>>) src(%arg10 : memref<16x1024xf32, #tpu.memory_space<vmem>>) dst(%dma_wait3A_766 : memref<16x1024xf32, #tpu.memory_space<hbm>>)
    %add3A_767 = arith.constant 80 : i32
    %add3A_768 = arith.addi %mul3A_2, %add3A_767 : i32
    %dma_start3A_769 = arith.constant 0 : i32
    %dma_start3A_770 = arith.constant 0 : i32
    %dma_start3A_771 = tpu.memref_slice %arg2[%dma_start3A_769, %add3A_768, %dma_start3A_770] : memref<4x4096x1024xf32, #tpu.memory_space<hbm>> -> memref<1x16x1024xf32, #tpu.memory_space<hbm>>
    %dma_start3A_772 = tpu.memref_squeeze %dma_start3A_771 : memref<1x16x1024xf32, #tpu.memory_space<hbm>> -> memref<16x1024xf32, #tpu.memory_space<hbm>>
    %dma_start3A_773 = arith.constant 0 : i32
    %dma_start3A_774 = tpu.memref_slice %arg2[%dma_start3A_769, %add3A_768, %dma_start3A_773] : memref<4x4096x1024xf32, #tpu.memory_space<hbm>> -> memref<1x16x1024xf32, #tpu.memory_space<hbm>>
    %dma_start3A_775 = tpu.memref_squeeze %dma_start3A_774 : memref<1x16x1024xf32, #tpu.memory_space<hbm>> -> memref<16x1024xf32, #tpu.memory_space<hbm>>
    tpu.enqueue_dma source(%dma_start3A_775 : memref<16x1024xf32, #tpu.memory_space<hbm>>) target(%arg10 : memref<16x1024xf32, #tpu.memory_space<vmem>>) target_semaphore(%arg15 : memref<!tpu.dma_semaphore, #tpu.memory_space<semaphore_mem>>)
    %dma_wait3A_776 = arith.constant 2 : i32
    %dma_wait3A_777 = arith.constant 0 : i32
    %dma_wait3A_778 = tpu.memref_slice %arg2[%dma_wait3A_776, %add3A_698, %dma_wait3A_777] : memref<4x4096x1024xf32, #tpu.memory_space<hbm>> -> memref<1x16x1024xf32, #tpu.memory_space<hbm>>
    %dma_wait3A_779 = tpu.memref_squeeze %dma_wait3A_778 : memref<1x16x1024xf32, #tpu.memory_space<hbm>> -> memref<16x1024xf32, #tpu.memory_space<hbm>>
    %dma_wait3A_780 = arith.constant 0 : i32
    %dma_wait3A_781 = tpu.memref_slice %arg2[%dma_wait3A_776, %add3A_698, %dma_wait3A_780] : memref<4x4096x1024xf32, #tpu.memory_space<hbm>> -> memref<1x16x1024xf32, #tpu.memory_space<hbm>>
    %dma_wait3A_782 = tpu.memref_squeeze %dma_wait3A_781 : memref<1x16x1024xf32, #tpu.memory_space<hbm>> -> memref<16x1024xf32, #tpu.memory_space<hbm>>
    tpu.wait_dma2 semaphore(%arg17 : memref<!tpu.dma_semaphore, #tpu.memory_space<semaphore_mem>>) src(%dma_wait3A_782 : memref<16x1024xf32, #tpu.memory_space<hbm>>) dst(%arg12 : memref<16x1024xf32, #tpu.memory_space<vmem>>)
    %parallel_loop3A_783 = arith.constant 0 : i32
    %parallel_loop3A_784 = arith.constant 1024 : i32
    %parallel_loop3A_785 = arith.constant 1 : i32
    scf.for %parallel_loop3A_1299 = %parallel_loop3A_783 to %parallel_loop3A_784 step %parallel_loop3A_785  : i32 {
      %parallel_loop3A_1300 = arith.constant 6 : i32
      %parallel_loop3A_1301 = arith.shrsi %parallel_loop3A_1299, %parallel_loop3A_1300 : i32
      %parallel_loop3A_1302 = arith.constant 63 : i32
      %parallel_loop3A_1303 = arith.andi %parallel_loop3A_1299, %parallel_loop3A_1302 : i32
      %parallel_loop3A_1304 = arith.constant 4 : i32
      %parallel_loop3A_1305 = arith.shli %parallel_loop3A_1303, %parallel_loop3A_1304 : i32
      %parallel_loop3A_1306 = tpu.assume_multiple %parallel_loop3A_1305, 16 : i32
      %parallel_loop3A_1307 = arith.index_cast %parallel_loop3A_1301 : i32 to index
      %parallel_loop3A_1308 = arith.index_cast %parallel_loop3A_1306 : i32 to index
      %parallel_loop3A_1309 = tpu.vector_load %arg7[%parallel_loop3A_1307, %parallel_loop3A_1308] {strides = array<i32>} : memref<16x1024xf32, #tpu.memory_space<vmem>>, vector<1x16xf32>,
      %parallel_loop3A_1310 = vector.shape_cast %parallel_loop3A_1309 : vector<1x16xf32> to vector<16xf32>
      %parallel_loop3A_1311 = arith.index_cast %parallel_loop3A_1301 : i32 to index
      %parallel_loop3A_1312 = arith.index_cast %parallel_loop3A_1306 : i32 to index
      %parallel_loop3A_1313 = tpu.vector_load %arg12[%parallel_loop3A_1311, %parallel_loop3A_1312] {strides = array<i32>} : memref<16x1024xf32, #tpu.memory_space<vmem>>, vector<1x16xf32>,
      %parallel_loop3A_1314 = vector.shape_cast %parallel_loop3A_1313 : vector<1x16xf32> to vector<16xf32>
      %parallel_loop3A_1315 = vector.shape_cast %parallel_loop3A_1310 : vector<16xf32> to vector<1x16xf32>
      tpu.vector_store %arg12[%parallel_loop3A_1311, %parallel_loop3A_1312], %parallel_loop3A_1315 {add = true, strides = array<i32>} : memref<16x1024xf32, #tpu.memory_space<vmem>>, vector<1x16xf32>,
    } {sc.loop_unroll_factor = 8 : i64, sc.parallel_access}
    %add3A_786 = arith.constant 64 : i32
    %add3A_787 = arith.addi %mul3A_2, %add3A_786 : i32
    %dma_start3A_788 = arith.constant 2 : i32
    %dma_start3A_789 = arith.constant 0 : i32
    %dma_start3A_790 = tpu.memref_slice %arg6[%dma_start3A_788, %add3A_787, %dma_start3A_789] : memref<4x4096x1024xf32, #tpu.memory_space<hbm>> -> memref<1x16x1024xf32, #tpu.memory_space<hbm>>
    %dma_start3A_791 = tpu.memref_squeeze %dma_start3A_790 : memref<1x16x1024xf32, #tpu.memory_space<hbm>> -> memref<16x1024xf32, #tpu.memory_space<hbm>>
    %dma_start3A_792 = arith.constant 0 : i32
    %dma_start3A_793 = tpu.memref_slice %arg6[%dma_start3A_788, %add3A_787, %dma_start3A_792] : memref<4x4096x1024xf32, #tpu.memory_space<hbm>> -> memref<1x16x1024xf32, #tpu.memory_space<hbm>>
    %dma_start3A_794 = tpu.memref_squeeze %dma_start3A_793 : memref<1x16x1024xf32, #tpu.memory_space<hbm>> -> memref<16x1024xf32, #tpu.memory_space<hbm>>
    tpu.enqueue_dma source(%arg12 : memref<16x1024xf32, #tpu.memory_space<vmem>>) target(%dma_start3A_794 : memref<16x1024xf32, #tpu.memory_space<hbm>>) target_semaphore(%arg21 : memref<!tpu.dma_semaphore, #tpu.memory_space<semaphore_mem>>)
    %dma_wait3A_795 = arith.constant 1 : i32
    %dma_wait3A_796 = arith.constant 0 : i32
    %dma_wait3A_797 = tpu.memref_slice %arg6[%dma_wait3A_795, %add3A_752, %dma_wait3A_796] : memref<4x4096x1024xf32, #tpu.memory_space<hbm>> -> memref<1x16x1024xf32, #tpu.memory_space<hbm>>
    %dma_wait3A_798 = tpu.memref_squeeze %dma_wait3A_797 : memref<1x16x1024xf32, #tpu.memory_space<hbm>> -> memref<16x1024xf32, #tpu.memory_space<hbm>>
    %dma_wait3A_799 = arith.constant 0 : i32
    %dma_wait3A_800 = tpu.memref_slice %arg6[%dma_wait3A_795, %add3A_752, %dma_wait3A_799] : memref<4x4096x1024xf32, #tpu.memory_space<hbm>> -> memref<1x16x1024xf32, #tpu.memory_space<hbm>>
    %dma_wait3A_801 = tpu.memref_squeeze %dma_wait3A_800 : memref<1x16x1024xf32, #tpu.memory_space<hbm>> -> memref<16x1024xf32, #tpu.memory_space<hbm>>
    tpu.wait_dma2 semaphore(%arg20 : memref<!tpu.dma_semaphore, #tpu.memory_space<semaphore_mem>>) src(%arg11 : memref<16x1024xf32, #tpu.memory_space<vmem>>) dst(%dma_wait3A_801 : memref<16x1024xf32, #tpu.memory_space<hbm>>)
    %add3A_802 = arith.constant 80 : i32
    %add3A_803 = arith.addi %mul3A_2, %add3A_802 : i32
    %dma_start3A_804 = arith.constant 1 : i32
    %dma_start3A_805 = arith.constant 0 : i32
    %dma_start3A_806 = tpu.memref_slice %arg2[%dma_start3A_804, %add3A_803, %dma_start3A_805] : memref<4x4096x1024xf32, #tpu.memory_space<hbm>> -> memref<1x16x1024xf32, #tpu.memory_space<hbm>>
    %dma_start3A_807 = tpu.memref_squeeze %dma_start3A_806 : memref<1x16x1024xf32, #tpu.memory_space<hbm>> -> memref<16x1024xf32, #tpu.memory_space<hbm>>
    %dma_start3A_808 = arith.constant 0 : i32
    %dma_start3A_809 = tpu.memref_slice %arg2[%dma_start3A_804, %add3A_803, %dma_start3A_808] : memref<4x4096x1024xf32, #tpu.memory_space<hbm>> -> memref<1x16x1024xf32, #tpu.memory_space<hbm>>
    %dma_start3A_810 = tpu.memref_squeeze %dma_start3A_809 : memref<1x16x1024xf32, #tpu.memory_space<hbm>> -> memref<16x1024xf32, #tpu.memory_space<hbm>>
    tpu.enqueue_dma source(%dma_start3A_810 : memref<16x1024xf32, #tpu.memory_space<hbm>>) target(%arg11 : memref<16x1024xf32, #tpu.memory_space<vmem>>) target_semaphore(%arg16 : memref<!tpu.dma_semaphore, #tpu.memory_space<semaphore_mem>>)
    %dma_wait3A_811 = arith.constant 3 : i32
    %dma_wait3A_812 = arith.constant 0 : i32
    %dma_wait3A_813 = tpu.memref_slice %arg2[%dma_wait3A_811, %add3A_733, %dma_wait3A_812] : memref<4x4096x1024xf32, #tpu.memory_space<hbm>> -> memref<1x16x1024xf32, #tpu.memory_space<hbm>>
    %dma_wait3A_814 = tpu.memref_squeeze %dma_wait3A_813 : memref<1x16x1024xf32, #tpu.memory_space<hbm>> -> memref<16x1024xf32, #tpu.memory_space<hbm>>
    %dma_wait3A_815 = arith.constant 0 : i32
    %dma_wait3A_816 = tpu.memref_slice %arg2[%dma_wait3A_811, %add3A_733, %dma_wait3A_815] : memref<4x4096x1024xf32, #tpu.memory_space<hbm>> -> memref<1x16x1024xf32, #tpu.memory_space<hbm>>
    %dma_wait3A_817 = tpu.memref_squeeze %dma_wait3A_816 : memref<1x16x1024xf32, #tpu.memory_space<hbm>> -> memref<16x1024xf32, #tpu.memory_space<hbm>>
    tpu.wait_dma2 semaphore(%arg18 : memref<!tpu.dma_semaphore, #tpu.memory_space<semaphore_mem>>) src(%dma_wait3A_817 : memref<16x1024xf32, #tpu.memory_space<hbm>>) dst(%arg13 : memref<16x1024xf32, #tpu.memory_space<vmem>>)
    %parallel_loop3A_818 = arith.constant 0 : i32
    %parallel_loop3A_819 = arith.constant 1024 : i32
    %parallel_loop3A_820 = arith.constant 1 : i32
    scf.for %parallel_loop3A_1299 = %parallel_loop3A_818 to %parallel_loop3A_819 step %parallel_loop3A_820  : i32 {
      %parallel_loop3A_1300 = arith.constant 6 : i32
      %parallel_loop3A_1301 = arith.shrsi %parallel_loop3A_1299, %parallel_loop3A_1300 : i32
      %parallel_loop3A_1302 = arith.constant 63 : i32
      %parallel_loop3A_1303 = arith.andi %parallel_loop3A_1299, %parallel_loop3A_1302 : i32
      %parallel_loop3A_1304 = arith.constant 4 : i32
      %parallel_loop3A_1305 = arith.shli %parallel_loop3A_1303, %parallel_loop3A_1304 : i32
      %parallel_loop3A_1306 = tpu.assume_multiple %parallel_loop3A_1305, 16 : i32
      %parallel_loop3A_1307 = arith.index_cast %parallel_loop3A_1301 : i32 to index
      %parallel_loop3A_1308 = arith.index_cast %parallel_loop3A_1306 : i32 to index
      %parallel_loop3A_1309 = tpu.vector_load %arg7[%parallel_loop3A_1307, %parallel_loop3A_1308] {strides = array<i32>} : memref<16x1024xf32, #tpu.memory_space<vmem>>, vector<1x16xf32>,
      %parallel_loop3A_1310 = vector.shape_cast %parallel_loop3A_1309 : vector<1x16xf32> to vector<16xf32>
      %parallel_loop3A_1311 = arith.index_cast %parallel_loop3A_1301 : i32 to index
      %parallel_loop3A_1312 = arith.index_cast %parallel_loop3A_1306 : i32 to index
      %parallel_loop3A_1313 = tpu.vector_load %arg13[%parallel_loop3A_1311, %parallel_loop3A_1312] {strides = array<i32>} : memref<16x1024xf32, #tpu.memory_space<vmem>>, vector<1x16xf32>,
      %parallel_loop3A_1314 = vector.shape_cast %parallel_loop3A_1313 : vector<1x16xf32> to vector<16xf32>
      %parallel_loop3A_1315 = vector.shape_cast %parallel_loop3A_1310 : vector<16xf32> to vector<1x16xf32>
      tpu.vector_store %arg13[%parallel_loop3A_1311, %parallel_loop3A_1312], %parallel_loop3A_1315 {add = true, strides = array<i32>} : memref<16x1024xf32, #tpu.memory_space<vmem>>, vector<1x16xf32>,
    } {sc.loop_unroll_factor = 8 : i64, sc.parallel_access}
    %add3A_821 = arith.constant 64 : i32
    %add3A_822 = arith.addi %mul3A_2, %add3A_821 : i32
    %dma_start3A_823 = arith.constant 3 : i32
    %dma_start3A_824 = arith.constant 0 : i32
    %dma_start3A_825 = tpu.memref_slice %arg6[%dma_start3A_823, %add3A_822, %dma_start3A_824] : memref<4x4096x1024xf32, #tpu.memory_space<hbm>> -> memref<1x16x1024xf32, #tpu.memory_space<hbm>>
    %dma_start3A_826 = tpu.memref_squeeze %dma_start3A_825 : memref<1x16x1024xf32, #tpu.memory_space<hbm>> -> memref<16x1024xf32, #tpu.memory_space<hbm>>
    %dma_start3A_827 = arith.constant 0 : i32
    %dma_start3A_828 = tpu.memref_slice %arg6[%dma_start3A_823, %add3A_822, %dma_start3A_827] : memref<4x4096x1024xf32, #tpu.memory_space<hbm>> -> memref<1x16x1024xf32, #tpu.memory_space<hbm>>
    %dma_start3A_829 = tpu.memref_squeeze %dma_start3A_828 : memref<1x16x1024xf32, #tpu.memory_space<hbm>> -> memref<16x1024xf32, #tpu.memory_space<hbm>>
    tpu.enqueue_dma source(%arg13 : memref<16x1024xf32, #tpu.memory_space<vmem>>) target(%dma_start3A_829 : memref<16x1024xf32, #tpu.memory_space<hbm>>) target_semaphore(%arg22 : memref<!tpu.dma_semaphore, #tpu.memory_space<semaphore_mem>>)
    %dma_wait3A_830 = arith.constant 0 : i32
    %dma_wait3A_831 = tpu.memref_slice %arg3[%add3A_681, %dma_wait3A_830] : memref<4096x1024xf32, #tpu.memory_space<hbm>> -> memref<16x1024xf32, #tpu.memory_space<hbm>>
    %dma_wait3A_832 = arith.constant 0 : i32
    %dma_wait3A_833 = tpu.memref_slice %arg3[%add3A_681, %dma_wait3A_832] : memref<4096x1024xf32, #tpu.memory_space<hbm>> -> memref<16x1024xf32, #tpu.memory_space<hbm>>
    tpu.wait_dma2 semaphore(%arg24 : memref<!tpu.dma_semaphore, #tpu.memory_space<semaphore_mem>>) src(%dma_wait3A_833 : memref<16x1024xf32, #tpu.memory_space<hbm>>) dst(%arg8 : memref<16x1024xf32, #tpu.memory_space<vmem>>)
    %dma_wait3A_834 = arith.constant 0 : i32
    %dma_wait3A_835 = tpu.memref_slice %arg5[%add3A_681, %dma_wait3A_834] : memref<4096x1024xf32, #tpu.memory_space<hbm>> -> memref<16x1024xf32, #tpu.memory_space<hbm>>
    %dma_wait3A_836 = arith.constant 0 : i32
    %dma_wait3A_837 = tpu.memref_slice %arg5[%add3A_681, %dma_wait3A_836] : memref<4096x1024xf32, #tpu.memory_space<hbm>> -> memref<16x1024xf32, #tpu.memory_space<hbm>>
    tpu.wait_dma2 semaphore(%arg24 : memref<!tpu.dma_semaphore, #tpu.memory_space<semaphore_mem>>) src(%dma_wait3A_837 : memref<16x1024xf32, #tpu.memory_space<hbm>>) dst(%arg9 : memref<16x1024xf32, #tpu.memory_space<vmem>>)
    %parallel_loop3A_838 = arith.constant 0 : i32
    %parallel_loop3A_839 = arith.constant 1024 : i32
    %parallel_loop3A_840 = arith.constant 1 : i32
    scf.for %parallel_loop3A_1299 = %parallel_loop3A_838 to %parallel_loop3A_839 step %parallel_loop3A_840  : i32 {
      %parallel_loop3A_1300 = arith.constant 6 : i32
      %parallel_loop3A_1301 = arith.shrsi %parallel_loop3A_1299, %parallel_loop3A_1300 : i32
      %parallel_loop3A_1302 = arith.constant 63 : i32
      %parallel_loop3A_1303 = arith.andi %parallel_loop3A_1299, %parallel_loop3A_1302 : i32
      %parallel_loop3A_1304 = arith.constant 4 : i32
      %parallel_loop3A_1305 = arith.shli %parallel_loop3A_1303, %parallel_loop3A_1304 : i32
      %parallel_loop3A_1306 = tpu.assume_multiple %parallel_loop3A_1305, 16 : i32
      %parallel_loop3A_1307 = arith.index_cast %parallel_loop3A_1301 : i32 to index
      %parallel_loop3A_1308 = arith.index_cast %parallel_loop3A_1306 : i32 to index
      %parallel_loop3A_1309 = tpu.vector_load %arg8[%parallel_loop3A_1307, %parallel_loop3A_1308] {strides = array<i32>} : memref<16x1024xf32, #tpu.memory_space<vmem>>, vector<1x16xf32>,
      %parallel_loop3A_1310 = vector.shape_cast %parallel_loop3A_1309 : vector<1x16xf32> to vector<16xf32>
      %parallel_loop3A_1311 = arith.mulf %div3A_11, %parallel_loop3A_1310 : vector<16xf32>
      %parallel_loop3A_1312 = arith.index_cast %parallel_loop3A_1301 : i32 to index
      %parallel_loop3A_1313 = arith.index_cast %parallel_loop3A_1306 : i32 to index
      %parallel_loop3A_1314 = tpu.vector_load %arg9[%parallel_loop3A_1312, %parallel_loop3A_1313] {strides = array<i32>} : memref<16x1024xf32, #tpu.memory_space<vmem>>, vector<1x16xf32>,
      %parallel_loop3A_1315 = vector.shape_cast %parallel_loop3A_1314 : vector<1x16xf32> to vector<16xf32>
      %parallel_loop3A_1316 = arith.mulf %sub3A_13, %parallel_loop3A_1315 : vector<16xf32>
      %parallel_loop3A_1317 = arith.addf %parallel_loop3A_1311, %parallel_loop3A_1316 : vector<16xf32>
      %parallel_loop3A_1318 = arith.index_cast %parallel_loop3A_1301 : i32 to index
      %parallel_loop3A_1319 = arith.index_cast %parallel_loop3A_1306 : i32 to index
      %parallel_loop3A_1320 = tpu.vector_load %arg8[%parallel_loop3A_1318, %parallel_loop3A_1319] {strides = array<i32>} : memref<16x1024xf32, #tpu.memory_space<vmem>>, vector<1x16xf32>,
      %parallel_loop3A_1321 = vector.shape_cast %parallel_loop3A_1320 : vector<1x16xf32> to vector<16xf32>
      %parallel_loop3A_1322 = vector.shape_cast %parallel_loop3A_1317 : vector<16xf32> to vector<1x16xf32>
      tpu.vector_store %arg8[%parallel_loop3A_1318, %parallel_loop3A_1319], %parallel_loop3A_1322 {strides = array<i32>} : memref<16x1024xf32, #tpu.memory_space<vmem>>, vector<1x16xf32>,
    } {sc.loop_unroll_factor = 8 : i64, sc.parallel_access}
    %add3A_841 = arith.constant 96 : i32
    %add3A_842 = arith.addi %mul3A_2, %add3A_841 : i32
    %dma_start3A_843 = arith.constant 0 : i32
    %dma_start3A_844 = tpu.memref_slice %arg3[%add3A_842, %dma_start3A_843] : memref<4096x1024xf32, #tpu.memory_space<hbm>> -> memref<16x1024xf32, #tpu.memory_space<hbm>>
    %dma_start3A_845 = arith.constant 0 : i32
    %dma_start3A_846 = tpu.memref_slice %arg3[%add3A_842, %dma_start3A_845] : memref<4096x1024xf32, #tpu.memory_space<hbm>> -> memref<16x1024xf32, #tpu.memory_space<hbm>>
    tpu.enqueue_dma source(%dma_start3A_846 : memref<16x1024xf32, #tpu.memory_space<hbm>>) target(%arg7 : memref<16x1024xf32, #tpu.memory_space<vmem>>) target_semaphore(%arg23 : memref<!tpu.dma_semaphore, #tpu.memory_space<semaphore_mem>>)
    %dma_start3A_847 = arith.constant 0 : i32
    %dma_start3A_848 = tpu.memref_slice %arg5[%add3A_842, %dma_start3A_847] : memref<4096x1024xf32, #tpu.memory_space<hbm>> -> memref<16x1024xf32, #tpu.memory_space<hbm>>
    %dma_start3A_849 = arith.constant 0 : i32
    %dma_start3A_850 = tpu.memref_slice %arg5[%add3A_842, %dma_start3A_849] : memref<4096x1024xf32, #tpu.memory_space<hbm>> -> memref<16x1024xf32, #tpu.memory_space<hbm>>
    tpu.enqueue_dma source(%dma_start3A_850 : memref<16x1024xf32, #tpu.memory_space<hbm>>) target(%arg9 : memref<16x1024xf32, #tpu.memory_space<vmem>>) target_semaphore(%arg23 : memref<!tpu.dma_semaphore, #tpu.memory_space<semaphore_mem>>)
    %dma_wait3A_851 = arith.constant 2 : i32
    %dma_wait3A_852 = arith.constant 0 : i32
    %dma_wait3A_853 = tpu.memref_slice %arg6[%dma_wait3A_851, %add3A_787, %dma_wait3A_852] : memref<4x4096x1024xf32, #tpu.memory_space<hbm>> -> memref<1x16x1024xf32, #tpu.memory_space<hbm>>
    %dma_wait3A_854 = tpu.memref_squeeze %dma_wait3A_853 : memref<1x16x1024xf32, #tpu.memory_space<hbm>> -> memref<16x1024xf32, #tpu.memory_space<hbm>>
    %dma_wait3A_855 = arith.constant 0 : i32
    %dma_wait3A_856 = tpu.memref_slice %arg6[%dma_wait3A_851, %add3A_787, %dma_wait3A_855] : memref<4x4096x1024xf32, #tpu.memory_space<hbm>> -> memref<1x16x1024xf32, #tpu.memory_space<hbm>>
    %dma_wait3A_857 = tpu.memref_squeeze %dma_wait3A_856 : memref<1x16x1024xf32, #tpu.memory_space<hbm>> -> memref<16x1024xf32, #tpu.memory_space<hbm>>
    tpu.wait_dma2 semaphore(%arg21 : memref<!tpu.dma_semaphore, #tpu.memory_space<semaphore_mem>>) src(%arg12 : memref<16x1024xf32, #tpu.memory_space<vmem>>) dst(%dma_wait3A_857 : memref<16x1024xf32, #tpu.memory_space<hbm>>)
    %add3A_858 = arith.constant 80 : i32
    %add3A_859 = arith.addi %mul3A_2, %add3A_858 : i32
    %dma_start3A_860 = arith.constant 2 : i32
    %dma_start3A_861 = arith.constant 0 : i32
    %dma_start3A_862 = tpu.memref_slice %arg2[%dma_start3A_860, %add3A_859, %dma_start3A_861] : memref<4x4096x1024xf32, #tpu.memory_space<hbm>> -> memref<1x16x1024xf32, #tpu.memory_space<hbm>>
    %dma_start3A_863 = tpu.memref_squeeze %dma_start3A_862 : memref<1x16x1024xf32, #tpu.memory_space<hbm>> -> memref<16x1024xf32, #tpu.memory_space<hbm>>
    %dma_start3A_864 = arith.constant 0 : i32
    %dma_start3A_865 = tpu.memref_slice %arg2[%dma_start3A_860, %add3A_859, %dma_start3A_864] : memref<4x4096x1024xf32, #tpu.memory_space<hbm>> -> memref<1x16x1024xf32, #tpu.memory_space<hbm>>
    %dma_start3A_866 = tpu.memref_squeeze %dma_start3A_865 : memref<1x16x1024xf32, #tpu.memory_space<hbm>> -> memref<16x1024xf32, #tpu.memory_space<hbm>>
    tpu.enqueue_dma source(%dma_start3A_866 : memref<16x1024xf32, #tpu.memory_space<hbm>>) target(%arg12 : memref<16x1024xf32, #tpu.memory_space<vmem>>) target_semaphore(%arg17 : memref<!tpu.dma_semaphore, #tpu.memory_space<semaphore_mem>>)
    %dma_wait3A_867 = arith.constant 0 : i32
    %dma_wait3A_868 = arith.constant 0 : i32
    %dma_wait3A_869 = tpu.memref_slice %arg2[%dma_wait3A_867, %add3A_768, %dma_wait3A_868] : memref<4x4096x1024xf32, #tpu.memory_space<hbm>> -> memref<1x16x1024xf32, #tpu.memory_space<hbm>>
    %dma_wait3A_870 = tpu.memref_squeeze %dma_wait3A_869 : memref<1x16x1024xf32, #tpu.memory_space<hbm>> -> memref<16x1024xf32, #tpu.memory_space<hbm>>
    %dma_wait3A_871 = arith.constant 0 : i32
    %dma_wait3A_872 = tpu.memref_slice %arg2[%dma_wait3A_867, %add3A_768, %dma_wait3A_871] : memref<4x4096x1024xf32, #tpu.memory_space<hbm>> -> memref<1x16x1024xf32, #tpu.memory_space<hbm>>
    %dma_wait3A_873 = tpu.memref_squeeze %dma_wait3A_872 : memref<1x16x1024xf32, #tpu.memory_space<hbm>> -> memref<16x1024xf32, #tpu.memory_space<hbm>>
    tpu.wait_dma2 semaphore(%arg15 : memref<!tpu.dma_semaphore, #tpu.memory_space<semaphore_mem>>) src(%dma_wait3A_873 : memref<16x1024xf32, #tpu.memory_space<hbm>>) dst(%arg10 : memref<16x1024xf32, #tpu.memory_space<vmem>>)
    %parallel_loop3A_874 = arith.constant 0 : i32
    %parallel_loop3A_875 = arith.constant 1024 : i32
    %parallel_loop3A_876 = arith.constant 1 : i32
    scf.for %parallel_loop3A_1299 = %parallel_loop3A_874 to %parallel_loop3A_875 step %parallel_loop3A_876  : i32 {
      %parallel_loop3A_1300 = arith.constant 6 : i32
      %parallel_loop3A_1301 = arith.shrsi %parallel_loop3A_1299, %parallel_loop3A_1300 : i32
      %parallel_loop3A_1302 = arith.constant 63 : i32
      %parallel_loop3A_1303 = arith.andi %parallel_loop3A_1299, %parallel_loop3A_1302 : i32
      %parallel_loop3A_1304 = arith.constant 4 : i32
      %parallel_loop3A_1305 = arith.shli %parallel_loop3A_1303, %parallel_loop3A_1304 : i32
      %parallel_loop3A_1306 = tpu.assume_multiple %parallel_loop3A_1305, 16 : i32
      %parallel_loop3A_1307 = arith.index_cast %parallel_loop3A_1301 : i32 to index
      %parallel_loop3A_1308 = arith.index_cast %parallel_loop3A_1306 : i32 to index
      %parallel_loop3A_1309 = tpu.vector_load %arg8[%parallel_loop3A_1307, %parallel_loop3A_1308] {strides = array<i32>} : memref<16x1024xf32, #tpu.memory_space<vmem>>, vector<1x16xf32>,
      %parallel_loop3A_1310 = vector.shape_cast %parallel_loop3A_1309 : vector<1x16xf32> to vector<16xf32>
      %parallel_loop3A_1311 = arith.index_cast %parallel_loop3A_1301 : i32 to index
      %parallel_loop3A_1312 = arith.index_cast %parallel_loop3A_1306 : i32 to index
      %parallel_loop3A_1313 = tpu.vector_load %arg10[%parallel_loop3A_1311, %parallel_loop3A_1312] {strides = array<i32>} : memref<16x1024xf32, #tpu.memory_space<vmem>>, vector<1x16xf32>,
      %parallel_loop3A_1314 = vector.shape_cast %parallel_loop3A_1313 : vector<1x16xf32> to vector<16xf32>
      %parallel_loop3A_1315 = vector.shape_cast %parallel_loop3A_1310 : vector<16xf32> to vector<1x16xf32>
      tpu.vector_store %arg10[%parallel_loop3A_1311, %parallel_loop3A_1312], %parallel_loop3A_1315 {add = true, strides = array<i32>} : memref<16x1024xf32, #tpu.memory_space<vmem>>, vector<1x16xf32>,
    } {sc.loop_unroll_factor = 8 : i64, sc.parallel_access}
    %add3A_877 = arith.constant 80 : i32
    %add3A_878 = arith.addi %mul3A_2, %add3A_877 : i32
    %dma_start3A_879 = arith.constant 0 : i32
    %dma_start3A_880 = arith.constant 0 : i32
    %dma_start3A_881 = tpu.memref_slice %arg6[%dma_start3A_879, %add3A_878, %dma_start3A_880] : memref<4x4096x1024xf32, #tpu.memory_space<hbm>> -> memref<1x16x1024xf32, #tpu.memory_space<hbm>>
    %dma_start3A_882 = tpu.memref_squeeze %dma_start3A_881 : memref<1x16x1024xf32, #tpu.memory_space<hbm>> -> memref<16x1024xf32, #tpu.memory_space<hbm>>
    %dma_start3A_883 = arith.constant 0 : i32
    %dma_start3A_884 = tpu.memref_slice %arg6[%dma_start3A_879, %add3A_878, %dma_start3A_883] : memref<4x4096x1024xf32, #tpu.memory_space<hbm>> -> memref<1x16x1024xf32, #tpu.memory_space<hbm>>
    %dma_start3A_885 = tpu.memref_squeeze %dma_start3A_884 : memref<1x16x1024xf32, #tpu.memory_space<hbm>> -> memref<16x1024xf32, #tpu.memory_space<hbm>>
    tpu.enqueue_dma source(%arg10 : memref<16x1024xf32, #tpu.memory_space<vmem>>) target(%dma_start3A_885 : memref<16x1024xf32, #tpu.memory_space<hbm>>) target_semaphore(%arg19 : memref<!tpu.dma_semaphore, #tpu.memory_space<semaphore_mem>>)
    %dma_wait3A_886 = arith.constant 3 : i32
    %dma_wait3A_887 = arith.constant 0 : i32
    %dma_wait3A_888 = tpu.memref_slice %arg6[%dma_wait3A_886, %add3A_822, %dma_wait3A_887] : memref<4x4096x1024xf32, #tpu.memory_space<hbm>> -> memref<1x16x1024xf32, #tpu.memory_space<hbm>>
    %dma_wait3A_889 = tpu.memref_squeeze %dma_wait3A_888 : memref<1x16x1024xf32, #tpu.memory_space<hbm>> -> memref<16x1024xf32, #tpu.memory_space<hbm>>
    %dma_wait3A_890 = arith.constant 0 : i32
    %dma_wait3A_891 = tpu.memref_slice %arg6[%dma_wait3A_886, %add3A_822, %dma_wait3A_890] : memref<4x4096x1024xf32, #tpu.memory_space<hbm>> -> memref<1x16x1024xf32, #tpu.memory_space<hbm>>
    %dma_wait3A_892 = tpu.memref_squeeze %dma_wait3A_891 : memref<1x16x1024xf32, #tpu.memory_space<hbm>> -> memref<16x1024xf32, #tpu.memory_space<hbm>>
    tpu.wait_dma2 semaphore(%arg22 : memref<!tpu.dma_semaphore, #tpu.memory_space<semaphore_mem>>) src(%arg13 : memref<16x1024xf32, #tpu.memory_space<vmem>>) dst(%dma_wait3A_892 : memref<16x1024xf32, #tpu.memory_space<hbm>>)
    %add3A_893 = arith.constant 80 : i32
    %add3A_894 = arith.addi %mul3A_2, %add3A_893 : i32
    %dma_start3A_895 = arith.constant 3 : i32
    %dma_start3A_896 = arith.constant 0 : i32
    %dma_start3A_897 = tpu.memref_slice %arg2[%dma_start3A_895, %add3A_894, %dma_start3A_896] : memref<4x4096x1024xf32, #tpu.memory_space<hbm>> -> memref<1x16x1024xf32, #tpu.memory_space<hbm>>
    %dma_start3A_898 = tpu.memref_squeeze %dma_start3A_897 : memref<1x16x1024xf32, #tpu.memory_space<hbm>> -> memref<16x1024xf32, #tpu.memory_space<hbm>>
    %dma_start3A_899 = arith.constant 0 : i32
    %dma_start3A_900 = tpu.memref_slice %arg2[%dma_start3A_895, %add3A_894, %dma_start3A_899] : memref<4x4096x1024xf32, #tpu.memory_space<hbm>> -> memref<1x16x1024xf32, #tpu.memory_space<hbm>>
    %dma_start3A_901 = tpu.memref_squeeze %dma_start3A_900 : memref<1x16x1024xf32, #tpu.memory_space<hbm>> -> memref<16x1024xf32, #tpu.memory_space<hbm>>
    tpu.enqueue_dma source(%dma_start3A_901 : memref<16x1024xf32, #tpu.memory_space<hbm>>) target(%arg13 : memref<16x1024xf32, #tpu.memory_space<vmem>>) target_semaphore(%arg18 : memref<!tpu.dma_semaphore, #tpu.memory_space<semaphore_mem>>)
    %dma_wait3A_902 = arith.constant 1 : i32
    %dma_wait3A_903 = arith.constant 0 : i32
    %dma_wait3A_904 = tpu.memref_slice %arg2[%dma_wait3A_902, %add3A_803, %dma_wait3A_903] : memref<4x4096x1024xf32, #tpu.memory_space<hbm>> -> memref<1x16x1024xf32, #tpu.memory_space<hbm>>
    %dma_wait3A_905 = tpu.memref_squeeze %dma_wait3A_904 : memref<1x16x1024xf32, #tpu.memory_space<hbm>> -> memref<16x1024xf32, #tpu.memory_space<hbm>>
    %dma_wait3A_906 = arith.constant 0 : i32
    %dma_wait3A_907 = tpu.memref_slice %arg2[%dma_wait3A_902, %add3A_803, %dma_wait3A_906] : memref<4x4096x1024xf32, #tpu.memory_space<hbm>> -> memref<1x16x1024xf32, #tpu.memory_space<hbm>>
    %dma_wait3A_908 = tpu.memref_squeeze %dma_wait3A_907 : memref<1x16x1024xf32, #tpu.memory_space<hbm>> -> memref<16x1024xf32, #tpu.memory_space<hbm>>
    tpu.wait_dma2 semaphore(%arg16 : memref<!tpu.dma_semaphore, #tpu.memory_space<semaphore_mem>>) src(%dma_wait3A_908 : memref<16x1024xf32, #tpu.memory_space<hbm>>) dst(%arg11 : memref<16x1024xf32, #tpu.memory_space<vmem>>)
    %parallel_loop3A_909 = arith.constant 0 : i32
    %parallel_loop3A_910 = arith.constant 1024 : i32
    %parallel_loop3A_911 = arith.constant 1 : i32
    scf.for %parallel_loop3A_1299 = %parallel_loop3A_909 to %parallel_loop3A_910 step %parallel_loop3A_911  : i32 {
      %parallel_loop3A_1300 = arith.constant 6 : i32
      %parallel_loop3A_1301 = arith.shrsi %parallel_loop3A_1299, %parallel_loop3A_1300 : i32
      %parallel_loop3A_1302 = arith.constant 63 : i32
      %parallel_loop3A_1303 = arith.andi %parallel_loop3A_1299, %parallel_loop3A_1302 : i32
      %parallel_loop3A_1304 = arith.constant 4 : i32
      %parallel_loop3A_1305 = arith.shli %parallel_loop3A_1303, %parallel_loop3A_1304 : i32
      %parallel_loop3A_1306 = tpu.assume_multiple %parallel_loop3A_1305, 16 : i32
      %parallel_loop3A_1307 = arith.index_cast %parallel_loop3A_1301 : i32 to index
      %parallel_loop3A_1308 = arith.index_cast %parallel_loop3A_1306 : i32 to index
      %parallel_loop3A_1309 = tpu.vector_load %arg8[%parallel_loop3A_1307, %parallel_loop3A_1308] {strides = array<i32>} : memref<16x1024xf32, #tpu.memory_space<vmem>>, vector<1x16xf32>,
      %parallel_loop3A_1310 = vector.shape_cast %parallel_loop3A_1309 : vector<1x16xf32> to vector<16xf32>
      %parallel_loop3A_1311 = arith.index_cast %parallel_loop3A_1301 : i32 to index
      %parallel_loop3A_1312 = arith.index_cast %parallel_loop3A_1306 : i32 to index
      %parallel_loop3A_1313 = tpu.vector_load %arg11[%parallel_loop3A_1311, %parallel_loop3A_1312] {strides = array<i32>} : memref<16x1024xf32, #tpu.memory_space<vmem>>, vector<1x16xf32>,
      %parallel_loop3A_1314 = vector.shape_cast %parallel_loop3A_1313 : vector<1x16xf32> to vector<16xf32>
      %parallel_loop3A_1315 = vector.shape_cast %parallel_loop3A_1310 : vector<16xf32> to vector<1x16xf32>
      tpu.vector_store %arg11[%parallel_loop3A_1311, %parallel_loop3A_1312], %parallel_loop3A_1315 {add = true, strides = array<i32>} : memref<16x1024xf32, #tpu.memory_space<vmem>>, vector<1x16xf32>,
    } {sc.loop_unroll_factor = 8 : i64, sc.parallel_access}
    %add3A_912 = arith.constant 80 : i32
    %add3A_913 = arith.addi %mul3A_2, %add3A_912 : i32
    %dma_start3A_914 = arith.constant 1 : i32
    %dma_start3A_915 = arith.constant 0 : i32
    %dma_start3A_916 = tpu.memref_slice %arg6[%dma_start3A_914, %add3A_913, %dma_start3A_915] : memref<4x4096x1024xf32, #tpu.memory_space<hbm>> -> memref<1x16x1024xf32, #tpu.memory_space<hbm>>
    %dma_start3A_917 = tpu.memref_squeeze %dma_start3A_916 : memref<1x16x1024xf32, #tpu.memory_space<hbm>> -> memref<16x1024xf32, #tpu.memory_space<hbm>>
    %dma_start3A_918 = arith.constant 0 : i32
    %dma_start3A_919 = tpu.memref_slice %arg6[%dma_start3A_914, %add3A_913, %dma_start3A_918] : memref<4x4096x1024xf32, #tpu.memory_space<hbm>> -> memref<1x16x1024xf32, #tpu.memory_space<hbm>>
    %dma_start3A_920 = tpu.memref_squeeze %dma_start3A_919 : memref<1x16x1024xf32, #tpu.memory_space<hbm>> -> memref<16x1024xf32, #tpu.memory_space<hbm>>
    tpu.enqueue_dma source(%arg11 : memref<16x1024xf32, #tpu.memory_space<vmem>>) target(%dma_start3A_920 : memref<16x1024xf32, #tpu.memory_space<hbm>>) target_semaphore(%arg20 : memref<!tpu.dma_semaphore, #tpu.memory_space<semaphore_mem>>)
    %dma_wait3A_921 = arith.constant 0 : i32
    %dma_wait3A_922 = arith.constant 0 : i32
    %dma_wait3A_923 = tpu.memref_slice %arg6[%dma_wait3A_921, %add3A_878, %dma_wait3A_922] : memref<4x4096x1024xf32, #tpu.memory_space<hbm>> -> memref<1x16x1024xf32, #tpu.memory_space<hbm>>
    %dma_wait3A_924 = tpu.memref_squeeze %dma_wait3A_923 : memref<1x16x1024xf32, #tpu.memory_space<hbm>> -> memref<16x1024xf32, #tpu.memory_space<hbm>>
    %dma_wait3A_925 = arith.constant 0 : i32
    %dma_wait3A_926 = tpu.memref_slice %arg6[%dma_wait3A_921, %add3A_878, %dma_wait3A_925] : memref<4x4096x1024xf32, #tpu.memory_space<hbm>> -> memref<1x16x1024xf32, #tpu.memory_space<hbm>>
    %dma_wait3A_927 = tpu.memref_squeeze %dma_wait3A_926 : memref<1x16x1024xf32, #tpu.memory_space<hbm>> -> memref<16x1024xf32, #tpu.memory_space<hbm>>
    tpu.wait_dma2 semaphore(%arg19 : memref<!tpu.dma_semaphore, #tpu.memory_space<semaphore_mem>>) src(%arg10 : memref<16x1024xf32, #tpu.memory_space<vmem>>) dst(%dma_wait3A_927 : memref<16x1024xf32, #tpu.memory_space<hbm>>)
    %add3A_928 = arith.constant 96 : i32
    %add3A_929 = arith.addi %mul3A_2, %add3A_928 : i32
    %dma_start3A_930 = arith.constant 0 : i32
    %dma_start3A_931 = arith.constant 0 : i32
    %dma_start3A_932 = tpu.memref_slice %arg2[%dma_start3A_930, %add3A_929, %dma_start3A_931] : memref<4x4096x1024xf32, #tpu.memory_space<hbm>> -> memref<1x16x1024xf32, #tpu.memory_space<hbm>>
    %dma_start3A_933 = tpu.memref_squeeze %dma_start3A_932 : memref<1x16x1024xf32, #tpu.memory_space<hbm>> -> memref<16x1024xf32, #tpu.memory_space<hbm>>
    %dma_start3A_934 = arith.constant 0 : i32
    %dma_start3A_935 = tpu.memref_slice %arg2[%dma_start3A_930, %add3A_929, %dma_start3A_934] : memref<4x4096x1024xf32, #tpu.memory_space<hbm>> -> memref<1x16x1024xf32, #tpu.memory_space<hbm>>
    %dma_start3A_936 = tpu.memref_squeeze %dma_start3A_935 : memref<1x16x1024xf32, #tpu.memory_space<hbm>> -> memref<16x1024xf32, #tpu.memory_space<hbm>>
    tpu.enqueue_dma source(%dma_start3A_936 : memref<16x1024xf32, #tpu.memory_space<hbm>>) target(%arg10 : memref<16x1024xf32, #tpu.memory_space<vmem>>) target_semaphore(%arg15 : memref<!tpu.dma_semaphore, #tpu.memory_space<semaphore_mem>>)
    %dma_wait3A_937 = arith.constant 2 : i32
    %dma_wait3A_938 = arith.constant 0 : i32
    %dma_wait3A_939 = tpu.memref_slice %arg2[%dma_wait3A_937, %add3A_859, %dma_wait3A_938] : memref<4x4096x1024xf32, #tpu.memory_space<hbm>> -> memref<1x16x1024xf32, #tpu.memory_space<hbm>>
    %dma_wait3A_940 = tpu.memref_squeeze %dma_wait3A_939 : memref<1x16x1024xf32, #tpu.memory_space<hbm>> -> memref<16x1024xf32, #tpu.memory_space<hbm>>
    %dma_wait3A_941 = arith.constant 0 : i32
    %dma_wait3A_942 = tpu.memref_slice %arg2[%dma_wait3A_937, %add3A_859, %dma_wait3A_941] : memref<4x4096x1024xf32, #tpu.memory_space<hbm>> -> memref<1x16x1024xf32, #tpu.memory_space<hbm>>
    %dma_wait3A_943 = tpu.memref_squeeze %dma_wait3A_942 : memref<1x16x1024xf32, #tpu.memory_space<hbm>> -> memref<16x1024xf32, #tpu.memory_space<hbm>>
    tpu.wait_dma2 semaphore(%arg17 : memref<!tpu.dma_semaphore, #tpu.memory_space<semaphore_mem>>) src(%dma_wait3A_943 : memref<16x1024xf32, #tpu.memory_space<hbm>>) dst(%arg12 : memref<16x1024xf32, #tpu.memory_space<vmem>>)
    %parallel_loop3A_944 = arith.constant 0 : i32
    %parallel_loop3A_945 = arith.constant 1024 : i32
    %parallel_loop3A_946 = arith.constant 1 : i32
    scf.for %parallel_loop3A_1299 = %parallel_loop3A_944 to %parallel_loop3A_945 step %parallel_loop3A_946  : i32 {
      %parallel_loop3A_1300 = arith.constant 6 : i32
      %parallel_loop3A_1301 = arith.shrsi %parallel_loop3A_1299, %parallel_loop3A_1300 : i32
      %parallel_loop3A_1302 = arith.constant 63 : i32
      %parallel_loop3A_1303 = arith.andi %parallel_loop3A_1299, %parallel_loop3A_1302 : i32
      %parallel_loop3A_1304 = arith.constant 4 : i32
      %parallel_loop3A_1305 = arith.shli %parallel_loop3A_1303, %parallel_loop3A_1304 : i32
      %parallel_loop3A_1306 = tpu.assume_multiple %parallel_loop3A_1305, 16 : i32
      %parallel_loop3A_1307 = arith.index_cast %parallel_loop3A_1301 : i32 to index
      %parallel_loop3A_1308 = arith.index_cast %parallel_loop3A_1306 : i32 to index
      %parallel_loop3A_1309 = tpu.vector_load %arg8[%parallel_loop3A_1307, %parallel_loop3A_1308] {strides = array<i32>} : memref<16x1024xf32, #tpu.memory_space<vmem>>, vector<1x16xf32>,
      %parallel_loop3A_1310 = vector.shape_cast %parallel_loop3A_1309 : vector<1x16xf32> to vector<16xf32>
      %parallel_loop3A_1311 = arith.index_cast %parallel_loop3A_1301 : i32 to index
      %parallel_loop3A_1312 = arith.index_cast %parallel_loop3A_1306 : i32 to index
      %parallel_loop3A_1313 = tpu.vector_load %arg12[%parallel_loop3A_1311, %parallel_loop3A_1312] {strides = array<i32>} : memref<16x1024xf32, #tpu.memory_space<vmem>>, vector<1x16xf32>,
      %parallel_loop3A_1314 = vector.shape_cast %parallel_loop3A_1313 : vector<1x16xf32> to vector<16xf32>
      %parallel_loop3A_1315 = vector.shape_cast %parallel_loop3A_1310 : vector<16xf32> to vector<1x16xf32>
      tpu.vector_store %arg12[%parallel_loop3A_1311, %parallel_loop3A_1312], %parallel_loop3A_1315 {add = true, strides = array<i32>} : memref<16x1024xf32, #tpu.memory_space<vmem>>, vector<1x16xf32>,
    } {sc.loop_unroll_factor = 8 : i64, sc.parallel_access}
    %add3A_947 = arith.constant 80 : i32
    %add3A_948 = arith.addi %mul3A_2, %add3A_947 : i32
    %dma_start3A_949 = arith.constant 2 : i32
    %dma_start3A_950 = arith.constant 0 : i32
    %dma_start3A_951 = tpu.memref_slice %arg6[%dma_start3A_949, %add3A_948, %dma_start3A_950] : memref<4x4096x1024xf32, #tpu.memory_space<hbm>> -> memref<1x16x1024xf32, #tpu.memory_space<hbm>>
    %dma_start3A_952 = tpu.memref_squeeze %dma_start3A_951 : memref<1x16x1024xf32, #tpu.memory_space<hbm>> -> memref<16x1024xf32, #tpu.memory_space<hbm>>
    %dma_start3A_953 = arith.constant 0 : i32
    %dma_start3A_954 = tpu.memref_slice %arg6[%dma_start3A_949, %add3A_948, %dma_start3A_953] : memref<4x4096x1024xf32, #tpu.memory_space<hbm>> -> memref<1x16x1024xf32, #tpu.memory_space<hbm>>
    %dma_start3A_955 = tpu.memref_squeeze %dma_start3A_954 : memref<1x16x1024xf32, #tpu.memory_space<hbm>> -> memref<16x1024xf32, #tpu.memory_space<hbm>>
    tpu.enqueue_dma source(%arg12 : memref<16x1024xf32, #tpu.memory_space<vmem>>) target(%dma_start3A_955 : memref<16x1024xf32, #tpu.memory_space<hbm>>) target_semaphore(%arg21 : memref<!tpu.dma_semaphore, #tpu.memory_space<semaphore_mem>>)
    %dma_wait3A_956 = arith.constant 1 : i32
    %dma_wait3A_957 = arith.constant 0 : i32
    %dma_wait3A_958 = tpu.memref_slice %arg6[%dma_wait3A_956, %add3A_913, %dma_wait3A_957] : memref<4x4096x1024xf32, #tpu.memory_space<hbm>> -> memref<1x16x1024xf32, #tpu.memory_space<hbm>>
    %dma_wait3A_959 = tpu.memref_squeeze %dma_wait3A_958 : memref<1x16x1024xf32, #tpu.memory_space<hbm>> -> memref<16x1024xf32, #tpu.memory_space<hbm>>
    %dma_wait3A_960 = arith.constant 0 : i32
    %dma_wait3A_961 = tpu.memref_slice %arg6[%dma_wait3A_956, %add3A_913, %dma_wait3A_960] : memref<4x4096x1024xf32, #tpu.memory_space<hbm>> -> memref<1x16x1024xf32, #tpu.memory_space<hbm>>
    %dma_wait3A_962 = tpu.memref_squeeze %dma_wait3A_961 : memref<1x16x1024xf32, #tpu.memory_space<hbm>> -> memref<16x1024xf32, #tpu.memory_space<hbm>>
    tpu.wait_dma2 semaphore(%arg20 : memref<!tpu.dma_semaphore, #tpu.memory_space<semaphore_mem>>) src(%arg11 : memref<16x1024xf32, #tpu.memory_space<vmem>>) dst(%dma_wait3A_962 : memref<16x1024xf32, #tpu.memory_space<hbm>>)
    %add3A_963 = arith.constant 96 : i32
    %add3A_964 = arith.addi %mul3A_2, %add3A_963 : i32
    %dma_start3A_965 = arith.constant 1 : i32
    %dma_start3A_966 = arith.constant 0 : i32
    %dma_start3A_967 = tpu.memref_slice %arg2[%dma_start3A_965, %add3A_964, %dma_start3A_966] : memref<4x4096x1024xf32, #tpu.memory_space<hbm>> -> memref<1x16x1024xf32, #tpu.memory_space<hbm>>
    %dma_start3A_968 = tpu.memref_squeeze %dma_start3A_967 : memref<1x16x1024xf32, #tpu.memory_space<hbm>> -> memref<16x1024xf32, #tpu.memory_space<hbm>>
    %dma_start3A_969 = arith.constant 0 : i32
    %dma_start3A_970 = tpu.memref_slice %arg2[%dma_start3A_965, %add3A_964, %dma_start3A_969] : memref<4x4096x1024xf32, #tpu.memory_space<hbm>> -> memref<1x16x1024xf32, #tpu.memory_space<hbm>>
    %dma_start3A_971 = tpu.memref_squeeze %dma_start3A_970 : memref<1x16x1024xf32, #tpu.memory_space<hbm>> -> memref<16x1024xf32, #tpu.memory_space<hbm>>
    tpu.enqueue_dma source(%dma_start3A_971 : memref<16x1024xf32, #tpu.memory_space<hbm>>) target(%arg11 : memref<16x1024xf32, #tpu.memory_space<vmem>>) target_semaphore(%arg16 : memref<!tpu.dma_semaphore, #tpu.memory_space<semaphore_mem>>)
    %dma_wait3A_972 = arith.constant 3 : i32
    %dma_wait3A_973 = arith.constant 0 : i32
    %dma_wait3A_974 = tpu.memref_slice %arg2[%dma_wait3A_972, %add3A_894, %dma_wait3A_973] : memref<4x4096x1024xf32, #tpu.memory_space<hbm>> -> memref<1x16x1024xf32, #tpu.memory_space<hbm>>
    %dma_wait3A_975 = tpu.memref_squeeze %dma_wait3A_974 : memref<1x16x1024xf32, #tpu.memory_space<hbm>> -> memref<16x1024xf32, #tpu.memory_space<hbm>>
    %dma_wait3A_976 = arith.constant 0 : i32
    %dma_wait3A_977 = tpu.memref_slice %arg2[%dma_wait3A_972, %add3A_894, %dma_wait3A_976] : memref<4x4096x1024xf32, #tpu.memory_space<hbm>> -> memref<1x16x1024xf32, #tpu.memory_space<hbm>>
    %dma_wait3A_978 = tpu.memref_squeeze %dma_wait3A_977 : memref<1x16x1024xf32, #tpu.memory_space<hbm>> -> memref<16x1024xf32, #tpu.memory_space<hbm>>
    tpu.wait_dma2 semaphore(%arg18 : memref<!tpu.dma_semaphore, #tpu.memory_space<semaphore_mem>>) src(%dma_wait3A_978 : memref<16x1024xf32, #tpu.memory_space<hbm>>) dst(%arg13 : memref<16x1024xf32, #tpu.memory_space<vmem>>)
    %parallel_loop3A_979 = arith.constant 0 : i32
    %parallel_loop3A_980 = arith.constant 1024 : i32
    %parallel_loop3A_981 = arith.constant 1 : i32
    scf.for %parallel_loop3A_1299 = %parallel_loop3A_979 to %parallel_loop3A_980 step %parallel_loop3A_981  : i32 {
      %parallel_loop3A_1300 = arith.constant 6 : i32
      %parallel_loop3A_1301 = arith.shrsi %parallel_loop3A_1299, %parallel_loop3A_1300 : i32
      %parallel_loop3A_1302 = arith.constant 63 : i32
      %parallel_loop3A_1303 = arith.andi %parallel_loop3A_1299, %parallel_loop3A_1302 : i32
      %parallel_loop3A_1304 = arith.constant 4 : i32
      %parallel_loop3A_1305 = arith.shli %parallel_loop3A_1303, %parallel_loop3A_1304 : i32
      %parallel_loop3A_1306 = tpu.assume_multiple %parallel_loop3A_1305, 16 : i32
      %parallel_loop3A_1307 = arith.index_cast %parallel_loop3A_1301 : i32 to index
      %parallel_loop3A_1308 = arith.index_cast %parallel_loop3A_1306 : i32 to index
      %parallel_loop3A_1309 = tpu.vector_load %arg8[%parallel_loop3A_1307, %parallel_loop3A_1308] {strides = array<i32>} : memref<16x1024xf32, #tpu.memory_space<vmem>>, vector<1x16xf32>,
      %parallel_loop3A_1310 = vector.shape_cast %parallel_loop3A_1309 : vector<1x16xf32> to vector<16xf32>
      %parallel_loop3A_1311 = arith.index_cast %parallel_loop3A_1301 : i32 to index
      %parallel_loop3A_1312 = arith.index_cast %parallel_loop3A_1306 : i32 to index
      %parallel_loop3A_1313 = tpu.vector_load %arg13[%parallel_loop3A_1311, %parallel_loop3A_1312] {strides = array<i32>} : memref<16x1024xf32, #tpu.memory_space<vmem>>, vector<1x16xf32>,
      %parallel_loop3A_1314 = vector.shape_cast %parallel_loop3A_1313 : vector<1x16xf32> to vector<16xf32>
      %parallel_loop3A_1315 = vector.shape_cast %parallel_loop3A_1310 : vector<16xf32> to vector<1x16xf32>
      tpu.vector_store %arg13[%parallel_loop3A_1311, %parallel_loop3A_1312], %parallel_loop3A_1315 {add = true, strides = array<i32>} : memref<16x1024xf32, #tpu.memory_space<vmem>>, vector<1x16xf32>,
    } {sc.loop_unroll_factor = 8 : i64, sc.parallel_access}
    %add3A_982 = arith.constant 80 : i32
    %add3A_983 = arith.addi %mul3A_2, %add3A_982 : i32
    %dma_start3A_984 = arith.constant 3 : i32
    %dma_start3A_985 = arith.constant 0 : i32
    %dma_start3A_986 = tpu.memref_slice %arg6[%dma_start3A_984, %add3A_983, %dma_start3A_985] : memref<4x4096x1024xf32, #tpu.memory_space<hbm>> -> memref<1x16x1024xf32, #tpu.memory_space<hbm>>
    %dma_start3A_987 = tpu.memref_squeeze %dma_start3A_986 : memref<1x16x1024xf32, #tpu.memory_space<hbm>> -> memref<16x1024xf32, #tpu.memory_space<hbm>>
    %dma_start3A_988 = arith.constant 0 : i32
    %dma_start3A_989 = tpu.memref_slice %arg6[%dma_start3A_984, %add3A_983, %dma_start3A_988] : memref<4x4096x1024xf32, #tpu.memory_space<hbm>> -> memref<1x16x1024xf32, #tpu.memory_space<hbm>>
    %dma_start3A_990 = tpu.memref_squeeze %dma_start3A_989 : memref<1x16x1024xf32, #tpu.memory_space<hbm>> -> memref<16x1024xf32, #tpu.memory_space<hbm>>
    tpu.enqueue_dma source(%arg13 : memref<16x1024xf32, #tpu.memory_space<vmem>>) target(%dma_start3A_990 : memref<16x1024xf32, #tpu.memory_space<hbm>>) target_semaphore(%arg22 : memref<!tpu.dma_semaphore, #tpu.memory_space<semaphore_mem>>)
    %dma_wait3A_991 = arith.constant 0 : i32
    %dma_wait3A_992 = tpu.memref_slice %arg3[%add3A_842, %dma_wait3A_991] : memref<4096x1024xf32, #tpu.memory_space<hbm>> -> memref<16x1024xf32, #tpu.memory_space<hbm>>
    %dma_wait3A_993 = arith.constant 0 : i32
    %dma_wait3A_994 = tpu.memref_slice %arg3[%add3A_842, %dma_wait3A_993] : memref<4096x1024xf32, #tpu.memory_space<hbm>> -> memref<16x1024xf32, #tpu.memory_space<hbm>>
    tpu.wait_dma2 semaphore(%arg23 : memref<!tpu.dma_semaphore, #tpu.memory_space<semaphore_mem>>) src(%dma_wait3A_994 : memref<16x1024xf32, #tpu.memory_space<hbm>>) dst(%arg7 : memref<16x1024xf32, #tpu.memory_space<vmem>>)
    %dma_wait3A_995 = arith.constant 0 : i32
    %dma_wait3A_996 = tpu.memref_slice %arg5[%add3A_842, %dma_wait3A_995] : memref<4096x1024xf32, #tpu.memory_space<hbm>> -> memref<16x1024xf32, #tpu.memory_space<hbm>>
    %dma_wait3A_997 = arith.constant 0 : i32
    %dma_wait3A_998 = tpu.memref_slice %arg5[%add3A_842, %dma_wait3A_997] : memref<4096x1024xf32, #tpu.memory_space<hbm>> -> memref<16x1024xf32, #tpu.memory_space<hbm>>
    tpu.wait_dma2 semaphore(%arg23 : memref<!tpu.dma_semaphore, #tpu.memory_space<semaphore_mem>>) src(%dma_wait3A_998 : memref<16x1024xf32, #tpu.memory_space<hbm>>) dst(%arg9 : memref<16x1024xf32, #tpu.memory_space<vmem>>)
    %parallel_loop3A_999 = arith.constant 0 : i32
    %parallel_loop3A_1000 = arith.constant 1024 : i32
    %parallel_loop3A_1001 = arith.constant 1 : i32
    scf.for %parallel_loop3A_1299 = %parallel_loop3A_999 to %parallel_loop3A_1000 step %parallel_loop3A_1001  : i32 {
      %parallel_loop3A_1300 = arith.constant 6 : i32
      %parallel_loop3A_1301 = arith.shrsi %parallel_loop3A_1299, %parallel_loop3A_1300 : i32
      %parallel_loop3A_1302 = arith.constant 63 : i32
      %parallel_loop3A_1303 = arith.andi %parallel_loop3A_1299, %parallel_loop3A_1302 : i32
      %parallel_loop3A_1304 = arith.constant 4 : i32
      %parallel_loop3A_1305 = arith.shli %parallel_loop3A_1303, %parallel_loop3A_1304 : i32
      %parallel_loop3A_1306 = tpu.assume_multiple %parallel_loop3A_1305, 16 : i32
      %parallel_loop3A_1307 = arith.index_cast %parallel_loop3A_1301 : i32 to index
      %parallel_loop3A_1308 = arith.index_cast %parallel_loop3A_1306 : i32 to index
      %parallel_loop3A_1309 = tpu.vector_load %arg7[%parallel_loop3A_1307, %parallel_loop3A_1308] {strides = array<i32>} : memref<16x1024xf32, #tpu.memory_space<vmem>>, vector<1x16xf32>,
      %parallel_loop3A_1310 = vector.shape_cast %parallel_loop3A_1309 : vector<1x16xf32> to vector<16xf32>
      %parallel_loop3A_1311 = arith.mulf %div3A_11, %parallel_loop3A_1310 : vector<16xf32>
      %parallel_loop3A_1312 = arith.index_cast %parallel_loop3A_1301 : i32 to index
      %parallel_loop3A_1313 = arith.index_cast %parallel_loop3A_1306 : i32 to index
      %parallel_loop3A_1314 = tpu.vector_load %arg9[%parallel_loop3A_1312, %parallel_loop3A_1313] {strides = array<i32>} : memref<16x1024xf32, #tpu.memory_space<vmem>>, vector<1x16xf32>,
      %parallel_loop3A_1315 = vector.shape_cast %parallel_loop3A_1314 : vector<1x16xf32> to vector<16xf32>
      %parallel_loop3A_1316 = arith.mulf %sub3A_13, %parallel_loop3A_1315 : vector<16xf32>
      %parallel_loop3A_1317 = arith.addf %parallel_loop3A_1311, %parallel_loop3A_1316 : vector<16xf32>
      %parallel_loop3A_1318 = arith.index_cast %parallel_loop3A_1301 : i32 to index
      %parallel_loop3A_1319 = arith.index_cast %parallel_loop3A_1306 : i32 to index
      %parallel_loop3A_1320 = tpu.vector_load %arg7[%parallel_loop3A_1318, %parallel_loop3A_1319] {strides = array<i32>} : memref<16x1024xf32, #tpu.memory_space<vmem>>, vector<1x16xf32>,
      %parallel_loop3A_1321 = vector.shape_cast %parallel_loop3A_1320 : vector<1x16xf32> to vector<16xf32>
      %parallel_loop3A_1322 = vector.shape_cast %parallel_loop3A_1317 : vector<16xf32> to vector<1x16xf32>
      tpu.vector_store %arg7[%parallel_loop3A_1318, %parallel_loop3A_1319], %parallel_loop3A_1322 {strides = array<i32>} : memref<16x1024xf32, #tpu.memory_space<vmem>>, vector<1x16xf32>,
    } {sc.loop_unroll_factor = 8 : i64, sc.parallel_access}
    %add3A_1002 = arith.constant 112 : i32
    %add3A_1003 = arith.addi %mul3A_2, %add3A_1002 : i32
    %dma_start3A_1004 = arith.constant 0 : i32
    %dma_start3A_1005 = tpu.memref_slice %arg3[%add3A_1003, %dma_start3A_1004] : memref<4096x1024xf32, #tpu.memory_space<hbm>> -> memref<16x1024xf32, #tpu.memory_space<hbm>>
    %dma_start3A_1006 = arith.constant 0 : i32
    %dma_start3A_1007 = tpu.memref_slice %arg3[%add3A_1003, %dma_start3A_1006] : memref<4096x1024xf32, #tpu.memory_space<hbm>> -> memref<16x1024xf32, #tpu.memory_space<hbm>>
    tpu.enqueue_dma source(%dma_start3A_1007 : memref<16x1024xf32, #tpu.memory_space<hbm>>) target(%arg8 : memref<16x1024xf32, #tpu.memory_space<vmem>>) target_semaphore(%arg24 : memref<!tpu.dma_semaphore, #tpu.memory_space<semaphore_mem>>)
    %dma_start3A_1008 = arith.constant 0 : i32
    %dma_start3A_1009 = tpu.memref_slice %arg5[%add3A_1003, %dma_start3A_1008] : memref<4096x1024xf32, #tpu.memory_space<hbm>> -> memref<16x1024xf32, #tpu.memory_space<hbm>>
    %dma_start3A_1010 = arith.constant 0 : i32
    %dma_start3A_1011 = tpu.memref_slice %arg5[%add3A_1003, %dma_start3A_1010] : memref<4096x1024xf32, #tpu.memory_space<hbm>> -> memref<16x1024xf32, #tpu.memory_space<hbm>>
    tpu.enqueue_dma source(%dma_start3A_1011 : memref<16x1024xf32, #tpu.memory_space<hbm>>) target(%arg9 : memref<16x1024xf32, #tpu.memory_space<vmem>>) target_semaphore(%arg24 : memref<!tpu.dma_semaphore, #tpu.memory_space<semaphore_mem>>)
    %dma_wait3A_1012 = arith.constant 2 : i32
    %dma_wait3A_1013 = arith.constant 0 : i32
    %dma_wait3A_1014 = tpu.memref_slice %arg6[%dma_wait3A_1012, %add3A_948, %dma_wait3A_1013] : memref<4x4096x1024xf32, #tpu.memory_space<hbm>> -> memref<1x16x1024xf32, #tpu.memory_space<hbm>>
    %dma_wait3A_1015 = tpu.memref_squeeze %dma_wait3A_1014 : memref<1x16x1024xf32, #tpu.memory_space<hbm>> -> memref<16x1024xf32, #tpu.memory_space<hbm>>
    %dma_wait3A_1016 = arith.constant 0 : i32
    %dma_wait3A_1017 = tpu.memref_slice %arg6[%dma_wait3A_1012, %add3A_948, %dma_wait3A_1016] : memref<4x4096x1024xf32, #tpu.memory_space<hbm>> -> memref<1x16x1024xf32, #tpu.memory_space<hbm>>
    %dma_wait3A_1018 = tpu.memref_squeeze %dma_wait3A_1017 : memref<1x16x1024xf32, #tpu.memory_space<hbm>> -> memref<16x1024xf32, #tpu.memory_space<hbm>>
    tpu.wait_dma2 semaphore(%arg21 : memref<!tpu.dma_semaphore, #tpu.memory_space<semaphore_mem>>) src(%arg12 : memref<16x1024xf32, #tpu.memory_space<vmem>>) dst(%dma_wait3A_1018 : memref<16x1024xf32, #tpu.memory_space<hbm>>)
    %add3A_1019 = arith.constant 96 : i32
    %add3A_1020 = arith.addi %mul3A_2, %add3A_1019 : i32
    %dma_start3A_1021 = arith.constant 2 : i32
    %dma_start3A_1022 = arith.constant 0 : i32
    %dma_start3A_1023 = tpu.memref_slice %arg2[%dma_start3A_1021, %add3A_1020, %dma_start3A_1022] : memref<4x4096x1024xf32, #tpu.memory_space<hbm>> -> memref<1x16x1024xf32, #tpu.memory_space<hbm>>
    %dma_start3A_1024 = tpu.memref_squeeze %dma_start3A_1023 : memref<1x16x1024xf32, #tpu.memory_space<hbm>> -> memref<16x1024xf32, #tpu.memory_space<hbm>>
    %dma_start3A_1025 = arith.constant 0 : i32
    %dma_start3A_1026 = tpu.memref_slice %arg2[%dma_start3A_1021, %add3A_1020, %dma_start3A_1025] : memref<4x4096x1024xf32, #tpu.memory_space<hbm>> -> memref<1x16x1024xf32, #tpu.memory_space<hbm>>
    %dma_start3A_1027 = tpu.memref_squeeze %dma_start3A_1026 : memref<1x16x1024xf32, #tpu.memory_space<hbm>> -> memref<16x1024xf32, #tpu.memory_space<hbm>>
    tpu.enqueue_dma source(%dma_start3A_1027 : memref<16x1024xf32, #tpu.memory_space<hbm>>) target(%arg12 : memref<16x1024xf32, #tpu.memory_space<vmem>>) target_semaphore(%arg17 : memref<!tpu.dma_semaphore, #tpu.memory_space<semaphore_mem>>)
    %dma_wait3A_1028 = arith.constant 0 : i32
    %dma_wait3A_1029 = arith.constant 0 : i32
    %dma_wait3A_1030 = tpu.memref_slice %arg2[%dma_wait3A_1028, %add3A_929, %dma_wait3A_1029] : memref<4x4096x1024xf32, #tpu.memory_space<hbm>> -> memref<1x16x1024xf32, #tpu.memory_space<hbm>>
    %dma_wait3A_1031 = tpu.memref_squeeze %dma_wait3A_1030 : memref<1x16x1024xf32, #tpu.memory_space<hbm>> -> memref<16x1024xf32, #tpu.memory_space<hbm>>
    %dma_wait3A_1032 = arith.constant 0 : i32
    %dma_wait3A_1033 = tpu.memref_slice %arg2[%dma_wait3A_1028, %add3A_929, %dma_wait3A_1032] : memref<4x4096x1024xf32, #tpu.memory_space<hbm>> -> memref<1x16x1024xf32, #tpu.memory_space<hbm>>
    %dma_wait3A_1034 = tpu.memref_squeeze %dma_wait3A_1033 : memref<1x16x1024xf32, #tpu.memory_space<hbm>> -> memref<16x1024xf32, #tpu.memory_space<hbm>>
    tpu.wait_dma2 semaphore(%arg15 : memref<!tpu.dma_semaphore, #tpu.memory_space<semaphore_mem>>) src(%dma_wait3A_1034 : memref<16x1024xf32, #tpu.memory_space<hbm>>) dst(%arg10 : memref<16x1024xf32, #tpu.memory_space<vmem>>)
    %parallel_loop3A_1035 = arith.constant 0 : i32
    %parallel_loop3A_1036 = arith.constant 1024 : i32
    %parallel_loop3A_1037 = arith.constant 1 : i32
    scf.for %parallel_loop3A_1299 = %parallel_loop3A_1035 to %parallel_loop3A_1036 step %parallel_loop3A_1037  : i32 {
      %parallel_loop3A_1300 = arith.constant 6 : i32
      %parallel_loop3A_1301 = arith.shrsi %parallel_loop3A_1299, %parallel_loop3A_1300 : i32
      %parallel_loop3A_1302 = arith.constant 63 : i32
      %parallel_loop3A_1303 = arith.andi %parallel_loop3A_1299, %parallel_loop3A_1302 : i32
      %parallel_loop3A_1304 = arith.constant 4 : i32
      %parallel_loop3A_1305 = arith.shli %parallel_loop3A_1303, %parallel_loop3A_1304 : i32
      %parallel_loop3A_1306 = tpu.assume_multiple %parallel_loop3A_1305, 16 : i32
      %parallel_loop3A_1307 = arith.index_cast %parallel_loop3A_1301 : i32 to index
      %parallel_loop3A_1308 = arith.index_cast %parallel_loop3A_1306 : i32 to index
      %parallel_loop3A_1309 = tpu.vector_load %arg7[%parallel_loop3A_1307, %parallel_loop3A_1308] {strides = array<i32>} : memref<16x1024xf32, #tpu.memory_space<vmem>>, vector<1x16xf32>,
      %parallel_loop3A_1310 = vector.shape_cast %parallel_loop3A_1309 : vector<1x16xf32> to vector<16xf32>
      %parallel_loop3A_1311 = arith.index_cast %parallel_loop3A_1301 : i32 to index
      %parallel_loop3A_1312 = arith.index_cast %parallel_loop3A_1306 : i32 to index
      %parallel_loop3A_1313 = tpu.vector_load %arg10[%parallel_loop3A_1311, %parallel_loop3A_1312] {strides = array<i32>} : memref<16x1024xf32, #tpu.memory_space<vmem>>, vector<1x16xf32>,
      %parallel_loop3A_1314 = vector.shape_cast %parallel_loop3A_1313 : vector<1x16xf32> to vector<16xf32>
      %parallel_loop3A_1315 = vector.shape_cast %parallel_loop3A_1310 : vector<16xf32> to vector<1x16xf32>
      tpu.vector_store %arg10[%parallel_loop3A_1311, %parallel_loop3A_1312], %parallel_loop3A_1315 {add = true, strides = array<i32>} : memref<16x1024xf32, #tpu.memory_space<vmem>>, vector<1x16xf32>,
    } {sc.loop_unroll_factor = 8 : i64, sc.parallel_access}
    %add3A_1038 = arith.constant 96 : i32
    %add3A_1039 = arith.addi %mul3A_2, %add3A_1038 : i32
    %dma_start3A_1040 = arith.constant 0 : i32
    %dma_start3A_1041 = arith.constant 0 : i32
    %dma_start3A_1042 = tpu.memref_slice %arg6[%dma_start3A_1040, %add3A_1039, %dma_start3A_1041] : memref<4x4096x1024xf32, #tpu.memory_space<hbm>> -> memref<1x16x1024xf32, #tpu.memory_space<hbm>>
    %dma_start3A_1043 = tpu.memref_squeeze %dma_start3A_1042 : memref<1x16x1024xf32, #tpu.memory_space<hbm>> -> memref<16x1024xf32, #tpu.memory_space<hbm>>
    %dma_start3A_1044 = arith.constant 0 : i32
    %dma_start3A_1045 = tpu.memref_slice %arg6[%dma_start3A_1040, %add3A_1039, %dma_start3A_1044] : memref<4x4096x1024xf32, #tpu.memory_space<hbm>> -> memref<1x16x1024xf32, #tpu.memory_space<hbm>>
    %dma_start3A_1046 = tpu.memref_squeeze %dma_start3A_1045 : memref<1x16x1024xf32, #tpu.memory_space<hbm>> -> memref<16x1024xf32, #tpu.memory_space<hbm>>
    tpu.enqueue_dma source(%arg10 : memref<16x1024xf32, #tpu.memory_space<vmem>>) target(%dma_start3A_1046 : memref<16x1024xf32, #tpu.memory_space<hbm>>) target_semaphore(%arg19 : memref<!tpu.dma_semaphore, #tpu.memory_space<semaphore_mem>>)
    %dma_wait3A_1047 = arith.constant 3 : i32
    %dma_wait3A_1048 = arith.constant 0 : i32
    %dma_wait3A_1049 = tpu.memref_slice %arg6[%dma_wait3A_1047, %add3A_983, %dma_wait3A_1048] : memref<4x4096x1024xf32, #tpu.memory_space<hbm>> -> memref<1x16x1024xf32, #tpu.memory_space<hbm>>
    %dma_wait3A_1050 = tpu.memref_squeeze %dma_wait3A_1049 : memref<1x16x1024xf32, #tpu.memory_space<hbm>> -> memref<16x1024xf32, #tpu.memory_space<hbm>>
    %dma_wait3A_1051 = arith.constant 0 : i32
    %dma_wait3A_1052 = tpu.memref_slice %arg6[%dma_wait3A_1047, %add3A_983, %dma_wait3A_1051] : memref<4x4096x1024xf32, #tpu.memory_space<hbm>> -> memref<1x16x1024xf32, #tpu.memory_space<hbm>>
    %dma_wait3A_1053 = tpu.memref_squeeze %dma_wait3A_1052 : memref<1x16x1024xf32, #tpu.memory_space<hbm>> -> memref<16x1024xf32, #tpu.memory_space<hbm>>
    tpu.wait_dma2 semaphore(%arg22 : memref<!tpu.dma_semaphore, #tpu.memory_space<semaphore_mem>>) src(%arg13 : memref<16x1024xf32, #tpu.memory_space<vmem>>) dst(%dma_wait3A_1053 : memref<16x1024xf32, #tpu.memory_space<hbm>>)
    %add3A_1054 = arith.constant 96 : i32
    %add3A_1055 = arith.addi %mul3A_2, %add3A_1054 : i32
    %dma_start3A_1056 = arith.constant 3 : i32
    %dma_start3A_1057 = arith.constant 0 : i32
    %dma_start3A_1058 = tpu.memref_slice %arg2[%dma_start3A_1056, %add3A_1055, %dma_start3A_1057] : memref<4x4096x1024xf32, #tpu.memory_space<hbm>> -> memref<1x16x1024xf32, #tpu.memory_space<hbm>>
    %dma_start3A_1059 = tpu.memref_squeeze %dma_start3A_1058 : memref<1x16x1024xf32, #tpu.memory_space<hbm>> -> memref<16x1024xf32, #tpu.memory_space<hbm>>
    %dma_start3A_1060 = arith.constant 0 : i32
    %dma_start3A_1061 = tpu.memref_slice %arg2[%dma_start3A_1056, %add3A_1055, %dma_start3A_1060] : memref<4x4096x1024xf32, #tpu.memory_space<hbm>> -> memref<1x16x1024xf32, #tpu.memory_space<hbm>>
    %dma_start3A_1062 = tpu.memref_squeeze %dma_start3A_1061 : memref<1x16x1024xf32, #tpu.memory_space<hbm>> -> memref<16x1024xf32, #tpu.memory_space<hbm>>
    tpu.enqueue_dma source(%dma_start3A_1062 : memref<16x1024xf32, #tpu.memory_space<hbm>>) target(%arg13 : memref<16x1024xf32, #tpu.memory_space<vmem>>) target_semaphore(%arg18 : memref<!tpu.dma_semaphore, #tpu.memory_space<semaphore_mem>>)
    %dma_wait3A_1063 = arith.constant 1 : i32
    %dma_wait3A_1064 = arith.constant 0 : i32
    %dma_wait3A_1065 = tpu.memref_slice %arg2[%dma_wait3A_1063, %add3A_964, %dma_wait3A_1064] : memref<4x4096x1024xf32, #tpu.memory_space<hbm>> -> memref<1x16x1024xf32, #tpu.memory_space<hbm>>
    %dma_wait3A_1066 = tpu.memref_squeeze %dma_wait3A_1065 : memref<1x16x1024xf32, #tpu.memory_space<hbm>> -> memref<16x1024xf32, #tpu.memory_space<hbm>>
    %dma_wait3A_1067 = arith.constant 0 : i32
    %dma_wait3A_1068 = tpu.memref_slice %arg2[%dma_wait3A_1063, %add3A_964, %dma_wait3A_1067] : memref<4x4096x1024xf32, #tpu.memory_space<hbm>> -> memref<1x16x1024xf32, #tpu.memory_space<hbm>>
    %dma_wait3A_1069 = tpu.memref_squeeze %dma_wait3A_1068 : memref<1x16x1024xf32, #tpu.memory_space<hbm>> -> memref<16x1024xf32, #tpu.memory_space<hbm>>
    tpu.wait_dma2 semaphore(%arg16 : memref<!tpu.dma_semaphore, #tpu.memory_space<semaphore_mem>>) src(%dma_wait3A_1069 : memref<16x1024xf32, #tpu.memory_space<hbm>>) dst(%arg11 : memref<16x1024xf32, #tpu.memory_space<vmem>>)
    %parallel_loop3A_1070 = arith.constant 0 : i32
    %parallel_loop3A_1071 = arith.constant 1024 : i32
    %parallel_loop3A_1072 = arith.constant 1 : i32
    scf.for %parallel_loop3A_1299 = %parallel_loop3A_1070 to %parallel_loop3A_1071 step %parallel_loop3A_1072  : i32 {
      %parallel_loop3A_1300 = arith.constant 6 : i32
      %parallel_loop3A_1301 = arith.shrsi %parallel_loop3A_1299, %parallel_loop3A_1300 : i32
      %parallel_loop3A_1302 = arith.constant 63 : i32
      %parallel_loop3A_1303 = arith.andi %parallel_loop3A_1299, %parallel_loop3A_1302 : i32
      %parallel_loop3A_1304 = arith.constant 4 : i32
      %parallel_loop3A_1305 = arith.shli %parallel_loop3A_1303, %parallel_loop3A_1304 : i32
      %parallel_loop3A_1306 = tpu.assume_multiple %parallel_loop3A_1305, 16 : i32
      %parallel_loop3A_1307 = arith.index_cast %parallel_loop3A_1301 : i32 to index
      %parallel_loop3A_1308 = arith.index_cast %parallel_loop3A_1306 : i32 to index
      %parallel_loop3A_1309 = tpu.vector_load %arg7[%parallel_loop3A_1307, %parallel_loop3A_1308] {strides = array<i32>} : memref<16x1024xf32, #tpu.memory_space<vmem>>, vector<1x16xf32>,
      %parallel_loop3A_1310 = vector.shape_cast %parallel_loop3A_1309 : vector<1x16xf32> to vector<16xf32>
      %parallel_loop3A_1311 = arith.index_cast %parallel_loop3A_1301 : i32 to index
      %parallel_loop3A_1312 = arith.index_cast %parallel_loop3A_1306 : i32 to index
      %parallel_loop3A_1313 = tpu.vector_load %arg11[%parallel_loop3A_1311, %parallel_loop3A_1312] {strides = array<i32>} : memref<16x1024xf32, #tpu.memory_space<vmem>>, vector<1x16xf32>,
      %parallel_loop3A_1314 = vector.shape_cast %parallel_loop3A_1313 : vector<1x16xf32> to vector<16xf32>
      %parallel_loop3A_1315 = vector.shape_cast %parallel_loop3A_1310 : vector<16xf32> to vector<1x16xf32>
      tpu.vector_store %arg11[%parallel_loop3A_1311, %parallel_loop3A_1312], %parallel_loop3A_1315 {add = true, strides = array<i32>} : memref<16x1024xf32, #tpu.memory_space<vmem>>, vector<1x16xf32>,
    } {sc.loop_unroll_factor = 8 : i64, sc.parallel_access}
    %add3A_1073 = arith.constant 96 : i32
    %add3A_1074 = arith.addi %mul3A_2, %add3A_1073 : i32
    %dma_start3A_1075 = arith.constant 1 : i32
    %dma_start3A_1076 = arith.constant 0 : i32
    %dma_start3A_1077 = tpu.memref_slice %arg6[%dma_start3A_1075, %add3A_1074, %dma_start3A_1076] : memref<4x4096x1024xf32, #tpu.memory_space<hbm>> -> memref<1x16x1024xf32, #tpu.memory_space<hbm>>
    %dma_start3A_1078 = tpu.memref_squeeze %dma_start3A_1077 : memref<1x16x1024xf32, #tpu.memory_space<hbm>> -> memref<16x1024xf32, #tpu.memory_space<hbm>>
    %dma_start3A_1079 = arith.constant 0 : i32
    %dma_start3A_1080 = tpu.memref_slice %arg6[%dma_start3A_1075, %add3A_1074, %dma_start3A_1079] : memref<4x4096x1024xf32, #tpu.memory_space<hbm>> -> memref<1x16x1024xf32, #tpu.memory_space<hbm>>
    %dma_start3A_1081 = tpu.memref_squeeze %dma_start3A_1080 : memref<1x16x1024xf32, #tpu.memory_space<hbm>> -> memref<16x1024xf32, #tpu.memory_space<hbm>>
    tpu.enqueue_dma source(%arg11 : memref<16x1024xf32, #tpu.memory_space<vmem>>) target(%dma_start3A_1081 : memref<16x1024xf32, #tpu.memory_space<hbm>>) target_semaphore(%arg20 : memref<!tpu.dma_semaphore, #tpu.memory_space<semaphore_mem>>)
    %dma_wait3A_1082 = arith.constant 0 : i32
    %dma_wait3A_1083 = arith.constant 0 : i32
    %dma_wait3A_1084 = tpu.memref_slice %arg6[%dma_wait3A_1082, %add3A_1039, %dma_wait3A_1083] : memref<4x4096x1024xf32, #tpu.memory_space<hbm>> -> memref<1x16x1024xf32, #tpu.memory_space<hbm>>
    %dma_wait3A_1085 = tpu.memref_squeeze %dma_wait3A_1084 : memref<1x16x1024xf32, #tpu.memory_space<hbm>> -> memref<16x1024xf32, #tpu.memory_space<hbm>>
    %dma_wait3A_1086 = arith.constant 0 : i32
    %dma_wait3A_1087 = tpu.memref_slice %arg6[%dma_wait3A_1082, %add3A_1039, %dma_wait3A_1086] : memref<4x4096x1024xf32, #tpu.memory_space<hbm>> -> memref<1x16x1024xf32, #tpu.memory_space<hbm>>
    %dma_wait3A_1088 = tpu.memref_squeeze %dma_wait3A_1087 : memref<1x16x1024xf32, #tpu.memory_space<hbm>> -> memref<16x1024xf32, #tpu.memory_space<hbm>>
    tpu.wait_dma2 semaphore(%arg19 : memref<!tpu.dma_semaphore, #tpu.memory_space<semaphore_mem>>) src(%arg10 : memref<16x1024xf32, #tpu.memory_space<vmem>>) dst(%dma_wait3A_1088 : memref<16x1024xf32, #tpu.memory_space<hbm>>)
    %add3A_1089 = arith.constant 112 : i32
    %add3A_1090 = arith.addi %mul3A_2, %add3A_1089 : i32
    %dma_start3A_1091 = arith.constant 0 : i32
    %dma_start3A_1092 = arith.constant 0 : i32
    %dma_start3A_1093 = tpu.memref_slice %arg2[%dma_start3A_1091, %add3A_1090, %dma_start3A_1092] : memref<4x4096x1024xf32, #tpu.memory_space<hbm>> -> memref<1x16x1024xf32, #tpu.memory_space<hbm>>
    %dma_start3A_1094 = tpu.memref_squeeze %dma_start3A_1093 : memref<1x16x1024xf32, #tpu.memory_space<hbm>> -> memref<16x1024xf32, #tpu.memory_space<hbm>>
    %dma_start3A_1095 = arith.constant 0 : i32
    %dma_start3A_1096 = tpu.memref_slice %arg2[%dma_start3A_1091, %add3A_1090, %dma_start3A_1095] : memref<4x4096x1024xf32, #tpu.memory_space<hbm>> -> memref<1x16x1024xf32, #tpu.memory_space<hbm>>
    %dma_start3A_1097 = tpu.memref_squeeze %dma_start3A_1096 : memref<1x16x1024xf32, #tpu.memory_space<hbm>> -> memref<16x1024xf32, #tpu.memory_space<hbm>>
    tpu.enqueue_dma source(%dma_start3A_1097 : memref<16x1024xf32, #tpu.memory_space<hbm>>) target(%arg10 : memref<16x1024xf32, #tpu.memory_space<vmem>>) target_semaphore(%arg15 : memref<!tpu.dma_semaphore, #tpu.memory_space<semaphore_mem>>)
    %dma_wait3A_1098 = arith.constant 2 : i32
    %dma_wait3A_1099 = arith.constant 0 : i32
    %dma_wait3A_1100 = tpu.memref_slice %arg2[%dma_wait3A_1098, %add3A_1020, %dma_wait3A_1099] : memref<4x4096x1024xf32, #tpu.memory_space<hbm>> -> memref<1x16x1024xf32, #tpu.memory_space<hbm>>
    %dma_wait3A_1101 = tpu.memref_squeeze %dma_wait3A_1100 : memref<1x16x1024xf32, #tpu.memory_space<hbm>> -> memref<16x1024xf32, #tpu.memory_space<hbm>>
    %dma_wait3A_1102 = arith.constant 0 : i32
    %dma_wait3A_1103 = tpu.memref_slice %arg2[%dma_wait3A_1098, %add3A_1020, %dma_wait3A_1102] : memref<4x4096x1024xf32, #tpu.memory_space<hbm>> -> memref<1x16x1024xf32, #tpu.memory_space<hbm>>
    %dma_wait3A_1104 = tpu.memref_squeeze %dma_wait3A_1103 : memref<1x16x1024xf32, #tpu.memory_space<hbm>> -> memref<16x1024xf32, #tpu.memory_space<hbm>>
    tpu.wait_dma2 semaphore(%arg17 : memref<!tpu.dma_semaphore, #tpu.memory_space<semaphore_mem>>) src(%dma_wait3A_1104 : memref<16x1024xf32, #tpu.memory_space<hbm>>) dst(%arg12 : memref<16x1024xf32, #tpu.memory_space<vmem>>)
    %parallel_loop3A_1105 = arith.constant 0 : i32
    %parallel_loop3A_1106 = arith.constant 1024 : i32
    %parallel_loop3A_1107 = arith.constant 1 : i32
    scf.for %parallel_loop3A_1299 = %parallel_loop3A_1105 to %parallel_loop3A_1106 step %parallel_loop3A_1107  : i32 {
      %parallel_loop3A_1300 = arith.constant 6 : i32
      %parallel_loop3A_1301 = arith.shrsi %parallel_loop3A_1299, %parallel_loop3A_1300 : i32
      %parallel_loop3A_1302 = arith.constant 63 : i32
      %parallel_loop3A_1303 = arith.andi %parallel_loop3A_1299, %parallel_loop3A_1302 : i32
      %parallel_loop3A_1304 = arith.constant 4 : i32
      %parallel_loop3A_1305 = arith.shli %parallel_loop3A_1303, %parallel_loop3A_1304 : i32
      %parallel_loop3A_1306 = tpu.assume_multiple %parallel_loop3A_1305, 16 : i32
      %parallel_loop3A_1307 = arith.index_cast %parallel_loop3A_1301 : i32 to index
      %parallel_loop3A_1308 = arith.index_cast %parallel_loop3A_1306 : i32 to index
      %parallel_loop3A_1309 = tpu.vector_load %arg7[%parallel_loop3A_1307, %parallel_loop3A_1308] {strides = array<i32>} : memref<16x1024xf32, #tpu.memory_space<vmem>>, vector<1x16xf32>,
      %parallel_loop3A_1310 = vector.shape_cast %parallel_loop3A_1309 : vector<1x16xf32> to vector<16xf32>
      %parallel_loop3A_1311 = arith.index_cast %parallel_loop3A_1301 : i32 to index
      %parallel_loop3A_1312 = arith.index_cast %parallel_loop3A_1306 : i32 to index
      %parallel_loop3A_1313 = tpu.vector_load %arg12[%parallel_loop3A_1311, %parallel_loop3A_1312] {strides = array<i32>} : memref<16x1024xf32, #tpu.memory_space<vmem>>, vector<1x16xf32>,
      %parallel_loop3A_1314 = vector.shape_cast %parallel_loop3A_1313 : vector<1x16xf32> to vector<16xf32>
      %parallel_loop3A_1315 = vector.shape_cast %parallel_loop3A_1310 : vector<16xf32> to vector<1x16xf32>
      tpu.vector_store %arg12[%parallel_loop3A_1311, %parallel_loop3A_1312], %parallel_loop3A_1315 {add = true, strides = array<i32>} : memref<16x1024xf32, #tpu.memory_space<vmem>>, vector<1x16xf32>,
    } {sc.loop_unroll_factor = 8 : i64, sc.parallel_access}
    %add3A_1108 = arith.constant 96 : i32
    %add3A_1109 = arith.addi %mul3A_2, %add3A_1108 : i32
    %dma_start3A_1110 = arith.constant 2 : i32
    %dma_start3A_1111 = arith.constant 0 : i32
    %dma_start3A_1112 = tpu.memref_slice %arg6[%dma_start3A_1110, %add3A_1109, %dma_start3A_1111] : memref<4x4096x1024xf32, #tpu.memory_space<hbm>> -> memref<1x16x1024xf32, #tpu.memory_space<hbm>>
    %dma_start3A_1113 = tpu.memref_squeeze %dma_start3A_1112 : memref<1x16x1024xf32, #tpu.memory_space<hbm>> -> memref<16x1024xf32, #tpu.memory_space<hbm>>
    %dma_start3A_1114 = arith.constant 0 : i32
    %dma_start3A_1115 = tpu.memref_slice %arg6[%dma_start3A_1110, %add3A_1109, %dma_start3A_1114] : memref<4x4096x1024xf32, #tpu.memory_space<hbm>> -> memref<1x16x1024xf32, #tpu.memory_space<hbm>>
    %dma_start3A_1116 = tpu.memref_squeeze %dma_start3A_1115 : memref<1x16x1024xf32, #tpu.memory_space<hbm>> -> memref<16x1024xf32, #tpu.memory_space<hbm>>
    tpu.enqueue_dma source(%arg12 : memref<16x1024xf32, #tpu.memory_space<vmem>>) target(%dma_start3A_1116 : memref<16x1024xf32, #tpu.memory_space<hbm>>) target_semaphore(%arg21 : memref<!tpu.dma_semaphore, #tpu.memory_space<semaphore_mem>>)
    %dma_wait3A_1117 = arith.constant 1 : i32
    %dma_wait3A_1118 = arith.constant 0 : i32
    %dma_wait3A_1119 = tpu.memref_slice %arg6[%dma_wait3A_1117, %add3A_1074, %dma_wait3A_1118] : memref<4x4096x1024xf32, #tpu.memory_space<hbm>> -> memref<1x16x1024xf32, #tpu.memory_space<hbm>>
    %dma_wait3A_1120 = tpu.memref_squeeze %dma_wait3A_1119 : memref<1x16x1024xf32, #tpu.memory_space<hbm>> -> memref<16x1024xf32, #tpu.memory_space<hbm>>
    %dma_wait3A_1121 = arith.constant 0 : i32
    %dma_wait3A_1122 = tpu.memref_slice %arg6[%dma_wait3A_1117, %add3A_1074, %dma_wait3A_1121] : memref<4x4096x1024xf32, #tpu.memory_space<hbm>> -> memref<1x16x1024xf32, #tpu.memory_space<hbm>>
    %dma_wait3A_1123 = tpu.memref_squeeze %dma_wait3A_1122 : memref<1x16x1024xf32, #tpu.memory_space<hbm>> -> memref<16x1024xf32, #tpu.memory_space<hbm>>
    tpu.wait_dma2 semaphore(%arg20 : memref<!tpu.dma_semaphore, #tpu.memory_space<semaphore_mem>>) src(%arg11 : memref<16x1024xf32, #tpu.memory_space<vmem>>) dst(%dma_wait3A_1123 : memref<16x1024xf32, #tpu.memory_space<hbm>>)
    %add3A_1124 = arith.constant 112 : i32
    %add3A_1125 = arith.addi %mul3A_2, %add3A_1124 : i32
    %dma_start3A_1126 = arith.constant 1 : i32
    %dma_start3A_1127 = arith.constant 0 : i32
    %dma_start3A_1128 = tpu.memref_slice %arg2[%dma_start3A_1126, %add3A_1125, %dma_start3A_1127] : memref<4x4096x1024xf32, #tpu.memory_space<hbm>> -> memref<1x16x1024xf32, #tpu.memory_space<hbm>>
    %dma_start3A_1129 = tpu.memref_squeeze %dma_start3A_1128 : memref<1x16x1024xf32, #tpu.memory_space<hbm>> -> memref<16x1024xf32, #tpu.memory_space<hbm>>
    %dma_start3A_1130 = arith.constant 0 : i32
    %dma_start3A_1131 = tpu.memref_slice %arg2[%dma_start3A_1126, %add3A_1125, %dma_start3A_1130] : memref<4x4096x1024xf32, #tpu.memory_space<hbm>> -> memref<1x16x1024xf32, #tpu.memory_space<hbm>>
    %dma_start3A_1132 = tpu.memref_squeeze %dma_start3A_1131 : memref<1x16x1024xf32, #tpu.memory_space<hbm>> -> memref<16x1024xf32, #tpu.memory_space<hbm>>
    tpu.enqueue_dma source(%dma_start3A_1132 : memref<16x1024xf32, #tpu.memory_space<hbm>>) target(%arg11 : memref<16x1024xf32, #tpu.memory_space<vmem>>) target_semaphore(%arg16 : memref<!tpu.dma_semaphore, #tpu.memory_space<semaphore_mem>>)
    %dma_wait3A_1133 = arith.constant 3 : i32
    %dma_wait3A_1134 = arith.constant 0 : i32
    %dma_wait3A_1135 = tpu.memref_slice %arg2[%dma_wait3A_1133, %add3A_1055, %dma_wait3A_1134] : memref<4x4096x1024xf32, #tpu.memory_space<hbm>> -> memref<1x16x1024xf32, #tpu.memory_space<hbm>>
    %dma_wait3A_1136 = tpu.memref_squeeze %dma_wait3A_1135 : memref<1x16x1024xf32, #tpu.memory_space<hbm>> -> memref<16x1024xf32, #tpu.memory_space<hbm>>
    %dma_wait3A_1137 = arith.constant 0 : i32
    %dma_wait3A_1138 = tpu.memref_slice %arg2[%dma_wait3A_1133, %add3A_1055, %dma_wait3A_1137] : memref<4x4096x1024xf32, #tpu.memory_space<hbm>> -> memref<1x16x1024xf32, #tpu.memory_space<hbm>>
    %dma_wait3A_1139 = tpu.memref_squeeze %dma_wait3A_1138 : memref<1x16x1024xf32, #tpu.memory_space<hbm>> -> memref<16x1024xf32, #tpu.memory_space<hbm>>
    tpu.wait_dma2 semaphore(%arg18 : memref<!tpu.dma_semaphore, #tpu.memory_space<semaphore_mem>>) src(%dma_wait3A_1139 : memref<16x1024xf32, #tpu.memory_space<hbm>>) dst(%arg13 : memref<16x1024xf32, #tpu.memory_space<vmem>>)
    %parallel_loop3A_1140 = arith.constant 0 : i32
    %parallel_loop3A_1141 = arith.constant 1024 : i32
    %parallel_loop3A_1142 = arith.constant 1 : i32
    scf.for %parallel_loop3A_1299 = %parallel_loop3A_1140 to %parallel_loop3A_1141 step %parallel_loop3A_1142  : i32 {
      %parallel_loop3A_1300 = arith.constant 6 : i32
      %parallel_loop3A_1301 = arith.shrsi %parallel_loop3A_1299, %parallel_loop3A_1300 : i32
      %parallel_loop3A_1302 = arith.constant 63 : i32
      %parallel_loop3A_1303 = arith.andi %parallel_loop3A_1299, %parallel_loop3A_1302 : i32
      %parallel_loop3A_1304 = arith.constant 4 : i32
      %parallel_loop3A_1305 = arith.shli %parallel_loop3A_1303, %parallel_loop3A_1304 : i32
      %parallel_loop3A_1306 = tpu.assume_multiple %parallel_loop3A_1305, 16 : i32
      %parallel_loop3A_1307 = arith.index_cast %parallel_loop3A_1301 : i32 to index
      %parallel_loop3A_1308 = arith.index_cast %parallel_loop3A_1306 : i32 to index
      %parallel_loop3A_1309 = tpu.vector_load %arg7[%parallel_loop3A_1307, %parallel_loop3A_1308] {strides = array<i32>} : memref<16x1024xf32, #tpu.memory_space<vmem>>, vector<1x16xf32>,
      %parallel_loop3A_1310 = vector.shape_cast %parallel_loop3A_1309 : vector<1x16xf32> to vector<16xf32>
      %parallel_loop3A_1311 = arith.index_cast %parallel_loop3A_1301 : i32 to index
      %parallel_loop3A_1312 = arith.index_cast %parallel_loop3A_1306 : i32 to index
      %parallel_loop3A_1313 = tpu.vector_load %arg13[%parallel_loop3A_1311, %parallel_loop3A_1312] {strides = array<i32>} : memref<16x1024xf32, #tpu.memory_space<vmem>>, vector<1x16xf32>,
      %parallel_loop3A_1314 = vector.shape_cast %parallel_loop3A_1313 : vector<1x16xf32> to vector<16xf32>
      %parallel_loop3A_1315 = vector.shape_cast %parallel_loop3A_1310 : vector<16xf32> to vector<1x16xf32>
      tpu.vector_store %arg13[%parallel_loop3A_1311, %parallel_loop3A_1312], %parallel_loop3A_1315 {add = true, strides = array<i32>} : memref<16x1024xf32, #tpu.memory_space<vmem>>, vector<1x16xf32>,
    } {sc.loop_unroll_factor = 8 : i64, sc.parallel_access}
    %add3A_1143 = arith.constant 96 : i32
    %add3A_1144 = arith.addi %mul3A_2, %add3A_1143 : i32
    %dma_start3A_1145 = arith.constant 3 : i32
    %dma_start3A_1146 = arith.constant 0 : i32
    %dma_start3A_1147 = tpu.memref_slice %arg6[%dma_start3A_1145, %add3A_1144, %dma_start3A_1146] : memref<4x4096x1024xf32, #tpu.memory_space<hbm>> -> memref<1x16x1024xf32, #tpu.memory_space<hbm>>
    %dma_start3A_1148 = tpu.memref_squeeze %dma_start3A_1147 : memref<1x16x1024xf32, #tpu.memory_space<hbm>> -> memref<16x1024xf32, #tpu.memory_space<hbm>>
    %dma_start3A_1149 = arith.constant 0 : i32
    %dma_start3A_1150 = tpu.memref_slice %arg6[%dma_start3A_1145, %add3A_1144, %dma_start3A_1149] : memref<4x4096x1024xf32, #tpu.memory_space<hbm>> -> memref<1x16x1024xf32, #tpu.memory_space<hbm>>
    %dma_start3A_1151 = tpu.memref_squeeze %dma_start3A_1150 : memref<1x16x1024xf32, #tpu.memory_space<hbm>> -> memref<16x1024xf32, #tpu.memory_space<hbm>>
    tpu.enqueue_dma source(%arg13 : memref<16x1024xf32, #tpu.memory_space<vmem>>) target(%dma_start3A_1151 : memref<16x1024xf32, #tpu.memory_space<hbm>>) target_semaphore(%arg22 : memref<!tpu.dma_semaphore, #tpu.memory_space<semaphore_mem>>)
    %dma_wait3A_1152 = arith.constant 0 : i32
    %dma_wait3A_1153 = tpu.memref_slice %arg3[%add3A_1003, %dma_wait3A_1152] : memref<4096x1024xf32, #tpu.memory_space<hbm>> -> memref<16x1024xf32, #tpu.memory_space<hbm>>
    %dma_wait3A_1154 = arith.constant 0 : i32
    %dma_wait3A_1155 = tpu.memref_slice %arg3[%add3A_1003, %dma_wait3A_1154] : memref<4096x1024xf32, #tpu.memory_space<hbm>> -> memref<16x1024xf32, #tpu.memory_space<hbm>>
    tpu.wait_dma2 semaphore(%arg24 : memref<!tpu.dma_semaphore, #tpu.memory_space<semaphore_mem>>) src(%dma_wait3A_1155 : memref<16x1024xf32, #tpu.memory_space<hbm>>) dst(%arg8 : memref<16x1024xf32, #tpu.memory_space<vmem>>)
    %dma_wait3A_1156 = arith.constant 0 : i32
    %dma_wait3A_1157 = tpu.memref_slice %arg5[%add3A_1003, %dma_wait3A_1156] : memref<4096x1024xf32, #tpu.memory_space<hbm>> -> memref<16x1024xf32, #tpu.memory_space<hbm>>
    %dma_wait3A_1158 = arith.constant 0 : i32
    %dma_wait3A_1159 = tpu.memref_slice %arg5[%add3A_1003, %dma_wait3A_1158] : memref<4096x1024xf32, #tpu.memory_space<hbm>> -> memref<16x1024xf32, #tpu.memory_space<hbm>>
    tpu.wait_dma2 semaphore(%arg24 : memref<!tpu.dma_semaphore, #tpu.memory_space<semaphore_mem>>) src(%dma_wait3A_1159 : memref<16x1024xf32, #tpu.memory_space<hbm>>) dst(%arg9 : memref<16x1024xf32, #tpu.memory_space<vmem>>)
    %parallel_loop3A_1160 = arith.constant 0 : i32
    %parallel_loop3A_1161 = arith.constant 1024 : i32
    %parallel_loop3A_1162 = arith.constant 1 : i32
    scf.for %parallel_loop3A_1299 = %parallel_loop3A_1160 to %parallel_loop3A_1161 step %parallel_loop3A_1162  : i32 {
      %parallel_loop3A_1300 = arith.constant 6 : i32
      %parallel_loop3A_1301 = arith.shrsi %parallel_loop3A_1299, %parallel_loop3A_1300 : i32
      %parallel_loop3A_1302 = arith.constant 63 : i32
      %parallel_loop3A_1303 = arith.andi %parallel_loop3A_1299, %parallel_loop3A_1302 : i32
      %parallel_loop3A_1304 = arith.constant 4 : i32
      %parallel_loop3A_1305 = arith.shli %parallel_loop3A_1303, %parallel_loop3A_1304 : i32
      %parallel_loop3A_1306 = tpu.assume_multiple %parallel_loop3A_1305, 16 : i32
      %parallel_loop3A_1307 = arith.index_cast %parallel_loop3A_1301 : i32 to index
      %parallel_loop3A_1308 = arith.index_cast %parallel_loop3A_1306 : i32 to index
      %parallel_loop3A_1309 = tpu.vector_load %arg8[%parallel_loop3A_1307, %parallel_loop3A_1308] {strides = array<i32>} : memref<16x1024xf32, #tpu.memory_space<vmem>>, vector<1x16xf32>,
      %parallel_loop3A_1310 = vector.shape_cast %parallel_loop3A_1309 : vector<1x16xf32> to vector<16xf32>
      %parallel_loop3A_1311 = arith.mulf %div3A_11, %parallel_loop3A_1310 : vector<16xf32>
      %parallel_loop3A_1312 = arith.index_cast %parallel_loop3A_1301 : i32 to index
      %parallel_loop3A_1313 = arith.index_cast %parallel_loop3A_1306 : i32 to index
      %parallel_loop3A_1314 = tpu.vector_load %arg9[%parallel_loop3A_1312, %parallel_loop3A_1313] {strides = array<i32>} : memref<16x1024xf32, #tpu.memory_space<vmem>>, vector<1x16xf32>,
      %parallel_loop3A_1315 = vector.shape_cast %parallel_loop3A_1314 : vector<1x16xf32> to vector<16xf32>
      %parallel_loop3A_1316 = arith.mulf %sub3A_13, %parallel_loop3A_1315 : vector<16xf32>
      %parallel_loop3A_1317 = arith.addf %parallel_loop3A_1311, %parallel_loop3A_1316 : vector<16xf32>
      %parallel_loop3A_1318 = arith.index_cast %parallel_loop3A_1301 : i32 to index
      %parallel_loop3A_1319 = arith.index_cast %parallel_loop3A_1306 : i32 to index
      %parallel_loop3A_1320 = tpu.vector_load %arg8[%parallel_loop3A_1318, %parallel_loop3A_1319] {strides = array<i32>} : memref<16x1024xf32, #tpu.memory_space<vmem>>, vector<1x16xf32>,
      %parallel_loop3A_1321 = vector.shape_cast %parallel_loop3A_1320 : vector<1x16xf32> to vector<16xf32>
      %parallel_loop3A_1322 = vector.shape_cast %parallel_loop3A_1317 : vector<16xf32> to vector<1x16xf32>
      tpu.vector_store %arg8[%parallel_loop3A_1318, %parallel_loop3A_1319], %parallel_loop3A_1322 {strides = array<i32>} : memref<16x1024xf32, #tpu.memory_space<vmem>>, vector<1x16xf32>,
    } {sc.loop_unroll_factor = 8 : i64, sc.parallel_access}
    %dma_wait3A_1163 = arith.constant 2 : i32
    %dma_wait3A_1164 = arith.constant 0 : i32
    %dma_wait3A_1165 = tpu.memref_slice %arg6[%dma_wait3A_1163, %add3A_1109, %dma_wait3A_1164] : memref<4x4096x1024xf32, #tpu.memory_space<hbm>> -> memref<1x16x1024xf32, #tpu.memory_space<hbm>>
    %dma_wait3A_1166 = tpu.memref_squeeze %dma_wait3A_1165 : memref<1x16x1024xf32, #tpu.memory_space<hbm>> -> memref<16x1024xf32, #tpu.memory_space<hbm>>
    %dma_wait3A_1167 = arith.constant 0 : i32
    %dma_wait3A_1168 = tpu.memref_slice %arg6[%dma_wait3A_1163, %add3A_1109, %dma_wait3A_1167] : memref<4x4096x1024xf32, #tpu.memory_space<hbm>> -> memref<1x16x1024xf32, #tpu.memory_space<hbm>>
    %dma_wait3A_1169 = tpu.memref_squeeze %dma_wait3A_1168 : memref<1x16x1024xf32, #tpu.memory_space<hbm>> -> memref<16x1024xf32, #tpu.memory_space<hbm>>
    tpu.wait_dma2 semaphore(%arg21 : memref<!tpu.dma_semaphore, #tpu.memory_space<semaphore_mem>>) src(%arg12 : memref<16x1024xf32, #tpu.memory_space<vmem>>) dst(%dma_wait3A_1169 : memref<16x1024xf32, #tpu.memory_space<hbm>>)
    %add3A_1170 = arith.constant 112 : i32
    %add3A_1171 = arith.addi %mul3A_2, %add3A_1170 : i32
    %dma_start3A_1172 = arith.constant 2 : i32
    %dma_start3A_1173 = arith.constant 0 : i32
    %dma_start3A_1174 = tpu.memref_slice %arg2[%dma_start3A_1172, %add3A_1171, %dma_start3A_1173] : memref<4x4096x1024xf32, #tpu.memory_space<hbm>> -> memref<1x16x1024xf32, #tpu.memory_space<hbm>>
    %dma_start3A_1175 = tpu.memref_squeeze %dma_start3A_1174 : memref<1x16x1024xf32, #tpu.memory_space<hbm>> -> memref<16x1024xf32, #tpu.memory_space<hbm>>
    %dma_start3A_1176 = arith.constant 0 : i32
    %dma_start3A_1177 = tpu.memref_slice %arg2[%dma_start3A_1172, %add3A_1171, %dma_start3A_1176] : memref<4x4096x1024xf32, #tpu.memory_space<hbm>> -> memref<1x16x1024xf32, #tpu.memory_space<hbm>>
    %dma_start3A_1178 = tpu.memref_squeeze %dma_start3A_1177 : memref<1x16x1024xf32, #tpu.memory_space<hbm>> -> memref<16x1024xf32, #tpu.memory_space<hbm>>
    tpu.enqueue_dma source(%dma_start3A_1178 : memref<16x1024xf32, #tpu.memory_space<hbm>>) target(%arg12 : memref<16x1024xf32, #tpu.memory_space<vmem>>) target_semaphore(%arg17 : memref<!tpu.dma_semaphore, #tpu.memory_space<semaphore_mem>>)
    %dma_wait3A_1179 = arith.constant 0 : i32
    %dma_wait3A_1180 = arith.constant 0 : i32
    %dma_wait3A_1181 = tpu.memref_slice %arg2[%dma_wait3A_1179, %add3A_1090, %dma_wait3A_1180] : memref<4x4096x1024xf32, #tpu.memory_space<hbm>> -> memref<1x16x1024xf32, #tpu.memory_space<hbm>>
    %dma_wait3A_1182 = tpu.memref_squeeze %dma_wait3A_1181 : memref<1x16x1024xf32, #tpu.memory_space<hbm>> -> memref<16x1024xf32, #tpu.memory_space<hbm>>
    %dma_wait3A_1183 = arith.constant 0 : i32
    %dma_wait3A_1184 = tpu.memref_slice %arg2[%dma_wait3A_1179, %add3A_1090, %dma_wait3A_1183] : memref<4x4096x1024xf32, #tpu.memory_space<hbm>> -> memref<1x16x1024xf32, #tpu.memory_space<hbm>>
    %dma_wait3A_1185 = tpu.memref_squeeze %dma_wait3A_1184 : memref<1x16x1024xf32, #tpu.memory_space<hbm>> -> memref<16x1024xf32, #tpu.memory_space<hbm>>
    tpu.wait_dma2 semaphore(%arg15 : memref<!tpu.dma_semaphore, #tpu.memory_space<semaphore_mem>>) src(%dma_wait3A_1185 : memref<16x1024xf32, #tpu.memory_space<hbm>>) dst(%arg10 : memref<16x1024xf32, #tpu.memory_space<vmem>>)
    %parallel_loop3A_1186 = arith.constant 0 : i32
    %parallel_loop3A_1187 = arith.constant 1024 : i32
    %parallel_loop3A_1188 = arith.constant 1 : i32
    scf.for %parallel_loop3A_1299 = %parallel_loop3A_1186 to %parallel_loop3A_1187 step %parallel_loop3A_1188  : i32 {
      %parallel_loop3A_1300 = arith.constant 6 : i32
      %parallel_loop3A_1301 = arith.shrsi %parallel_loop3A_1299, %parallel_loop3A_1300 : i32
      %parallel_loop3A_1302 = arith.constant 63 : i32
      %parallel_loop3A_1303 = arith.andi %parallel_loop3A_1299, %parallel_loop3A_1302 : i32
      %parallel_loop3A_1304 = arith.constant 4 : i32
      %parallel_loop3A_1305 = arith.shli %parallel_loop3A_1303, %parallel_loop3A_1304 : i32
      %parallel_loop3A_1306 = tpu.assume_multiple %parallel_loop3A_1305, 16 : i32
      %parallel_loop3A_1307 = arith.index_cast %parallel_loop3A_1301 : i32 to index
      %parallel_loop3A_1308 = arith.index_cast %parallel_loop3A_1306 : i32 to index
      %parallel_loop3A_1309 = tpu.vector_load %arg8[%parallel_loop3A_1307, %parallel_loop3A_1308] {strides = array<i32>} : memref<16x1024xf32, #tpu.memory_space<vmem>>, vector<1x16xf32>,
      %parallel_loop3A_1310 = vector.shape_cast %parallel_loop3A_1309 : vector<1x16xf32> to vector<16xf32>
      %parallel_loop3A_1311 = arith.index_cast %parallel_loop3A_1301 : i32 to index
      %parallel_loop3A_1312 = arith.index_cast %parallel_loop3A_1306 : i32 to index
      %parallel_loop3A_1313 = tpu.vector_load %arg10[%parallel_loop3A_1311, %parallel_loop3A_1312] {strides = array<i32>} : memref<16x1024xf32, #tpu.memory_space<vmem>>, vector<1x16xf32>,
      %parallel_loop3A_1314 = vector.shape_cast %parallel_loop3A_1313 : vector<1x16xf32> to vector<16xf32>
      %parallel_loop3A_1315 = vector.shape_cast %parallel_loop3A_1310 : vector<16xf32> to vector<1x16xf32>
      tpu.vector_store %arg10[%parallel_loop3A_1311, %parallel_loop3A_1312], %parallel_loop3A_1315 {add = true, strides = array<i32>} : memref<16x1024xf32, #tpu.memory_space<vmem>>, vector<1x16xf32>,
    } {sc.loop_unroll_factor = 8 : i64, sc.parallel_access}
    %add3A_1189 = arith.constant 112 : i32
    %add3A_1190 = arith.addi %mul3A_2, %add3A_1189 : i32
    %dma_start3A_1191 = arith.constant 0 : i32
    %dma_start3A_1192 = arith.constant 0 : i32
    %dma_start3A_1193 = tpu.memref_slice %arg6[%dma_start3A_1191, %add3A_1190, %dma_start3A_1192] : memref<4x4096x1024xf32, #tpu.memory_space<hbm>> -> memref<1x16x1024xf32, #tpu.memory_space<hbm>>
    %dma_start3A_1194 = tpu.memref_squeeze %dma_start3A_1193 : memref<1x16x1024xf32, #tpu.memory_space<hbm>> -> memref<16x1024xf32, #tpu.memory_space<hbm>>
    %dma_start3A_1195 = arith.constant 0 : i32
    %dma_start3A_1196 = tpu.memref_slice %arg6[%dma_start3A_1191, %add3A_1190, %dma_start3A_1195] : memref<4x4096x1024xf32, #tpu.memory_space<hbm>> -> memref<1x16x1024xf32, #tpu.memory_space<hbm>>
    %dma_start3A_1197 = tpu.memref_squeeze %dma_start3A_1196 : memref<1x16x1024xf32, #tpu.memory_space<hbm>> -> memref<16x1024xf32, #tpu.memory_space<hbm>>
    tpu.enqueue_dma source(%arg10 : memref<16x1024xf32, #tpu.memory_space<vmem>>) target(%dma_start3A_1197 : memref<16x1024xf32, #tpu.memory_space<hbm>>) target_semaphore(%arg19 : memref<!tpu.dma_semaphore, #tpu.memory_space<semaphore_mem>>)
    %dma_wait3A_1198 = arith.constant 3 : i32
    %dma_wait3A_1199 = arith.constant 0 : i32
    %dma_wait3A_1200 = tpu.memref_slice %arg6[%dma_wait3A_1198, %add3A_1144, %dma_wait3A_1199] : memref<4x4096x1024xf32, #tpu.memory_space<hbm>> -> memref<1x16x1024xf32, #tpu.memory_space<hbm>>
    %dma_wait3A_1201 = tpu.memref_squeeze %dma_wait3A_1200 : memref<1x16x1024xf32, #tpu.memory_space<hbm>> -> memref<16x1024xf32, #tpu.memory_space<hbm>>
    %dma_wait3A_1202 = arith.constant 0 : i32
    %dma_wait3A_1203 = tpu.memref_slice %arg6[%dma_wait3A_1198, %add3A_1144, %dma_wait3A_1202] : memref<4x4096x1024xf32, #tpu.memory_space<hbm>> -> memref<1x16x1024xf32, #tpu.memory_space<hbm>>
    %dma_wait3A_1204 = tpu.memref_squeeze %dma_wait3A_1203 : memref<1x16x1024xf32, #tpu.memory_space<hbm>> -> memref<16x1024xf32, #tpu.memory_space<hbm>>
    tpu.wait_dma2 semaphore(%arg22 : memref<!tpu.dma_semaphore, #tpu.memory_space<semaphore_mem>>) src(%arg13 : memref<16x1024xf32, #tpu.memory_space<vmem>>) dst(%dma_wait3A_1204 : memref<16x1024xf32, #tpu.memory_space<hbm>>)
    %add3A_1205 = arith.constant 112 : i32
    %add3A_1206 = arith.addi %mul3A_2, %add3A_1205 : i32
    %dma_start3A_1207 = arith.constant 3 : i32
    %dma_start3A_1208 = arith.constant 0 : i32
    %dma_start3A_1209 = tpu.memref_slice %arg2[%dma_start3A_1207, %add3A_1206, %dma_start3A_1208] : memref<4x4096x1024xf32, #tpu.memory_space<hbm>> -> memref<1x16x1024xf32, #tpu.memory_space<hbm>>
    %dma_start3A_1210 = tpu.memref_squeeze %dma_start3A_1209 : memref<1x16x1024xf32, #tpu.memory_space<hbm>> -> memref<16x1024xf32, #tpu.memory_space<hbm>>
    %dma_start3A_1211 = arith.constant 0 : i32
    %dma_start3A_1212 = tpu.memref_slice %arg2[%dma_start3A_1207, %add3A_1206, %dma_start3A_1211] : memref<4x4096x1024xf32, #tpu.memory_space<hbm>> -> memref<1x16x1024xf32, #tpu.memory_space<hbm>>
    %dma_start3A_1213 = tpu.memref_squeeze %dma_start3A_1212 : memref<1x16x1024xf32, #tpu.memory_space<hbm>> -> memref<16x1024xf32, #tpu.memory_space<hbm>>
    tpu.enqueue_dma source(%dma_start3A_1213 : memref<16x1024xf32, #tpu.memory_space<hbm>>) target(%arg13 : memref<16x1024xf32, #tpu.memory_space<vmem>>) target_semaphore(%arg18 : memref<!tpu.dma_semaphore, #tpu.memory_space<semaphore_mem>>)
    %dma_wait3A_1214 = arith.constant 1 : i32
    %dma_wait3A_1215 = arith.constant 0 : i32
    %dma_wait3A_1216 = tpu.memref_slice %arg2[%dma_wait3A_1214, %add3A_1125, %dma_wait3A_1215] : memref<4x4096x1024xf32, #tpu.memory_space<hbm>> -> memref<1x16x1024xf32, #tpu.memory_space<hbm>>
    %dma_wait3A_1217 = tpu.memref_squeeze %dma_wait3A_1216 : memref<1x16x1024xf32, #tpu.memory_space<hbm>> -> memref<16x1024xf32, #tpu.memory_space<hbm>>
    %dma_wait3A_1218 = arith.constant 0 : i32
    %dma_wait3A_1219 = tpu.memref_slice %arg2[%dma_wait3A_1214, %add3A_1125, %dma_wait3A_1218] : memref<4x4096x1024xf32, #tpu.memory_space<hbm>> -> memref<1x16x1024xf32, #tpu.memory_space<hbm>>
    %dma_wait3A_1220 = tpu.memref_squeeze %dma_wait3A_1219 : memref<1x16x1024xf32, #tpu.memory_space<hbm>> -> memref<16x1024xf32, #tpu.memory_space<hbm>>
    tpu.wait_dma2 semaphore(%arg16 : memref<!tpu.dma_semaphore, #tpu.memory_space<semaphore_mem>>) src(%dma_wait3A_1220 : memref<16x1024xf32, #tpu.memory_space<hbm>>) dst(%arg11 : memref<16x1024xf32, #tpu.memory_space<vmem>>)
    %parallel_loop3A_1221 = arith.constant 0 : i32
    %parallel_loop3A_1222 = arith.constant 1024 : i32
    %parallel_loop3A_1223 = arith.constant 1 : i32
    scf.for %parallel_loop3A_1299 = %parallel_loop3A_1221 to %parallel_loop3A_1222 step %parallel_loop3A_1223  : i32 {
      %parallel_loop3A_1300 = arith.constant 6 : i32
      %parallel_loop3A_1301 = arith.shrsi %parallel_loop3A_1299, %parallel_loop3A_1300 : i32
      %parallel_loop3A_1302 = arith.constant 63 : i32
      %parallel_loop3A_1303 = arith.andi %parallel_loop3A_1299, %parallel_loop3A_1302 : i32
      %parallel_loop3A_1304 = arith.constant 4 : i32
      %parallel_loop3A_1305 = arith.shli %parallel_loop3A_1303, %parallel_loop3A_1304 : i32
      %parallel_loop3A_1306 = tpu.assume_multiple %parallel_loop3A_1305, 16 : i32
      %parallel_loop3A_1307 = arith.index_cast %parallel_loop3A_1301 : i32 to index
      %parallel_loop3A_1308 = arith.index_cast %parallel_loop3A_1306 : i32 to index
      %parallel_loop3A_1309 = tpu.vector_load %arg8[%parallel_loop3A_1307, %parallel_loop3A_1308] {strides = array<i32>} : memref<16x1024xf32, #tpu.memory_space<vmem>>, vector<1x16xf32>,
      %parallel_loop3A_1310 = vector.shape_cast %parallel_loop3A_1309 : vector<1x16xf32> to vector<16xf32>
      %parallel_loop3A_1311 = arith.index_cast %parallel_loop3A_1301 : i32 to index
      %parallel_loop3A_1312 = arith.index_cast %parallel_loop3A_1306 : i32 to index
      %parallel_loop3A_1313 = tpu.vector_load %arg11[%parallel_loop3A_1311, %parallel_loop3A_1312] {strides = array<i32>} : memref<16x1024xf32, #tpu.memory_space<vmem>>, vector<1x16xf32>,
      %parallel_loop3A_1314 = vector.shape_cast %parallel_loop3A_1313 : vector<1x16xf32> to vector<16xf32>
      %parallel_loop3A_1315 = vector.shape_cast %parallel_loop3A_1310 : vector<16xf32> to vector<1x16xf32>
      tpu.vector_store %arg11[%parallel_loop3A_1311, %parallel_loop3A_1312], %parallel_loop3A_1315 {add = true, strides = array<i32>} : memref<16x1024xf32, #tpu.memory_space<vmem>>, vector<1x16xf32>,
    } {sc.loop_unroll_factor = 8 : i64, sc.parallel_access}
    %add3A_1224 = arith.constant 112 : i32
    %add3A_1225 = arith.addi %mul3A_2, %add3A_1224 : i32
    %dma_start3A_1226 = arith.constant 1 : i32
    %dma_start3A_1227 = arith.constant 0 : i32
    %dma_start3A_1228 = tpu.memref_slice %arg6[%dma_start3A_1226, %add3A_1225, %dma_start3A_1227] : memref<4x4096x1024xf32, #tpu.memory_space<hbm>> -> memref<1x16x1024xf32, #tpu.memory_space<hbm>>
    %dma_start3A_1229 = tpu.memref_squeeze %dma_start3A_1228 : memref<1x16x1024xf32, #tpu.memory_space<hbm>> -> memref<16x1024xf32, #tpu.memory_space<hbm>>
    %dma_start3A_1230 = arith.constant 0 : i32
    %dma_start3A_1231 = tpu.memref_slice %arg6[%dma_start3A_1226, %add3A_1225, %dma_start3A_1230] : memref<4x4096x1024xf32, #tpu.memory_space<hbm>> -> memref<1x16x1024xf32, #tpu.memory_space<hbm>>
    %dma_start3A_1232 = tpu.memref_squeeze %dma_start3A_1231 : memref<1x16x1024xf32, #tpu.memory_space<hbm>> -> memref<16x1024xf32, #tpu.memory_space<hbm>>
    tpu.enqueue_dma source(%arg11 : memref<16x1024xf32, #tpu.memory_space<vmem>>) target(%dma_start3A_1232 : memref<16x1024xf32, #tpu.memory_space<hbm>>) target_semaphore(%arg20 : memref<!tpu.dma_semaphore, #tpu.memory_space<semaphore_mem>>)
    %dma_wait3A_1233 = arith.constant 2 : i32
    %dma_wait3A_1234 = arith.constant 0 : i32
    %dma_wait3A_1235 = tpu.memref_slice %arg2[%dma_wait3A_1233, %add3A_1171, %dma_wait3A_1234] : memref<4x4096x1024xf32, #tpu.memory_space<hbm>> -> memref<1x16x1024xf32, #tpu.memory_space<hbm>>
    %dma_wait3A_1236 = tpu.memref_squeeze %dma_wait3A_1235 : memref<1x16x1024xf32, #tpu.memory_space<hbm>> -> memref<16x1024xf32, #tpu.memory_space<hbm>>
    %dma_wait3A_1237 = arith.constant 0 : i32
    %dma_wait3A_1238 = tpu.memref_slice %arg2[%dma_wait3A_1233, %add3A_1171, %dma_wait3A_1237] : memref<4x4096x1024xf32, #tpu.memory_space<hbm>> -> memref<1x16x1024xf32, #tpu.memory_space<hbm>>
    %dma_wait3A_1239 = tpu.memref_squeeze %dma_wait3A_1238 : memref<1x16x1024xf32, #tpu.memory_space<hbm>> -> memref<16x1024xf32, #tpu.memory_space<hbm>>
    tpu.wait_dma2 semaphore(%arg17 : memref<!tpu.dma_semaphore, #tpu.memory_space<semaphore_mem>>) src(%dma_wait3A_1239 : memref<16x1024xf32, #tpu.memory_space<hbm>>) dst(%arg12 : memref<16x1024xf32, #tpu.memory_space<vmem>>)
    %parallel_loop3A_1240 = arith.constant 0 : i32
    %parallel_loop3A_1241 = arith.constant 1024 : i32
    %parallel_loop3A_1242 = arith.constant 1 : i32
    scf.for %parallel_loop3A_1299 = %parallel_loop3A_1240 to %parallel_loop3A_1241 step %parallel_loop3A_1242  : i32 {
      %parallel_loop3A_1300 = arith.constant 6 : i32
      %parallel_loop3A_1301 = arith.shrsi %parallel_loop3A_1299, %parallel_loop3A_1300 : i32
      %parallel_loop3A_1302 = arith.constant 63 : i32
      %parallel_loop3A_1303 = arith.andi %parallel_loop3A_1299, %parallel_loop3A_1302 : i32
      %parallel_loop3A_1304 = arith.constant 4 : i32
      %parallel_loop3A_1305 = arith.shli %parallel_loop3A_1303, %parallel_loop3A_1304 : i32
      %parallel_loop3A_1306 = tpu.assume_multiple %parallel_loop3A_1305, 16 : i32
      %parallel_loop3A_1307 = arith.index_cast %parallel_loop3A_1301 : i32 to index
      %parallel_loop3A_1308 = arith.index_cast %parallel_loop3A_1306 : i32 to index
      %parallel_loop3A_1309 = tpu.vector_load %arg8[%parallel_loop3A_1307, %parallel_loop3A_1308] {strides = array<i32>} : memref<16x1024xf32, #tpu.memory_space<vmem>>, vector<1x16xf32>,
      %parallel_loop3A_1310 = vector.shape_cast %parallel_loop3A_1309 : vector<1x16xf32> to vector<16xf32>
      %parallel_loop3A_1311 = arith.index_cast %parallel_loop3A_1301 : i32 to index
      %parallel_loop3A_1312 = arith.index_cast %parallel_loop3A_1306 : i32 to index
      %parallel_loop3A_1313 = tpu.vector_load %arg12[%parallel_loop3A_1311, %parallel_loop3A_1312] {strides = array<i32>} : memref<16x1024xf32, #tpu.memory_space<vmem>>, vector<1x16xf32>,
      %parallel_loop3A_1314 = vector.shape_cast %parallel_loop3A_1313 : vector<1x16xf32> to vector<16xf32>
      %parallel_loop3A_1315 = vector.shape_cast %parallel_loop3A_1310 : vector<16xf32> to vector<1x16xf32>
      tpu.vector_store %arg12[%parallel_loop3A_1311, %parallel_loop3A_1312], %parallel_loop3A_1315 {add = true, strides = array<i32>} : memref<16x1024xf32, #tpu.memory_space<vmem>>, vector<1x16xf32>,
    } {sc.loop_unroll_factor = 8 : i64, sc.parallel_access}
    %add3A_1243 = arith.constant 112 : i32
    %add3A_1244 = arith.addi %mul3A_2, %add3A_1243 : i32
    %dma_start3A_1245 = arith.constant 2 : i32
    %dma_start3A_1246 = arith.constant 0 : i32
    %dma_start3A_1247 = tpu.memref_slice %arg6[%dma_start3A_1245, %add3A_1244, %dma_start3A_1246] : memref<4x4096x1024xf32, #tpu.memory_space<hbm>> -> memref<1x16x1024xf32, #tpu.memory_space<hbm>>
    %dma_start3A_1248 = tpu.memref_squeeze %dma_start3A_1247 : memref<1x16x1024xf32, #tpu.memory_space<hbm>> -> memref<16x1024xf32, #tpu.memory_space<hbm>>
    %dma_start3A_1249 = arith.constant 0 : i32
    %dma_start3A_1250 = tpu.memref_slice %arg6[%dma_start3A_1245, %add3A_1244, %dma_start3A_1249] : memref<4x4096x1024xf32, #tpu.memory_space<hbm>> -> memref<1x16x1024xf32, #tpu.memory_space<hbm>>
    %dma_start3A_1251 = tpu.memref_squeeze %dma_start3A_1250 : memref<1x16x1024xf32, #tpu.memory_space<hbm>> -> memref<16x1024xf32, #tpu.memory_space<hbm>>
    tpu.enqueue_dma source(%arg12 : memref<16x1024xf32, #tpu.memory_space<vmem>>) target(%dma_start3A_1251 : memref<16x1024xf32, #tpu.memory_space<hbm>>) target_semaphore(%arg21 : memref<!tpu.dma_semaphore, #tpu.memory_space<semaphore_mem>>)
    %dma_wait3A_1252 = arith.constant 3 : i32
    %dma_wait3A_1253 = arith.constant 0 : i32
    %dma_wait3A_1254 = tpu.memref_slice %arg2[%dma_wait3A_1252, %add3A_1206, %dma_wait3A_1253] : memref<4x4096x1024xf32, #tpu.memory_space<hbm>> -> memref<1x16x1024xf32, #tpu.memory_space<hbm>>
    %dma_wait3A_1255 = tpu.memref_squeeze %dma_wait3A_1254 : memref<1x16x1024xf32, #tpu.memory_space<hbm>> -> memref<16x1024xf32, #tpu.memory_space<hbm>>
    %dma_wait3A_1256 = arith.constant 0 : i32
    %dma_wait3A_1257 = tpu.memref_slice %arg2[%dma_wait3A_1252, %add3A_1206, %dma_wait3A_1256] : memref<4x4096x1024xf32, #tpu.memory_space<hbm>> -> memref<1x16x1024xf32, #tpu.memory_space<hbm>>
    %dma_wait3A_1258 = tpu.memref_squeeze %dma_wait3A_1257 : memref<1x16x1024xf32, #tpu.memory_space<hbm>> -> memref<16x1024xf32, #tpu.memory_space<hbm>>
    tpu.wait_dma2 semaphore(%arg18 : memref<!tpu.dma_semaphore, #tpu.memory_space<semaphore_mem>>) src(%dma_wait3A_1258 : memref<16x1024xf32, #tpu.memory_space<hbm>>) dst(%arg13 : memref<16x1024xf32, #tpu.memory_space<vmem>>)
    %parallel_loop3A_1259 = arith.constant 0 : i32
    %parallel_loop3A_1260 = arith.constant 1024 : i32
    %parallel_loop3A_1261 = arith.constant 1 : i32
    scf.for %parallel_loop3A_1299 = %parallel_loop3A_1259 to %parallel_loop3A_1260 step %parallel_loop3A_1261  : i32 {
      %parallel_loop3A_1300 = arith.constant 6 : i32
      %parallel_loop3A_1301 = arith.shrsi %parallel_loop3A_1299, %parallel_loop3A_1300 : i32
      %parallel_loop3A_1302 = arith.constant 63 : i32
      %parallel_loop3A_1303 = arith.andi %parallel_loop3A_1299, %parallel_loop3A_1302 : i32
      %parallel_loop3A_1304 = arith.constant 4 : i32
      %parallel_loop3A_1305 = arith.shli %parallel_loop3A_1303, %parallel_loop3A_1304 : i32
      %parallel_loop3A_1306 = tpu.assume_multiple %parallel_loop3A_1305, 16 : i32
      %parallel_loop3A_1307 = arith.index_cast %parallel_loop3A_1301 : i32 to index
      %parallel_loop3A_1308 = arith.index_cast %parallel_loop3A_1306 : i32 to index
      %parallel_loop3A_1309 = tpu.vector_load %arg8[%parallel_loop3A_1307, %parallel_loop3A_1308] {strides = array<i32>} : memref<16x1024xf32, #tpu.memory_space<vmem>>, vector<1x16xf32>,
      %parallel_loop3A_1310 = vector.shape_cast %parallel_loop3A_1309 : vector<1x16xf32> to vector<16xf32>
      %parallel_loop3A_1311 = arith.index_cast %parallel_loop3A_1301 : i32 to index
      %parallel_loop3A_1312 = arith.index_cast %parallel_loop3A_1306 : i32 to index
      %parallel_loop3A_1313 = tpu.vector_load %arg13[%parallel_loop3A_1311, %parallel_loop3A_1312] {strides = array<i32>} : memref<16x1024xf32, #tpu.memory_space<vmem>>, vector<1x16xf32>,
      %parallel_loop3A_1314 = vector.shape_cast %parallel_loop3A_1313 : vector<1x16xf32> to vector<16xf32>
      %parallel_loop3A_1315 = vector.shape_cast %parallel_loop3A_1310 : vector<16xf32> to vector<1x16xf32>
      tpu.vector_store %arg13[%parallel_loop3A_1311, %parallel_loop3A_1312], %parallel_loop3A_1315 {add = true, strides = array<i32>} : memref<16x1024xf32, #tpu.memory_space<vmem>>, vector<1x16xf32>,
    } {sc.loop_unroll_factor = 8 : i64, sc.parallel_access}
    %add3A_1262 = arith.constant 112 : i32
    %add3A_1263 = arith.addi %mul3A_2, %add3A_1262 : i32
    %dma_start3A_1264 = arith.constant 3 : i32
    %dma_start3A_1265 = arith.constant 0 : i32
    %dma_start3A_1266 = tpu.memref_slice %arg6[%dma_start3A_1264, %add3A_1263, %dma_start3A_1265] : memref<4x4096x1024xf32, #tpu.memory_space<hbm>> -> memref<1x16x1024xf32, #tpu.memory_space<hbm>>
    %dma_start3A_1267 = tpu.memref_squeeze %dma_start3A_1266 : memref<1x16x1024xf32, #tpu.memory_space<hbm>> -> memref<16x1024xf32, #tpu.memory_space<hbm>>
    %dma_start3A_1268 = arith.constant 0 : i32
    %dma_start3A_1269 = tpu.memref_slice %arg6[%dma_start3A_1264, %add3A_1263, %dma_start3A_1268] : memref<4x4096x1024xf32, #tpu.memory_space<hbm>> -> memref<1x16x1024xf32, #tpu.memory_space<hbm>>
    %dma_start3A_1270 = tpu.memref_squeeze %dma_start3A_1269 : memref<1x16x1024xf32, #tpu.memory_space<hbm>> -> memref<16x1024xf32, #tpu.memory_space<hbm>>
    tpu.enqueue_dma source(%arg13 : memref<16x1024xf32, #tpu.memory_space<vmem>>) target(%dma_start3A_1270 : memref<16x1024xf32, #tpu.memory_space<hbm>>) target_semaphore(%arg22 : memref<!tpu.dma_semaphore, #tpu.memory_space<semaphore_mem>>)
    %dma_wait3A_1271 = arith.constant 0 : i32
    %dma_wait3A_1272 = arith.constant 0 : i32
    %dma_wait3A_1273 = tpu.memref_slice %arg6[%dma_wait3A_1271, %add3A_1190, %dma_wait3A_1272] : memref<4x4096x1024xf32, #tpu.memory_space<hbm>> -> memref<1x16x1024xf32, #tpu.memory_space<hbm>>
    %dma_wait3A_1274 = tpu.memref_squeeze %dma_wait3A_1273 : memref<1x16x1024xf32, #tpu.memory_space<hbm>> -> memref<16x1024xf32, #tpu.memory_space<hbm>>
    %dma_wait3A_1275 = arith.constant 0 : i32
    %dma_wait3A_1276 = tpu.memref_slice %arg6[%dma_wait3A_1271, %add3A_1190, %dma_wait3A_1275] : memref<4x4096x1024xf32, #tpu.memory_space<hbm>> -> memref<1x16x1024xf32, #tpu.memory_space<hbm>>
    %dma_wait3A_1277 = tpu.memref_squeeze %dma_wait3A_1276 : memref<1x16x1024xf32, #tpu.memory_space<hbm>> -> memref<16x1024xf32, #tpu.memory_space<hbm>>
    tpu.wait_dma2 semaphore(%arg19 : memref<!tpu.dma_semaphore, #tpu.memory_space<semaphore_mem>>) src(%arg10 : memref<16x1024xf32, #tpu.memory_space<vmem>>) dst(%dma_wait3A_1277 : memref<16x1024xf32, #tpu.memory_space<hbm>>)
    %dma_wait3A_1278 = arith.constant 1 : i32
    %dma_wait3A_1279 = arith.constant 0 : i32
    %dma_wait3A_1280 = tpu.memref_slice %arg6[%dma_wait3A_1278, %add3A_1225, %dma_wait3A_1279] : memref<4x4096x1024xf32, #tpu.memory_space<hbm>> -> memref<1x16x1024xf32, #tpu.memory_space<hbm>>
    %dma_wait3A_1281 = tpu.memref_squeeze %dma_wait3A_1280 : memref<1x16x1024xf32, #tpu.memory_space<hbm>> -> memref<16x1024xf32, #tpu.memory_space<hbm>>
    %dma_wait3A_1282 = arith.constant 0 : i32
    %dma_wait3A_1283 = tpu.memref_slice %arg6[%dma_wait3A_1278, %add3A_1225, %dma_wait3A_1282] : memref<4x4096x1024xf32, #tpu.memory_space<hbm>> -> memref<1x16x1024xf32, #tpu.memory_space<hbm>>
    %dma_wait3A_1284 = tpu.memref_squeeze %dma_wait3A_1283 : memref<1x16x1024xf32, #tpu.memory_space<hbm>> -> memref<16x1024xf32, #tpu.memory_space<hbm>>
    tpu.wait_dma2 semaphore(%arg20 : memref<!tpu.dma_semaphore, #tpu.memory_space<semaphore_mem>>) src(%arg11 : memref<16x1024xf32, #tpu.memory_space<vmem>>) dst(%dma_wait3A_1284 : memref<16x1024xf32, #tpu.memory_space<hbm>>)
    %dma_wait3A_1285 = arith.constant 2 : i32
    %dma_wait3A_1286 = arith.constant 0 : i32
    %dma_wait3A_1287 = tpu.memref_slice %arg6[%dma_wait3A_1285, %add3A_1244, %dma_wait3A_1286] : memref<4x4096x1024xf32, #tpu.memory_space<hbm>> -> memref<1x16x1024xf32, #tpu.memory_space<hbm>>
    %dma_wait3A_1288 = tpu.memref_squeeze %dma_wait3A_1287 : memref<1x16x1024xf32, #tpu.memory_space<hbm>> -> memref<16x1024xf32, #tpu.memory_space<hbm>>
    %dma_wait3A_1289 = arith.constant 0 : i32
    %dma_wait3A_1290 = tpu.memref_slice %arg6[%dma_wait3A_1285, %add3A_1244, %dma_wait3A_1289] : memref<4x4096x1024xf32, #tpu.memory_space<hbm>> -> memref<1x16x1024xf32, #tpu.memory_space<hbm>>
    %dma_wait3A_1291 = tpu.memref_squeeze %dma_wait3A_1290 : memref<1x16x1024xf32, #tpu.memory_space<hbm>> -> memref<16x1024xf32, #tpu.memory_space<hbm>>
    tpu.wait_dma2 semaphore(%arg21 : memref<!tpu.dma_semaphore, #tpu.memory_space<semaphore_mem>>) src(%arg12 : memref<16x1024xf32, #tpu.memory_space<vmem>>) dst(%dma_wait3A_1291 : memref<16x1024xf32, #tpu.memory_space<hbm>>)
    %dma_wait3A_1292 = arith.constant 3 : i32
    %dma_wait3A_1293 = arith.constant 0 : i32
    %dma_wait3A_1294 = tpu.memref_slice %arg6[%dma_wait3A_1292, %add3A_1263, %dma_wait3A_1293] : memref<4x4096x1024xf32, #tpu.memory_space<hbm>> -> memref<1x16x1024xf32, #tpu.memory_space<hbm>>
    %dma_wait3A_1295 = tpu.memref_squeeze %dma_wait3A_1294 : memref<1x16x1024xf32, #tpu.memory_space<hbm>> -> memref<16x1024xf32, #tpu.memory_space<hbm>>
    %dma_wait3A_1296 = arith.constant 0 : i32
    %dma_wait3A_1297 = tpu.memref_slice %arg6[%dma_wait3A_1292, %add3A_1263, %dma_wait3A_1296] : memref<4x4096x1024xf32, #tpu.memory_space<hbm>> -> memref<1x16x1024xf32, #tpu.memory_space<hbm>>
    %dma_wait3A_1298 = tpu.memref_squeeze %dma_wait3A_1297 : memref<1x16x1024xf32, #tpu.memory_space<hbm>> -> memref<16x1024xf32, #tpu.memory_space<hbm>>
    tpu.wait_dma2 semaphore(%arg22 : memref<!tpu.dma_semaphore, #tpu.memory_space<semaphore_mem>>) src(%arg13 : memref<16x1024xf32, #tpu.memory_space<vmem>>) dst(%dma_wait3A_1298 : memref<16x1024xf32, #tpu.memory_space<hbm>>)
    return
  }
}

</mosaic_0001>

<sc_bundles>
// kernel: kernel.3.cloned.1.call-start
scs
__scs_entry_jumppad:
0x0: {  	(pc) =	sbr.rel $0x88, $3  }
0x1: {  	(tag) =	ssettag $0x0;
	lr =	simm.s32 $0x1  }
0x2: {  	[smem:$0x3F9D] =	sst lr;
	_ =	strace $0xD0000000  }
0x3: {  	_ = 	snop  }
0x4: {  	_ = 	snop  }
0x5: {  	_ = 	snop  }
0x6: {  	_ = 	snop  }
0x7: {  	_ = 	snop  }
__scs_overlays_trampoline_lowered:
0x8: {  	[smem:$0x3FAC] =	sst s0  }
0x9: {  	[smem:$0x3FAD] =	sst s1  }
0xa: {  	[smem:$0x3FAE] =	sst s2  }
0xb: {  	[smem:$0x3FAF] =	sst s3  }
0xc: {  	[smem:$0x3FB0] =	sst s4  }
0xd: {  	[smem:$0x3FB1] =	sst s5  }
0xe: {  	[smem:$0x3FB2] =	sst s6  }
0xf: {  	[smem:$0x3FB3] =	sst s7  }
0x10: {  	[smem:$0x3FB4] =	sst s8  }
0x11: {  	[smem:$0x3FB5] =	sst s9;
	s0 =	simm.s32 @!p0 $0x0  }
0x12: {  	s1 =	sld [smem:$0x3F9B];
	s0 =	simm.s32 @p0 $0x1  }
0x13: {  	[smem:$0x3FB6] =	sst s0;
	s0 =	simm.s32 @!p1 $0x0  }
0x14: {  	s2 =	sld [smem:$0x3F9A];
	s0 =	simm.s32 @p1 $0x1  }
0x15: {  	[smem:$0x3FB7] =	sst s0;
	s0 =	simm.s32 @!p2 $0x0  }
0x16: {  	s3 =	sld [smem:$0x3FDB];
	s0 =	simm.s32 @p2 $0x1  }
0x17: {  	s4 =	simm.s32 $0x1BF5;
	[smem:$0x3FB9] =	sst s0  }
0x18: {  	s0 =	sld [smem:$0x3F9C];
	_ =	swait.ge [sflag:s4], $0x0  }
0x19: {  	s7 =	sld [smem:$0x3F9D]  }
0x1a: {  	s8 =	sadd.s32 $0xFFFFE003, lr  }
0x1b: {  	s9 =	sadd.s32 $0xFFFFFEF7, lr;
	s5 =	simm.s32 $0xFFFFFFFF;
	p2 =	slt.u32 s8, $0xFFFFF086  }
0x1c: {  	p1 =	slt.u32 s9, $0xF7A;
	s5 =	simm.s32 @!p2 $0x0  }
0x1d: {  	s5 =	simm.s32 @p1 $0x1;
	p0 =	seq.s32 s7, s2  }
0x1e: {  	s7 =	smul.u32 @!p0 $0xF7A, s2;
	p2 =	seq.s32 @!p0 s5, $0x0  }
0x1f: {  	s9 =	smul.u32 $0xF7A, s1;
	s8 =	simm.s32 @!p0 $0x1BF5;
	p2 =	por !p2, p0  }
0x20: {  	[sflag:s8] =	ssyncset.s32 @!p0 $0xFFFFF086;
	s6 =	sadd.s32 @!p0 s3, s7;
	s7 =	simm.s32 @!p0 $0x108  }
0x21: {  	s3 =	sadd.s32 s3, s9;
	s6 =	sadd.s32 @!p0 $0x88, s6;
	s7 =	simm.s32 @p2 $0x1082  }
0x22: {  	[simem:s7], [sflag:s8] =	dma.local @!p0 [hbm:s6], $0xF7A  }
0x23: {  	s9 =	sor.u32 $0xD0000000, s2;
	s6 =	simm.s32 $0x108;
	_ =	swait.ge @!p0 [sflag:s8], $0x0  }
0x24: {  	s3 =	sadd.s32 $0x88, s3;
	s6 =	simm.s32 @!p1 $0x1082;
	[sflag:s4] =	ssyncset.s32 $0xFFFFF086  }
0x25: {  	[simem:s6], [sflag:s4] =	dma.local [hbm:s3], $0xF7A  }
0x26: {  	[smem:$0x3F9D] =	sst s1;
	(tag) =	ssettag s2;
	_ =	strace s9  }
0x27: {  	s1 =	sld [smem:$0x3FAD]  }
0x28: {  	s2 =	sld [smem:$0x3FAE]  }
0x29: {  	s4 =	sld [smem:$0x3FB0]  }
0x2a: {  	p0 =	seq.s32 s5, $0x0;
	s5 =	sld [smem:$0x3FB1]  }
0x2b: {  	s6 =	sld [smem:$0x3FB2]  }
0x2c: {  	s7 =	sld [smem:$0x3FB3]  }
0x2d: {  	s3 =	simm.s32 $0x108;
	s8 =	sld [smem:$0x3FB4]  }
0x2e: {  	s3 =	simm.s32 @!p0 $0x1082;
	s9 =	sld [smem:$0x3FB5]  }
0x2f: {  	lr =	sadd.s32 s0, s3;
	s0 =	sld [smem:$0x3FAC]  }
0x30: {  	s3 =	sld [smem:$0x3FAF]  }
0x31: {  	[smem:$0x3FB8] =	sst s10  }
0x32: {  	s10 =	sld [smem:$0x3FB6];
	_ =	sdelay $0x3  }
0x33: {  	p0 =	seq.s32 s10, $0x1;
	s10 =	sld [smem:$0x3FB8];
	_ =	sdelay $0x3  }
0x34: {  	[smem:$0x3FB8] =	sst s10  }
0x35: {  	s10 =	sld [smem:$0x3FB7];
	_ =	sdelay $0x3  }
0x36: {  	p1 =	seq.s32 s10, $0x1;
	s10 =	sld [smem:$0x3FB8];
	_ =	sdelay $0x3  }
0x37: {  	[smem:$0x3FB8] =	sst s10  }
0x38: {  	s10 =	sld [smem:$0x3FB9]  }
0x39: {  	_ = 	snop;
	(pc) =	sbr.ind lr, $3  }
0x3a: {  	_ = 	snop  }
0x3b: {  	_ = 	snop  }
0x3c: {  	p2 =	seq.s32 s10, $0x1;
	s10 =	sld [smem:$0x3FB8]  }
0x3d: {  	_ =	shalt  }
0x3e: {  	_ =	shalt  }
0x3f: {  	_ =	shalt  }
0x40: {  	_ =	shalt  }
0x41: {  	_ =	shalt  }
0x42: {  	_ =	shalt  }
0x43: {  	_ =	shalt  }
0x44: {  	_ =	shalt  }
0x45: {  	_ =	shalt  }
0x46: {  	_ =	shalt  }
0x47: {  	_ =	shalt  }
0x48: {  	_ =	shalt  }
0x49: {  	_ =	shalt  }
0x4a: {  	_ =	shalt  }
0x4b: {  	_ =	shalt  }
0x4c: {  	_ =	shalt  }
0x4d: {  	_ =	shalt  }
0x4e: {  	_ =	shalt  }
0x4f: {  	_ =	shalt  }
0x50: {  	_ =	shalt  }
0x51: {  	_ =	shalt  }
0x52: {  	_ =	shalt  }
0x53: {  	_ =	shalt  }
0x54: {  	_ =	shalt  }
0x55: {  	_ =	shalt  }
0x56: {  	_ =	shalt  }
0x57: {  	_ =	shalt  }
0x58: {  	_ =	shalt  }
0x59: {  	_ =	shalt  }
0x5a: {  	_ =	shalt  }
0x5b: {  	_ =	shalt  }
0x5c: {  	_ =	shalt  }
0x5d: {  	_ =	shalt  }
0x5e: {  	_ =	shalt  }
0x5f: {  	_ =	shalt  }
0x60: {  	_ =	shalt  }
0x61: {  	_ =	shalt  }
0x62: {  	_ =	shalt  }
0x63: {  	_ =	shalt  }
0x64: {  	_ =	shalt  }
0x65: {  	_ =	shalt  }
0x66: {  	_ =	shalt  }
0x67: {  	_ =	shalt  }
0x68: {  	_ =	shalt  }
0x69: {  	_ =	shalt  }
0x6a: {  	_ =	shalt  }
0x6b: {  	_ =	shalt  }
0x6c: {  	_ =	shalt  }
0x6d: {  	_ =	shalt  }
0x6e: {  	_ =	shalt  }
0x6f: {  	_ =	shalt  }
0x70: {  	_ =	shalt  }
0x71: {  	_ =	shalt  }
0x72: {  	_ =	shalt  }
0x73: {  	_ =	shalt  }
0x74: {  	_ =	shalt  }
0x75: {  	_ =	shalt  }
0x76: {  	_ =	shalt  }
0x77: {  	_ =	shalt  }
0x78: {  	_ =	shalt  }
0x79: {  	_ =	shalt  }
0x7a: {  	_ =	shalt  }
0x7b: {  	_ =	shalt  }
0x7c: {  	_ =	shalt  }
0x7d: {  	_ =	shalt  }
0x7e: {  	_ =	shalt  }
0x7f: {  	_ =	shalt  }
0x80: {  	_ =	shalt  }
0x81: {  	_ =	shalt  }
0x82: {  	_ =	shalt  }
0x83: {  	_ =	shalt  }
0x84: {  	_ =	shalt  }
0x85: {  	_ =	shalt  }
0x86: {  	_ =	shalt  }
0x87: {  	_ =	shalt  }
.Lfunc_end0:
.L_simem_size_0:
called_computation_lowered:
.L_overlay_start_0:
0x88: {  	s2 =	sld [smem:$0x3FD9]  }
0x89: {  	s3 =	sld [smem:$0x3FFE];
	_ =	sdelay $0x1  }
0x8a: {  	s1 =	srdreg.scid  }
0x8b: {  	s0 =	sand.u32 $0x1, s1  }
0x8c: {  	s17 =	sshll.u32 s0, $0xA;
	s2 =	sadd.s32 s3, s2  }
0x8d: {  	s2 =	sadd.s32 s2, s17  }
0x8e: {  	[smem:$0x3FC4] =	sst s2  }
0x8f: {  	_ = 	snop  }
0x90: {  	s2 =	sld [smem:$0x3FC9]  }
0x91: {  	s18 =	sld [smem:$0x3FC8]  }
0x92: {  	s4 =	sld [smem:$0x3FC6]  }
0x93: {  	s5 =	sld [smem:$0x3FD0];
	(tm) =	ssettm $0x1  }
0x94: {  	s6 =	sld [smem:$0x3FFB];
	_ =	sdelay $0x3  }
0x95: {  	_ =	strace s6  }
0x96: {  	s6 =	sld [smem:$0x3FFC];
	_ =	sdelay $0x3  }
0x97: {  	_ =	strace s6  }
0x98: {  	s6 =	sld [smem:$0x3FFD];
	_ =	sdelay $0x3  }
0x99: {  	_ =	strace s6  }
0x9a: {  	_ =	strace $0x8FFFFFFF  }
0x9b: {  	s19 =	sld [smem:$0x3FDB];
	_ =	sdelay $0x1  }
0x9c: {  	s7 =	simm.s32 $_scs_section_size  }
0x9d: {  	s8 =	simm.s32 $_size__tile_overlayer_lowered;
	s9 =	simm.s32 $_tile_overlayer_lowered  }
0x9e: {  	s22 =	simm.s32 $0x1BFF;
	s21 =	sshll.u32 s9, $0x1;
	s6 =	sadd.s32 s7, s19  }
0x9f: {  	s10 =	simm.s32 $0x0;
	s20 =	sshll.u32 s8, $0x1;
	s8 =	sadd.s32 s21, s6  }
0xa0: {  	[timem:s10], [sflag:s22] =	dma.local [hbm:s8], s20  }
0xa1: {  	_ =	swait.ge [sflag:s22], s20  }
0xa2: {  	s7 =	ssub.s32 $0x0, s20;
	[sflag:s22] =	ssyncset.done $0x0  }
0xa3: {  	[sflag:s22] =	ssyncadd.s32 s7;
	_ =	sdelay $0x1  }
0xa4: {  	s23 =	simm.s32 $0x1B8B  }
0xa5: {  	_ =	swait.ge [sflag:s23], $0x1  }
0xa6: {  	[sflag:s23] =	ssyncset.done $0x0  }
0xa7: {  	s25 =	simm.s32 $0x1B8E;
	s24 =	sld [smem:$0x3FFE];
	[sflag:s23] =	ssyncadd.s32 $0xFFFFFFFF  }
0xa8: {  	s26 =	simm.s32 $execute0_lowered;
	[smem:$0x3FD2] =	sst s25  }
0xa9: {  	s8 =	sshll.u32 s26, $0x1;
	_ =	strace $0x80000046;
	[dreg:$0x1] =	wrdreg $0xFFFFFFFF  }
0xaa: {  	s28 =	simm.s32 $_size_execute0_lowered;
	s6 =	sadd.s32 s6, s8;
	[dreg:$0x0] =	wrdreg $0x0  }
0xab: {  	s8 =	sshll.u32 s28, $0x1;
	[dreg:$0x2] =	wrdreg s6  }
0xac: {  	[dreg:$0x3] =	wrdreg s8  }
0xad: {  	[dreg:$0x4] =	wrdreg $0xC0  }
0xae: {  	_ =	task [dreg:s10], $0x5FFFF  }
0xaf: {  	[dreg:$0x1] =	wrdreg $0xFFFFFFFF  }
0xb0: {  	[dreg:$0x0] =	wrdreg $0x60  }
0xb1: {  	[dreg:$0x2] =	wrdreg s2  }
0xb2: {  	[dreg:$0x3] =	wrdreg s18  }
0xb3: {  	[dreg:$0x4] =	wrdreg s24  }
0xb4: {  	[dreg:$0x5] =	wrdreg s4  }
0xb5: {  	[dreg:$0x6] =	wrdreg s5  }
0xb6: {  	[dreg:$0x7] =	wrdreg $0x9  }
0xb7: {  	_ =	task.clear_ibuf [dreg:s10], $0x8FFFF;
	_ =	strace $0x90000046  }
0xb8: {  	s29 =	simm.s32 $0x9;
	_ =	strace $0x80000048  }
0xb9: {  	_ =	swait.ge [sflag:s29], $0x1  }
0xba: {  	[sflag:s29] =	ssyncadd.s32 $0xFFFFFFFF  }
0xbb: {  	_ =	strace $0x90000048  }
0xbc: {  	_ =	sfence  }
0xbd: {  	s30 =	sld [smem:$0x0];
	_ =	sdelay $0x2  }
0xbe: {  	s31 =	sshll.u32 s1, $0xD;
	s1 =	sshrl.u32 s1, $0x2  }
0xbf: {  	s3 =	sand.u32 $0x4000, s31;
	s1 =	sadd.s32 s1, s30  }
0xc0: {  	s0 =	sor.u32 s3, s0;
	s1 =	sshll.u32 s1, $0x11  }
0xc1: {  	s0 =	sor.u32 s1, s0  }
0xc2: {  	s0 =	sadd.s32 $0x8F2B, s0  }
0xc3: {  	[sflag:s0] =	ssyncadd.remote.s32 $0x1  }
0xc4: {  	_ =	sfence.sel $0xFFFF  }
0xc5: {  	[dreg:$0x0] =	wrdreg $0xFFFFFFFF;
	(pc) =	sbr.abs _section_cstart, $3  }
0xc6: {  	[dreg:$0x1] =	wrdreg $0xFFFFFFFF  }
0xc7: {  	_ =	task.clear_ibuf [dreg:s10], $0x2FFFF;
	_ =	strace $0x9FFFFFFF  }
0xc8: {  	(tm) =	ssettm $0x7FFFFFFF  }
0xc9: {  	_ =	shalt  }
tec
execute0_lowered:
.L_overlay_start_1:
0x0: {  	(tag) =	ssettag $0x1  }
0x1: {  	s1 =	srdreg.scid  }
0x2: {  	s0 =	rddreg [dreg:$0x0];
	s4 =	stileid.u32;
	s3 =	sand.u32 $0x1, s1  }
0x3: {  	s6 =	rddreg [dreg:$0x1];
	s4 =	sshll.u32 s4, $0xF;
	s7 =	sshll.u32 s3, $0xE  }
0x4: {  	s5 =	rddreg [dreg:$0x3];
	s4 =	sor.u32 s7, s4  }
0x5: {  	s2 =	rddreg [dreg:$0x4];
	s1 =	simm.s32 $0x0;
	s8 =	sor.u32 $0x80000, s4  }
0x6: {  	[smem:$0x7FF] =	sst s1;
	s15 =	sor.u32 $0x800, s4;
	s14 =	sadd.s32 s0, s8  }
0x7: {  	s9 =	sadd.s32 s6, s15;
	[dreg:$0x6] =	wrdreg s14  }
0x8: {  	s16 =	sor.u32 $0x100000, s4;
	s11 =	sadd.s32 s5, s15;
	[dreg:$0x7] =	wrdreg s9  }
0x9: {  	s10 =	sor.u32 $0x180000, s4;
	s17 =	sadd.s32 s0, s16;
	[dreg:$0x8] =	wrdreg s11  }
0xa: {  	s18 =	sadd.s32 s0, s10;
	[dreg:$0x9] =	wrdreg s17  }
0xb: {  	s8 =	sadd.s32 s2, s8;
	[dreg:$0xa] =	wrdreg s18  }
0xc: {  	s20 =	sor.u32 $0x80800, s4;
	s19 =	sadd.s32 s0, s15;
	[dreg:$0xb] =	wrdreg s8  }
0xd: {  	s21 =	sadd.s32 s0, s20;
	[dreg:$0xc] =	wrdreg s19  }
0xe: {  	s22 =	sor.u32 $0x1000, s4;
	s10 =	sadd.s32 s2, s10;
	[dreg:$0xe] =	wrdreg s21  }
0xf: {  	s24 =	sor.u32 $0x100800, s4;
	s23 =	sadd.s32 s6, s22;
	[dreg:$0xf] =	wrdreg s10  }
0x10: {  	s3 =	ssub.s32 $0x2, s3;
	s25 =	sadd.s32 s0, s24;
	[dreg:$0x10] =	wrdreg s23  }
0x11: {  	s26 =	sor.u32 $0x180800, s4;
	s7 =	sadd.s32 s2, s15;
	[dreg:$0x11] =	wrdreg s25  }
0x12: {  	s13 =	sshrl.u32 s3, $0x1;
	s12 =	sadd.s32 s0, s26;
	[dreg:$0x12] =	wrdreg s7  }
0x13: {  	s3 =	ssub.s32 s3, s13;
	s13 =	sadd.s32 s2, s24;
	[dreg:$0x13] =	wrdreg s12  }
0x14: {  	s15 =	sadd.s32 s0, s22;
	[dreg:$0x15] =	wrdreg s13  }
0x15: {  	s9 =	sadd.s32 s2, s16;
	[dreg:$0x18] =	wrdreg s15  }
0x16: {  	s8 =	sadd.s32 s2, s20;
	[dreg:$0xd] =	wrdreg s9  }
0x17: {  	s7 =	sadd.s32 s2, s26;
	[dreg:$0x14] =	wrdreg s8  }
0x18: {  	s14 =	sadd.s32 s5, s22;
	[dreg:$0x16] =	wrdreg s7  }
0x19: {  	s16 =	sadd.s32 s2, s22;
	s17 =	sor.u32 $0x81000, s4;
	[dreg:$0x17] =	wrdreg s14  }
0x1a: {  	[dreg:$0x19] =	wrdreg s16;
	s19 =	sadd.s32 s0, s17  }
0x1b: {  	s18 =	sor.u32 $0x101000, s4;
	s7 =	sadd.s32 s2, s17;
	[dreg:$0x1a] =	wrdreg s19  }
0x1c: {  	s20 =	sadd.s32 s0, s18;
	[dreg:$0x1b] =	wrdreg s7  }
0x1d: {  	s23 =	sor.u32 $0x181000, s4;
	s21 =	sadd.s32 s2, s18;
	[dreg:$0x1c] =	wrdreg s20  }
0x1e: {  	s24 =	sadd.s32 s0, s23;
	[dreg:$0x1d] =	wrdreg s21  }
0x1f: {  	s22 =	sor.u32 $0x1800, s4;
	s8 =	sadd.s32 s2, s23;
	[dreg:$0x1e] =	wrdreg s24  }
0x20: {  	s25 =	sadd.s32 s6, s22;
	[dreg:$0x1f] =	wrdreg s8  }
0x21: {  	s26 =	sadd.s32 s5, s22;
	[smem:$0x7C7] =	sst s25  }
0x22: {  	s10 =	sor.u32 $0x81800, s4;
	s9 =	sadd.s32 s0, s22;
	[smem:$0x7C8] =	sst s26  }
0x23: {  	s12 =	sor.u32 $0x101800, s4;
	s11 =	sadd.s32 s0, s10;
	[smem:$0x7C9] =	sst s9  }
0x24: {  	s15 =	sor.u32 $0x2000, s4;
	s13 =	sadd.s32 s0, s12;
	[smem:$0x7CB] =	sst s11  }
0x25: {  	s17 =	sadd.s32 s6, s15;
	[smem:$0x7CD] =	sst s13  }
0x26: {  	s18 =	sadd.s32 s5, s15;
	[smem:$0x7D1] =	sst s17  }
0x27: {  	s7 =	sadd.s32 s2, s22;
	[smem:$0x7D2] =	sst s18  }
0x28: {  	s14 =	sor.u32 $0x181800, s4;
	s8 =	sadd.s32 s2, s10;
	[smem:$0x7CA] =	sst s7  }
0x29: {  	s16 =	sadd.s32 s0, s14;
	[smem:$0x7CC] =	sst s8  }
0x2a: {  	s19 =	sadd.s32 s0, s15;
	[smem:$0x7CF] =	sst s16  }
0x2b: {  	s7 =	sadd.s32 s2, s12;
	[smem:$0x7D3] =	sst s19  }
0x2c: {  	s20 =	sor.u32 $0x82000, s4;
	s8 =	sadd.s32 s2, s14;
	[smem:$0x7CE] =	sst s7  }
0x2d: {  	s22 =	sor.u32 $0x102000, s4;
	s21 =	sadd.s32 s0, s20;
	[smem:$0x7D0] =	sst s8  }
0x2e: {  	s24 =	sor.u32 $0x182000, s4;
	s23 =	sadd.s32 s0, s22;
	[smem:$0x7D5] =	sst s21  }
0x2f: {  	s26 =	sor.u32 $0x2800, s4;
	s25 =	sadd.s32 s0, s24;
	[smem:$0x7D7] =	sst s23  }
0x30: {  	s9 =	sadd.s32 s6, s26;
	[smem:$0x7D9] =	sst s25  }
0x31: {  	s10 =	sadd.s32 s5, s26;
	[smem:$0x7DB] =	sst s9  }
0x32: {  	s11 =	sor.u32 $0x82800, s4;
	s12 =	sadd.s32 s0, s26;
	[smem:$0x7DC] =	sst s10  }
0x33: {  	s13 =	sadd.s32 s0, s11;
	[smem:$0x7DD] =	sst s12  }
0x34: {  	s14 =	sadd.s32 s2, s11;
	[smem:$0x7DF] =	sst s13  }
0x35: {  	s16 =	sor.u32 $0x182800, s4;
	s7 =	sadd.s32 s2, s15;
	[smem:$0x7E0] =	sst s14  }
0x36: {  	s18 =	sadd.s32 s0, s16;
	[smem:$0x7D4] =	sst s7  }
0x37: {  	s19 =	sadd.s32 s2, s16;
	[smem:$0x7E3] =	sst s18  }
0x38: {  	s16 =	sadd.s32 s0, s4;
	[smem:$0x7E4] =	sst s19  }
0x39: {  	s15 =	sor.u32 $0x102800, s4;
	s7 =	sadd.s32 s2, s20;
	[smem:$0x7F5] =	sst s16  }
0x3a: {  	s10 =	sor.u32 $0x103000, s4;
	s17 =	sadd.s32 s0, s15;
	[smem:$0x7D6] =	sst s7  }
0x3b: {  	s12 =	sor.u32 $0x183000, s4;
	s11 =	sadd.s32 s0, s10;
	[smem:$0x7E1] =	sst s17  }
0x3c: {  	s21 =	sor.u32 $0x3800, s4;
	s13 =	sadd.s32 s0, s12;
	[smem:$0x7EF] =	sst s11  }
0x3d: {  	s14 =	sadd.s32 s0, s21;
	[smem:$0x7F1] =	sst s13  }
0x3e: {  	s18 =	sadd.s32 s2, s4;
	[smem:$0x7F3] =	sst s14  }
0x3f: {  	s7 =	sadd.s32 s2, s22;
	[smem:$0x7F6] =	sst s18  }
0x40: {  	s20 =	sor.u32 $0x3000, s4;
	s22 =	sadd.s32 s6, s4;
	[smem:$0x7D8] =	sst s7  }
0x41: {  	s23 =	sadd.s32 s6, s20;
	[smem:$0x7E5] =	sst s22  }
0x42: {  	s6 =	sadd.s32 s6, s21;
	[smem:$0x7E6] =	sst s23  }
0x43: {  	s25 =	sadd.s32 s5, s20;
	[smem:$0x7E7] =	sst s6  }
0x44: {  	s7 =	sadd.s32 s2, s24;
	[smem:$0x7E9] =	sst s25  }
0x45: {  	s24 =	sadd.s32 s5, s4;
	[smem:$0x7DA] =	sst s7  }
0x46: {  	s28 =	simm.s32 $0x8000;
	s5 =	sadd.s32 s5, s21;
	[smem:$0x7E8] =	sst s24  }
0x47: {  	s19 =	sor.u32 $0x103800, s4;
	s6 =	sadd.s32 s2, s20;
	[smem:$0x7EA] =	sst s5  }
0x48: {  	s17 =	sor.u32 $0x83800, s4;
	s22 =	sadd.s32 s0, s19;
	[smem:$0x7EC] =	sst s6  }
0x49: {  	s7 =	sadd.s32 s2, s26;
	s26 =	sadd.s32 s0, s20;
	s20 =	rddreg [dreg:$0x2]  }
0x4a: {  	s29 =	simm.s32 $0x9;
	s23 =	sadd.s32 s2, s17;
	[smem:$0x7F8] =	sst s22  }
0x4b: {  	s30 =	simm.s32 $0x4000;
	s31 =	simm.s32 $0x14000;
	[smem:$0x7FA] =	sst s23  }
0x4c: {  	s8 =	simm.s32 $0xA;
	s11 =	simm.s32 $0x0;
	[smem:$0x7DE] =	sst s7  }
0x4d: {  	s24 =	sadd.s32 s2, s19;
	s23 =	smax.u32 s3, $0x1;
	[smem:$0x7EB] =	sst s26  }
0x4e: {  	s3 =	simm.s32 $0x2;
	s7 =	sadd.s32 s2, s15;
	[smem:$0x7FB] =	sst s24  }
0x4f: {  	s6 =	simm.s32 $0x6;
	s15 =	sadd.s32 s2, s21;
	[smem:$0x7E2] =	sst s7  }
0x50: {  	s21 =	sadd.s32 s0, s17;
	s7 =	sor.u32 $0x83000, s4;
	[smem:$0x7F4] =	sst s15  }
0x51: {  	s26 =	sadd.s32 $0x400, s20;
	[smem:$0x7F7] =	sst s21;
	s9 =	sadd.s32 s0, s7  }
0x52: {  	s4 =	sor.u32 $0x183800, s4;
	s5 =	sadd.s32 s2, s7;
	[smem:$0x7ED] =	sst s9  }
0x53: {  	s24 =	simm.s32 $0xB;
	s0 =	sadd.s32 s0, s4;
	[smem:$0x7EE] =	sst s5  }
0x54: {  	s25 =	sadd.s32 s2, s4;
	s4 =	simm.s32 $0x5;
	[smem:$0x7F9] =	sst s0  }
0x55: {  	s7 =	simm.s32 $0x4;
	s5 =	sadd.s32 s2, s10;
	[smem:$0x7FC] =	sst s25  }
0x56: {  	s25 =	simm.s32 $0xC000;
	s0 =	simm.s32 $0x1;
	s9 =	simm.s32 $0x7  }
0x57: {  	s10 =	simm.s32 $0x8;
	[smem:$0x7F0] =	sst s5;
	s5 =	sadd.s32 s2, s12  }
0x58: {  	s2 =	simm.s32 $0x18000;
	[smem:$0x7F2] =	sst s5;
	s5 =	simm.s32 $0x3  }
0x59: {  	_ =	strace $0x80000047;
	[smem:$0x7FD] =	sst s26;
	s26 =	simm.s32 $0x10000  }
.LBB2_1:
0x5a: {  	s12 =	sld [smem:$0x7FD];
	_ =	sdelay $0x1  }
0x5b: {  	s13 =	simm.s32 $0x1C000  }
0x5c: {  	[tilespmem:s13], [sflag:$0xB] =	stream.linear.gather [hbm4b:s12+s1], $0x80, $0x38;
	[tilespmem:$0x1C080] =	vst v63  }
0x5d: {  	_ =	swait.ge [sflag:s24], $0x80  }
0x5e: {  	[sflag:s24] =	ssyncset.done $0x0  }
0x5f: {  	[sflag:s24] =	ssyncadd.s32 $0xFFFFFF80  }
0x60: {  	v0 =	vld [tilespmem:$0x1C000];
	_ =	sdelay $0x4  }
0x61: {  	v0 =	vsub.f32 $0.0e+00, v0;
	_ =	sdelay $0x1  }
0x62: {  	v0 =	vmul.f32 $1.442695020e+00, v0;
	_ =	sdelay $0x1  }
0x63: {  	(erf) = vpow2.f32 v0;
	_ =	sdelay $0x8  }
0x64: {  	v0 =	vpop (erf)  }
0x65: {  	v0 =	vadd.f32 $1.000000000e+00, v0;
	_ =	sdelay $0x1  }
0x66: {  	s16 =	sld [smem:$0x7F5];
	(erf) = vrcp.f32 v0;
	_ =	sdelay $0x1  }
0x67: {  	s17 =	rddreg [dreg:$0x6]  }
0x68: {  	[tilespmem:s25], [sflag:$0x1] =	stream.linear.gather [hbm4b:s16+s1], $0x4000, $0x38;
	[tilespmem:$0x1C080] =	vst v63  }
0x69: {  	s18 =	sld [smem:$0x7E5]  }
0x6a: {  	[tilespmem:s26], [sflag:$0x2] =	stream.linear.gather [hbm4b:s17+s1], $0x4000, $0x38;
	[tilespmem:$0x1C080] =	vst v63  }
0x6b: {  	s19 =	sld [smem:$0x7E8]  }
0x6c: {  	[tilespmem:s1], [sflag:$0x9] =	stream.linear.gather [hbm4b:s18+s1], $0x4000, $0x38;
	[tilespmem:$0x1C080] =	vst v63  }
0x6d: {  	_ = 	snop  }
0x6e: {  	[tilespmem:s28], [sflag:$0x9] =	stream.linear.gather [hbm4b:s19+s1], $0x4000, $0x38;
	v0 =	vpop (erf);
	[tilespmem:$0x1C080] =	vst v63  }
0x6f: {  	_ =	swait.ge [sflag:s29], $0x4000  }
0x70: {  	[sflag:s29] =	ssyncset.done $0x0  }
0x71: {  	s20 =	simm.s32 $0x0;
	s21 =	sand.u32 $0x1C00, s1;
	[sflag:s29] =	ssyncadd.s32 $0xFFFFC000  }
0x72: {  	s14 =	simm.s32 $0x0;
	s12 =	sand.u32 $0x2000, s20;
	_ =	swait.ge [sflag:s29], $0x4000  }
0x73: {  	s22 =	sand.u32 $0x380, s14;
	s12 =	sor.u32 s21, s12;
	[sflag:s29] =	ssyncset.done $0x0  }
0x74: {  	s12 =	sor.u32 s22, s12;
	[sflag:s29] =	ssyncadd.s32 $0xFFFFC000  }
0x75: {  	v2 =	vld [tilespmem:s12+$0x70]  }
0x76: {  	v3 =	vld [tilespmem:s12+$0x8070]  }
0x77: {  	v5 =	vld [tilespmem:s12+$0x0]  }
0x78: {  	v7 =	vld [tilespmem:s12+$0x8000]  }
0x79: {  	v1 =	vsub.f32 $1.000000000e+00, v0;
	v8 =	vld [tilespmem:s12+$0x10]  }
0x7a: {  	v9 =	vld [tilespmem:s12+$0x8010]  }
0x7b: {  	v4 =	vld [tilespmem:s12+$0x20];
	v10 =	vmul.f32 v2, v0;
	v3 =	vmul.f32 v3, v1  }
0x7c: {  	v6 =	vld [tilespmem:s12+$0x8020]  }
0x7d: {  	v5 =	vmul.f32 v5, v0;
	v11 =	vmul.f32 v7, v1;
	v2 =	vld [tilespmem:s12+$0x30];
	v10 =	vadd.f32 v3, v10  }
0x7e: {  	v3 =	vld [tilespmem:s12+$0x8030]  }
0x7f: {  	s14 =	simm.s32 $0x0;
	s13 =	simm.s32 $0x0;
	v7 =	vmul.f32 v8, v0;
	v9 =	vmul.f32 v9, v1;
	v8 =	vadd.f32 v11, v5;
	v5 =	vld [tilespmem:s12+$0x40];
	[tilespmem:s12+$0x70] =	vst v10  }
.LBB2_2:
0x80: {  	s13 =	sadd.s32 $0x8, s13;
	v4 =	vmul.f32 v4, v0;
	v10 =	vld [tilespmem:s12+$0x8040]  }
0x81: {  	s14 =	sadd.s32 $0x400, s14;
	s15 =	sshll.u32 s13, $0x4;
	p0 =	slt.u32 s13, $0x3F8;
	[tilespmem:s12+$0x0] =	vst v8;
	v7 =	vadd.f32 v9, v7;
	v6 =	vmul.f32 v6, v1;
	v8 =	vld [tilespmem:s12+$0x50]  }
0x82: {  	s16 =	sand.u32 $0x1C00, s14;
	s17 =	sshll.u32 s13, $0x1;
	s15 =	sand.u32 $0x2000, s15;
	v2 =	vmul.f32 v2, v0;
	v9 =	vld [tilespmem:s12+$0x8050]  }
0x83: {  	s15 =	sor.u32 s16, s15;
	s16 =	sand.u32 $0x380, s17;
	[tilespmem:s12+$0x10] =	vst v7;
	v4 =	vadd.f32 v6, v4;
	v3 =	vmul.f32 v3, v1;
	v6 =	vld [tilespmem:s12+$0x60]  }
0x84: {  	s15 =	sor.u32 s16, s15;
	v5 =	vmul.f32 v5, v0;
	v7 =	vld [tilespmem:s12+$0x8060]  }
0x85: {  	v11 =	vld [tilespmem:s15+$0x70];
	[tilespmem:s12+$0x20] =	vst v4;
	v2 =	vadd.f32 v3, v2;
	v3 =	vmul.f32 v10, v1  }
0x86: {  	v10 =	vld [tilespmem:s15+$0x8070];
	v4 =	vmul.f32 v8, v0  }
0x87: {  	v8 =	vld [tilespmem:s15+$0x0];
	[tilespmem:s12+$0x30] =	vst v2;
	v2 =	vadd.f32 v3, v5;
	v3 =	vmul.f32 v9, v1  }
0x88: {  	v5 =	vld [tilespmem:s15+$0x8000];
	v6 =	vmul.f32 v6, v0  }
0x89: {  	v9 =	vld [tilespmem:s15+$0x10];
	[tilespmem:s12+$0x40] =	vst v2;
	v2 =	vadd.f32 v3, v4;
	v3 =	vmul.f32 v7, v1  }
0x8a: {  	v12 =	vld [tilespmem:s15+$0x8010]  }
.Ltmp0:
0x8b: {  	v7 =	vmul.f32 v11, v0;
	v4 =	vld [tilespmem:s15+$0x20];
	v10 =	vmul.f32 v10, v1;
	[tilespmem:s12+$0x50] =	vst v2;
	v3 =	vadd.f32 v3, v6;
	(pc) =	sbr.rel @p0 .LBB2_2-.Ltmp0, $4  }
0x8c: {  	v8 =	vmul.f32 v8, v0;
	v6 =	vld [tilespmem:s15+$0x8020]  }
0x8d: {  	v5 =	vmul.f32 v5, v1;
	v2 =	vld [tilespmem:s15+$0x30];
	v10 =	vadd.f32 v10, v7;
	[tilespmem:s12+$0x60] =	vst v3;
	s12 =	smov.u32 s15  }
0x8e: {  	v7 =	vmul.f32 v9, v0;
	v3 =	vld [tilespmem:s12+$0x8030]  }
0x8f: {  	v8 =	vadd.f32 v5, v8;
	v9 =	vmul.f32 v12, v1;
	v5 =	vld [tilespmem:s12+$0x40];
	[tilespmem:s12+$0x70] =	vst v10  }
0x90: {  	v10 =	vld [tilespmem:s12+$0x8040]  }
0x91: {  	v11 =	vld [tilespmem:s12+$0x50]  }
0x92: {  	v12 =	vld [tilespmem:s12+$0x8050]  }
0x93: {  	v13 =	vld [tilespmem:s12+$0x60]  }
0x94: {  	v14 =	vld [tilespmem:s12+$0x8060]  }
0x95: {  	v4 =	vmul.f32 v4, v0;
	v6 =	vmul.f32 v6, v1  }
0x96: {  	v7 =	vadd.f32 v9, v7;
	v2 =	vmul.f32 v2, v0;
	v3 =	vmul.f32 v3, v1  }
0x97: {  	[tilespmem:s12+$0x0] =	vst v8;
	v4 =	vadd.f32 v6, v4;
	v5 =	vmul.f32 v5, v0;
	v6 =	vmul.f32 v10, v1  }
0x98: {  	[tilespmem:s12+$0x10] =	vst v7;
	v2 =	vadd.f32 v3, v2;
	v3 =	vmul.f32 v11, v0;
	v7 =	vmul.f32 v12, v1  }
0x99: {  	[tilespmem:s12+$0x20] =	vst v4;
	v4 =	vadd.f32 v6, v5;
	v5 =	vmul.f32 v13, v0;
	v6 =	vmul.f32 v14, v1  }
0x9a: {  	[tilespmem:s12+$0x30] =	vst v2;
	v2 =	vadd.f32 v7, v3  }
0x9b: {  	[tilespmem:s12+$0x40] =	vst v4;
	v3 =	vadd.f32 v6, v5  }
0x9c: {  	[tilespmem:s12+$0x50] =	vst v2  }
0x9d: {  	[tilespmem:s12+$0x60] =	vst v3  }
0x9e: {  	s12 =	simm.s32 $0x0;
	s13 =	rddreg [dreg:$0x7]  }
0x9f: {  	[tilespmem:s30], [sflag:$0xA] =	stream.linear.gather [hbm4b:s13+s12], $0x4000, $0x38;
	[tilespmem:$0x1C080] =	vst v63  }
0xa0: {  	s19 =	rddreg [dreg:$0x8]  }
0xa1: {  	[tilespmem:s28], [sflag:$0xA] =	stream.linear.gather [hbm4b:s19+s12], $0x4000, $0x38;
	[tilespmem:$0x1C080] =	vst v63  }
0xa2: {  	s21 =	simm.s32 $0x0;
	s15 =	simm.s32 $0x0;
	s20 =	rddreg [dreg:$0x9]  }
0xa3: {  	[tilespmem:s31], [sflag:$0x3] =	stream.linear.gather [hbm4b:s20+s12], $0x4000, $0x38;
	[tilespmem:$0x1C080] =	vst v63  }
0xa4: {  	s14 =	sand.u32 $0x1C00, s12;
	s13 =	sand.u32 $0x2000, s21;
	_ =	swait.ge [sflag:s0], $0x4000  }
0xa5: {  	s22 =	sand.u32 $0x380, s15;
	s13 =	sor.u32 s14, s13;
	[sflag:s0] =	ssyncset.done $0x0  }
0xa6: {  	s15 =	sor.u32 s22, s13;
	[sflag:s0] =	ssyncadd.s32 $0xFFFFC000  }
0xa7: {  	v2 =	vld [tilespmem:s15+$0x70]  }
0xa8: {  	v7 =	vld [tilespmem:s15+$0x0]  }
0xa9: {  	v8 =	vld [tilespmem:s15+$0x10]  }
0xaa: {  	v6 =	vld [tilespmem:s15+$0x20]  }
0xab: {  	v3 =	vld [tilespmem:s15+$0x30]  }
0xac: {  	v5 =	vld [tilespmem:s15+$0x40]  }
0xad: {  	s13 =	sor.u32 $0xC070, s15;
	v4 =	vld [tilespmem:s15+$0x60]  }
0xae: {  	[tilespmem:s13+$0x0] =	vst.add.f32.msk $0xffff, v2  }
0xaf: {  	s14 =	sor.u32 $0xC000, s15;
	s19 =	sor.u32 $0xC010, s15;
	v2 =	vld [tilespmem:s15+$0x50]  }
0xb0: {  	s17 =	sor.u32 $0xC020, s15;
	s18 =	sor.u32 $0xC030, s15;
	s16 =	sor.u32 $0xC040, s15;
	[tilespmem:s14+$0x0] =	vst.add.f32.msk $0xffff, v7  }
0xb1: {  	s13 =	simm.s32 $0x0;
	s14 =	sor.u32 $0xC050, s15;
	s15 =	sor.u32 $0xC060, s15;
	[tilespmem:s19+$0x0] =	vst.add.f32.msk $0xffff, v8  }
.LBB2_4:
0xb2: {  	s13 =	sadd.s32 $0x8, s13;
	[tilespmem:s17+$0x0] =	vst.add.f32.msk $0xffff, v6  }
0xb3: {  	s12 =	sadd.s32 $0x400, s12;
	s17 =	sshll.u32 s13, $0x4;
	p0 =	slt.u32 s13, $0x3F8;
	[tilespmem:s18+$0x0] =	vst.add.f32.msk $0xffff, v3  }
0xb4: {  	s18 =	sand.u32 $0x1C00, s12;
	s19 =	sshll.u32 s13, $0x1;
	s17 =	sand.u32 $0x2000, s17;
	[tilespmem:s16+$0x0] =	vst.add.f32.msk $0xffff, v5  }
0xb5: {  	s16 =	sor.u32 s18, s17;
	s17 =	sand.u32 $0x380, s19;
	[tilespmem:s14+$0x0] =	vst.add.f32.msk $0xffff, v2  }
0xb6: {  	s19 =	sor.u32 s17, s16;
	[tilespmem:s15+$0x0] =	vst.add.f32.msk $0xffff, v4  }
0xb7: {  	s20 =	sor.u32 $0xC000, s19;
	s21 =	sor.u32 $0xC010, s19;
	s17 =	sor.u32 $0xC020, s19;
	v2 =	vld [tilespmem:s19+$0x70]  }
0xb8: {  	s18 =	sor.u32 $0xC030, s19;
	s16 =	sor.u32 $0xC040, s19;
	s14 =	sor.u32 $0xC050, s19;
	v7 =	vld [tilespmem:s19+$0x0]  }
0xb9: {  	s15 =	sor.u32 $0xC060, s19;
	v8 =	vld [tilespmem:s19+$0x10]  }
0xba: {  	v6 =	vld [tilespmem:s19+$0x20]  }
0xbb: {  	s22 =	sor.u32 $0xC070, s19;
	v3 =	vld [tilespmem:s19+$0x30]  }
0xbc: {  	[tilespmem:s22+$0x0] =	vst.add.f32.msk $0xffff, v2  }
.Ltmp1:
0xbd: {  	v5 =	vld [tilespmem:s19+$0x40];
	(pc) =	sbr.rel @p0 .LBB2_4-.Ltmp1, $4  }
0xbe: {  	v2 =	vld [tilespmem:s19+$0x50]  }
0xbf: {  	v4 =	vld [tilespmem:s19+$0x60]  }
0xc0: {  	[tilespmem:s20+$0x0] =	vst.add.f32.msk $0xffff, v7  }
0xc1: {  	[tilespmem:s21+$0x0] =	vst.add.f32.msk $0xffff, v8  }
0xc2: {  	[tilespmem:s17+$0x0] =	vst.add.f32.msk $0xffff, v6  }
0xc3: {  	[tilespmem:s18+$0x0] =	vst.add.f32.msk $0xffff, v3  }
0xc4: {  	[tilespmem:s16+$0x0] =	vst.add.f32.msk $0xffff, v5  }
0xc5: {  	[tilespmem:s14+$0x0] =	vst.add.f32.msk $0xffff, v2  }
0xc6: {  	[tilespmem:s15+$0x0] =	vst.add.f32.msk $0xffff, v4  }
0xc7: {  	s13 =	sld [smem:$0x7F6];
	_ =	sdelay $0x1  }
0xc8: {  	s12 =	simm.s32 $0x0  }
0xc9: {  	[hbm4b:s13+s12] =	stream.linear.scatter [tilespmem:s25], [sflag:$0x5], $0x4000, $0x38;
	[tilespmem:$0x1C080] =	vst v63  }
0xca: {  	s19 =	simm.s32 $0x0;
	s21 =	simm.s32 $0x0;
	s18 =	rddreg [dreg:$0xa]  }
0xcb: {  	[tilespmem:s2], [sflag:$0x4] =	stream.linear.gather [hbm4b:s18+s12], $0x4000, $0x38;
	[tilespmem:$0x1C080] =	vst v63  }
0xcc: {  	s20 =	sand.u32 $0x1C00, s12;
	s13 =	sand.u32 $0x2000, s19;
	_ =	swait.ge [sflag:s3], $0x4000  }
0xcd: {  	s22 =	sand.u32 $0x380, s21;
	s13 =	sor.u32 s20, s13;
	[sflag:s3] =	ssyncset.done $0x0  }
0xce: {  	s15 =	sor.u32 s22, s13;
	[sflag:s3] =	ssyncadd.s32 $0xFFFFC000  }
0xcf: {  	v2 =	vld [tilespmem:s15+$0x70]  }
0xd0: {  	v7 =	vld [tilespmem:s15+$0x0]  }
0xd1: {  	v8 =	vld [tilespmem:s15+$0x10]  }
0xd2: {  	v6 =	vld [tilespmem:s15+$0x20]  }
0xd3: {  	v3 =	vld [tilespmem:s15+$0x30]  }
0xd4: {  	v5 =	vld [tilespmem:s15+$0x40]  }
0xd5: {  	s13 =	sor.u32 $0x10070, s15;
	v4 =	vld [tilespmem:s15+$0x60]  }
0xd6: {  	[tilespmem:s13+$0x0] =	vst.add.f32.msk $0xffff, v2  }
0xd7: {  	s14 =	sor.u32 $0x10000, s15;
	s19 =	sor.u32 $0x10010, s15;
	v2 =	vld [tilespmem:s15+$0x50]  }
0xd8: {  	s17 =	sor.u32 $0x10020, s15;
	s18 =	sor.u32 $0x10030, s15;
	s16 =	sor.u32 $0x10040, s15;
	[tilespmem:s14+$0x0] =	vst.add.f32.msk $0xffff, v7  }
0xd9: {  	s13 =	simm.s32 $0x0;
	s14 =	sor.u32 $0x10050, s15;
	s15 =	sor.u32 $0x10060, s15;
	[tilespmem:s19+$0x0] =	vst.add.f32.msk $0xffff, v8  }
.LBB2_6:
0xda: {  	s13 =	sadd.s32 $0x8, s13;
	[tilespmem:s17+$0x0] =	vst.add.f32.msk $0xffff, v6  }
0xdb: {  	s12 =	sadd.s32 $0x400, s12;
	s17 =	sshll.u32 s13, $0x4;
	p0 =	slt.u32 s13, $0x3F8;
	[tilespmem:s18+$0x0] =	vst.add.f32.msk $0xffff, v3  }
0xdc: {  	s18 =	sand.u32 $0x1C00, s12;
	s19 =	sshll.u32 s13, $0x1;
	s17 =	sand.u32 $0x2000, s17;
	[tilespmem:s16+$0x0] =	vst.add.f32.msk $0xffff, v5  }
0xdd: {  	s16 =	sor.u32 s18, s17;
	s17 =	sand.u32 $0x380, s19;
	[tilespmem:s14+$0x0] =	vst.add.f32.msk $0xffff, v2  }
0xde: {  	s19 =	sor.u32 s17, s16;
	[tilespmem:s15+$0x0] =	vst.add.f32.msk $0xffff, v4  }
0xdf: {  	s20 =	sor.u32 $0x10000, s19;
	s21 =	sor.u32 $0x10010, s19;
	s17 =	sor.u32 $0x10020, s19;
	v2 =	vld [tilespmem:s19+$0x70]  }
0xe0: {  	s18 =	sor.u32 $0x10030, s19;
	s16 =	sor.u32 $0x10040, s19;
	s14 =	sor.u32 $0x10050, s19;
	v7 =	vld [tilespmem:s19+$0x0]  }
0xe1: {  	s15 =	sor.u32 $0x10060, s19;
	v8 =	vld [tilespmem:s19+$0x10]  }
0xe2: {  	v6 =	vld [tilespmem:s19+$0x20]  }
0xe3: {  	s22 =	sor.u32 $0x10070, s19;
	v3 =	vld [tilespmem:s19+$0x30]  }
0xe4: {  	[tilespmem:s22+$0x0] =	vst.add.f32.msk $0xffff, v2  }
.Ltmp2:
0xe5: {  	v5 =	vld [tilespmem:s19+$0x40];
	(pc) =	sbr.rel @p0 .LBB2_6-.Ltmp2, $4  }
0xe6: {  	v2 =	vld [tilespmem:s19+$0x50]  }
0xe7: {  	v4 =	vld [tilespmem:s19+$0x60]  }
0xe8: {  	[tilespmem:s20+$0x0] =	vst.add.f32.msk $0xffff, v7  }
0xe9: {  	[tilespmem:s21+$0x0] =	vst.add.f32.msk $0xffff, v8  }
0xea: {  	[tilespmem:s17+$0x0] =	vst.add.f32.msk $0xffff, v6  }
0xeb: {  	[tilespmem:s18+$0x0] =	vst.add.f32.msk $0xffff, v3  }
0xec: {  	[tilespmem:s16+$0x0] =	vst.add.f32.msk $0xffff, v5  }
0xed: {  	[tilespmem:s14+$0x0] =	vst.add.f32.msk $0xffff, v2  }
0xee: {  	[tilespmem:s15+$0x0] =	vst.add.f32.msk $0xffff, v4  }
0xef: {  	s12 =	simm.s32 $0x0;
	s13 =	rddreg [dreg:$0xb]  }
0xf0: {  	[hbm4b:s13+s12] =	stream.linear.scatter [tilespmem:s26], [sflag:$0x6], $0x4000, $0x38;
	[tilespmem:$0x1C080] =	vst v63  }
0xf1: {  	_ =	swait.ge [sflag:s4], $0x4000  }
0xf2: {  	s19 =	simm.s32 $0x0;
	[sflag:s4] =	ssyncset.done $0x0  }
0xf3: {  	s21 =	simm.s32 $0x0;
	s18 =	rddreg [dreg:$0xc];
	[sflag:s4] =	ssyncadd.s32 $0xFFFFC000  }
0xf4: {  	[tilespmem:s25], [sflag:$0x1] =	stream.linear.gather [hbm4b:s18+s12], $0x4000, $0x38;
	[tilespmem:$0x1C080] =	vst v63  }
0xf5: {  	s20 =	sand.u32 $0x1C00, s12;
	s13 =	sand.u32 $0x2000, s19;
	_ =	swait.ge [sflag:s5], $0x4000  }
0xf6: {  	s22 =	sand.u32 $0x380, s21;
	s13 =	sor.u32 s20, s13;
	[sflag:s5] =	ssyncset.done $0x0  }
0xf7: {  	s15 =	sor.u32 s22, s13;
	[sflag:s5] =	ssyncadd.s32 $0xFFFFC000  }
0xf8: {  	v2 =	vld [tilespmem:s15+$0x70]  }
0xf9: {  	v7 =	vld [tilespmem:s15+$0x0]  }
0xfa: {  	v8 =	vld [tilespmem:s15+$0x10]  }
0xfb: {  	v6 =	vld [tilespmem:s15+$0x20]  }
0xfc: {  	v3 =	vld [tilespmem:s15+$0x30]  }
0xfd: {  	v5 =	vld [tilespmem:s15+$0x40]  }
0xfe: {  	s13 =	sor.u32 $0x14070, s15;
	v4 =	vld [tilespmem:s15+$0x60]  }
0xff: {  	[tilespmem:s13+$0x0] =	vst.add.f32.msk $0xffff, v2  }
0x100: {  	s14 =	sor.u32 $0x14000, s15;
	s19 =	sor.u32 $0x14010, s15;
	v2 =	vld [tilespmem:s15+$0x50]  }
0x101: {  	s17 =	sor.u32 $0x14020, s15;
	s16 =	sor.u32 $0x14040, s15;
	s18 =	sor.u32 $0x14030, s15;
	[tilespmem:s14+$0x0] =	vst.add.f32.msk $0xffff, v7  }
0x102: {  	s13 =	simm.s32 $0x0;
	s14 =	sor.u32 $0x14050, s15;
	s15 =	sor.u32 $0x14060, s15;
	[tilespmem:s19+$0x0] =	vst.add.f32.msk $0xffff, v8  }
.LBB2_8:
0x103: {  	s13 =	sadd.s32 $0x8, s13;
	[tilespmem:s17+$0x0] =	vst.add.f32.msk $0xffff, v6  }
0x104: {  	s12 =	sadd.s32 $0x400, s12;
	s17 =	sshll.u32 s13, $0x4;
	p0 =	slt.u32 s13, $0x3F8;
	[tilespmem:s18+$0x0] =	vst.add.f32.msk $0xffff, v3  }
0x105: {  	s18 =	sand.u32 $0x1C00, s12;
	s19 =	sshll.u32 s13, $0x1;
	s17 =	sand.u32 $0x2000, s17;
	[tilespmem:s16+$0x0] =	vst.add.f32.msk $0xffff, v5  }
0x106: {  	s16 =	sor.u32 s18, s17;
	s17 =	sand.u32 $0x380, s19;
	[tilespmem:s14+$0x0] =	vst.add.f32.msk $0xffff, v2  }
0x107: {  	s19 =	sor.u32 s17, s16;
	[tilespmem:s15+$0x0] =	vst.add.f32.msk $0xffff, v4  }
0x108: {  	s20 =	sor.u32 $0x14000, s19;
	s21 =	sor.u32 $0x14010, s19;
	s17 =	sor.u32 $0x14020, s19;
	v2 =	vld [tilespmem:s19+$0x70]  }
0x109: {  	s18 =	sor.u32 $0x14030, s19;
	s16 =	sor.u32 $0x14040, s19;
	s14 =	sor.u32 $0x14050, s19;
	v7 =	vld [tilespmem:s19+$0x0]  }
0x10a: {  	s15 =	sor.u32 $0x14060, s19;
	v8 =	vld [tilespmem:s19+$0x10]  }
0x10b: {  	v6 =	vld [tilespmem:s19+$0x20]  }
0x10c: {  	s22 =	sor.u32 $0x14070, s19;
	v3 =	vld [tilespmem:s19+$0x30]  }
0x10d: {  	[tilespmem:s22+$0x0] =	vst.add.f32.msk $0xffff, v2  }
.Ltmp3:
0x10e: {  	v5 =	vld [tilespmem:s19+$0x40];
	(pc) =	sbr.rel @p0 .LBB2_8-.Ltmp3, $4  }
0x10f: {  	v2 =	vld [tilespmem:s19+$0x50]  }
0x110: {  	v4 =	vld [tilespmem:s19+$0x60]  }
0x111: {  	[tilespmem:s20+$0x0] =	vst.add.f32.msk $0xffff, v7  }
0x112: {  	[tilespmem:s21+$0x0] =	vst.add.f32.msk $0xffff, v8  }
0x113: {  	[tilespmem:s17+$0x0] =	vst.add.f32.msk $0xffff, v6  }
0x114: {  	[tilespmem:s18+$0x0] =	vst.add.f32.msk $0xffff, v3  }
0x115: {  	[tilespmem:s16+$0x0] =	vst.add.f32.msk $0xffff, v5  }
0x116: {  	[tilespmem:s14+$0x0] =	vst.add.f32.msk $0xffff, v2  }
0x117: {  	[tilespmem:s15+$0x0] =	vst.add.f32.msk $0xffff, v4  }
0x118: {  	s12 =	simm.s32 $0x0;
	s13 =	rddreg [dreg:$0xd]  }
0x119: {  	[hbm4b:s13+s12] =	stream.linear.scatter [tilespmem:s31], [sflag:$0x7], $0x4000, $0x38;
	[tilespmem:$0x1C080] =	vst v63  }
0x11a: {  	_ =	swait.ge [sflag:s6], $0x4000  }
0x11b: {  	s19 =	simm.s32 $0x0;
	[sflag:s6] =	ssyncset.done $0x0  }
0x11c: {  	s21 =	simm.s32 $0x0;
	s18 =	rddreg [dreg:$0xe];
	[sflag:s6] =	ssyncadd.s32 $0xFFFFC000  }
0x11d: {  	[tilespmem:s26], [sflag:$0x2] =	stream.linear.gather [hbm4b:s18+s12], $0x4000, $0x38;
	[tilespmem:$0x1C080] =	vst v63  }
0x11e: {  	s20 =	sand.u32 $0x1C00, s12;
	s13 =	sand.u32 $0x2000, s19;
	_ =	swait.ge [sflag:s7], $0x4000  }
0x11f: {  	s22 =	sand.u32 $0x380, s21;
	s13 =	sor.u32 s20, s13;
	[sflag:s7] =	ssyncset.done $0x0  }
0x120: {  	s15 =	sor.u32 s22, s13;
	[sflag:s7] =	ssyncadd.s32 $0xFFFFC000  }
0x121: {  	v2 =	vld [tilespmem:s15+$0x70]  }
0x122: {  	v7 =	vld [tilespmem:s15+$0x0]  }
0x123: {  	v8 =	vld [tilespmem:s15+$0x10]  }
0x124: {  	v6 =	vld [tilespmem:s15+$0x20]  }
0x125: {  	v3 =	vld [tilespmem:s15+$0x30]  }
0x126: {  	v5 =	vld [tilespmem:s15+$0x40]  }
0x127: {  	s13 =	sor.u32 $0x18070, s15;
	v4 =	vld [tilespmem:s15+$0x60]  }
0x128: {  	[tilespmem:s13+$0x0] =	vst.add.f32.msk $0xffff, v2  }
0x129: {  	s14 =	sor.u32 $0x18000, s15;
	s19 =	sor.u32 $0x18010, s15;
	v2 =	vld [tilespmem:s15+$0x50]  }
0x12a: {  	s17 =	sor.u32 $0x18020, s15;
	s16 =	sor.u32 $0x18040, s15;
	s18 =	sor.u32 $0x18030, s15;
	[tilespmem:s14+$0x0] =	vst.add.f32.msk $0xffff, v7  }
0x12b: {  	s13 =	simm.s32 $0x0;
	s14 =	sor.u32 $0x18050, s15;
	s15 =	sor.u32 $0x18060, s15;
	[tilespmem:s19+$0x0] =	vst.add.f32.msk $0xffff, v8  }
.LBB2_10:
0x12c: {  	s13 =	sadd.s32 $0x8, s13;
	[tilespmem:s17+$0x0] =	vst.add.f32.msk $0xffff, v6  }
0x12d: {  	s12 =	sadd.s32 $0x400, s12;
	s17 =	sshll.u32 s13, $0x4;
	p0 =	slt.u32 s13, $0x3F8;
	[tilespmem:s18+$0x0] =	vst.add.f32.msk $0xffff, v3  }
0x12e: {  	s18 =	sand.u32 $0x1C00, s12;
	s19 =	sshll.u32 s13, $0x1;
	s17 =	sand.u32 $0x2000, s17;
	[tilespmem:s16+$0x0] =	vst.add.f32.msk $0xffff, v5  }
0x12f: {  	s16 =	sor.u32 s18, s17;
	s17 =	sand.u32 $0x380, s19;
	[tilespmem:s14+$0x0] =	vst.add.f32.msk $0xffff, v2  }
0x130: {  	s19 =	sor.u32 s17, s16;
	[tilespmem:s15+$0x0] =	vst.add.f32.msk $0xffff, v4  }
0x131: {  	s20 =	sor.u32 $0x18000, s19;
	s21 =	sor.u32 $0x18010, s19;
	s17 =	sor.u32 $0x18020, s19;
	v2 =	vld [tilespmem:s19+$0x70]  }
0x132: {  	s18 =	sor.u32 $0x18030, s19;
	s16 =	sor.u32 $0x18040, s19;
	s14 =	sor.u32 $0x18050, s19;
	v7 =	vld [tilespmem:s19+$0x0]  }
0x133: {  	s15 =	sor.u32 $0x18060, s19;
	v8 =	vld [tilespmem:s19+$0x10]  }
0x134: {  	v6 =	vld [tilespmem:s19+$0x20]  }
0x135: {  	s22 =	sor.u32 $0x18070, s19;
	v3 =	vld [tilespmem:s19+$0x30]  }
0x136: {  	[tilespmem:s22+$0x0] =	vst.add.f32.msk $0xffff, v2  }
.Ltmp4:
0x137: {  	v5 =	vld [tilespmem:s19+$0x40];
	(pc) =	sbr.rel @p0 .LBB2_10-.Ltmp4, $4  }
0x138: {  	v2 =	vld [tilespmem:s19+$0x50]  }
0x139: {  	v4 =	vld [tilespmem:s19+$0x60]  }
0x13a: {  	[tilespmem:s20+$0x0] =	vst.add.f32.msk $0xffff, v7  }
0x13b: {  	[tilespmem:s21+$0x0] =	vst.add.f32.msk $0xffff, v8  }
0x13c: {  	[tilespmem:s17+$0x0] =	vst.add.f32.msk $0xffff, v6  }
0x13d: {  	[tilespmem:s18+$0x0] =	vst.add.f32.msk $0xffff, v3  }
0x13e: {  	[tilespmem:s16+$0x0] =	vst.add.f32.msk $0xffff, v5  }
0x13f: {  	[tilespmem:s14+$0x0] =	vst.add.f32.msk $0xffff, v2  }
0x140: {  	[tilespmem:s15+$0x0] =	vst.add.f32.msk $0xffff, v4  }
0x141: {  	s13 =	simm.s32 $0x0;
	s12 =	rddreg [dreg:$0xf]  }
0x142: {  	[hbm4b:s12+s13] =	stream.linear.scatter [tilespmem:s2], [sflag:$0x8], $0x4000, $0x38;
	[tilespmem:$0x1C080] =	vst v63  }
0x143: {  	_ =	swait.ge [sflag:s8], $0x4000  }
0x144: {  	[sflag:s8] =	ssyncset.done $0x0  }
0x145: {  	s19 =	simm.s32 $0x0;
	s21 =	simm.s32 $0x0;
	[sflag:s8] =	ssyncadd.s32 $0xFFFFC000  }
0x146: {  	s20 =	sand.u32 $0x1C00, s13;
	s12 =	sand.u32 $0x2000, s19;
	_ =	swait.ge [sflag:s8], $0x4000  }
0x147: {  	s22 =	sand.u32 $0x380, s21;
	s12 =	sor.u32 s20, s12;
	[sflag:s8] =	ssyncset.done $0x0  }
0x148: {  	s12 =	sor.u32 s22, s12;
	[sflag:s8] =	ssyncadd.s32 $0xFFFFC000  }
0x149: {  	v2 =	vld [tilespmem:s12+$0x4070]  }
0x14a: {  	v3 =	vld [tilespmem:s12+$0x8070]  }
0x14b: {  	v5 =	vld [tilespmem:s12+$0x4000]  }
0x14c: {  	v7 =	vld [tilespmem:s12+$0x8000]  }
0x14d: {  	v8 =	vld [tilespmem:s12+$0x4010]  }
0x14e: {  	v9 =	vld [tilespmem:s12+$0x8010]  }
0x14f: {  	v4 =	vld [tilespmem:s12+$0x4020];
	v10 =	vmul.f32 v2, v0;
	v3 =	vmul.f32 v3, v1  }
0x150: {  	v6 =	vld [tilespmem:s12+$0x8020]  }
0x151: {  	v5 =	vmul.f32 v5, v0;
	v11 =	vmul.f32 v7, v1;
	v2 =	vld [tilespmem:s12+$0x4030];
	v10 =	vadd.f32 v3, v10  }
0x152: {  	v3 =	vld [tilespmem:s12+$0x8030]  }
0x153: {  	s14 =	simm.s32 $0x0;
	v7 =	vmul.f32 v8, v0;
	v9 =	vmul.f32 v9, v1;
	v8 =	vadd.f32 v11, v5;
	v5 =	vld [tilespmem:s12+$0x4040];
	[tilespmem:s12+$0x4070] =	vst v10  }
.LBB2_12:
0x154: {  	s14 =	sadd.s32 $0x8, s14;
	v4 =	vmul.f32 v4, v0;
	v10 =	vld [tilespmem:s12+$0x8040]  }
0x155: {  	s13 =	sadd.s32 $0x400, s13;
	s15 =	sshll.u32 s14, $0x4;
	p0 =	slt.u32 s14, $0x3F8;
	[tilespmem:s12+$0x4000] =	vst v8;
	v7 =	vadd.f32 v9, v7;
	v6 =	vmul.f32 v6, v1;
	v8 =	vld [tilespmem:s12+$0x4050]  }
0x156: {  	s16 =	sand.u32 $0x1C00, s13;
	s17 =	sshll.u32 s14, $0x1;
	s15 =	sand.u32 $0x2000, s15;
	v2 =	vmul.f32 v2, v0;
	v9 =	vld [tilespmem:s12+$0x8050]  }
0x157: {  	s15 =	sor.u32 s16, s15;
	s16 =	sand.u32 $0x380, s17;
	[tilespmem:s12+$0x4010] =	vst v7;
	v4 =	vadd.f32 v6, v4;
	v3 =	vmul.f32 v3, v1;
	v6 =	vld [tilespmem:s12+$0x4060]  }
0x158: {  	s15 =	sor.u32 s16, s15;
	v5 =	vmul.f32 v5, v0;
	v7 =	vld [tilespmem:s12+$0x8060]  }
0x159: {  	v11 =	vld [tilespmem:s15+$0x4070];
	[tilespmem:s12+$0x4020] =	vst v4;
	v2 =	vadd.f32 v3, v2;
	v3 =	vmul.f32 v10, v1  }
0x15a: {  	v10 =	vld [tilespmem:s15+$0x8070];
	v4 =	vmul.f32 v8, v0  }
0x15b: {  	v8 =	vld [tilespmem:s15+$0x4000];
	[tilespmem:s12+$0x4030] =	vst v2;
	v2 =	vadd.f32 v3, v5;
	v3 =	vmul.f32 v9, v1  }
0x15c: {  	v5 =	vld [tilespmem:s15+$0x8000];
	v6 =	vmul.f32 v6, v0  }
0x15d: {  	v9 =	vld [tilespmem:s15+$0x4010];
	[tilespmem:s12+$0x4040] =	vst v2;
	v2 =	vadd.f32 v3, v4;
	v3 =	vmul.f32 v7, v1  }
0x15e: {  	v12 =	vld [tilespmem:s15+$0x8010]  }
.Ltmp5:
0x15f: {  	v7 =	vmul.f32 v11, v0;
	v4 =	vld [tilespmem:s15+$0x4020];
	v10 =	vmul.f32 v10, v1;
	[tilespmem:s12+$0x4050] =	vst v2;
	v3 =	vadd.f32 v3, v6;
	(pc) =	sbr.rel @p0 .LBB2_12-.Ltmp5, $4  }
0x160: {  	v8 =	vmul.f32 v8, v0;
	v6 =	vld [tilespmem:s15+$0x8020]  }
0x161: {  	v5 =	vmul.f32 v5, v1;
	v2 =	vld [tilespmem:s15+$0x4030];
	v10 =	vadd.f32 v10, v7;
	[tilespmem:s12+$0x4060] =	vst v3;
	s12 =	smov.u32 s15  }
0x162: {  	v7 =	vmul.f32 v9, v0;
	v3 =	vld [tilespmem:s12+$0x8030]  }
0x163: {  	v8 =	vadd.f32 v5, v8;
	v9 =	vmul.f32 v12, v1;
	v5 =	vld [tilespmem:s12+$0x4040];
	[tilespmem:s12+$0x4070] =	vst v10  }
0x164: {  	v10 =	vld [tilespmem:s12+$0x8040]  }
0x165: {  	v11 =	vld [tilespmem:s12+$0x4050]  }
0x166: {  	v12 =	vld [tilespmem:s12+$0x8050]  }
0x167: {  	v13 =	vld [tilespmem:s12+$0x4060]  }
0x168: {  	v14 =	vld [tilespmem:s12+$0x8060]  }
0x169: {  	v4 =	vmul.f32 v4, v0;
	v6 =	vmul.f32 v6, v1  }
0x16a: {  	v7 =	vadd.f32 v9, v7;
	v2 =	vmul.f32 v2, v0;
	v3 =	vmul.f32 v3, v1  }
0x16b: {  	[tilespmem:s12+$0x4000] =	vst v8;
	v4 =	vadd.f32 v6, v4;
	v5 =	vmul.f32 v5, v0;
	v6 =	vmul.f32 v10, v1  }
0x16c: {  	[tilespmem:s12+$0x4010] =	vst v7;
	v2 =	vadd.f32 v3, v2;
	v3 =	vmul.f32 v11, v0;
	v7 =	vmul.f32 v12, v1  }
0x16d: {  	[tilespmem:s12+$0x4020] =	vst v4;
	v4 =	vadd.f32 v6, v5;
	v5 =	vmul.f32 v13, v0;
	v6 =	vmul.f32 v14, v1  }
0x16e: {  	[tilespmem:s12+$0x4030] =	vst v2;
	v2 =	vadd.f32 v7, v3  }
0x16f: {  	[tilespmem:s12+$0x4040] =	vst v4;
	v3 =	vadd.f32 v6, v5  }
0x170: {  	[tilespmem:s12+$0x4050] =	vst v2  }
0x171: {  	[tilespmem:s12+$0x4060] =	vst v3  }
0x172: {  	s12 =	simm.s32 $0x0;
	s13 =	rddreg [dreg:$0x10]  }
0x173: {  	[tilespmem:s12], [sflag:$0x9] =	stream.linear.gather [hbm4b:s13+s12], $0x4000, $0x38;
	[tilespmem:$0x1C080] =	vst v63  }
0x174: {  	s19 =	rddreg [dreg:$0x17]  }
0x175: {  	[tilespmem:s28], [sflag:$0x9] =	stream.linear.gather [hbm4b:s19+s12], $0x4000, $0x38;
	[tilespmem:$0x1C080] =	vst v63  }
0x176: {  	_ =	swait.ge [sflag:s9], $0x4000  }
0x177: {  	s21 =	simm.s32 $0x0;
	[sflag:s9] =	ssyncset.done $0x0  }
0x178: {  	s15 =	simm.s32 $0x0;
	s20 =	rddreg [dreg:$0x11];
	[sflag:s9] =	ssyncadd.s32 $0xFFFFC000  }
0x179: {  	[tilespmem:s31], [sflag:$0x3] =	stream.linear.gather [hbm4b:s20+s12], $0x4000, $0x38;
	[tilespmem:$0x1C080] =	vst v63  }
0x17a: {  	s14 =	sand.u32 $0x1C00, s12;
	s13 =	sand.u32 $0x2000, s21;
	_ =	swait.ge [sflag:s0], $0x4000  }
0x17b: {  	s22 =	sand.u32 $0x380, s15;
	s13 =	sor.u32 s14, s13;
	[sflag:s0] =	ssyncset.done $0x0  }
0x17c: {  	s15 =	sor.u32 s22, s13;
	[sflag:s0] =	ssyncadd.s32 $0xFFFFC000  }
0x17d: {  	v2 =	vld [tilespmem:s15+$0x4070]  }
0x17e: {  	v7 =	vld [tilespmem:s15+$0x4000]  }
0x17f: {  	v8 =	vld [tilespmem:s15+$0x4010]  }
0x180: {  	v6 =	vld [tilespmem:s15+$0x4020]  }
0x181: {  	v3 =	vld [tilespmem:s15+$0x4030]  }
0x182: {  	v5 =	vld [tilespmem:s15+$0x4040]  }
0x183: {  	s13 =	sor.u32 $0xC070, s15;
	v4 =	vld [tilespmem:s15+$0x4060]  }
0x184: {  	[tilespmem:s13+$0x0] =	vst.add.f32.msk $0xffff, v2  }
0x185: {  	s14 =	sor.u32 $0xC000, s15;
	s19 =	sor.u32 $0xC010, s15;
	v2 =	vld [tilespmem:s15+$0x4050]  }
0x186: {  	s17 =	sor.u32 $0xC020, s15;
	s18 =	sor.u32 $0xC030, s15;
	s16 =	sor.u32 $0xC040, s15;
	[tilespmem:s14+$0x0] =	vst.add.f32.msk $0xffff, v7  }
0x187: {  	s13 =	simm.s32 $0x0;
	s14 =	sor.u32 $0xC050, s15;
	s15 =	sor.u32 $0xC060, s15;
	[tilespmem:s19+$0x0] =	vst.add.f32.msk $0xffff, v8  }
.LBB2_14:
0x188: {  	s13 =	sadd.s32 $0x8, s13;
	[tilespmem:s17+$0x0] =	vst.add.f32.msk $0xffff, v6  }
0x189: {  	s12 =	sadd.s32 $0x400, s12;
	s17 =	sshll.u32 s13, $0x4;
	p0 =	slt.u32 s13, $0x3F8;
	[tilespmem:s18+$0x0] =	vst.add.f32.msk $0xffff, v3  }
0x18a: {  	s18 =	sand.u32 $0x1C00, s12;
	s19 =	sshll.u32 s13, $0x1;
	s17 =	sand.u32 $0x2000, s17;
	[tilespmem:s16+$0x0] =	vst.add.f32.msk $0xffff, v5  }
0x18b: {  	s16 =	sor.u32 s18, s17;
	s17 =	sand.u32 $0x380, s19;
	[tilespmem:s14+$0x0] =	vst.add.f32.msk $0xffff, v2  }
0x18c: {  	s19 =	sor.u32 s17, s16;
	[tilespmem:s15+$0x0] =	vst.add.f32.msk $0xffff, v4  }
0x18d: {  	s20 =	sor.u32 $0xC000, s19;
	s21 =	sor.u32 $0xC010, s19;
	s17 =	sor.u32 $0xC020, s19;
	v2 =	vld [tilespmem:s19+$0x4070]  }
0x18e: {  	s18 =	sor.u32 $0xC030, s19;
	s16 =	sor.u32 $0xC040, s19;
	s14 =	sor.u32 $0xC050, s19;
	v7 =	vld [tilespmem:s19+$0x4000]  }
0x18f: {  	s15 =	sor.u32 $0xC060, s19;
	v8 =	vld [tilespmem:s19+$0x4010]  }
0x190: {  	v6 =	vld [tilespmem:s19+$0x4020]  }
0x191: {  	s22 =	sor.u32 $0xC070, s19;
	v3 =	vld [tilespmem:s19+$0x4030]  }
0x192: {  	[tilespmem:s22+$0x0] =	vst.add.f32.msk $0xffff, v2  }
.Ltmp6:
0x193: {  	v5 =	vld [tilespmem:s19+$0x4040];
	(pc) =	sbr.rel @p0 .LBB2_14-.Ltmp6, $4  }
0x194: {  	v2 =	vld [tilespmem:s19+$0x4050]  }
0x195: {  	v4 =	vld [tilespmem:s19+$0x4060]  }
0x196: {  	[tilespmem:s20+$0x0] =	vst.add.f32.msk $0xffff, v7  }
0x197: {  	[tilespmem:s21+$0x0] =	vst.add.f32.msk $0xffff, v8  }
0x198: {  	[tilespmem:s17+$0x0] =	vst.add.f32.msk $0xffff, v6  }
0x199: {  	[tilespmem:s18+$0x0] =	vst.add.f32.msk $0xffff, v3  }
0x19a: {  	[tilespmem:s16+$0x0] =	vst.add.f32.msk $0xffff, v5  }
0x19b: {  	[tilespmem:s14+$0x0] =	vst.add.f32.msk $0xffff, v2  }
0x19c: {  	[tilespmem:s15+$0x0] =	vst.add.f32.msk $0xffff, v4  }
0x19d: {  	s12 =	simm.s32 $0x0;
	s13 =	rddreg [dreg:$0x12]  }
0x19e: {  	[hbm4b:s13+s12] =	stream.linear.scatter [tilespmem:s25], [sflag:$0x5], $0x4000, $0x38;
	[tilespmem:$0x1C080] =	vst v63  }
0x19f: {  	_ =	swait.ge [sflag:s10], $0x4000  }
0x1a0: {  	s19 =	simm.s32 $0x0;
	[sflag:s10] =	ssyncset.done $0x0  }
0x1a1: {  	s21 =	simm.s32 $0x0;
	s18 =	rddreg [dreg:$0x13];
	[sflag:s10] =	ssyncadd.s32 $0xFFFFC000  }
0x1a2: {  	[tilespmem:s2], [sflag:$0x4] =	stream.linear.gather [hbm4b:s18+s12], $0x4000, $0x38;
	[tilespmem:$0x1C080] =	vst v63  }
0x1a3: {  	s20 =	sand.u32 $0x1C00, s12;
	s13 =	sand.u32 $0x2000, s19;
	_ =	swait.ge [sflag:s3], $0x4000  }
0x1a4: {  	s22 =	sand.u32 $0x380, s21;
	s13 =	sor.u32 s20, s13;
	[sflag:s3] =	ssyncset.done $0x0  }
0x1a5: {  	s15 =	sor.u32 s22, s13;
	[sflag:s3] =	ssyncadd.s32 $0xFFFFC000  }
0x1a6: {  	v2 =	vld [tilespmem:s15+$0x4070]  }
0x1a7: {  	v7 =	vld [tilespmem:s15+$0x4000]  }
0x1a8: {  	v8 =	vld [tilespmem:s15+$0x4010]  }
0x1a9: {  	v6 =	vld [tilespmem:s15+$0x4020]  }
0x1aa: {  	v3 =	vld [tilespmem:s15+$0x4030]  }
0x1ab: {  	v5 =	vld [tilespmem:s15+$0x4040]  }
0x1ac: {  	s13 =	sor.u32 $0x10070, s15;
	v4 =	vld [tilespmem:s15+$0x4060]  }
0x1ad: {  	[tilespmem:s13+$0x0] =	vst.add.f32.msk $0xffff, v2  }
0x1ae: {  	s14 =	sor.u32 $0x10000, s15;
	s19 =	sor.u32 $0x10010, s15;
	v2 =	vld [tilespmem:s15+$0x4050]  }
0x1af: {  	s17 =	sor.u32 $0x10020, s15;
	s16 =	sor.u32 $0x10040, s15;
	s18 =	sor.u32 $0x10030, s15;
	[tilespmem:s14+$0x0] =	vst.add.f32.msk $0xffff, v7  }
0x1b0: {  	s13 =	simm.s32 $0x0;
	s14 =	sor.u32 $0x10050, s15;
	s15 =	sor.u32 $0x10060, s15;
	[tilespmem:s19+$0x0] =	vst.add.f32.msk $0xffff, v8  }
.LBB2_16:
0x1b1: {  	s13 =	sadd.s32 $0x8, s13;
	[tilespmem:s17+$0x0] =	vst.add.f32.msk $0xffff, v6  }
0x1b2: {  	s12 =	sadd.s32 $0x400, s12;
	s17 =	sshll.u32 s13, $0x4;
	p0 =	slt.u32 s13, $0x3F8;
	[tilespmem:s18+$0x0] =	vst.add.f32.msk $0xffff, v3  }
0x1b3: {  	s18 =	sand.u32 $0x1C00, s12;
	s19 =	sshll.u32 s13, $0x1;
	s17 =	sand.u32 $0x2000, s17;
	[tilespmem:s16+$0x0] =	vst.add.f32.msk $0xffff, v5  }
0x1b4: {  	s16 =	sor.u32 s18, s17;
	s17 =	sand.u32 $0x380, s19;
	[tilespmem:s14+$0x0] =	vst.add.f32.msk $0xffff, v2  }
0x1b5: {  	s19 =	sor.u32 s17, s16;
	[tilespmem:s15+$0x0] =	vst.add.f32.msk $0xffff, v4  }
0x1b6: {  	s20 =	sor.u32 $0x10000, s19;
	s21 =	sor.u32 $0x10010, s19;
	s17 =	sor.u32 $0x10020, s19;
	v2 =	vld [tilespmem:s19+$0x4070]  }
0x1b7: {  	s18 =	sor.u32 $0x10030, s19;
	s16 =	sor.u32 $0x10040, s19;
	s14 =	sor.u32 $0x10050, s19;
	v7 =	vld [tilespmem:s19+$0x4000]  }
0x1b8: {  	s15 =	sor.u32 $0x10060, s19;
	v8 =	vld [tilespmem:s19+$0x4010]  }
0x1b9: {  	v6 =	vld [tilespmem:s19+$0x4020]  }
0x1ba: {  	s22 =	sor.u32 $0x10070, s19;
	v3 =	vld [tilespmem:s19+$0x4030]  }
0x1bb: {  	[tilespmem:s22+$0x0] =	vst.add.f32.msk $0xffff, v2  }
.Ltmp7:
0x1bc: {  	v5 =	vld [tilespmem:s19+$0x4040];
	(pc) =	sbr.rel @p0 .LBB2_16-.Ltmp7, $4  }
0x1bd: {  	v2 =	vld [tilespmem:s19+$0x4050]  }
0x1be: {  	v4 =	vld [tilespmem:s19+$0x4060]  }
0x1bf: {  	[tilespmem:s20+$0x0] =	vst.add.f32.msk $0xffff, v7  }
0x1c0: {  	[tilespmem:s21+$0x0] =	vst.add.f32.msk $0xffff, v8  }
0x1c1: {  	[tilespmem:s17+$0x0] =	vst.add.f32.msk $0xffff, v6  }
0x1c2: {  	[tilespmem:s18+$0x0] =	vst.add.f32.msk $0xffff, v3  }
0x1c3: {  	[tilespmem:s16+$0x0] =	vst.add.f32.msk $0xffff, v5  }
0x1c4: {  	[tilespmem:s14+$0x0] =	vst.add.f32.msk $0xffff, v2  }
0x1c5: {  	[tilespmem:s15+$0x0] =	vst.add.f32.msk $0xffff, v4  }
0x1c6: {  	s12 =	simm.s32 $0x0;
	s13 =	rddreg [dreg:$0x14]  }
0x1c7: {  	[hbm4b:s13+s12] =	stream.linear.scatter [tilespmem:s26], [sflag:$0x6], $0x4000, $0x38;
	[tilespmem:$0x1C080] =	vst v63  }
0x1c8: {  	_ =	swait.ge [sflag:s4], $0x4000  }
0x1c9: {  	s19 =	simm.s32 $0x0;
	[sflag:s4] =	ssyncset.done $0x0  }
0x1ca: {  	s21 =	simm.s32 $0x0;
	s18 =	rddreg [dreg:$0x18];
	[sflag:s4] =	ssyncadd.s32 $0xFFFFC000  }
0x1cb: {  	[tilespmem:s25], [sflag:$0x1] =	stream.linear.gather [hbm4b:s18+s12], $0x4000, $0x38;
	[tilespmem:$0x1C080] =	vst v63  }
0x1cc: {  	s20 =	sand.u32 $0x1C00, s12;
	s13 =	sand.u32 $0x2000, s19;
	_ =	swait.ge [sflag:s5], $0x4000  }
0x1cd: {  	s22 =	sand.u32 $0x380, s21;
	s13 =	sor.u32 s20, s13;
	[sflag:s5] =	ssyncset.done $0x0  }
0x1ce: {  	s15 =	sor.u32 s22, s13;
	[sflag:s5] =	ssyncadd.s32 $0xFFFFC000  }
0x1cf: {  	v2 =	vld [tilespmem:s15+$0x4070]  }
0x1d0: {  	v7 =	vld [tilespmem:s15+$0x4000]  }
0x1d1: {  	v8 =	vld [tilespmem:s15+$0x4010]  }
0x1d2: {  	v6 =	vld [tilespmem:s15+$0x4020]  }
0x1d3: {  	v3 =	vld [tilespmem:s15+$0x4030]  }
0x1d4: {  	v5 =	vld [tilespmem:s15+$0x4040]  }
0x1d5: {  	s13 =	sor.u32 $0x14070, s15;
	v4 =	vld [tilespmem:s15+$0x4060]  }
0x1d6: {  	[tilespmem:s13+$0x0] =	vst.add.f32.msk $0xffff, v2  }
0x1d7: {  	s14 =	sor.u32 $0x14000, s15;
	s19 =	sor.u32 $0x14010, s15;
	v2 =	vld [tilespmem:s15+$0x4050]  }
0x1d8: {  	s17 =	sor.u32 $0x14020, s15;
	s16 =	sor.u32 $0x14040, s15;
	s18 =	sor.u32 $0x14030, s15;
	[tilespmem:s14+$0x0] =	vst.add.f32.msk $0xffff, v7  }
0x1d9: {  	s13 =	simm.s32 $0x0;
	s14 =	sor.u32 $0x14050, s15;
	s15 =	sor.u32 $0x14060, s15;
	[tilespmem:s19+$0x0] =	vst.add.f32.msk $0xffff, v8  }
.LBB2_18:
0x1da: {  	s13 =	sadd.s32 $0x8, s13;
	[tilespmem:s17+$0x0] =	vst.add.f32.msk $0xffff, v6  }
0x1db: {  	s12 =	sadd.s32 $0x400, s12;
	s17 =	sshll.u32 s13, $0x4;
	p0 =	slt.u32 s13, $0x3F8;
	[tilespmem:s18+$0x0] =	vst.add.f32.msk $0xffff, v3  }
0x1dc: {  	s18 =	sand.u32 $0x1C00, s12;
	s19 =	sshll.u32 s13, $0x1;
	s17 =	sand.u32 $0x2000, s17;
	[tilespmem:s16+$0x0] =	vst.add.f32.msk $0xffff, v5  }
0x1dd: {  	s16 =	sor.u32 s18, s17;
	s17 =	sand.u32 $0x380, s19;
	[tilespmem:s14+$0x0] =	vst.add.f32.msk $0xffff, v2  }
0x1de: {  	s19 =	sor.u32 s17, s16;
	[tilespmem:s15+$0x0] =	vst.add.f32.msk $0xffff, v4  }
0x1df: {  	s20 =	sor.u32 $0x14000, s19;
	s21 =	sor.u32 $0x14010, s19;
	s17 =	sor.u32 $0x14020, s19;
	v2 =	vld [tilespmem:s19+$0x4070]  }
0x1e0: {  	s18 =	sor.u32 $0x14030, s19;
	s16 =	sor.u32 $0x14040, s19;
	s14 =	sor.u32 $0x14050, s19;
	v7 =	vld [tilespmem:s19+$0x4000]  }
0x1e1: {  	s15 =	sor.u32 $0x14060, s19;
	v8 =	vld [tilespmem:s19+$0x4010]  }
0x1e2: {  	v6 =	vld [tilespmem:s19+$0x4020]  }
0x1e3: {  	s22 =	sor.u32 $0x14070, s19;
	v3 =	vld [tilespmem:s19+$0x4030]  }
0x1e4: {  	[tilespmem:s22+$0x0] =	vst.add.f32.msk $0xffff, v2  }
.Ltmp8:
0x1e5: {  	v5 =	vld [tilespmem:s19+$0x4040];
	(pc) =	sbr.rel @p0 .LBB2_18-.Ltmp8, $4  }
0x1e6: {  	v2 =	vld [tilespmem:s19+$0x4050]  }
0x1e7: {  	v4 =	vld [tilespmem:s19+$0x4060]  }
0x1e8: {  	[tilespmem:s20+$0x0] =	vst.add.f32.msk $0xffff, v7  }
0x1e9: {  	[tilespmem:s21+$0x0] =	vst.add.f32.msk $0xffff, v8  }
0x1ea: {  	[tilespmem:s17+$0x0] =	vst.add.f32.msk $0xffff, v6  }
0x1eb: {  	[tilespmem:s18+$0x0] =	vst.add.f32.msk $0xffff, v3  }
0x1ec: {  	[tilespmem:s16+$0x0] =	vst.add.f32.msk $0xffff, v5  }
0x1ed: {  	[tilespmem:s14+$0x0] =	vst.add.f32.msk $0xffff, v2  }
0x1ee: {  	[tilespmem:s15+$0x0] =	vst.add.f32.msk $0xffff, v4  }
0x1ef: {  	s12 =	simm.s32 $0x0;
	s13 =	rddreg [dreg:$0x15]  }
0x1f0: {  	[hbm4b:s13+s12] =	stream.linear.scatter [tilespmem:s31], [sflag:$0x7], $0x4000, $0x38;
	[tilespmem:$0x1C080] =	vst v63  }
0x1f1: {  	_ =	swait.ge [sflag:s6], $0x4000  }
0x1f2: {  	s19 =	simm.s32 $0x0;
	[sflag:s6] =	ssyncset.done $0x0  }
0x1f3: {  	s21 =	simm.s32 $0x0;
	s18 =	rddreg [dreg:$0x1a];
	[sflag:s6] =	ssyncadd.s32 $0xFFFFC000  }
0x1f4: {  	[tilespmem:s26], [sflag:$0x2] =	stream.linear.gather [hbm4b:s18+s12], $0x4000, $0x38;
	[tilespmem:$0x1C080] =	vst v63  }
0x1f5: {  	s20 =	sand.u32 $0x1C00, s12;
	s13 =	sand.u32 $0x2000, s19;
	_ =	swait.ge [sflag:s7], $0x4000  }
0x1f6: {  	s22 =	sand.u32 $0x380, s21;
	s13 =	sor.u32 s20, s13;
	[sflag:s7] =	ssyncset.done $0x0  }
0x1f7: {  	s15 =	sor.u32 s22, s13;
	[sflag:s7] =	ssyncadd.s32 $0xFFFFC000  }
0x1f8: {  	v2 =	vld [tilespmem:s15+$0x4070]  }
0x1f9: {  	v7 =	vld [tilespmem:s15+$0x4000]  }
0x1fa: {  	v8 =	vld [tilespmem:s15+$0x4010]  }
0x1fb: {  	v6 =	vld [tilespmem:s15+$0x4020]  }
0x1fc: {  	v3 =	vld [tilespmem:s15+$0x4030]  }
0x1fd: {  	v5 =	vld [tilespmem:s15+$0x4040]  }
0x1fe: {  	s13 =	sor.u32 $0x18070, s15;
	v4 =	vld [tilespmem:s15+$0x4060]  }
0x1ff: {  	[tilespmem:s13+$0x0] =	vst.add.f32.msk $0xffff, v2  }
0x200: {  	s14 =	sor.u32 $0x18000, s15;
	s19 =	sor.u32 $0x18010, s15;
	v2 =	vld [tilespmem:s15+$0x4050]  }
0x201: {  	s17 =	sor.u32 $0x18020, s15;
	s16 =	sor.u32 $0x18040, s15;
	s18 =	sor.u32 $0x18030, s15;
	[tilespmem:s14+$0x0] =	vst.add.f32.msk $0xffff, v7  }
0x202: {  	s13 =	simm.s32 $0x0;
	s14 =	sor.u32 $0x18050, s15;
	s15 =	sor.u32 $0x18060, s15;
	[tilespmem:s19+$0x0] =	vst.add.f32.msk $0xffff, v8  }
.LBB2_20:
0x203: {  	s13 =	sadd.s32 $0x8, s13;
	[tilespmem:s17+$0x0] =	vst.add.f32.msk $0xffff, v6  }
0x204: {  	s12 =	sadd.s32 $0x400, s12;
	s17 =	sshll.u32 s13, $0x4;
	p0 =	slt.u32 s13, $0x3F8;
	[tilespmem:s18+$0x0] =	vst.add.f32.msk $0xffff, v3  }
0x205: {  	s18 =	sand.u32 $0x1C00, s12;
	s19 =	sshll.u32 s13, $0x1;
	s17 =	sand.u32 $0x2000, s17;
	[tilespmem:s16+$0x0] =	vst.add.f32.msk $0xffff, v5  }
0x206: {  	s16 =	sor.u32 s18, s17;
	s17 =	sand.u32 $0x380, s19;
	[tilespmem:s14+$0x0] =	vst.add.f32.msk $0xffff, v2  }
0x207: {  	s19 =	sor.u32 s17, s16;
	[tilespmem:s15+$0x0] =	vst.add.f32.msk $0xffff, v4  }
0x208: {  	s20 =	sor.u32 $0x18000, s19;
	s21 =	sor.u32 $0x18010, s19;
	s17 =	sor.u32 $0x18020, s19;
	v2 =	vld [tilespmem:s19+$0x4070]  }
0x209: {  	s18 =	sor.u32 $0x18030, s19;
	s16 =	sor.u32 $0x18040, s19;
	s14 =	sor.u32 $0x18050, s19;
	v7 =	vld [tilespmem:s19+$0x4000]  }
0x20a: {  	s15 =	sor.u32 $0x18060, s19;
	v8 =	vld [tilespmem:s19+$0x4010]  }
0x20b: {  	v6 =	vld [tilespmem:s19+$0x4020]  }
0x20c: {  	s22 =	sor.u32 $0x18070, s19;
	v3 =	vld [tilespmem:s19+$0x4030]  }
0x20d: {  	[tilespmem:s22+$0x0] =	vst.add.f32.msk $0xffff, v2  }
.Ltmp9:
0x20e: {  	v5 =	vld [tilespmem:s19+$0x4040];
	(pc) =	sbr.rel @p0 .LBB2_20-.Ltmp9, $4  }
0x20f: {  	v2 =	vld [tilespmem:s19+$0x4050]  }
0x210: {  	v4 =	vld [tilespmem:s19+$0x4060]  }
0x211: {  	[tilespmem:s20+$0x0] =	vst.add.f32.msk $0xffff, v7  }
0x212: {  	[tilespmem:s21+$0x0] =	vst.add.f32.msk $0xffff, v8  }
0x213: {  	[tilespmem:s17+$0x0] =	vst.add.f32.msk $0xffff, v6  }
0x214: {  	[tilespmem:s18+$0x0] =	vst.add.f32.msk $0xffff, v3  }
0x215: {  	[tilespmem:s16+$0x0] =	vst.add.f32.msk $0xffff, v5  }
0x216: {  	[tilespmem:s14+$0x0] =	vst.add.f32.msk $0xffff, v2  }
0x217: {  	[tilespmem:s15+$0x0] =	vst.add.f32.msk $0xffff, v4  }
0x218: {  	s13 =	simm.s32 $0x0;
	s12 =	rddreg [dreg:$0x16]  }
0x219: {  	[hbm4b:s12+s13] =	stream.linear.scatter [tilespmem:s2], [sflag:$0x8], $0x4000, $0x38;
	[tilespmem:$0x1C080] =	vst v63  }
0x21a: {  	_ =	swait.ge [sflag:s29], $0x4000  }
0x21b: {  	[sflag:s29] =	ssyncset.done $0x0  }
0x21c: {  	s19 =	simm.s32 $0x0;
	s21 =	simm.s32 $0x0;
	[sflag:s29] =	ssyncadd.s32 $0xFFFFC000  }
0x21d: {  	s20 =	sand.u32 $0x1C00, s13;
	s12 =	sand.u32 $0x2000, s19;
	_ =	swait.ge [sflag:s29], $0x4000  }
0x21e: {  	s22 =	sand.u32 $0x380, s21;
	s12 =	sor.u32 s20, s12;
	[sflag:s29] =	ssyncset.done $0x0  }
0x21f: {  	s12 =	sor.u32 s22, s12;
	[sflag:s29] =	ssyncadd.s32 $0xFFFFC000  }
0x220: {  	v2 =	vld [tilespmem:s12+$0x70]  }
0x221: {  	v3 =	vld [tilespmem:s12+$0x8070]  }
0x222: {  	v5 =	vld [tilespmem:s12+$0x0]  }
0x223: {  	v7 =	vld [tilespmem:s12+$0x8000]  }
0x224: {  	v8 =	vld [tilespmem:s12+$0x10]  }
0x225: {  	v9 =	vld [tilespmem:s12+$0x8010]  }
0x226: {  	v4 =	vld [tilespmem:s12+$0x20];
	v10 =	vmul.f32 v2, v0;
	v3 =	vmul.f32 v3, v1  }
0x227: {  	v6 =	vld [tilespmem:s12+$0x8020]  }
0x228: {  	v5 =	vmul.f32 v5, v0;
	v11 =	vmul.f32 v7, v1;
	v2 =	vld [tilespmem:s12+$0x30];
	v10 =	vadd.f32 v3, v10  }
0x229: {  	v3 =	vld [tilespmem:s12+$0x8030]  }
0x22a: {  	s14 =	simm.s32 $0x0;
	v7 =	vmul.f32 v8, v0;
	v9 =	vmul.f32 v9, v1;
	v8 =	vadd.f32 v11, v5;
	v5 =	vld [tilespmem:s12+$0x40];
	[tilespmem:s12+$0x70] =	vst v10  }
.LBB2_22:
0x22b: {  	s14 =	sadd.s32 $0x8, s14;
	v4 =	vmul.f32 v4, v0;
	v10 =	vld [tilespmem:s12+$0x8040]  }
0x22c: {  	s13 =	sadd.s32 $0x400, s13;
	s15 =	sshll.u32 s14, $0x4;
	p0 =	slt.u32 s14, $0x3F8;
	[tilespmem:s12+$0x0] =	vst v8;
	v7 =	vadd.f32 v9, v7;
	v6 =	vmul.f32 v6, v1;
	v8 =	vld [tilespmem:s12+$0x50]  }
0x22d: {  	s16 =	sand.u32 $0x1C00, s13;
	s17 =	sshll.u32 s14, $0x1;
	s15 =	sand.u32 $0x2000, s15;
	v2 =	vmul.f32 v2, v0;
	v9 =	vld [tilespmem:s12+$0x8050]  }
0x22e: {  	s15 =	sor.u32 s16, s15;
	s16 =	sand.u32 $0x380, s17;
	[tilespmem:s12+$0x10] =	vst v7;
	v4 =	vadd.f32 v6, v4;
	v3 =	vmul.f32 v3, v1;
	v6 =	vld [tilespmem:s12+$0x60]  }
0x22f: {  	s15 =	sor.u32 s16, s15;
	v5 =	vmul.f32 v5, v0;
	v7 =	vld [tilespmem:s12+$0x8060]  }
0x230: {  	v11 =	vld [tilespmem:s15+$0x70];
	[tilespmem:s12+$0x20] =	vst v4;
	v2 =	vadd.f32 v3, v2;
	v3 =	vmul.f32 v10, v1  }
0x231: {  	v10 =	vld [tilespmem:s15+$0x8070];
	v4 =	vmul.f32 v8, v0  }
0x232: {  	v8 =	vld [tilespmem:s15+$0x0];
	[tilespmem:s12+$0x30] =	vst v2;
	v2 =	vadd.f32 v3, v5;
	v3 =	vmul.f32 v9, v1  }
0x233: {  	v5 =	vld [tilespmem:s15+$0x8000];
	v6 =	vmul.f32 v6, v0  }
0x234: {  	v9 =	vld [tilespmem:s15+$0x10];
	[tilespmem:s12+$0x40] =	vst v2;
	v2 =	vadd.f32 v3, v4;
	v3 =	vmul.f32 v7, v1  }
0x235: {  	v12 =	vld [tilespmem:s15+$0x8010]  }
.Ltmp10:
0x236: {  	v7 =	vmul.f32 v11, v0;
	v4 =	vld [tilespmem:s15+$0x20];
	v10 =	vmul.f32 v10, v1;
	[tilespmem:s12+$0x50] =	vst v2;
	v3 =	vadd.f32 v3, v6;
	(pc) =	sbr.rel @p0 .LBB2_22-.Ltmp10, $4  }
0x237: {  	v8 =	vmul.f32 v8, v0;
	v6 =	vld [tilespmem:s15+$0x8020]  }
0x238: {  	v5 =	vmul.f32 v5, v1;
	v2 =	vld [tilespmem:s15+$0x30];
	v10 =	vadd.f32 v10, v7;
	[tilespmem:s12+$0x60] =	vst v3;
	s12 =	smov.u32 s15  }
0x239: {  	v7 =	vmul.f32 v9, v0;
	v3 =	vld [tilespmem:s12+$0x8030]  }
0x23a: {  	v8 =	vadd.f32 v5, v8;
	v9 =	vmul.f32 v12, v1;
	v5 =	vld [tilespmem:s12+$0x40];
	[tilespmem:s12+$0x70] =	vst v10  }
0x23b: {  	v10 =	vld [tilespmem:s12+$0x8040]  }
0x23c: {  	v11 =	vld [tilespmem:s12+$0x50]  }
0x23d: {  	v12 =	vld [tilespmem:s12+$0x8050]  }
0x23e: {  	v13 =	vld [tilespmem:s12+$0x60]  }
0x23f: {  	v14 =	vld [tilespmem:s12+$0x8060]  }
0x240: {  	v4 =	vmul.f32 v4, v0;
	v6 =	vmul.f32 v6, v1  }
0x241: {  	v7 =	vadd.f32 v9, v7;
	v2 =	vmul.f32 v2, v0;
	v3 =	vmul.f32 v3, v1  }
0x242: {  	[tilespmem:s12+$0x0] =	vst v8;
	v4 =	vadd.f32 v6, v4;
	v5 =	vmul.f32 v5, v0;
	v6 =	vmul.f32 v10, v1  }
0x243: {  	[tilespmem:s12+$0x10] =	vst v7;
	v2 =	vadd.f32 v3, v2;
	v3 =	vmul.f32 v11, v0;
	v7 =	vmul.f32 v12, v1  }
0x244: {  	[tilespmem:s12+$0x20] =	vst v4;
	v4 =	vadd.f32 v6, v5;
	v5 =	vmul.f32 v13, v0;
	v6 =	vmul.f32 v14, v1  }
0x245: {  	[tilespmem:s12+$0x30] =	vst v2;
	v2 =	vadd.f32 v7, v3  }
0x246: {  	[tilespmem:s12+$0x40] =	vst v4;
	v3 =	vadd.f32 v6, v5  }
0x247: {  	[tilespmem:s12+$0x50] =	vst v2  }
0x248: {  	[tilespmem:s12+$0x60] =	vst v3  }
0x249: {  	s13 =	sld [smem:$0x7C7];
	_ =	sdelay $0x1  }
0x24a: {  	s12 =	simm.s32 $0x0;
	s19 =	sld [smem:$0x7C8]  }
0x24b: {  	[tilespmem:s30], [sflag:$0xA] =	stream.linear.gather [hbm4b:s13+s12], $0x4000, $0x38;
	[tilespmem:$0x1C080] =	vst v63  }
0x24c: {  	_ = 	snop  }
0x24d: {  	[tilespmem:s28], [sflag:$0xA] =	stream.linear.gather [hbm4b:s19+s12], $0x4000, $0x38;
	[tilespmem:$0x1C080] =	vst v63  }
0x24e: {  	_ =	swait.ge [sflag:s9], $0x4000  }
0x24f: {  	s21 =	simm.s32 $0x0;
	[sflag:s9] =	ssyncset.done $0x0  }
0x250: {  	s15 =	simm.s32 $0x0;
	s20 =	rddreg [dreg:$0x1c];
	[sflag:s9] =	ssyncadd.s32 $0xFFFFC000  }
0x251: {  	[tilespmem:s31], [sflag:$0x3] =	stream.linear.gather [hbm4b:s20+s12], $0x4000, $0x38;
	[tilespmem:$0x1C080] =	vst v63  }
0x252: {  	s14 =	sand.u32 $0x1C00, s12;
	s13 =	sand.u32 $0x2000, s21;
	_ =	swait.ge [sflag:s0], $0x4000  }
0x253: {  	s22 =	sand.u32 $0x380, s15;
	s13 =	sor.u32 s14, s13;
	[sflag:s0] =	ssyncset.done $0x0  }
0x254: {  	s15 =	sor.u32 s22, s13;
	[sflag:s0] =	ssyncadd.s32 $0xFFFFC000  }
0x255: {  	v2 =	vld [tilespmem:s15+$0x70]  }
0x256: {  	v7 =	vld [tilespmem:s15+$0x0]  }
0x257: {  	v8 =	vld [tilespmem:s15+$0x10]  }
0x258: {  	v6 =	vld [tilespmem:s15+$0x20]  }
0x259: {  	v3 =	vld [tilespmem:s15+$0x30]  }
0x25a: {  	v5 =	vld [tilespmem:s15+$0x40]  }
0x25b: {  	s13 =	sor.u32 $0xC070, s15;
	v4 =	vld [tilespmem:s15+$0x60]  }
0x25c: {  	[tilespmem:s13+$0x0] =	vst.add.f32.msk $0xffff, v2  }
0x25d: {  	s14 =	sor.u32 $0xC000, s15;
	s19 =	sor.u32 $0xC010, s15;
	v2 =	vld [tilespmem:s15+$0x50]  }
0x25e: {  	s17 =	sor.u32 $0xC020, s15;
	s18 =	sor.u32 $0xC030, s15;
	s16 =	sor.u32 $0xC040, s15;
	[tilespmem:s14+$0x0] =	vst.add.f32.msk $0xffff, v7  }
0x25f: {  	s13 =	simm.s32 $0x0;
	s14 =	sor.u32 $0xC050, s15;
	s15 =	sor.u32 $0xC060, s15;
	[tilespmem:s19+$0x0] =	vst.add.f32.msk $0xffff, v8  }
.LBB2_24:
0x260: {  	s13 =	sadd.s32 $0x8, s13;
	[tilespmem:s17+$0x0] =	vst.add.f32.msk $0xffff, v6  }
0x261: {  	s12 =	sadd.s32 $0x400, s12;
	s17 =	sshll.u32 s13, $0x4;
	p0 =	slt.u32 s13, $0x3F8;
	[tilespmem:s18+$0x0] =	vst.add.f32.msk $0xffff, v3  }
0x262: {  	s18 =	sand.u32 $0x1C00, s12;
	s19 =	sshll.u32 s13, $0x1;
	s17 =	sand.u32 $0x2000, s17;
	[tilespmem:s16+$0x0] =	vst.add.f32.msk $0xffff, v5  }
0x263: {  	s16 =	sor.u32 s18, s17;
	s17 =	sand.u32 $0x380, s19;
	[tilespmem:s14+$0x0] =	vst.add.f32.msk $0xffff, v2  }
0x264: {  	s19 =	sor.u32 s17, s16;
	[tilespmem:s15+$0x0] =	vst.add.f32.msk $0xffff, v4  }
0x265: {  	s20 =	sor.u32 $0xC000, s19;
	s21 =	sor.u32 $0xC010, s19;
	s17 =	sor.u32 $0xC020, s19;
	v2 =	vld [tilespmem:s19+$0x70]  }
0x266: {  	s18 =	sor.u32 $0xC030, s19;
	s16 =	sor.u32 $0xC040, s19;
	s14 =	sor.u32 $0xC050, s19;
	v7 =	vld [tilespmem:s19+$0x0]  }
0x267: {  	s15 =	sor.u32 $0xC060, s19;
	v8 =	vld [tilespmem:s19+$0x10]  }
0x268: {  	v6 =	vld [tilespmem:s19+$0x20]  }
0x269: {  	s22 =	sor.u32 $0xC070, s19;
	v3 =	vld [tilespmem:s19+$0x30]  }
0x26a: {  	[tilespmem:s22+$0x0] =	vst.add.f32.msk $0xffff, v2  }
.Ltmp11:
0x26b: {  	v5 =	vld [tilespmem:s19+$0x40];
	(pc) =	sbr.rel @p0 .LBB2_24-.Ltmp11, $4  }
0x26c: {  	v2 =	vld [tilespmem:s19+$0x50]  }
0x26d: {  	v4 =	vld [tilespmem:s19+$0x60]  }
0x26e: {  	[tilespmem:s20+$0x0] =	vst.add.f32.msk $0xffff, v7  }
0x26f: {  	[tilespmem:s21+$0x0] =	vst.add.f32.msk $0xffff, v8  }
0x270: {  	[tilespmem:s17+$0x0] =	vst.add.f32.msk $0xffff, v6  }
0x271: {  	[tilespmem:s18+$0x0] =	vst.add.f32.msk $0xffff, v3  }
0x272: {  	[tilespmem:s16+$0x0] =	vst.add.f32.msk $0xffff, v5  }
0x273: {  	[tilespmem:s14+$0x0] =	vst.add.f32.msk $0xffff, v2  }
0x274: {  	[tilespmem:s15+$0x0] =	vst.add.f32.msk $0xffff, v4  }
0x275: {  	s12 =	simm.s32 $0x0;
	s13 =	rddreg [dreg:$0x19]  }
0x276: {  	[hbm4b:s13+s12] =	stream.linear.scatter [tilespmem:s25], [sflag:$0x5], $0x4000, $0x38;
	[tilespmem:$0x1C080] =	vst v63  }
0x277: {  	_ =	swait.ge [sflag:s10], $0x4000  }
0x278: {  	s19 =	simm.s32 $0x0;
	[sflag:s10] =	ssyncset.done $0x0  }
0x279: {  	s21 =	simm.s32 $0x0;
	s18 =	rddreg [dreg:$0x1e];
	[sflag:s10] =	ssyncadd.s32 $0xFFFFC000  }
0x27a: {  	[tilespmem:s2], [sflag:$0x4] =	stream.linear.gather [hbm4b:s18+s12], $0x4000, $0x38;
	[tilespmem:$0x1C080] =	vst v63  }
0x27b: {  	s20 =	sand.u32 $0x1C00, s12;
	s13 =	sand.u32 $0x2000, s19;
	_ =	swait.ge [sflag:s3], $0x4000  }
0x27c: {  	s22 =	sand.u32 $0x380, s21;
	s13 =	sor.u32 s20, s13;
	[sflag:s3] =	ssyncset.done $0x0  }
0x27d: {  	s15 =	sor.u32 s22, s13;
	[sflag:s3] =	ssyncadd.s32 $0xFFFFC000  }
0x27e: {  	v2 =	vld [tilespmem:s15+$0x70]  }
0x27f: {  	v7 =	vld [tilespmem:s15+$0x0]  }
0x280: {  	v8 =	vld [tilespmem:s15+$0x10]  }
0x281: {  	v6 =	vld [tilespmem:s15+$0x20]  }
0x282: {  	v3 =	vld [tilespmem:s15+$0x30]  }
0x283: {  	v5 =	vld [tilespmem:s15+$0x40]  }
0x284: {  	s13 =	sor.u32 $0x10070, s15;
	v4 =	vld [tilespmem:s15+$0x60]  }
0x285: {  	[tilespmem:s13+$0x0] =	vst.add.f32.msk $0xffff, v2  }
0x286: {  	s14 =	sor.u32 $0x10000, s15;
	s19 =	sor.u32 $0x10010, s15;
	v2 =	vld [tilespmem:s15+$0x50]  }
0x287: {  	s17 =	sor.u32 $0x10020, s15;
	s16 =	sor.u32 $0x10040, s15;
	s18 =	sor.u32 $0x10030, s15;
	[tilespmem:s14+$0x0] =	vst.add.f32.msk $0xffff, v7  }
0x288: {  	s13 =	simm.s32 $0x0;
	s14 =	sor.u32 $0x10050, s15;
	s15 =	sor.u32 $0x10060, s15;
	[tilespmem:s19+$0x0] =	vst.add.f32.msk $0xffff, v8  }
.LBB2_26:
0x289: {  	s13 =	sadd.s32 $0x8, s13;
	[tilespmem:s17+$0x0] =	vst.add.f32.msk $0xffff, v6  }
0x28a: {  	s12 =	sadd.s32 $0x400, s12;
	s17 =	sshll.u32 s13, $0x4;
	p0 =	slt.u32 s13, $0x3F8;
	[tilespmem:s18+$0x0] =	vst.add.f32.msk $0xffff, v3  }
0x28b: {  	s18 =	sand.u32 $0x1C00, s12;
	s19 =	sshll.u32 s13, $0x1;
	s17 =	sand.u32 $0x2000, s17;
	[tilespmem:s16+$0x0] =	vst.add.f32.msk $0xffff, v5  }
0x28c: {  	s16 =	sor.u32 s18, s17;
	s17 =	sand.u32 $0x380, s19;
	[tilespmem:s14+$0x0] =	vst.add.f32.msk $0xffff, v2  }
0x28d: {  	s19 =	sor.u32 s17, s16;
	[tilespmem:s15+$0x0] =	vst.add.f32.msk $0xffff, v4  }
0x28e: {  	s20 =	sor.u32 $0x10000, s19;
	s21 =	sor.u32 $0x10010, s19;
	s17 =	sor.u32 $0x10020, s19;
	v2 =	vld [tilespmem:s19+$0x70]  }
0x28f: {  	s18 =	sor.u32 $0x10030, s19;
	s16 =	sor.u32 $0x10040, s19;
	s14 =	sor.u32 $0x10050, s19;
	v7 =	vld [tilespmem:s19+$0x0]  }
0x290: {  	s15 =	sor.u32 $0x10060, s19;
	v8 =	vld [tilespmem:s19+$0x10]  }
0x291: {  	v6 =	vld [tilespmem:s19+$0x20]  }
0x292: {  	s22 =	sor.u32 $0x10070, s19;
	v3 =	vld [tilespmem:s19+$0x30]  }
0x293: {  	[tilespmem:s22+$0x0] =	vst.add.f32.msk $0xffff, v2  }
.Ltmp12:
0x294: {  	v5 =	vld [tilespmem:s19+$0x40];
	(pc) =	sbr.rel @p0 .LBB2_26-.Ltmp12, $4  }
0x295: {  	v2 =	vld [tilespmem:s19+$0x50]  }
0x296: {  	v4 =	vld [tilespmem:s19+$0x60]  }
0x297: {  	[tilespmem:s20+$0x0] =	vst.add.f32.msk $0xffff, v7  }
0x298: {  	[tilespmem:s21+$0x0] =	vst.add.f32.msk $0xffff, v8  }
0x299: {  	[tilespmem:s17+$0x0] =	vst.add.f32.msk $0xffff, v6  }
0x29a: {  	[tilespmem:s18+$0x0] =	vst.add.f32.msk $0xffff, v3  }
0x29b: {  	[tilespmem:s16+$0x0] =	vst.add.f32.msk $0xffff, v5  }
0x29c: {  	[tilespmem:s14+$0x0] =	vst.add.f32.msk $0xffff, v2  }
0x29d: {  	[tilespmem:s15+$0x0] =	vst.add.f32.msk $0xffff, v4  }
0x29e: {  	s12 =	simm.s32 $0x0;
	s13 =	rddreg [dreg:$0x1b]  }
0x29f: {  	[hbm4b:s13+s12] =	stream.linear.scatter [tilespmem:s26], [sflag:$0x6], $0x4000, $0x38;
	[tilespmem:$0x1C080] =	vst v63  }
0x2a0: {  	_ =	swait.ge [sflag:s4], $0x4000  }
0x2a1: {  	s18 =	sld [smem:$0x7C9]  }
0x2a2: {  	[sflag:s4] =	ssyncset.done $0x0  }
0x2a3: {  	s19 =	simm.s32 $0x0;
	s21 =	simm.s32 $0x0;
	[sflag:s4] =	ssyncadd.s32 $0xFFFFC000  }
0x2a4: {  	[tilespmem:s25], [sflag:$0x1] =	stream.linear.gather [hbm4b:s18+s12], $0x4000, $0x38;
	[tilespmem:$0x1C080] =	vst v63  }
0x2a5: {  	s20 =	sand.u32 $0x1C00, s12;
	s13 =	sand.u32 $0x2000, s19;
	_ =	swait.ge [sflag:s5], $0x4000  }
0x2a6: {  	s22 =	sand.u32 $0x380, s21;
	s13 =	sor.u32 s20, s13;
	[sflag:s5] =	ssyncset.done $0x0  }
0x2a7: {  	s15 =	sor.u32 s22, s13;
	[sflag:s5] =	ssyncadd.s32 $0xFFFFC000  }
0x2a8: {  	v2 =	vld [tilespmem:s15+$0x70]  }
0x2a9: {  	v7 =	vld [tilespmem:s15+$0x0]  }
0x2aa: {  	v8 =	vld [tilespmem:s15+$0x10]  }
0x2ab: {  	v6 =	vld [tilespmem:s15+$0x20]  }
0x2ac: {  	v3 =	vld [tilespmem:s15+$0x30]  }
0x2ad: {  	v5 =	vld [tilespmem:s15+$0x40]  }
0x2ae: {  	s13 =	sor.u32 $0x14070, s15;
	v4 =	vld [tilespmem:s15+$0x60]  }
0x2af: {  	[tilespmem:s13+$0x0] =	vst.add.f32.msk $0xffff, v2  }
0x2b0: {  	s14 =	sor.u32 $0x14000, s15;
	s19 =	sor.u32 $0x14010, s15;
	v2 =	vld [tilespmem:s15+$0x50]  }
0x2b1: {  	s17 =	sor.u32 $0x14020, s15;
	s16 =	sor.u32 $0x14040, s15;
	s18 =	sor.u32 $0x14030, s15;
	[tilespmem:s14+$0x0] =	vst.add.f32.msk $0xffff, v7  }
0x2b2: {  	s13 =	simm.s32 $0x0;
	s14 =	sor.u32 $0x14050, s15;
	s15 =	sor.u32 $0x14060, s15;
	[tilespmem:s19+$0x0] =	vst.add.f32.msk $0xffff, v8  }
.LBB2_28:
0x2b3: {  	s13 =	sadd.s32 $0x8, s13;
	[tilespmem:s17+$0x0] =	vst.add.f32.msk $0xffff, v6  }
0x2b4: {  	s12 =	sadd.s32 $0x400, s12;
	s17 =	sshll.u32 s13, $0x4;
	p0 =	slt.u32 s13, $0x3F8;
	[tilespmem:s18+$0x0] =	vst.add.f32.msk $0xffff, v3  }
0x2b5: {  	s18 =	sand.u32 $0x1C00, s12;
	s19 =	sshll.u32 s13, $0x1;
	s17 =	sand.u32 $0x2000, s17;
	[tilespmem:s16+$0x0] =	vst.add.f32.msk $0xffff, v5  }
0x2b6: {  	s16 =	sor.u32 s18, s17;
	s17 =	sand.u32 $0x380, s19;
	[tilespmem:s14+$0x0] =	vst.add.f32.msk $0xffff, v2  }
0x2b7: {  	s19 =	sor.u32 s17, s16;
	[tilespmem:s15+$0x0] =	vst.add.f32.msk $0xffff, v4  }
0x2b8: {  	s20 =	sor.u32 $0x14000, s19;
	s21 =	sor.u32 $0x14010, s19;
	s17 =	sor.u32 $0x14020, s19;
	v2 =	vld [tilespmem:s19+$0x70]  }
0x2b9: {  	s18 =	sor.u32 $0x14030, s19;
	s16 =	sor.u32 $0x14040, s19;
	s14 =	sor.u32 $0x14050, s19;
	v7 =	vld [tilespmem:s19+$0x0]  }
0x2ba: {  	s15 =	sor.u32 $0x14060, s19;
	v8 =	vld [tilespmem:s19+$0x10]  }
0x2bb: {  	v6 =	vld [tilespmem:s19+$0x20]  }
0x2bc: {  	s22 =	sor.u32 $0x14070, s19;
	v3 =	vld [tilespmem:s19+$0x30]  }
0x2bd: {  	[tilespmem:s22+$0x0] =	vst.add.f32.msk $0xffff, v2  }
.Ltmp13:
0x2be: {  	v5 =	vld [tilespmem:s19+$0x40];
	(pc) =	sbr.rel @p0 .LBB2_28-.Ltmp13, $4  }
0x2bf: {  	v2 =	vld [tilespmem:s19+$0x50]  }
0x2c0: {  	v4 =	vld [tilespmem:s19+$0x60]  }
0x2c1: {  	[tilespmem:s20+$0x0] =	vst.add.f32.msk $0xffff, v7  }
0x2c2: {  	[tilespmem:s21+$0x0] =	vst.add.f32.msk $0xffff, v8  }
0x2c3: {  	[tilespmem:s17+$0x0] =	vst.add.f32.msk $0xffff, v6  }
0x2c4: {  	[tilespmem:s18+$0x0] =	vst.add.f32.msk $0xffff, v3  }
0x2c5: {  	[tilespmem:s16+$0x0] =	vst.add.f32.msk $0xffff, v5  }
0x2c6: {  	[tilespmem:s14+$0x0] =	vst.add.f32.msk $0xffff, v2  }
0x2c7: {  	[tilespmem:s15+$0x0] =	vst.add.f32.msk $0xffff, v4  }
0x2c8: {  	s12 =	simm.s32 $0x0;
	s13 =	rddreg [dreg:$0x1d]  }
0x2c9: {  	[hbm4b:s13+s12] =	stream.linear.scatter [tilespmem:s31], [sflag:$0x7], $0x4000, $0x38;
	[tilespmem:$0x1C080] =	vst v63  }
0x2ca: {  	_ =	swait.ge [sflag:s6], $0x4000  }
0x2cb: {  	s18 =	sld [smem:$0x7CB]  }
0x2cc: {  	[sflag:s6] =	ssyncset.done $0x0  }
0x2cd: {  	s19 =	simm.s32 $0x0;
	s21 =	simm.s32 $0x0;
	[sflag:s6] =	ssyncadd.s32 $0xFFFFC000  }
0x2ce: {  	[tilespmem:s26], [sflag:$0x2] =	stream.linear.gather [hbm4b:s18+s12], $0x4000, $0x38;
	[tilespmem:$0x1C080] =	vst v63  }
0x2cf: {  	s20 =	sand.u32 $0x1C00, s12;
	s13 =	sand.u32 $0x2000, s19;
	_ =	swait.ge [sflag:s7], $0x4000  }
0x2d0: {  	s22 =	sand.u32 $0x380, s21;
	s13 =	sor.u32 s20, s13;
	[sflag:s7] =	ssyncset.done $0x0  }
0x2d1: {  	s15 =	sor.u32 s22, s13;
	[sflag:s7] =	ssyncadd.s32 $0xFFFFC000  }
0x2d2: {  	v2 =	vld [tilespmem:s15+$0x70]  }
0x2d3: {  	v7 =	vld [tilespmem:s15+$0x0]  }
0x2d4: {  	v8 =	vld [tilespmem:s15+$0x10]  }
0x2d5: {  	v6 =	vld [tilespmem:s15+$0x20]  }
0x2d6: {  	v3 =	vld [tilespmem:s15+$0x30]  }
0x2d7: {  	v5 =	vld [tilespmem:s15+$0x40]  }
0x2d8: {  	s13 =	sor.u32 $0x18070, s15;
	v4 =	vld [tilespmem:s15+$0x60]  }
0x2d9: {  	[tilespmem:s13+$0x0] =	vst.add.f32.msk $0xffff, v2  }
0x2da: {  	s14 =	sor.u32 $0x18000, s15;
	s19 =	sor.u32 $0x18010, s15;
	v2 =	vld [tilespmem:s15+$0x50]  }
0x2db: {  	s17 =	sor.u32 $0x18020, s15;
	s16 =	sor.u32 $0x18040, s15;
	s18 =	sor.u32 $0x18030, s15;
	[tilespmem:s14+$0x0] =	vst.add.f32.msk $0xffff, v7  }
0x2dc: {  	s13 =	simm.s32 $0x0;
	s14 =	sor.u32 $0x18050, s15;
	s15 =	sor.u32 $0x18060, s15;
	[tilespmem:s19+$0x0] =	vst.add.f32.msk $0xffff, v8  }
.LBB2_30:
0x2dd: {  	s13 =	sadd.s32 $0x8, s13;
	[tilespmem:s17+$0x0] =	vst.add.f32.msk $0xffff, v6  }
0x2de: {  	s12 =	sadd.s32 $0x400, s12;
	s17 =	sshll.u32 s13, $0x4;
	p0 =	slt.u32 s13, $0x3F8;
	[tilespmem:s18+$0x0] =	vst.add.f32.msk $0xffff, v3  }
0x2df: {  	s18 =	sand.u32 $0x1C00, s12;
	s19 =	sshll.u32 s13, $0x1;
	s17 =	sand.u32 $0x2000, s17;
	[tilespmem:s16+$0x0] =	vst.add.f32.msk $0xffff, v5  }
0x2e0: {  	s16 =	sor.u32 s18, s17;
	s17 =	sand.u32 $0x380, s19;
	[tilespmem:s14+$0x0] =	vst.add.f32.msk $0xffff, v2  }
0x2e1: {  	s19 =	sor.u32 s17, s16;
	[tilespmem:s15+$0x0] =	vst.add.f32.msk $0xffff, v4  }
0x2e2: {  	s20 =	sor.u32 $0x18000, s19;
	s21 =	sor.u32 $0x18010, s19;
	s17 =	sor.u32 $0x18020, s19;
	v2 =	vld [tilespmem:s19+$0x70]  }
0x2e3: {  	s18 =	sor.u32 $0x18030, s19;
	s16 =	sor.u32 $0x18040, s19;
	s14 =	sor.u32 $0x18050, s19;
	v7 =	vld [tilespmem:s19+$0x0]  }
0x2e4: {  	s15 =	sor.u32 $0x18060, s19;
	v8 =	vld [tilespmem:s19+$0x10]  }
0x2e5: {  	v6 =	vld [tilespmem:s19+$0x20]  }
0x2e6: {  	s22 =	sor.u32 $0x18070, s19;
	v3 =	vld [tilespmem:s19+$0x30]  }
0x2e7: {  	[tilespmem:s22+$0x0] =	vst.add.f32.msk $0xffff, v2  }
.Ltmp14:
0x2e8: {  	v5 =	vld [tilespmem:s19+$0x40];
	(pc) =	sbr.rel @p0 .LBB2_30-.Ltmp14, $4  }
0x2e9: {  	v2 =	vld [tilespmem:s19+$0x50]  }
0x2ea: {  	v4 =	vld [tilespmem:s19+$0x60]  }
0x2eb: {  	[tilespmem:s20+$0x0] =	vst.add.f32.msk $0xffff, v7  }
0x2ec: {  	[tilespmem:s21+$0x0] =	vst.add.f32.msk $0xffff, v8  }
0x2ed: {  	[tilespmem:s17+$0x0] =	vst.add.f32.msk $0xffff, v6  }
0x2ee: {  	[tilespmem:s18+$0x0] =	vst.add.f32.msk $0xffff, v3  }
0x2ef: {  	[tilespmem:s16+$0x0] =	vst.add.f32.msk $0xffff, v5  }
0x2f0: {  	[tilespmem:s14+$0x0] =	vst.add.f32.msk $0xffff, v2  }
0x2f1: {  	[tilespmem:s15+$0x0] =	vst.add.f32.msk $0xffff, v4  }
0x2f2: {  	s13 =	simm.s32 $0x0;
	s12 =	rddreg [dreg:$0x1f]  }
0x2f3: {  	[hbm4b:s12+s13] =	stream.linear.scatter [tilespmem:s2], [sflag:$0x8], $0x4000, $0x38;
	[tilespmem:$0x1C080] =	vst v63  }
0x2f4: {  	_ =	swait.ge [sflag:s8], $0x4000  }
0x2f5: {  	[sflag:s8] =	ssyncset.done $0x0  }
0x2f6: {  	s19 =	simm.s32 $0x0;
	s21 =	simm.s32 $0x0;
	[sflag:s8] =	ssyncadd.s32 $0xFFFFC000  }
0x2f7: {  	s20 =	sand.u32 $0x1C00, s13;
	s12 =	sand.u32 $0x2000, s19;
	_ =	swait.ge [sflag:s8], $0x4000  }
0x2f8: {  	s22 =	sand.u32 $0x380, s21;
	s12 =	sor.u32 s20, s12;
	[sflag:s8] =	ssyncset.done $0x0  }
0x2f9: {  	s12 =	sor.u32 s22, s12;
	[sflag:s8] =	ssyncadd.s32 $0xFFFFC000  }
0x2fa: {  	v2 =	vld [tilespmem:s12+$0x4070]  }
0x2fb: {  	v3 =	vld [tilespmem:s12+$0x8070]  }
0x2fc: {  	v5 =	vld [tilespmem:s12+$0x4000]  }
0x2fd: {  	v7 =	vld [tilespmem:s12+$0x8000]  }
0x2fe: {  	v8 =	vld [tilespmem:s12+$0x4010]  }
0x2ff: {  	v9 =	vld [tilespmem:s12+$0x8010]  }
0x300: {  	v4 =	vld [tilespmem:s12+$0x4020];
	v10 =	vmul.f32 v2, v0;
	v3 =	vmul.f32 v3, v1  }
0x301: {  	v6 =	vld [tilespmem:s12+$0x8020]  }
0x302: {  	v5 =	vmul.f32 v5, v0;
	v11 =	vmul.f32 v7, v1;
	v2 =	vld [tilespmem:s12+$0x4030];
	v10 =	vadd.f32 v3, v10  }
0x303: {  	v3 =	vld [tilespmem:s12+$0x8030]  }
0x304: {  	s14 =	simm.s32 $0x0;
	v7 =	vmul.f32 v8, v0;
	v9 =	vmul.f32 v9, v1;
	v8 =	vadd.f32 v11, v5;
	v5 =	vld [tilespmem:s12+$0x4040];
	[tilespmem:s12+$0x4070] =	vst v10  }
.LBB2_32:
0x305: {  	s14 =	sadd.s32 $0x8, s14;
	v4 =	vmul.f32 v4, v0;
	v10 =	vld [tilespmem:s12+$0x8040]  }
0x306: {  	s13 =	sadd.s32 $0x400, s13;
	s15 =	sshll.u32 s14, $0x4;
	p0 =	slt.u32 s14, $0x3F8;
	[tilespmem:s12+$0x4000] =	vst v8;
	v7 =	vadd.f32 v9, v7;
	v6 =	vmul.f32 v6, v1;
	v8 =	vld [tilespmem:s12+$0x4050]  }
0x307: {  	s16 =	sand.u32 $0x1C00, s13;
	s17 =	sshll.u32 s14, $0x1;
	s15 =	sand.u32 $0x2000, s15;
	v2 =	vmul.f32 v2, v0;
	v9 =	vld [tilespmem:s12+$0x8050]  }
0x308: {  	s15 =	sor.u32 s16, s15;
	s16 =	sand.u32 $0x380, s17;
	[tilespmem:s12+$0x4010] =	vst v7;
	v4 =	vadd.f32 v6, v4;
	v3 =	vmul.f32 v3, v1;
	v6 =	vld [tilespmem:s12+$0x4060]  }
0x309: {  	s15 =	sor.u32 s16, s15;
	v5 =	vmul.f32 v5, v0;
	v7 =	vld [tilespmem:s12+$0x8060]  }
0x30a: {  	v11 =	vld [tilespmem:s15+$0x4070];
	[tilespmem:s12+$0x4020] =	vst v4;
	v2 =	vadd.f32 v3, v2;
	v3 =	vmul.f32 v10, v1  }
0x30b: {  	v10 =	vld [tilespmem:s15+$0x8070];
	v4 =	vmul.f32 v8, v0  }
0x30c: {  	v8 =	vld [tilespmem:s15+$0x4000];
	[tilespmem:s12+$0x4030] =	vst v2;
	v2 =	vadd.f32 v3, v5;
	v3 =	vmul.f32 v9, v1  }
0x30d: {  	v5 =	vld [tilespmem:s15+$0x8000];
	v6 =	vmul.f32 v6, v0  }
0x30e: {  	v9 =	vld [tilespmem:s15+$0x4010];
	[tilespmem:s12+$0x4040] =	vst v2;
	v2 =	vadd.f32 v3, v4;
	v3 =	vmul.f32 v7, v1  }
0x30f: {  	v12 =	vld [tilespmem:s15+$0x8010]  }
.Ltmp15:
0x310: {  	v7 =	vmul.f32 v11, v0;
	v4 =	vld [tilespmem:s15+$0x4020];
	v10 =	vmul.f32 v10, v1;
	[tilespmem:s12+$0x4050] =	vst v2;
	v3 =	vadd.f32 v3, v6;
	(pc) =	sbr.rel @p0 .LBB2_32-.Ltmp15, $4  }
0x311: {  	v8 =	vmul.f32 v8, v0;
	v6 =	vld [tilespmem:s15+$0x8020]  }
0x312: {  	v5 =	vmul.f32 v5, v1;
	v2 =	vld [tilespmem:s15+$0x4030];
	v10 =	vadd.f32 v10, v7;
	[tilespmem:s12+$0x4060] =	vst v3;
	s12 =	smov.u32 s15  }
0x313: {  	v7 =	vmul.f32 v9, v0;
	v3 =	vld [tilespmem:s12+$0x8030]  }
0x314: {  	v8 =	vadd.f32 v5, v8;
	v9 =	vmul.f32 v12, v1;
	v5 =	vld [tilespmem:s12+$0x4040];
	[tilespmem:s12+$0x4070] =	vst v10  }
0x315: {  	v10 =	vld [tilespmem:s12+$0x8040]  }
0x316: {  	v11 =	vld [tilespmem:s12+$0x4050]  }
0x317: {  	v12 =	vld [tilespmem:s12+$0x8050]  }
0x318: {  	v13 =	vld [tilespmem:s12+$0x4060]  }
0x319: {  	v14 =	vld [tilespmem:s12+$0x8060]  }
0x31a: {  	v4 =	vmul.f32 v4, v0;
	v6 =	vmul.f32 v6, v1  }
0x31b: {  	v7 =	vadd.f32 v9, v7;
	v2 =	vmul.f32 v2, v0;
	v3 =	vmul.f32 v3, v1  }
0x31c: {  	[tilespmem:s12+$0x4000] =	vst v8;
	v4 =	vadd.f32 v6, v4;
	v5 =	vmul.f32 v5, v0;
	v6 =	vmul.f32 v10, v1  }
0x31d: {  	[tilespmem:s12+$0x4010] =	vst v7;
	v2 =	vadd.f32 v3, v2;
	v3 =	vmul.f32 v11, v0;
	v7 =	vmul.f32 v12, v1  }
0x31e: {  	[tilespmem:s12+$0x4020] =	vst v4;
	v4 =	vadd.f32 v6, v5;
	v5 =	vmul.f32 v13, v0;
	v6 =	vmul.f32 v14, v1  }
0x31f: {  	[tilespmem:s12+$0x4030] =	vst v2;
	v2 =	vadd.f32 v7, v3  }
0x320: {  	[tilespmem:s12+$0x4040] =	vst v4;
	v3 =	vadd.f32 v6, v5  }
0x321: {  	[tilespmem:s12+$0x4050] =	vst v2  }
0x322: {  	[tilespmem:s12+$0x4060] =	vst v3  }
0x323: {  	s13 =	sld [smem:$0x7D1];
	_ =	sdelay $0x1  }
0x324: {  	s12 =	simm.s32 $0x0;
	s19 =	sld [smem:$0x7D2]  }
0x325: {  	[tilespmem:s12], [sflag:$0x9] =	stream.linear.gather [hbm4b:s13+s12], $0x4000, $0x38;
	[tilespmem:$0x1C080] =	vst v63  }
0x326: {  	_ = 	snop  }
0x327: {  	[tilespmem:s28], [sflag:$0x9] =	stream.linear.gather [hbm4b:s19+s12], $0x4000, $0x38;
	[tilespmem:$0x1C080] =	vst v63  }
0x328: {  	_ =	swait.ge [sflag:s9], $0x4000  }
0x329: {  	s20 =	sld [smem:$0x7CD]  }
0x32a: {  	[sflag:s9] =	ssyncset.done $0x0  }
0x32b: {  	s21 =	simm.s32 $0x0;
	s15 =	simm.s32 $0x0;
	[sflag:s9] =	ssyncadd.s32 $0xFFFFC000  }
0x32c: {  	[tilespmem:s31], [sflag:$0x3] =	stream.linear.gather [hbm4b:s20+s12], $0x4000, $0x38;
	[tilespmem:$0x1C080] =	vst v63  }
0x32d: {  	s14 =	sand.u32 $0x1C00, s12;
	s13 =	sand.u32 $0x2000, s21;
	_ =	swait.ge [sflag:s0], $0x4000  }
0x32e: {  	s22 =	sand.u32 $0x380, s15;
	s13 =	sor.u32 s14, s13;
	[sflag:s0] =	ssyncset.done $0x0  }
0x32f: {  	s15 =	sor.u32 s22, s13;
	[sflag:s0] =	ssyncadd.s32 $0xFFFFC000  }
0x330: {  	v2 =	vld [tilespmem:s15+$0x4070]  }
0x331: {  	v7 =	vld [tilespmem:s15+$0x4000]  }
0x332: {  	v8 =	vld [tilespmem:s15+$0x4010]  }
0x333: {  	v6 =	vld [tilespmem:s15+$0x4020]  }
0x334: {  	v3 =	vld [tilespmem:s15+$0x4030]  }
0x335: {  	v5 =	vld [tilespmem:s15+$0x4040]  }
0x336: {  	s13 =	sor.u32 $0xC070, s15;
	v4 =	vld [tilespmem:s15+$0x4060]  }
0x337: {  	[tilespmem:s13+$0x0] =	vst.add.f32.msk $0xffff, v2  }
0x338: {  	s14 =	sor.u32 $0xC000, s15;
	s19 =	sor.u32 $0xC010, s15;
	v2 =	vld [tilespmem:s15+$0x4050]  }
0x339: {  	s17 =	sor.u32 $0xC020, s15;
	s18 =	sor.u32 $0xC030, s15;
	s16 =	sor.u32 $0xC040, s15;
	[tilespmem:s14+$0x0] =	vst.add.f32.msk $0xffff, v7  }
0x33a: {  	s13 =	simm.s32 $0x0;
	s14 =	sor.u32 $0xC050, s15;
	s15 =	sor.u32 $0xC060, s15;
	[tilespmem:s19+$0x0] =	vst.add.f32.msk $0xffff, v8  }
.LBB2_34:
0x33b: {  	s13 =	sadd.s32 $0x8, s13;
	[tilespmem:s17+$0x0] =	vst.add.f32.msk $0xffff, v6  }
0x33c: {  	s12 =	sadd.s32 $0x400, s12;
	s17 =	sshll.u32 s13, $0x4;
	p0 =	slt.u32 s13, $0x3F8;
	[tilespmem:s18+$0x0] =	vst.add.f32.msk $0xffff, v3  }
0x33d: {  	s18 =	sand.u32 $0x1C00, s12;
	s19 =	sshll.u32 s13, $0x1;
	s17 =	sand.u32 $0x2000, s17;
	[tilespmem:s16+$0x0] =	vst.add.f32.msk $0xffff, v5  }
0x33e: {  	s16 =	sor.u32 s18, s17;
	s17 =	sand.u32 $0x380, s19;
	[tilespmem:s14+$0x0] =	vst.add.f32.msk $0xffff, v2  }
0x33f: {  	s19 =	sor.u32 s17, s16;
	[tilespmem:s15+$0x0] =	vst.add.f32.msk $0xffff, v4  }
0x340: {  	s20 =	sor.u32 $0xC000, s19;
	s21 =	sor.u32 $0xC010, s19;
	s17 =	sor.u32 $0xC020, s19;
	v2 =	vld [tilespmem:s19+$0x4070]  }
0x341: {  	s18 =	sor.u32 $0xC030, s19;
	s16 =	sor.u32 $0xC040, s19;
	s14 =	sor.u32 $0xC050, s19;
	v7 =	vld [tilespmem:s19+$0x4000]  }
0x342: {  	s15 =	sor.u32 $0xC060, s19;
	v8 =	vld [tilespmem:s19+$0x4010]  }
0x343: {  	v6 =	vld [tilespmem:s19+$0x4020]  }
0x344: {  	s22 =	sor.u32 $0xC070, s19;
	v3 =	vld [tilespmem:s19+$0x4030]  }
0x345: {  	[tilespmem:s22+$0x0] =	vst.add.f32.msk $0xffff, v2  }
.Ltmp16:
0x346: {  	v5 =	vld [tilespmem:s19+$0x4040];
	(pc) =	sbr.rel @p0 .LBB2_34-.Ltmp16, $4  }
0x347: {  	v2 =	vld [tilespmem:s19+$0x4050]  }
0x348: {  	v4 =	vld [tilespmem:s19+$0x4060]  }
0x349: {  	[tilespmem:s20+$0x0] =	vst.add.f32.msk $0xffff, v7  }
0x34a: {  	[tilespmem:s21+$0x0] =	vst.add.f32.msk $0xffff, v8  }
0x34b: {  	[tilespmem:s17+$0x0] =	vst.add.f32.msk $0xffff, v6  }
0x34c: {  	[tilespmem:s18+$0x0] =	vst.add.f32.msk $0xffff, v3  }
0x34d: {  	[tilespmem:s16+$0x0] =	vst.add.f32.msk $0xffff, v5  }
0x34e: {  	[tilespmem:s14+$0x0] =	vst.add.f32.msk $0xffff, v2  }
0x34f: {  	[tilespmem:s15+$0x0] =	vst.add.f32.msk $0xffff, v4  }
0x350: {  	s13 =	sld [smem:$0x7CA];
	_ =	sdelay $0x1  }
0x351: {  	s12 =	simm.s32 $0x0  }
0x352: {  	[hbm4b:s13+s12] =	stream.linear.scatter [tilespmem:s25], [sflag:$0x5], $0x4000, $0x38;
	[tilespmem:$0x1C080] =	vst v63  }
0x353: {  	_ =	swait.ge [sflag:s10], $0x4000  }
0x354: {  	s18 =	sld [smem:$0x7CF]  }
0x355: {  	[sflag:s10] =	ssyncset.done $0x0  }
0x356: {  	s19 =	simm.s32 $0x0;
	s21 =	simm.s32 $0x0;
	[sflag:s10] =	ssyncadd.s32 $0xFFFFC000  }
0x357: {  	[tilespmem:s2], [sflag:$0x4] =	stream.linear.gather [hbm4b:s18+s12], $0x4000, $0x38;
	[tilespmem:$0x1C080] =	vst v63  }
0x358: {  	s20 =	sand.u32 $0x1C00, s12;
	s13 =	sand.u32 $0x2000, s19;
	_ =	swait.ge [sflag:s3], $0x4000  }
0x359: {  	s22 =	sand.u32 $0x380, s21;
	s13 =	sor.u32 s20, s13;
	[sflag:s3] =	ssyncset.done $0x0  }
0x35a: {  	s15 =	sor.u32 s22, s13;
	[sflag:s3] =	ssyncadd.s32 $0xFFFFC000  }
0x35b: {  	v2 =	vld [tilespmem:s15+$0x4070]  }
0x35c: {  	v7 =	vld [tilespmem:s15+$0x4000]  }
0x35d: {  	v8 =	vld [tilespmem:s15+$0x4010]  }
0x35e: {  	v6 =	vld [tilespmem:s15+$0x4020]  }
0x35f: {  	v3 =	vld [tilespmem:s15+$0x4030]  }
0x360: {  	v5 =	vld [tilespmem:s15+$0x4040]  }
0x361: {  	s13 =	sor.u32 $0x10070, s15;
	v4 =	vld [tilespmem:s15+$0x4060]  }
0x362: {  	[tilespmem:s13+$0x0] =	vst.add.f32.msk $0xffff, v2  }
0x363: {  	s14 =	sor.u32 $0x10000, s15;
	s19 =	sor.u32 $0x10010, s15;
	v2 =	vld [tilespmem:s15+$0x4050]  }
0x364: {  	s17 =	sor.u32 $0x10020, s15;
	s16 =	sor.u32 $0x10040, s15;
	s18 =	sor.u32 $0x10030, s15;
	[tilespmem:s14+$0x0] =	vst.add.f32.msk $0xffff, v7  }
0x365: {  	s13 =	simm.s32 $0x0;
	s14 =	sor.u32 $0x10050, s15;
	s15 =	sor.u32 $0x10060, s15;
	[tilespmem:s19+$0x0] =	vst.add.f32.msk $0xffff, v8  }
.LBB2_36:
0x366: {  	s13 =	sadd.s32 $0x8, s13;
	[tilespmem:s17+$0x0] =	vst.add.f32.msk $0xffff, v6  }
0x367: {  	s12 =	sadd.s32 $0x400, s12;
	s17 =	sshll.u32 s13, $0x4;
	p0 =	slt.u32 s13, $0x3F8;
	[tilespmem:s18+$0x0] =	vst.add.f32.msk $0xffff, v3  }
0x368: {  	s18 =	sand.u32 $0x1C00, s12;
	s19 =	sshll.u32 s13, $0x1;
	s17 =	sand.u32 $0x2000, s17;
	[tilespmem:s16+$0x0] =	vst.add.f32.msk $0xffff, v5  }
0x369: {  	s16 =	sor.u32 s18, s17;
	s17 =	sand.u32 $0x380, s19;
	[tilespmem:s14+$0x0] =	vst.add.f32.msk $0xffff, v2  }
0x36a: {  	s19 =	sor.u32 s17, s16;
	[tilespmem:s15+$0x0] =	vst.add.f32.msk $0xffff, v4  }
0x36b: {  	s20 =	sor.u32 $0x10000, s19;
	s21 =	sor.u32 $0x10010, s19;
	s17 =	sor.u32 $0x10020, s19;
	v2 =	vld [tilespmem:s19+$0x4070]  }
0x36c: {  	s18 =	sor.u32 $0x10030, s19;
	s16 =	sor.u32 $0x10040, s19;
	s14 =	sor.u32 $0x10050, s19;
	v7 =	vld [tilespmem:s19+$0x4000]  }
0x36d: {  	s15 =	sor.u32 $0x10060, s19;
	v8 =	vld [tilespmem:s19+$0x4010]  }
0x36e: {  	v6 =	vld [tilespmem:s19+$0x4020]  }
0x36f: {  	s22 =	sor.u32 $0x10070, s19;
	v3 =	vld [tilespmem:s19+$0x4030]  }
0x370: {  	[tilespmem:s22+$0x0] =	vst.add.f32.msk $0xffff, v2  }
.Ltmp17:
0x371: {  	v5 =	vld [tilespmem:s19+$0x4040];
	(pc) =	sbr.rel @p0 .LBB2_36-.Ltmp17, $4  }
0x372: {  	v2 =	vld [tilespmem:s19+$0x4050]  }
0x373: {  	v4 =	vld [tilespmem:s19+$0x4060]  }
0x374: {  	[tilespmem:s20+$0x0] =	vst.add.f32.msk $0xffff, v7  }
0x375: {  	[tilespmem:s21+$0x0] =	vst.add.f32.msk $0xffff, v8  }
0x376: {  	[tilespmem:s17+$0x0] =	vst.add.f32.msk $0xffff, v6  }
0x377: {  	[tilespmem:s18+$0x0] =	vst.add.f32.msk $0xffff, v3  }
0x378: {  	[tilespmem:s16+$0x0] =	vst.add.f32.msk $0xffff, v5  }
0x379: {  	[tilespmem:s14+$0x0] =	vst.add.f32.msk $0xffff, v2  }
0x37a: {  	[tilespmem:s15+$0x0] =	vst.add.f32.msk $0xffff, v4  }
0x37b: {  	s13 =	sld [smem:$0x7CC];
	_ =	sdelay $0x1  }
0x37c: {  	s12 =	simm.s32 $0x0  }
0x37d: {  	[hbm4b:s13+s12] =	stream.linear.scatter [tilespmem:s26], [sflag:$0x6], $0x4000, $0x38;
	[tilespmem:$0x1C080] =	vst v63  }
0x37e: {  	_ =	swait.ge [sflag:s4], $0x4000  }
0x37f: {  	s18 =	sld [smem:$0x7D3]  }
0x380: {  	[sflag:s4] =	ssyncset.done $0x0  }
0x381: {  	s19 =	simm.s32 $0x0;
	s21 =	simm.s32 $0x0;
	[sflag:s4] =	ssyncadd.s32 $0xFFFFC000  }
0x382: {  	[tilespmem:s25], [sflag:$0x1] =	stream.linear.gather [hbm4b:s18+s12], $0x4000, $0x38;
	[tilespmem:$0x1C080] =	vst v63  }
0x383: {  	s20 =	sand.u32 $0x1C00, s12;
	s13 =	sand.u32 $0x2000, s19;
	_ =	swait.ge [sflag:s5], $0x4000  }
0x384: {  	s22 =	sand.u32 $0x380, s21;
	s13 =	sor.u32 s20, s13;
	[sflag:s5] =	ssyncset.done $0x0  }
0x385: {  	s15 =	sor.u32 s22, s13;
	[sflag:s5] =	ssyncadd.s32 $0xFFFFC000  }
0x386: {  	v2 =	vld [tilespmem:s15+$0x4070]  }
0x387: {  	v7 =	vld [tilespmem:s15+$0x4000]  }
0x388: {  	v8 =	vld [tilespmem:s15+$0x4010]  }
0x389: {  	v6 =	vld [tilespmem:s15+$0x4020]  }
0x38a: {  	v3 =	vld [tilespmem:s15+$0x4030]  }
0x38b: {  	v5 =	vld [tilespmem:s15+$0x4040]  }
0x38c: {  	s13 =	sor.u32 $0x14070, s15;
	v4 =	vld [tilespmem:s15+$0x4060]  }
0x38d: {  	[tilespmem:s13+$0x0] =	vst.add.f32.msk $0xffff, v2  }
0x38e: {  	s14 =	sor.u32 $0x14000, s15;
	s19 =	sor.u32 $0x14010, s15;
	v2 =	vld [tilespmem:s15+$0x4050]  }
0x38f: {  	s17 =	sor.u32 $0x14020, s15;
	s16 =	sor.u32 $0x14040, s15;
	s18 =	sor.u32 $0x14030, s15;
	[tilespmem:s14+$0x0] =	vst.add.f32.msk $0xffff, v7  }
0x390: {  	s13 =	simm.s32 $0x0;
	s14 =	sor.u32 $0x14050, s15;
	s15 =	sor.u32 $0x14060, s15;
	[tilespmem:s19+$0x0] =	vst.add.f32.msk $0xffff, v8  }
.LBB2_38:
0x391: {  	s13 =	sadd.s32 $0x8, s13;
	[tilespmem:s17+$0x0] =	vst.add.f32.msk $0xffff, v6  }
0x392: {  	s12 =	sadd.s32 $0x400, s12;
	s17 =	sshll.u32 s13, $0x4;
	p0 =	slt.u32 s13, $0x3F8;
	[tilespmem:s18+$0x0] =	vst.add.f32.msk $0xffff, v3  }
0x393: {  	s18 =	sand.u32 $0x1C00, s12;
	s19 =	sshll.u32 s13, $0x1;
	s17 =	sand.u32 $0x2000, s17;
	[tilespmem:s16+$0x0] =	vst.add.f32.msk $0xffff, v5  }
0x394: {  	s16 =	sor.u32 s18, s17;
	s17 =	sand.u32 $0x380, s19;
	[tilespmem:s14+$0x0] =	vst.add.f32.msk $0xffff, v2  }
0x395: {  	s19 =	sor.u32 s17, s16;
	[tilespmem:s15+$0x0] =	vst.add.f32.msk $0xffff, v4  }
0x396: {  	s20 =	sor.u32 $0x14000, s19;
	s21 =	sor.u32 $0x14010, s19;
	s17 =	sor.u32 $0x14020, s19;
	v2 =	vld [tilespmem:s19+$0x4070]  }
0x397: {  	s18 =	sor.u32 $0x14030, s19;
	s16 =	sor.u32 $0x14040, s19;
	s14 =	sor.u32 $0x14050, s19;
	v7 =	vld [tilespmem:s19+$0x4000]  }
0x398: {  	s15 =	sor.u32 $0x14060, s19;
	v8 =	vld [tilespmem:s19+$0x4010]  }
0x399: {  	v6 =	vld [tilespmem:s19+$0x4020]  }
0x39a: {  	s22 =	sor.u32 $0x14070, s19;
	v3 =	vld [tilespmem:s19+$0x4030]  }
0x39b: {  	[tilespmem:s22+$0x0] =	vst.add.f32.msk $0xffff, v2  }
.Ltmp18:
0x39c: {  	v5 =	vld [tilespmem:s19+$0x4040];
	(pc) =	sbr.rel @p0 .LBB2_38-.Ltmp18, $4  }
0x39d: {  	v2 =	vld [tilespmem:s19+$0x4050]  }
0x39e: {  	v4 =	vld [tilespmem:s19+$0x4060]  }
0x39f: {  	[tilespmem:s20+$0x0] =	vst.add.f32.msk $0xffff, v7  }
0x3a0: {  	[tilespmem:s21+$0x0] =	vst.add.f32.msk $0xffff, v8  }
0x3a1: {  	[tilespmem:s17+$0x0] =	vst.add.f32.msk $0xffff, v6  }
0x3a2: {  	[tilespmem:s18+$0x0] =	vst.add.f32.msk $0xffff, v3  }
0x3a3: {  	[tilespmem:s16+$0x0] =	vst.add.f32.msk $0xffff, v5  }
0x3a4: {  	[tilespmem:s14+$0x0] =	vst.add.f32.msk $0xffff, v2  }
0x3a5: {  	[tilespmem:s15+$0x0] =	vst.add.f32.msk $0xffff, v4  }
0x3a6: {  	s13 =	sld [smem:$0x7CE];
	_ =	sdelay $0x1  }
0x3a7: {  	s12 =	simm.s32 $0x0  }
0x3a8: {  	[hbm4b:s13+s12] =	stream.linear.scatter [tilespmem:s31], [sflag:$0x7], $0x4000, $0x38;
	[tilespmem:$0x1C080] =	vst v63  }
0x3a9: {  	_ =	swait.ge [sflag:s6], $0x4000  }
0x3aa: {  	s18 =	sld [smem:$0x7D5]  }
0x3ab: {  	[sflag:s6] =	ssyncset.done $0x0  }
0x3ac: {  	s19 =	simm.s32 $0x0;
	s21 =	simm.s32 $0x0;
	[sflag:s6] =	ssyncadd.s32 $0xFFFFC000  }
0x3ad: {  	[tilespmem:s26], [sflag:$0x2] =	stream.linear.gather [hbm4b:s18+s12], $0x4000, $0x38;
	[tilespmem:$0x1C080] =	vst v63  }
0x3ae: {  	s20 =	sand.u32 $0x1C00, s12;
	s13 =	sand.u32 $0x2000, s19;
	_ =	swait.ge [sflag:s7], $0x4000  }
0x3af: {  	s22 =	sand.u32 $0x380, s21;
	s13 =	sor.u32 s20, s13;
	[sflag:s7] =	ssyncset.done $0x0  }
0x3b0: {  	s15 =	sor.u32 s22, s13;
	[sflag:s7] =	ssyncadd.s32 $0xFFFFC000  }
0x3b1: {  	v2 =	vld [tilespmem:s15+$0x4070]  }
0x3b2: {  	v7 =	vld [tilespmem:s15+$0x4000]  }
0x3b3: {  	v8 =	vld [tilespmem:s15+$0x4010]  }
0x3b4: {  	v6 =	vld [tilespmem:s15+$0x4020]  }
0x3b5: {  	v3 =	vld [tilespmem:s15+$0x4030]  }
0x3b6: {  	v5 =	vld [tilespmem:s15+$0x4040]  }
0x3b7: {  	s13 =	sor.u32 $0x18070, s15;
	v4 =	vld [tilespmem:s15+$0x4060]  }
0x3b8: {  	[tilespmem:s13+$0x0] =	vst.add.f32.msk $0xffff, v2  }
0x3b9: {  	s14 =	sor.u32 $0x18000, s15;
	s19 =	sor.u32 $0x18010, s15;
	v2 =	vld [tilespmem:s15+$0x4050]  }
0x3ba: {  	s17 =	sor.u32 $0x18020, s15;
	s16 =	sor.u32 $0x18040, s15;
	s18 =	sor.u32 $0x18030, s15;
	[tilespmem:s14+$0x0] =	vst.add.f32.msk $0xffff, v7  }
0x3bb: {  	s13 =	simm.s32 $0x0;
	s14 =	sor.u32 $0x18050, s15;
	s15 =	sor.u32 $0x18060, s15;
	[tilespmem:s19+$0x0] =	vst.add.f32.msk $0xffff, v8  }
.LBB2_40:
0x3bc: {  	s13 =	sadd.s32 $0x8, s13;
	[tilespmem:s17+$0x0] =	vst.add.f32.msk $0xffff, v6  }
0x3bd: {  	s12 =	sadd.s32 $0x400, s12;
	s17 =	sshll.u32 s13, $0x4;
	p0 =	slt.u32 s13, $0x3F8;
	[tilespmem:s18+$0x0] =	vst.add.f32.msk $0xffff, v3  }
0x3be: {  	s18 =	sand.u32 $0x1C00, s12;
	s19 =	sshll.u32 s13, $0x1;
	s17 =	sand.u32 $0x2000, s17;
	[tilespmem:s16+$0x0] =	vst.add.f32.msk $0xffff, v5  }
0x3bf: {  	s16 =	sor.u32 s18, s17;
	s17 =	sand.u32 $0x380, s19;
	[tilespmem:s14+$0x0] =	vst.add.f32.msk $0xffff, v2  }
0x3c0: {  	s19 =	sor.u32 s17, s16;
	[tilespmem:s15+$0x0] =	vst.add.f32.msk $0xffff, v4  }
0x3c1: {  	s20 =	sor.u32 $0x18000, s19;
	s21 =	sor.u32 $0x18010, s19;
	s17 =	sor.u32 $0x18020, s19;
	v2 =	vld [tilespmem:s19+$0x4070]  }
0x3c2: {  	s18 =	sor.u32 $0x18030, s19;
	s16 =	sor.u32 $0x18040, s19;
	s14 =	sor.u32 $0x18050, s19;
	v7 =	vld [tilespmem:s19+$0x4000]  }
0x3c3: {  	s15 =	sor.u32 $0x18060, s19;
	v8 =	vld [tilespmem:s19+$0x4010]  }
0x3c4: {  	v6 =	vld [tilespmem:s19+$0x4020]  }
0x3c5: {  	s22 =	sor.u32 $0x18070, s19;
	v3 =	vld [tilespmem:s19+$0x4030]  }
0x3c6: {  	[tilespmem:s22+$0x0] =	vst.add.f32.msk $0xffff, v2  }
.Ltmp19:
0x3c7: {  	v5 =	vld [tilespmem:s19+$0x4040];
	(pc) =	sbr.rel @p0 .LBB2_40-.Ltmp19, $4  }
0x3c8: {  	v2 =	vld [tilespmem:s19+$0x4050]  }
0x3c9: {  	v4 =	vld [tilespmem:s19+$0x4060]  }
0x3ca: {  	[tilespmem:s20+$0x0] =	vst.add.f32.msk $0xffff, v7  }
0x3cb: {  	[tilespmem:s21+$0x0] =	vst.add.f32.msk $0xffff, v8  }
0x3cc: {  	[tilespmem:s17+$0x0] =	vst.add.f32.msk $0xffff, v6  }
0x3cd: {  	[tilespmem:s18+$0x0] =	vst.add.f32.msk $0xffff, v3  }
0x3ce: {  	[tilespmem:s16+$0x0] =	vst.add.f32.msk $0xffff, v5  }
0x3cf: {  	[tilespmem:s14+$0x0] =	vst.add.f32.msk $0xffff, v2  }
0x3d0: {  	[tilespmem:s15+$0x0] =	vst.add.f32.msk $0xffff, v4  }
0x3d1: {  	s12 =	sld [smem:$0x7D0];
	_ =	sdelay $0x1  }
0x3d2: {  	s13 =	simm.s32 $0x0  }
0x3d3: {  	[hbm4b:s12+s13] =	stream.linear.scatter [tilespmem:s2], [sflag:$0x8], $0x4000, $0x38;
	[tilespmem:$0x1C080] =	vst v63  }
0x3d4: {  	_ =	swait.ge [sflag:s29], $0x4000  }
0x3d5: {  	[sflag:s29] =	ssyncset.done $0x0  }
0x3d6: {  	s19 =	simm.s32 $0x0;
	s21 =	simm.s32 $0x0;
	[sflag:s29] =	ssyncadd.s32 $0xFFFFC000  }
0x3d7: {  	s20 =	sand.u32 $0x1C00, s13;
	s12 =	sand.u32 $0x2000, s19;
	_ =	swait.ge [sflag:s29], $0x4000  }
0x3d8: {  	s22 =	sand.u32 $0x380, s21;
	s12 =	sor.u32 s20, s12;
	[sflag:s29] =	ssyncset.done $0x0  }
0x3d9: {  	s12 =	sor.u32 s22, s12;
	[sflag:s29] =	ssyncadd.s32 $0xFFFFC000  }
0x3da: {  	v2 =	vld [tilespmem:s12+$0x70]  }
0x3db: {  	v3 =	vld [tilespmem:s12+$0x8070]  }
0x3dc: {  	v5 =	vld [tilespmem:s12+$0x0]  }
0x3dd: {  	v7 =	vld [tilespmem:s12+$0x8000]  }
0x3de: {  	v8 =	vld [tilespmem:s12+$0x10]  }
0x3df: {  	v9 =	vld [tilespmem:s12+$0x8010]  }
0x3e0: {  	v4 =	vld [tilespmem:s12+$0x20];
	v10 =	vmul.f32 v2, v0;
	v3 =	vmul.f32 v3, v1  }
0x3e1: {  	v6 =	vld [tilespmem:s12+$0x8020]  }
0x3e2: {  	v5 =	vmul.f32 v5, v0;
	v11 =	vmul.f32 v7, v1;
	v2 =	vld [tilespmem:s12+$0x30];
	v10 =	vadd.f32 v3, v10  }
0x3e3: {  	v3 =	vld [tilespmem:s12+$0x8030]  }
0x3e4: {  	s14 =	simm.s32 $0x0;
	v7 =	vmul.f32 v8, v0;
	v9 =	vmul.f32 v9, v1;
	v8 =	vadd.f32 v11, v5;
	v5 =	vld [tilespmem:s12+$0x40];
	[tilespmem:s12+$0x70] =	vst v10  }
.LBB2_42:
0x3e5: {  	s14 =	sadd.s32 $0x8, s14;
	v4 =	vmul.f32 v4, v0;
	v10 =	vld [tilespmem:s12+$0x8040]  }
0x3e6: {  	s13 =	sadd.s32 $0x400, s13;
	s15 =	sshll.u32 s14, $0x4;
	p0 =	slt.u32 s14, $0x3F8;
	[tilespmem:s12+$0x0] =	vst v8;
	v7 =	vadd.f32 v9, v7;
	v6 =	vmul.f32 v6, v1;
	v8 =	vld [tilespmem:s12+$0x50]  }
0x3e7: {  	s16 =	sand.u32 $0x1C00, s13;
	s17 =	sshll.u32 s14, $0x1;
	s15 =	sand.u32 $0x2000, s15;
	v2 =	vmul.f32 v2, v0;
	v9 =	vld [tilespmem:s12+$0x8050]  }
0x3e8: {  	s15 =	sor.u32 s16, s15;
	s16 =	sand.u32 $0x380, s17;
	[tilespmem:s12+$0x10] =	vst v7;
	v4 =	vadd.f32 v6, v4;
	v3 =	vmul.f32 v3, v1;
	v6 =	vld [tilespmem:s12+$0x60]  }
0x3e9: {  	s15 =	sor.u32 s16, s15;
	v5 =	vmul.f32 v5, v0;
	v7 =	vld [tilespmem:s12+$0x8060]  }
0x3ea: {  	v11 =	vld [tilespmem:s15+$0x70];
	[tilespmem:s12+$0x20] =	vst v4;
	v2 =	vadd.f32 v3, v2;
	v3 =	vmul.f32 v10, v1  }
0x3eb: {  	v10 =	vld [tilespmem:s15+$0x8070];
	v4 =	vmul.f32 v8, v0  }
0x3ec: {  	v8 =	vld [tilespmem:s15+$0x0];
	[tilespmem:s12+$0x30] =	vst v2;
	v2 =	vadd.f32 v3, v5;
	v3 =	vmul.f32 v9, v1  }
0x3ed: {  	v5 =	vld [tilespmem:s15+$0x8000];
	v6 =	vmul.f32 v6, v0  }
0x3ee: {  	v9 =	vld [tilespmem:s15+$0x10];
	[tilespmem:s12+$0x40] =	vst v2;
	v2 =	vadd.f32 v3, v4;
	v3 =	vmul.f32 v7, v1  }
0x3ef: {  	v12 =	vld [tilespmem:s15+$0x8010]  }
.Ltmp20:
0x3f0: {  	v7 =	vmul.f32 v11, v0;
	v4 =	vld [tilespmem:s15+$0x20];
	v10 =	vmul.f32 v10, v1;
	[tilespmem:s12+$0x50] =	vst v2;
	v3 =	vadd.f32 v3, v6;
	(pc) =	sbr.rel @p0 .LBB2_42-.Ltmp20, $4  }
0x3f1: {  	v8 =	vmul.f32 v8, v0;
	v6 =	vld [tilespmem:s15+$0x8020]  }
0x3f2: {  	v5 =	vmul.f32 v5, v1;
	v2 =	vld [tilespmem:s15+$0x30];
	v10 =	vadd.f32 v10, v7;
	[tilespmem:s12+$0x60] =	vst v3;
	s12 =	smov.u32 s15  }
0x3f3: {  	v7 =	vmul.f32 v9, v0;
	v3 =	vld [tilespmem:s12+$0x8030]  }
0x3f4: {  	v8 =	vadd.f32 v5, v8;
	v9 =	vmul.f32 v12, v1;
	v5 =	vld [tilespmem:s12+$0x40];
	[tilespmem:s12+$0x70] =	vst v10  }
0x3f5: {  	v10 =	vld [tilespmem:s12+$0x8040]  }
0x3f6: {  	v11 =	vld [tilespmem:s12+$0x50]  }
0x3f7: {  	v12 =	vld [tilespmem:s12+$0x8050]  }
0x3f8: {  	v13 =	vld [tilespmem:s12+$0x60]  }
0x3f9: {  	v14 =	vld [tilespmem:s12+$0x8060]  }
0x3fa: {  	v4 =	vmul.f32 v4, v0;
	v6 =	vmul.f32 v6, v1  }
0x3fb: {  	v7 =	vadd.f32 v9, v7;
	v2 =	vmul.f32 v2, v0;
	v3 =	vmul.f32 v3, v1  }
0x3fc: {  	[tilespmem:s12+$0x0] =	vst v8;
	v4 =	vadd.f32 v6, v4;
	v5 =	vmul.f32 v5, v0;
	v6 =	vmul.f32 v10, v1  }
0x3fd: {  	[tilespmem:s12+$0x10] =	vst v7;
	v2 =	vadd.f32 v3, v2;
	v3 =	vmul.f32 v11, v0;
	v7 =	vmul.f32 v12, v1  }
0x3fe: {  	[tilespmem:s12+$0x20] =	vst v4;
	v4 =	vadd.f32 v6, v5;
	v5 =	vmul.f32 v13, v0;
	v6 =	vmul.f32 v14, v1  }
0x3ff: {  	[tilespmem:s12+$0x30] =	vst v2;
	v2 =	vadd.f32 v7, v3  }
0x400: {  	[tilespmem:s12+$0x40] =	vst v4;
	v3 =	vadd.f32 v6, v5  }
0x401: {  	[tilespmem:s12+$0x50] =	vst v2  }
0x402: {  	[tilespmem:s12+$0x60] =	vst v3  }
0x403: {  	s13 =	sld [smem:$0x7DB];
	_ =	sdelay $0x1  }
0x404: {  	s12 =	simm.s32 $0x0;
	s19 =	sld [smem:$0x7DC]  }
0x405: {  	[tilespmem:s30], [sflag:$0xA] =	stream.linear.gather [hbm4b:s13+s12], $0x4000, $0x38;
	[tilespmem:$0x1C080] =	vst v63  }
0x406: {  	_ = 	snop  }
0x407: {  	[tilespmem:s28], [sflag:$0xA] =	stream.linear.gather [hbm4b:s19+s12], $0x4000, $0x38;
	[tilespmem:$0x1C080] =	vst v63  }
0x408: {  	_ =	swait.ge [sflag:s9], $0x4000  }
0x409: {  	s20 =	sld [smem:$0x7D7]  }
0x40a: {  	[sflag:s9] =	ssyncset.done $0x0  }
0x40b: {  	s21 =	simm.s32 $0x0;
	s15 =	simm.s32 $0x0;
	[sflag:s9] =	ssyncadd.s32 $0xFFFFC000  }
0x40c: {  	[tilespmem:s31], [sflag:$0x3] =	stream.linear.gather [hbm4b:s20+s12], $0x4000, $0x38;
	[tilespmem:$0x1C080] =	vst v63  }
0x40d: {  	s14 =	sand.u32 $0x1C00, s12;
	s13 =	sand.u32 $0x2000, s21;
	_ =	swait.ge [sflag:s0], $0x4000  }
0x40e: {  	s22 =	sand.u32 $0x380, s15;
	s13 =	sor.u32 s14, s13;
	[sflag:s0] =	ssyncset.done $0x0  }
0x40f: {  	s15 =	sor.u32 s22, s13;
	[sflag:s0] =	ssyncadd.s32 $0xFFFFC000  }
0x410: {  	v2 =	vld [tilespmem:s15+$0x70]  }
0x411: {  	v7 =	vld [tilespmem:s15+$0x0]  }
0x412: {  	v8 =	vld [tilespmem:s15+$0x10]  }
0x413: {  	v6 =	vld [tilespmem:s15+$0x20]  }
0x414: {  	v3 =	vld [tilespmem:s15+$0x30]  }
0x415: {  	v5 =	vld [tilespmem:s15+$0x40]  }
0x416: {  	s13 =	sor.u32 $0xC070, s15;
	v4 =	vld [tilespmem:s15+$0x60]  }
0x417: {  	[tilespmem:s13+$0x0] =	vst.add.f32.msk $0xffff, v2  }
0x418: {  	s14 =	sor.u32 $0xC000, s15;
	s19 =	sor.u32 $0xC010, s15;
	v2 =	vld [tilespmem:s15+$0x50]  }
0x419: {  	s17 =	sor.u32 $0xC020, s15;
	s18 =	sor.u32 $0xC030, s15;
	s16 =	sor.u32 $0xC040, s15;
	[tilespmem:s14+$0x0] =	vst.add.f32.msk $0xffff, v7  }
0x41a: {  	s13 =	simm.s32 $0x0;
	s14 =	sor.u32 $0xC050, s15;
	s15 =	sor.u32 $0xC060, s15;
	[tilespmem:s19+$0x0] =	vst.add.f32.msk $0xffff, v8  }
.LBB2_44:
0x41b: {  	s13 =	sadd.s32 $0x8, s13;
	[tilespmem:s17+$0x0] =	vst.add.f32.msk $0xffff, v6  }
0x41c: {  	s12 =	sadd.s32 $0x400, s12;
	s17 =	sshll.u32 s13, $0x4;
	p0 =	slt.u32 s13, $0x3F8;
	[tilespmem:s18+$0x0] =	vst.add.f32.msk $0xffff, v3  }
0x41d: {  	s18 =	sand.u32 $0x1C00, s12;
	s19 =	sshll.u32 s13, $0x1;
	s17 =	sand.u32 $0x2000, s17;
	[tilespmem:s16+$0x0] =	vst.add.f32.msk $0xffff, v5  }
0x41e: {  	s16 =	sor.u32 s18, s17;
	s17 =	sand.u32 $0x380, s19;
	[tilespmem:s14+$0x0] =	vst.add.f32.msk $0xffff, v2  }
0x41f: {  	s19 =	sor.u32 s17, s16;
	[tilespmem:s15+$0x0] =	vst.add.f32.msk $0xffff, v4  }
0x420: {  	s20 =	sor.u32 $0xC000, s19;
	s21 =	sor.u32 $0xC010, s19;
	s17 =	sor.u32 $0xC020, s19;
	v2 =	vld [tilespmem:s19+$0x70]  }
0x421: {  	s18 =	sor.u32 $0xC030, s19;
	s16 =	sor.u32 $0xC040, s19;
	s14 =	sor.u32 $0xC050, s19;
	v7 =	vld [tilespmem:s19+$0x0]  }
0x422: {  	s15 =	sor.u32 $0xC060, s19;
	v8 =	vld [tilespmem:s19+$0x10]  }
0x423: {  	v6 =	vld [tilespmem:s19+$0x20]  }
0x424: {  	s22 =	sor.u32 $0xC070, s19;
	v3 =	vld [tilespmem:s19+$0x30]  }
0x425: {  	[tilespmem:s22+$0x0] =	vst.add.f32.msk $0xffff, v2  }
.Ltmp21:
0x426: {  	v5 =	vld [tilespmem:s19+$0x40];
	(pc) =	sbr.rel @p0 .LBB2_44-.Ltmp21, $4  }
0x427: {  	v2 =	vld [tilespmem:s19+$0x50]  }
0x428: {  	v4 =	vld [tilespmem:s19+$0x60]  }
0x429: {  	[tilespmem:s20+$0x0] =	vst.add.f32.msk $0xffff, v7  }
0x42a: {  	[tilespmem:s21+$0x0] =	vst.add.f32.msk $0xffff, v8  }
0x42b: {  	[tilespmem:s17+$0x0] =	vst.add.f32.msk $0xffff, v6  }
0x42c: {  	[tilespmem:s18+$0x0] =	vst.add.f32.msk $0xffff, v3  }
0x42d: {  	[tilespmem:s16+$0x0] =	vst.add.f32.msk $0xffff, v5  }
0x42e: {  	[tilespmem:s14+$0x0] =	vst.add.f32.msk $0xffff, v2  }
0x42f: {  	[tilespmem:s15+$0x0] =	vst.add.f32.msk $0xffff, v4  }
0x430: {  	s13 =	sld [smem:$0x7D4];
	_ =	sdelay $0x1  }
0x431: {  	s12 =	simm.s32 $0x0  }
0x432: {  	[hbm4b:s13+s12] =	stream.linear.scatter [tilespmem:s25], [sflag:$0x5], $0x4000, $0x38;
	[tilespmem:$0x1C080] =	vst v63  }
0x433: {  	_ =	swait.ge [sflag:s10], $0x4000  }
0x434: {  	s18 =	sld [smem:$0x7D9]  }
0x435: {  	[sflag:s10] =	ssyncset.done $0x0  }
0x436: {  	s19 =	simm.s32 $0x0;
	s21 =	simm.s32 $0x0;
	[sflag:s10] =	ssyncadd.s32 $0xFFFFC000  }
0x437: {  	[tilespmem:s2], [sflag:$0x4] =	stream.linear.gather [hbm4b:s18+s12], $0x4000, $0x38;
	[tilespmem:$0x1C080] =	vst v63  }
0x438: {  	s20 =	sand.u32 $0x1C00, s12;
	s13 =	sand.u32 $0x2000, s19;
	_ =	swait.ge [sflag:s3], $0x4000  }
0x439: {  	s22 =	sand.u32 $0x380, s21;
	s13 =	sor.u32 s20, s13;
	[sflag:s3] =	ssyncset.done $0x0  }
0x43a: {  	s15 =	sor.u32 s22, s13;
	[sflag:s3] =	ssyncadd.s32 $0xFFFFC000  }
0x43b: {  	v2 =	vld [tilespmem:s15+$0x70]  }
0x43c: {  	v7 =	vld [tilespmem:s15+$0x0]  }
0x43d: {  	v8 =	vld [tilespmem:s15+$0x10]  }
0x43e: {  	v6 =	vld [tilespmem:s15+$0x20]  }
0x43f: {  	v3 =	vld [tilespmem:s15+$0x30]  }
0x440: {  	v5 =	vld [tilespmem:s15+$0x40]  }
0x441: {  	s13 =	sor.u32 $0x10070, s15;
	v4 =	vld [tilespmem:s15+$0x60]  }
0x442: {  	[tilespmem:s13+$0x0] =	vst.add.f32.msk $0xffff, v2  }
0x443: {  	s14 =	sor.u32 $0x10000, s15;
	s19 =	sor.u32 $0x10010, s15;
	v2 =	vld [tilespmem:s15+$0x50]  }
0x444: {  	s17 =	sor.u32 $0x10020, s15;
	s16 =	sor.u32 $0x10040, s15;
	s18 =	sor.u32 $0x10030, s15;
	[tilespmem:s14+$0x0] =	vst.add.f32.msk $0xffff, v7  }
0x445: {  	s13 =	simm.s32 $0x0;
	s14 =	sor.u32 $0x10050, s15;
	s15 =	sor.u32 $0x10060, s15;
	[tilespmem:s19+$0x0] =	vst.add.f32.msk $0xffff, v8  }
.LBB2_46:
0x446: {  	s13 =	sadd.s32 $0x8, s13;
	[tilespmem:s17+$0x0] =	vst.add.f32.msk $0xffff, v6  }
0x447: {  	s12 =	sadd.s32 $0x400, s12;
	s17 =	sshll.u32 s13, $0x4;
	p0 =	slt.u32 s13, $0x3F8;
	[tilespmem:s18+$0x0] =	vst.add.f32.msk $0xffff, v3  }
0x448: {  	s18 =	sand.u32 $0x1C00, s12;
	s19 =	sshll.u32 s13, $0x1;
	s17 =	sand.u32 $0x2000, s17;
	[tilespmem:s16+$0x0] =	vst.add.f32.msk $0xffff, v5  }
0x449: {  	s16 =	sor.u32 s18, s17;
	s17 =	sand.u32 $0x380, s19;
	[tilespmem:s14+$0x0] =	vst.add.f32.msk $0xffff, v2  }
0x44a: {  	s19 =	sor.u32 s17, s16;
	[tilespmem:s15+$0x0] =	vst.add.f32.msk $0xffff, v4  }
0x44b: {  	s20 =	sor.u32 $0x10000, s19;
	s21 =	sor.u32 $0x10010, s19;
	s17 =	sor.u32 $0x10020, s19;
	v2 =	vld [tilespmem:s19+$0x70]  }
0x44c: {  	s18 =	sor.u32 $0x10030, s19;
	s16 =	sor.u32 $0x10040, s19;
	s14 =	sor.u32 $0x10050, s19;
	v7 =	vld [tilespmem:s19+$0x0]  }
0x44d: {  	s15 =	sor.u32 $0x10060, s19;
	v8 =	vld [tilespmem:s19+$0x10]  }
0x44e: {  	v6 =	vld [tilespmem:s19+$0x20]  }
0x44f: {  	s22 =	sor.u32 $0x10070, s19;
	v3 =	vld [tilespmem:s19+$0x30]  }
0x450: {  	[tilespmem:s22+$0x0] =	vst.add.f32.msk $0xffff, v2  }
.Ltmp22:
0x451: {  	v5 =	vld [tilespmem:s19+$0x40];
	(pc) =	sbr.rel @p0 .LBB2_46-.Ltmp22, $4  }
0x452: {  	v2 =	vld [tilespmem:s19+$0x50]  }
0x453: {  	v4 =	vld [tilespmem:s19+$0x60]  }
0x454: {  	[tilespmem:s20+$0x0] =	vst.add.f32.msk $0xffff, v7  }
0x455: {  	[tilespmem:s21+$0x0] =	vst.add.f32.msk $0xffff, v8  }
0x456: {  	[tilespmem:s17+$0x0] =	vst.add.f32.msk $0xffff, v6  }
0x457: {  	[tilespmem:s18+$0x0] =	vst.add.f32.msk $0xffff, v3  }
0x458: {  	[tilespmem:s16+$0x0] =	vst.add.f32.msk $0xffff, v5  }
0x459: {  	[tilespmem:s14+$0x0] =	vst.add.f32.msk $0xffff, v2  }
0x45a: {  	[tilespmem:s15+$0x0] =	vst.add.f32.msk $0xffff, v4  }
0x45b: {  	s13 =	sld [smem:$0x7D6];
	_ =	sdelay $0x1  }
0x45c: {  	s12 =	simm.s32 $0x0  }
0x45d: {  	[hbm4b:s13+s12] =	stream.linear.scatter [tilespmem:s26], [sflag:$0x6], $0x4000, $0x38;
	[tilespmem:$0x1C080] =	vst v63  }
0x45e: {  	_ =	swait.ge [sflag:s4], $0x4000  }
0x45f: {  	s18 =	sld [smem:$0x7DD]  }
0x460: {  	[sflag:s4] =	ssyncset.done $0x0  }
0x461: {  	s19 =	simm.s32 $0x0;
	s21 =	simm.s32 $0x0;
	[sflag:s4] =	ssyncadd.s32 $0xFFFFC000  }
0x462: {  	[tilespmem:s25], [sflag:$0x1] =	stream.linear.gather [hbm4b:s18+s12], $0x4000, $0x38;
	[tilespmem:$0x1C080] =	vst v63  }
0x463: {  	s20 =	sand.u32 $0x1C00, s12;
	s13 =	sand.u32 $0x2000, s19;
	_ =	swait.ge [sflag:s5], $0x4000  }
0x464: {  	s22 =	sand.u32 $0x380, s21;
	s13 =	sor.u32 s20, s13;
	[sflag:s5] =	ssyncset.done $0x0  }
0x465: {  	s15 =	sor.u32 s22, s13;
	[sflag:s5] =	ssyncadd.s32 $0xFFFFC000  }
0x466: {  	v2 =	vld [tilespmem:s15+$0x70]  }
0x467: {  	v7 =	vld [tilespmem:s15+$0x0]  }
0x468: {  	v8 =	vld [tilespmem:s15+$0x10]  }
0x469: {  	v6 =	vld [tilespmem:s15+$0x20]  }
0x46a: {  	v3 =	vld [tilespmem:s15+$0x30]  }
0x46b: {  	v5 =	vld [tilespmem:s15+$0x40]  }
0x46c: {  	s13 =	sor.u32 $0x14070, s15;
	v4 =	vld [tilespmem:s15+$0x60]  }
0x46d: {  	[tilespmem:s13+$0x0] =	vst.add.f32.msk $0xffff, v2  }
0x46e: {  	s14 =	sor.u32 $0x14000, s15;
	s19 =	sor.u32 $0x14010, s15;
	v2 =	vld [tilespmem:s15+$0x50]  }
0x46f: {  	s17 =	sor.u32 $0x14020, s15;
	s16 =	sor.u32 $0x14040, s15;
	s18 =	sor.u32 $0x14030, s15;
	[tilespmem:s14+$0x0] =	vst.add.f32.msk $0xffff, v7  }
0x470: {  	s13 =	simm.s32 $0x0;
	s14 =	sor.u32 $0x14050, s15;
	s15 =	sor.u32 $0x14060, s15;
	[tilespmem:s19+$0x0] =	vst.add.f32.msk $0xffff, v8  }
.LBB2_48:
0x471: {  	s13 =	sadd.s32 $0x8, s13;
	[tilespmem:s17+$0x0] =	vst.add.f32.msk $0xffff, v6  }
0x472: {  	s12 =	sadd.s32 $0x400, s12;
	s17 =	sshll.u32 s13, $0x4;
	p0 =	slt.u32 s13, $0x3F8;
	[tilespmem:s18+$0x0] =	vst.add.f32.msk $0xffff, v3  }
0x473: {  	s18 =	sand.u32 $0x1C00, s12;
	s19 =	sshll.u32 s13, $0x1;
	s17 =	sand.u32 $0x2000, s17;
	[tilespmem:s16+$0x0] =	vst.add.f32.msk $0xffff, v5  }
0x474: {  	s16 =	sor.u32 s18, s17;
	s17 =	sand.u32 $0x380, s19;
	[tilespmem:s14+$0x0] =	vst.add.f32.msk $0xffff, v2  }
0x475: {  	s19 =	sor.u32 s17, s16;
	[tilespmem:s15+$0x0] =	vst.add.f32.msk $0xffff, v4  }
0x476: {  	s20 =	sor.u32 $0x14000, s19;
	s21 =	sor.u32 $0x14010, s19;
	s17 =	sor.u32 $0x14020, s19;
	v2 =	vld [tilespmem:s19+$0x70]  }
0x477: {  	s18 =	sor.u32 $0x14030, s19;
	s16 =	sor.u32 $0x14040, s19;
	s14 =	sor.u32 $0x14050, s19;
	v7 =	vld [tilespmem:s19+$0x0]  }
0x478: {  	s15 =	sor.u32 $0x14060, s19;
	v8 =	vld [tilespmem:s19+$0x10]  }
0x479: {  	v6 =	vld [tilespmem:s19+$0x20]  }
0x47a: {  	s22 =	sor.u32 $0x14070, s19;
	v3 =	vld [tilespmem:s19+$0x30]  }
0x47b: {  	[tilespmem:s22+$0x0] =	vst.add.f32.msk $0xffff, v2  }
.Ltmp23:
0x47c: {  	v5 =	vld [tilespmem:s19+$0x40];
	(pc) =	sbr.rel @p0 .LBB2_48-.Ltmp23, $4  }
0x47d: {  	v2 =	vld [tilespmem:s19+$0x50]  }
0x47e: {  	v4 =	vld [tilespmem:s19+$0x60]  }
0x47f: {  	[tilespmem:s20+$0x0] =	vst.add.f32.msk $0xffff, v7  }
0x480: {  	[tilespmem:s21+$0x0] =	vst.add.f32.msk $0xffff, v8  }
0x481: {  	[tilespmem:s17+$0x0] =	vst.add.f32.msk $0xffff, v6  }
0x482: {  	[tilespmem:s18+$0x0] =	vst.add.f32.msk $0xffff, v3  }
0x483: {  	[tilespmem:s16+$0x0] =	vst.add.f32.msk $0xffff, v5  }
0x484: {  	[tilespmem:s14+$0x0] =	vst.add.f32.msk $0xffff, v2  }
0x485: {  	[tilespmem:s15+$0x0] =	vst.add.f32.msk $0xffff, v4  }
0x486: {  	s13 =	sld [smem:$0x7D8];
	_ =	sdelay $0x1  }
0x487: {  	s12 =	simm.s32 $0x0  }
0x488: {  	[hbm4b:s13+s12] =	stream.linear.scatter [tilespmem:s31], [sflag:$0x7], $0x4000, $0x38;
	[tilespmem:$0x1C080] =	vst v63  }
0x489: {  	_ =	swait.ge [sflag:s6], $0x4000  }
0x48a: {  	s18 =	sld [smem:$0x7DF]  }
0x48b: {  	[sflag:s6] =	ssyncset.done $0x0  }
0x48c: {  	s19 =	simm.s32 $0x0;
	s21 =	simm.s32 $0x0;
	[sflag:s6] =	ssyncadd.s32 $0xFFFFC000  }
0x48d: {  	[tilespmem:s26], [sflag:$0x2] =	stream.linear.gather [hbm4b:s18+s12], $0x4000, $0x38;
	[tilespmem:$0x1C080] =	vst v63  }
0x48e: {  	s20 =	sand.u32 $0x1C00, s12;
	s13 =	sand.u32 $0x2000, s19;
	_ =	swait.ge [sflag:s7], $0x4000  }
0x48f: {  	s22 =	sand.u32 $0x380, s21;
	s13 =	sor.u32 s20, s13;
	[sflag:s7] =	ssyncset.done $0x0  }
0x490: {  	s15 =	sor.u32 s22, s13;
	[sflag:s7] =	ssyncadd.s32 $0xFFFFC000  }
0x491: {  	v2 =	vld [tilespmem:s15+$0x70]  }
0x492: {  	v7 =	vld [tilespmem:s15+$0x0]  }
0x493: {  	v8 =	vld [tilespmem:s15+$0x10]  }
0x494: {  	v6 =	vld [tilespmem:s15+$0x20]  }
0x495: {  	v3 =	vld [tilespmem:s15+$0x30]  }
0x496: {  	v5 =	vld [tilespmem:s15+$0x40]  }
0x497: {  	s13 =	sor.u32 $0x18070, s15;
	v4 =	vld [tilespmem:s15+$0x60]  }
0x498: {  	[tilespmem:s13+$0x0] =	vst.add.f32.msk $0xffff, v2  }
0x499: {  	s14 =	sor.u32 $0x18000, s15;
	s19 =	sor.u32 $0x18010, s15;
	v2 =	vld [tilespmem:s15+$0x50]  }
0x49a: {  	s17 =	sor.u32 $0x18020, s15;
	s16 =	sor.u32 $0x18040, s15;
	s18 =	sor.u32 $0x18030, s15;
	[tilespmem:s14+$0x0] =	vst.add.f32.msk $0xffff, v7  }
0x49b: {  	s13 =	simm.s32 $0x0;
	s14 =	sor.u32 $0x18050, s15;
	s15 =	sor.u32 $0x18060, s15;
	[tilespmem:s19+$0x0] =	vst.add.f32.msk $0xffff, v8  }
.LBB2_50:
0x49c: {  	s13 =	sadd.s32 $0x8, s13;
	[tilespmem:s17+$0x0] =	vst.add.f32.msk $0xffff, v6  }
0x49d: {  	s12 =	sadd.s32 $0x400, s12;
	s17 =	sshll.u32 s13, $0x4;
	p0 =	slt.u32 s13, $0x3F8;
	[tilespmem:s18+$0x0] =	vst.add.f32.msk $0xffff, v3  }
0x49e: {  	s18 =	sand.u32 $0x1C00, s12;
	s19 =	sshll.u32 s13, $0x1;
	s17 =	sand.u32 $0x2000, s17;
	[tilespmem:s16+$0x0] =	vst.add.f32.msk $0xffff, v5  }
0x49f: {  	s16 =	sor.u32 s18, s17;
	s17 =	sand.u32 $0x380, s19;
	[tilespmem:s14+$0x0] =	vst.add.f32.msk $0xffff, v2  }
0x4a0: {  	s19 =	sor.u32 s17, s16;
	[tilespmem:s15+$0x0] =	vst.add.f32.msk $0xffff, v4  }
0x4a1: {  	s20 =	sor.u32 $0x18000, s19;
	s21 =	sor.u32 $0x18010, s19;
	s17 =	sor.u32 $0x18020, s19;
	v2 =	vld [tilespmem:s19+$0x70]  }
0x4a2: {  	s18 =	sor.u32 $0x18030, s19;
	s16 =	sor.u32 $0x18040, s19;
	s14 =	sor.u32 $0x18050, s19;
	v7 =	vld [tilespmem:s19+$0x0]  }
0x4a3: {  	s15 =	sor.u32 $0x18060, s19;
	v8 =	vld [tilespmem:s19+$0x10]  }
0x4a4: {  	v6 =	vld [tilespmem:s19+$0x20]  }
0x4a5: {  	s22 =	sor.u32 $0x18070, s19;
	v3 =	vld [tilespmem:s19+$0x30]  }
0x4a6: {  	[tilespmem:s22+$0x0] =	vst.add.f32.msk $0xffff, v2  }
.Ltmp24:
0x4a7: {  	v5 =	vld [tilespmem:s19+$0x40];
	(pc) =	sbr.rel @p0 .LBB2_50-.Ltmp24, $4  }
0x4a8: {  	v2 =	vld [tilespmem:s19+$0x50]  }
0x4a9: {  	v4 =	vld [tilespmem:s19+$0x60]  }
0x4aa: {  	[tilespmem:s20+$0x0] =	vst.add.f32.msk $0xffff, v7  }
0x4ab: {  	[tilespmem:s21+$0x0] =	vst.add.f32.msk $0xffff, v8  }
0x4ac: {  	[tilespmem:s17+$0x0] =	vst.add.f32.msk $0xffff, v6  }
0x4ad: {  	[tilespmem:s18+$0x0] =	vst.add.f32.msk $0xffff, v3  }
0x4ae: {  	[tilespmem:s16+$0x0] =	vst.add.f32.msk $0xffff, v5  }
0x4af: {  	[tilespmem:s14+$0x0] =	vst.add.f32.msk $0xffff, v2  }
0x4b0: {  	[tilespmem:s15+$0x0] =	vst.add.f32.msk $0xffff, v4  }
0x4b1: {  	s12 =	sld [smem:$0x7DA];
	_ =	sdelay $0x1  }
0x4b2: {  	s13 =	simm.s32 $0x0  }
0x4b3: {  	[hbm4b:s12+s13] =	stream.linear.scatter [tilespmem:s2], [sflag:$0x8], $0x4000, $0x38;
	[tilespmem:$0x1C080] =	vst v63  }
0x4b4: {  	_ =	swait.ge [sflag:s8], $0x4000  }
0x4b5: {  	[sflag:s8] =	ssyncset.done $0x0  }
0x4b6: {  	s19 =	simm.s32 $0x0;
	s21 =	simm.s32 $0x0;
	[sflag:s8] =	ssyncadd.s32 $0xFFFFC000  }
0x4b7: {  	s20 =	sand.u32 $0x1C00, s13;
	s12 =	sand.u32 $0x2000, s19;
	_ =	swait.ge [sflag:s8], $0x4000  }
0x4b8: {  	s22 =	sand.u32 $0x380, s21;
	s12 =	sor.u32 s20, s12;
	[sflag:s8] =	ssyncset.done $0x0  }
0x4b9: {  	s12 =	sor.u32 s22, s12;
	[sflag:s8] =	ssyncadd.s32 $0xFFFFC000  }
0x4ba: {  	v2 =	vld [tilespmem:s12+$0x4070]  }
0x4bb: {  	v3 =	vld [tilespmem:s12+$0x8070]  }
0x4bc: {  	v5 =	vld [tilespmem:s12+$0x4000]  }
0x4bd: {  	v7 =	vld [tilespmem:s12+$0x8000]  }
0x4be: {  	v8 =	vld [tilespmem:s12+$0x4010]  }
0x4bf: {  	v9 =	vld [tilespmem:s12+$0x8010]  }
0x4c0: {  	v4 =	vld [tilespmem:s12+$0x4020];
	v10 =	vmul.f32 v2, v0;
	v3 =	vmul.f32 v3, v1  }
0x4c1: {  	v6 =	vld [tilespmem:s12+$0x8020]  }
0x4c2: {  	v5 =	vmul.f32 v5, v0;
	v11 =	vmul.f32 v7, v1;
	v2 =	vld [tilespmem:s12+$0x4030];
	v10 =	vadd.f32 v3, v10  }
0x4c3: {  	v3 =	vld [tilespmem:s12+$0x8030]  }
0x4c4: {  	s14 =	simm.s32 $0x0;
	v7 =	vmul.f32 v8, v0;
	v9 =	vmul.f32 v9, v1;
	v8 =	vadd.f32 v11, v5;
	v5 =	vld [tilespmem:s12+$0x4040];
	[tilespmem:s12+$0x4070] =	vst v10  }
.LBB2_52:
0x4c5: {  	s14 =	sadd.s32 $0x8, s14;
	v4 =	vmul.f32 v4, v0;
	v10 =	vld [tilespmem:s12+$0x8040]  }
0x4c6: {  	s13 =	sadd.s32 $0x400, s13;
	s15 =	sshll.u32 s14, $0x4;
	p0 =	slt.u32 s14, $0x3F8;
	[tilespmem:s12+$0x4000] =	vst v8;
	v7 =	vadd.f32 v9, v7;
	v6 =	vmul.f32 v6, v1;
	v8 =	vld [tilespmem:s12+$0x4050]  }
0x4c7: {  	s16 =	sand.u32 $0x1C00, s13;
	s17 =	sshll.u32 s14, $0x1;
	s15 =	sand.u32 $0x2000, s15;
	v2 =	vmul.f32 v2, v0;
	v9 =	vld [tilespmem:s12+$0x8050]  }
0x4c8: {  	s15 =	sor.u32 s16, s15;
	s16 =	sand.u32 $0x380, s17;
	[tilespmem:s12+$0x4010] =	vst v7;
	v4 =	vadd.f32 v6, v4;
	v3 =	vmul.f32 v3, v1;
	v6 =	vld [tilespmem:s12+$0x4060]  }
0x4c9: {  	s15 =	sor.u32 s16, s15;
	v5 =	vmul.f32 v5, v0;
	v7 =	vld [tilespmem:s12+$0x8060]  }
0x4ca: {  	v11 =	vld [tilespmem:s15+$0x4070];
	[tilespmem:s12+$0x4020] =	vst v4;
	v2 =	vadd.f32 v3, v2;
	v3 =	vmul.f32 v10, v1  }
0x4cb: {  	v10 =	vld [tilespmem:s15+$0x8070];
	v4 =	vmul.f32 v8, v0  }
0x4cc: {  	v8 =	vld [tilespmem:s15+$0x4000];
	[tilespmem:s12+$0x4030] =	vst v2;
	v2 =	vadd.f32 v3, v5;
	v3 =	vmul.f32 v9, v1  }
0x4cd: {  	v5 =	vld [tilespmem:s15+$0x8000];
	v6 =	vmul.f32 v6, v0  }
0x4ce: {  	v9 =	vld [tilespmem:s15+$0x4010];
	[tilespmem:s12+$0x4040] =	vst v2;
	v2 =	vadd.f32 v3, v4;
	v3 =	vmul.f32 v7, v1  }
0x4cf: {  	v12 =	vld [tilespmem:s15+$0x8010]  }
.Ltmp25:
0x4d0: {  	v7 =	vmul.f32 v11, v0;
	v4 =	vld [tilespmem:s15+$0x4020];
	v10 =	vmul.f32 v10, v1;
	[tilespmem:s12+$0x4050] =	vst v2;
	v3 =	vadd.f32 v3, v6;
	(pc) =	sbr.rel @p0 .LBB2_52-.Ltmp25, $4  }
0x4d1: {  	v8 =	vmul.f32 v8, v0;
	v6 =	vld [tilespmem:s15+$0x8020]  }
0x4d2: {  	v5 =	vmul.f32 v5, v1;
	v2 =	vld [tilespmem:s15+$0x4030];
	v10 =	vadd.f32 v10, v7;
	[tilespmem:s12+$0x4060] =	vst v3;
	s12 =	smov.u32 s15  }
0x4d3: {  	v7 =	vmul.f32 v9, v0;
	v3 =	vld [tilespmem:s12+$0x8030]  }
0x4d4: {  	v8 =	vadd.f32 v5, v8;
	v9 =	vmul.f32 v12, v1;
	v5 =	vld [tilespmem:s12+$0x4040];
	[tilespmem:s12+$0x4070] =	vst v10  }
0x4d5: {  	v10 =	vld [tilespmem:s12+$0x8040]  }
0x4d6: {  	v11 =	vld [tilespmem:s12+$0x4050]  }
0x4d7: {  	v12 =	vld [tilespmem:s12+$0x8050]  }
0x4d8: {  	v13 =	vld [tilespmem:s12+$0x4060]  }
0x4d9: {  	v14 =	vld [tilespmem:s12+$0x8060]  }
0x4da: {  	v4 =	vmul.f32 v4, v0;
	v6 =	vmul.f32 v6, v1  }
0x4db: {  	v7 =	vadd.f32 v9, v7;
	v2 =	vmul.f32 v2, v0;
	v3 =	vmul.f32 v3, v1  }
0x4dc: {  	[tilespmem:s12+$0x4000] =	vst v8;
	v4 =	vadd.f32 v6, v4;
	v5 =	vmul.f32 v5, v0;
	v6 =	vmul.f32 v10, v1  }
0x4dd: {  	[tilespmem:s12+$0x4010] =	vst v7;
	v2 =	vadd.f32 v3, v2;
	v3 =	vmul.f32 v11, v0;
	v7 =	vmul.f32 v12, v1  }
0x4de: {  	[tilespmem:s12+$0x4020] =	vst v4;
	v4 =	vadd.f32 v6, v5;
	v5 =	vmul.f32 v13, v0;
	v6 =	vmul.f32 v14, v1  }
0x4df: {  	[tilespmem:s12+$0x4030] =	vst v2;
	v2 =	vadd.f32 v7, v3  }
0x4e0: {  	[tilespmem:s12+$0x4040] =	vst v4;
	v3 =	vadd.f32 v6, v5  }
0x4e1: {  	[tilespmem:s12+$0x4050] =	vst v2  }
0x4e2: {  	[tilespmem:s12+$0x4060] =	vst v3  }
0x4e3: {  	s13 =	sld [smem:$0x7E6];
	_ =	sdelay $0x1  }
0x4e4: {  	s12 =	simm.s32 $0x0;
	s19 =	sld [smem:$0x7E9]  }
0x4e5: {  	[tilespmem:s12], [sflag:$0x9] =	stream.linear.gather [hbm4b:s13+s12], $0x4000, $0x38;
	[tilespmem:$0x1C080] =	vst v63  }
0x4e6: {  	_ = 	snop  }
0x4e7: {  	[tilespmem:s28], [sflag:$0x9] =	stream.linear.gather [hbm4b:s19+s12], $0x4000, $0x38;
	[tilespmem:$0x1C080] =	vst v63  }
0x4e8: {  	_ =	swait.ge [sflag:s9], $0x4000  }
0x4e9: {  	s20 =	sld [smem:$0x7E1]  }
0x4ea: {  	[sflag:s9] =	ssyncset.done $0x0  }
0x4eb: {  	s21 =	simm.s32 $0x0;
	s15 =	simm.s32 $0x0;
	[sflag:s9] =	ssyncadd.s32 $0xFFFFC000  }
0x4ec: {  	[tilespmem:s31], [sflag:$0x3] =	stream.linear.gather [hbm4b:s20+s12], $0x4000, $0x38;
	[tilespmem:$0x1C080] =	vst v63  }
0x4ed: {  	s14 =	sand.u32 $0x1C00, s12;
	s13 =	sand.u32 $0x2000, s21;
	_ =	swait.ge [sflag:s0], $0x4000  }
0x4ee: {  	s22 =	sand.u32 $0x380, s15;
	s13 =	sor.u32 s14, s13;
	[sflag:s0] =	ssyncset.done $0x0  }
0x4ef: {  	s15 =	sor.u32 s22, s13;
	[sflag:s0] =	ssyncadd.s32 $0xFFFFC000  }
0x4f0: {  	v2 =	vld [tilespmem:s15+$0x4070]  }
0x4f1: {  	v7 =	vld [tilespmem:s15+$0x4000]  }
0x4f2: {  	v8 =	vld [tilespmem:s15+$0x4010]  }
0x4f3: {  	v6 =	vld [tilespmem:s15+$0x4020]  }
0x4f4: {  	v3 =	vld [tilespmem:s15+$0x4030]  }
0x4f5: {  	v5 =	vld [tilespmem:s15+$0x4040]  }
0x4f6: {  	s13 =	sor.u32 $0xC070, s15;
	v4 =	vld [tilespmem:s15+$0x4060]  }
0x4f7: {  	[tilespmem:s13+$0x0] =	vst.add.f32.msk $0xffff, v2  }
0x4f8: {  	s14 =	sor.u32 $0xC000, s15;
	s19 =	sor.u32 $0xC010, s15;
	v2 =	vld [tilespmem:s15+$0x4050]  }
0x4f9: {  	s17 =	sor.u32 $0xC020, s15;
	s18 =	sor.u32 $0xC030, s15;
	s16 =	sor.u32 $0xC040, s15;
	[tilespmem:s14+$0x0] =	vst.add.f32.msk $0xffff, v7  }
0x4fa: {  	s13 =	simm.s32 $0x0;
	s14 =	sor.u32 $0xC050, s15;
	s15 =	sor.u32 $0xC060, s15;
	[tilespmem:s19+$0x0] =	vst.add.f32.msk $0xffff, v8  }
.LBB2_54:
0x4fb: {  	s13 =	sadd.s32 $0x8, s13;
	[tilespmem:s17+$0x0] =	vst.add.f32.msk $0xffff, v6  }
0x4fc: {  	s12 =	sadd.s32 $0x400, s12;
	s17 =	sshll.u32 s13, $0x4;
	p0 =	slt.u32 s13, $0x3F8;
	[tilespmem:s18+$0x0] =	vst.add.f32.msk $0xffff, v3  }
0x4fd: {  	s18 =	sand.u32 $0x1C00, s12;
	s19 =	sshll.u32 s13, $0x1;
	s17 =	sand.u32 $0x2000, s17;
	[tilespmem:s16+$0x0] =	vst.add.f32.msk $0xffff, v5  }
0x4fe: {  	s16 =	sor.u32 s18, s17;
	s17 =	sand.u32 $0x380, s19;
	[tilespmem:s14+$0x0] =	vst.add.f32.msk $0xffff, v2  }
0x4ff: {  	s19 =	sor.u32 s17, s16;
	[tilespmem:s15+$0x0] =	vst.add.f32.msk $0xffff, v4  }
0x500: {  	s20 =	sor.u32 $0xC000, s19;
	s21 =	sor.u32 $0xC010, s19;
	s17 =	sor.u32 $0xC020, s19;
	v2 =	vld [tilespmem:s19+$0x4070]  }
0x501: {  	s18 =	sor.u32 $0xC030, s19;
	s16 =	sor.u32 $0xC040, s19;
	s14 =	sor.u32 $0xC050, s19;
	v7 =	vld [tilespmem:s19+$0x4000]  }
0x502: {  	s15 =	sor.u32 $0xC060, s19;
	v8 =	vld [tilespmem:s19+$0x4010]  }
0x503: {  	v6 =	vld [tilespmem:s19+$0x4020]  }
0x504: {  	s22 =	sor.u32 $0xC070, s19;
	v3 =	vld [tilespmem:s19+$0x4030]  }
0x505: {  	[tilespmem:s22+$0x0] =	vst.add.f32.msk $0xffff, v2  }
.Ltmp26:
0x506: {  	v5 =	vld [tilespmem:s19+$0x4040];
	(pc) =	sbr.rel @p0 .LBB2_54-.Ltmp26, $4  }
0x507: {  	v2 =	vld [tilespmem:s19+$0x4050]  }
0x508: {  	v4 =	vld [tilespmem:s19+$0x4060]  }
0x509: {  	[tilespmem:s20+$0x0] =	vst.add.f32.msk $0xffff, v7  }
0x50a: {  	[tilespmem:s21+$0x0] =	vst.add.f32.msk $0xffff, v8  }
0x50b: {  	[tilespmem:s17+$0x0] =	vst.add.f32.msk $0xffff, v6  }
0x50c: {  	[tilespmem:s18+$0x0] =	vst.add.f32.msk $0xffff, v3  }
0x50d: {  	[tilespmem:s16+$0x0] =	vst.add.f32.msk $0xffff, v5  }
0x50e: {  	[tilespmem:s14+$0x0] =	vst.add.f32.msk $0xffff, v2  }
0x50f: {  	[tilespmem:s15+$0x0] =	vst.add.f32.msk $0xffff, v4  }
0x510: {  	s13 =	sld [smem:$0x7DE];
	_ =	sdelay $0x1  }
0x511: {  	s12 =	simm.s32 $0x0  }
0x512: {  	[hbm4b:s13+s12] =	stream.linear.scatter [tilespmem:s25], [sflag:$0x5], $0x4000, $0x38;
	[tilespmem:$0x1C080] =	vst v63  }
0x513: {  	_ =	swait.ge [sflag:s10], $0x4000  }
0x514: {  	s18 =	sld [smem:$0x7E3]  }
0x515: {  	[sflag:s10] =	ssyncset.done $0x0  }
0x516: {  	s19 =	simm.s32 $0x0;
	s21 =	simm.s32 $0x0;
	[sflag:s10] =	ssyncadd.s32 $0xFFFFC000  }
0x517: {  	[tilespmem:s2], [sflag:$0x4] =	stream.linear.gather [hbm4b:s18+s12], $0x4000, $0x38;
	[tilespmem:$0x1C080] =	vst v63  }
0x518: {  	s20 =	sand.u32 $0x1C00, s12;
	s13 =	sand.u32 $0x2000, s19;
	_ =	swait.ge [sflag:s3], $0x4000  }
0x519: {  	s22 =	sand.u32 $0x380, s21;
	s13 =	sor.u32 s20, s13;
	[sflag:s3] =	ssyncset.done $0x0  }
0x51a: {  	s15 =	sor.u32 s22, s13;
	[sflag:s3] =	ssyncadd.s32 $0xFFFFC000  }
0x51b: {  	v2 =	vld [tilespmem:s15+$0x4070]  }
0x51c: {  	v7 =	vld [tilespmem:s15+$0x4000]  }
0x51d: {  	v8 =	vld [tilespmem:s15+$0x4010]  }
0x51e: {  	v6 =	vld [tilespmem:s15+$0x4020]  }
0x51f: {  	v3 =	vld [tilespmem:s15+$0x4030]  }
0x520: {  	v5 =	vld [tilespmem:s15+$0x4040]  }
0x521: {  	s13 =	sor.u32 $0x10070, s15;
	v4 =	vld [tilespmem:s15+$0x4060]  }
0x522: {  	[tilespmem:s13+$0x0] =	vst.add.f32.msk $0xffff, v2  }
0x523: {  	s14 =	sor.u32 $0x10000, s15;
	s19 =	sor.u32 $0x10010, s15;
	v2 =	vld [tilespmem:s15+$0x4050]  }
0x524: {  	s17 =	sor.u32 $0x10020, s15;
	s16 =	sor.u32 $0x10040, s15;
	s18 =	sor.u32 $0x10030, s15;
	[tilespmem:s14+$0x0] =	vst.add.f32.msk $0xffff, v7  }
0x525: {  	s13 =	simm.s32 $0x0;
	s14 =	sor.u32 $0x10050, s15;
	s15 =	sor.u32 $0x10060, s15;
	[tilespmem:s19+$0x0] =	vst.add.f32.msk $0xffff, v8  }
.LBB2_56:
0x526: {  	s13 =	sadd.s32 $0x8, s13;
	[tilespmem:s17+$0x0] =	vst.add.f32.msk $0xffff, v6  }
0x527: {  	s12 =	sadd.s32 $0x400, s12;
	s17 =	sshll.u32 s13, $0x4;
	p0 =	slt.u32 s13, $0x3F8;
	[tilespmem:s18+$0x0] =	vst.add.f32.msk $0xffff, v3  }
0x528: {  	s18 =	sand.u32 $0x1C00, s12;
	s19 =	sshll.u32 s13, $0x1;
	s17 =	sand.u32 $0x2000, s17;
	[tilespmem:s16+$0x0] =	vst.add.f32.msk $0xffff, v5  }
0x529: {  	s16 =	sor.u32 s18, s17;
	s17 =	sand.u32 $0x380, s19;
	[tilespmem:s14+$0x0] =	vst.add.f32.msk $0xffff, v2  }
0x52a: {  	s19 =	sor.u32 s17, s16;
	[tilespmem:s15+$0x0] =	vst.add.f32.msk $0xffff, v4  }
0x52b: {  	s20 =	sor.u32 $0x10000, s19;
	s21 =	sor.u32 $0x10010, s19;
	s17 =	sor.u32 $0x10020, s19;
	v2 =	vld [tilespmem:s19+$0x4070]  }
0x52c: {  	s18 =	sor.u32 $0x10030, s19;
	s16 =	sor.u32 $0x10040, s19;
	s14 =	sor.u32 $0x10050, s19;
	v7 =	vld [tilespmem:s19+$0x4000]  }
0x52d: {  	s15 =	sor.u32 $0x10060, s19;
	v8 =	vld [tilespmem:s19+$0x4010]  }
0x52e: {  	v6 =	vld [tilespmem:s19+$0x4020]  }
0x52f: {  	s22 =	sor.u32 $0x10070, s19;
	v3 =	vld [tilespmem:s19+$0x4030]  }
0x530: {  	[tilespmem:s22+$0x0] =	vst.add.f32.msk $0xffff, v2  }
.Ltmp27:
0x531: {  	v5 =	vld [tilespmem:s19+$0x4040];
	(pc) =	sbr.rel @p0 .LBB2_56-.Ltmp27, $4  }
0x532: {  	v2 =	vld [tilespmem:s19+$0x4050]  }
0x533: {  	v4 =	vld [tilespmem:s19+$0x4060]  }
0x534: {  	[tilespmem:s20+$0x0] =	vst.add.f32.msk $0xffff, v7  }
0x535: {  	[tilespmem:s21+$0x0] =	vst.add.f32.msk $0xffff, v8  }
0x536: {  	[tilespmem:s17+$0x0] =	vst.add.f32.msk $0xffff, v6  }
0x537: {  	[tilespmem:s18+$0x0] =	vst.add.f32.msk $0xffff, v3  }
0x538: {  	[tilespmem:s16+$0x0] =	vst.add.f32.msk $0xffff, v5  }
0x539: {  	[tilespmem:s14+$0x0] =	vst.add.f32.msk $0xffff, v2  }
0x53a: {  	[tilespmem:s15+$0x0] =	vst.add.f32.msk $0xffff, v4  }
0x53b: {  	s13 =	sld [smem:$0x7E0];
	_ =	sdelay $0x1  }
0x53c: {  	s12 =	simm.s32 $0x0  }
0x53d: {  	[hbm4b:s13+s12] =	stream.linear.scatter [tilespmem:s26], [sflag:$0x6], $0x4000, $0x38;
	[tilespmem:$0x1C080] =	vst v63  }
0x53e: {  	_ =	swait.ge [sflag:s4], $0x4000  }
0x53f: {  	s18 =	sld [smem:$0x7EB]  }
0x540: {  	[sflag:s4] =	ssyncset.done $0x0  }
0x541: {  	s19 =	simm.s32 $0x0;
	s21 =	simm.s32 $0x0;
	[sflag:s4] =	ssyncadd.s32 $0xFFFFC000  }
0x542: {  	[tilespmem:s25], [sflag:$0x1] =	stream.linear.gather [hbm4b:s18+s12], $0x4000, $0x38;
	[tilespmem:$0x1C080] =	vst v63  }
0x543: {  	s20 =	sand.u32 $0x1C00, s12;
	s13 =	sand.u32 $0x2000, s19;
	_ =	swait.ge [sflag:s5], $0x4000  }
0x544: {  	s22 =	sand.u32 $0x380, s21;
	s13 =	sor.u32 s20, s13;
	[sflag:s5] =	ssyncset.done $0x0  }
0x545: {  	s15 =	sor.u32 s22, s13;
	[sflag:s5] =	ssyncadd.s32 $0xFFFFC000  }
0x546: {  	v2 =	vld [tilespmem:s15+$0x4070]  }
0x547: {  	v7 =	vld [tilespmem:s15+$0x4000]  }
0x548: {  	v8 =	vld [tilespmem:s15+$0x4010]  }
0x549: {  	v6 =	vld [tilespmem:s15+$0x4020]  }
0x54a: {  	v3 =	vld [tilespmem:s15+$0x4030]  }
0x54b: {  	v5 =	vld [tilespmem:s15+$0x4040]  }
0x54c: {  	s13 =	sor.u32 $0x14070, s15;
	v4 =	vld [tilespmem:s15+$0x4060]  }
0x54d: {  	[tilespmem:s13+$0x0] =	vst.add.f32.msk $0xffff, v2  }
0x54e: {  	s14 =	sor.u32 $0x14000, s15;
	s19 =	sor.u32 $0x14010, s15;
	v2 =	vld [tilespmem:s15+$0x4050]  }
0x54f: {  	s17 =	sor.u32 $0x14020, s15;
	s16 =	sor.u32 $0x14040, s15;
	s18 =	sor.u32 $0x14030, s15;
	[tilespmem:s14+$0x0] =	vst.add.f32.msk $0xffff, v7  }
0x550: {  	s13 =	simm.s32 $0x0;
	s14 =	sor.u32 $0x14050, s15;
	s15 =	sor.u32 $0x14060, s15;
	[tilespmem:s19+$0x0] =	vst.add.f32.msk $0xffff, v8  }
.LBB2_58:
0x551: {  	s13 =	sadd.s32 $0x8, s13;
	[tilespmem:s17+$0x0] =	vst.add.f32.msk $0xffff, v6  }
0x552: {  	s12 =	sadd.s32 $0x400, s12;
	s17 =	sshll.u32 s13, $0x4;
	p0 =	slt.u32 s13, $0x3F8;
	[tilespmem:s18+$0x0] =	vst.add.f32.msk $0xffff, v3  }
0x553: {  	s18 =	sand.u32 $0x1C00, s12;
	s19 =	sshll.u32 s13, $0x1;
	s17 =	sand.u32 $0x2000, s17;
	[tilespmem:s16+$0x0] =	vst.add.f32.msk $0xffff, v5  }
0x554: {  	s16 =	sor.u32 s18, s17;
	s17 =	sand.u32 $0x380, s19;
	[tilespmem:s14+$0x0] =	vst.add.f32.msk $0xffff, v2  }
0x555: {  	s19 =	sor.u32 s17, s16;
	[tilespmem:s15+$0x0] =	vst.add.f32.msk $0xffff, v4  }
0x556: {  	s20 =	sor.u32 $0x14000, s19;
	s21 =	sor.u32 $0x14010, s19;
	s17 =	sor.u32 $0x14020, s19;
	v2 =	vld [tilespmem:s19+$0x4070]  }
0x557: {  	s18 =	sor.u32 $0x14030, s19;
	s16 =	sor.u32 $0x14040, s19;
	s14 =	sor.u32 $0x14050, s19;
	v7 =	vld [tilespmem:s19+$0x4000]  }
0x558: {  	s15 =	sor.u32 $0x14060, s19;
	v8 =	vld [tilespmem:s19+$0x4010]  }
0x559: {  	v6 =	vld [tilespmem:s19+$0x4020]  }
0x55a: {  	s22 =	sor.u32 $0x14070, s19;
	v3 =	vld [tilespmem:s19+$0x4030]  }
0x55b: {  	[tilespmem:s22+$0x0] =	vst.add.f32.msk $0xffff, v2  }
.Ltmp28:
0x55c: {  	v5 =	vld [tilespmem:s19+$0x4040];
	(pc) =	sbr.rel @p0 .LBB2_58-.Ltmp28, $4  }
0x55d: {  	v2 =	vld [tilespmem:s19+$0x4050]  }
0x55e: {  	v4 =	vld [tilespmem:s19+$0x4060]  }
0x55f: {  	[tilespmem:s20+$0x0] =	vst.add.f32.msk $0xffff, v7  }
0x560: {  	[tilespmem:s21+$0x0] =	vst.add.f32.msk $0xffff, v8  }
0x561: {  	[tilespmem:s17+$0x0] =	vst.add.f32.msk $0xffff, v6  }
0x562: {  	[tilespmem:s18+$0x0] =	vst.add.f32.msk $0xffff, v3  }
0x563: {  	[tilespmem:s16+$0x0] =	vst.add.f32.msk $0xffff, v5  }
0x564: {  	[tilespmem:s14+$0x0] =	vst.add.f32.msk $0xffff, v2  }
0x565: {  	[tilespmem:s15+$0x0] =	vst.add.f32.msk $0xffff, v4  }
0x566: {  	s13 =	sld [smem:$0x7E2];
	_ =	sdelay $0x1  }
0x567: {  	s12 =	simm.s32 $0x0  }
0x568: {  	[hbm4b:s13+s12] =	stream.linear.scatter [tilespmem:s31], [sflag:$0x7], $0x4000, $0x38;
	[tilespmem:$0x1C080] =	vst v63  }
0x569: {  	_ =	swait.ge [sflag:s6], $0x4000  }
0x56a: {  	s18 =	sld [smem:$0x7ED]  }
0x56b: {  	[sflag:s6] =	ssyncset.done $0x0  }
0x56c: {  	s19 =	simm.s32 $0x0;
	s21 =	simm.s32 $0x0;
	[sflag:s6] =	ssyncadd.s32 $0xFFFFC000  }
0x56d: {  	[tilespmem:s26], [sflag:$0x2] =	stream.linear.gather [hbm4b:s18+s12], $0x4000, $0x38;
	[tilespmem:$0x1C080] =	vst v63  }
0x56e: {  	s20 =	sand.u32 $0x1C00, s12;
	s13 =	sand.u32 $0x2000, s19;
	_ =	swait.ge [sflag:s7], $0x4000  }
0x56f: {  	s22 =	sand.u32 $0x380, s21;
	s13 =	sor.u32 s20, s13;
	[sflag:s7] =	ssyncset.done $0x0  }
0x570: {  	s15 =	sor.u32 s22, s13;
	[sflag:s7] =	ssyncadd.s32 $0xFFFFC000  }
0x571: {  	v2 =	vld [tilespmem:s15+$0x4070]  }
0x572: {  	v7 =	vld [tilespmem:s15+$0x4000]  }
0x573: {  	v8 =	vld [tilespmem:s15+$0x4010]  }
0x574: {  	v6 =	vld [tilespmem:s15+$0x4020]  }
0x575: {  	v3 =	vld [tilespmem:s15+$0x4030]  }
0x576: {  	v5 =	vld [tilespmem:s15+$0x4040]  }
0x577: {  	s13 =	sor.u32 $0x18070, s15;
	v4 =	vld [tilespmem:s15+$0x4060]  }
0x578: {  	[tilespmem:s13+$0x0] =	vst.add.f32.msk $0xffff, v2  }
0x579: {  	s14 =	sor.u32 $0x18000, s15;
	s19 =	sor.u32 $0x18010, s15;
	v2 =	vld [tilespmem:s15+$0x4050]  }
0x57a: {  	s17 =	sor.u32 $0x18020, s15;
	s16 =	sor.u32 $0x18040, s15;
	s18 =	sor.u32 $0x18030, s15;
	[tilespmem:s14+$0x0] =	vst.add.f32.msk $0xffff, v7  }
0x57b: {  	s13 =	simm.s32 $0x0;
	s14 =	sor.u32 $0x18050, s15;
	s15 =	sor.u32 $0x18060, s15;
	[tilespmem:s19+$0x0] =	vst.add.f32.msk $0xffff, v8  }
.LBB2_60:
0x57c: {  	s13 =	sadd.s32 $0x8, s13;
	[tilespmem:s17+$0x0] =	vst.add.f32.msk $0xffff, v6  }
0x57d: {  	s12 =	sadd.s32 $0x400, s12;
	s17 =	sshll.u32 s13, $0x4;
	p0 =	slt.u32 s13, $0x3F8;
	[tilespmem:s18+$0x0] =	vst.add.f32.msk $0xffff, v3  }
0x57e: {  	s18 =	sand.u32 $0x1C00, s12;
	s19 =	sshll.u32 s13, $0x1;
	s17 =	sand.u32 $0x2000, s17;
	[tilespmem:s16+$0x0] =	vst.add.f32.msk $0xffff, v5  }
0x57f: {  	s16 =	sor.u32 s18, s17;
	s17 =	sand.u32 $0x380, s19;
	[tilespmem:s14+$0x0] =	vst.add.f32.msk $0xffff, v2  }
0x580: {  	s19 =	sor.u32 s17, s16;
	[tilespmem:s15+$0x0] =	vst.add.f32.msk $0xffff, v4  }
0x581: {  	s20 =	sor.u32 $0x18000, s19;
	s21 =	sor.u32 $0x18010, s19;
	s17 =	sor.u32 $0x18020, s19;
	v2 =	vld [tilespmem:s19+$0x4070]  }
0x582: {  	s18 =	sor.u32 $0x18030, s19;
	s16 =	sor.u32 $0x18040, s19;
	s14 =	sor.u32 $0x18050, s19;
	v7 =	vld [tilespmem:s19+$0x4000]  }
0x583: {  	s15 =	sor.u32 $0x18060, s19;
	v8 =	vld [tilespmem:s19+$0x4010]  }
0x584: {  	v6 =	vld [tilespmem:s19+$0x4020]  }
0x585: {  	s22 =	sor.u32 $0x18070, s19;
	v3 =	vld [tilespmem:s19+$0x4030]  }
0x586: {  	[tilespmem:s22+$0x0] =	vst.add.f32.msk $0xffff, v2  }
.Ltmp29:
0x587: {  	v5 =	vld [tilespmem:s19+$0x4040];
	(pc) =	sbr.rel @p0 .LBB2_60-.Ltmp29, $4  }
0x588: {  	v2 =	vld [tilespmem:s19+$0x4050]  }
0x589: {  	v4 =	vld [tilespmem:s19+$0x4060]  }
0x58a: {  	[tilespmem:s20+$0x0] =	vst.add.f32.msk $0xffff, v7  }
0x58b: {  	[tilespmem:s21+$0x0] =	vst.add.f32.msk $0xffff, v8  }
0x58c: {  	[tilespmem:s17+$0x0] =	vst.add.f32.msk $0xffff, v6  }
0x58d: {  	[tilespmem:s18+$0x0] =	vst.add.f32.msk $0xffff, v3  }
0x58e: {  	[tilespmem:s16+$0x0] =	vst.add.f32.msk $0xffff, v5  }
0x58f: {  	[tilespmem:s14+$0x0] =	vst.add.f32.msk $0xffff, v2  }
0x590: {  	[tilespmem:s15+$0x0] =	vst.add.f32.msk $0xffff, v4  }
0x591: {  	s12 =	sld [smem:$0x7E4];
	_ =	sdelay $0x1  }
0x592: {  	s13 =	simm.s32 $0x0  }
0x593: {  	[hbm4b:s12+s13] =	stream.linear.scatter [tilespmem:s2], [sflag:$0x8], $0x4000, $0x38;
	[tilespmem:$0x1C080] =	vst v63  }
0x594: {  	_ =	swait.ge [sflag:s29], $0x4000  }
0x595: {  	[sflag:s29] =	ssyncset.done $0x0  }
0x596: {  	s19 =	simm.s32 $0x0;
	s21 =	simm.s32 $0x0;
	[sflag:s29] =	ssyncadd.s32 $0xFFFFC000  }
0x597: {  	s20 =	sand.u32 $0x1C00, s13;
	s12 =	sand.u32 $0x2000, s19;
	_ =	swait.ge [sflag:s29], $0x4000  }
0x598: {  	s22 =	sand.u32 $0x380, s21;
	s12 =	sor.u32 s20, s12;
	[sflag:s29] =	ssyncset.done $0x0  }
0x599: {  	s12 =	sor.u32 s22, s12;
	[sflag:s29] =	ssyncadd.s32 $0xFFFFC000  }
0x59a: {  	v2 =	vld [tilespmem:s12+$0x70]  }
0x59b: {  	v3 =	vld [tilespmem:s12+$0x8070]  }
0x59c: {  	v5 =	vld [tilespmem:s12+$0x0]  }
0x59d: {  	v7 =	vld [tilespmem:s12+$0x8000]  }
0x59e: {  	v8 =	vld [tilespmem:s12+$0x10]  }
0x59f: {  	v9 =	vld [tilespmem:s12+$0x8010]  }
0x5a0: {  	v4 =	vld [tilespmem:s12+$0x20];
	v10 =	vmul.f32 v2, v0;
	v3 =	vmul.f32 v3, v1  }
0x5a1: {  	v6 =	vld [tilespmem:s12+$0x8020]  }
0x5a2: {  	v5 =	vmul.f32 v5, v0;
	v11 =	vmul.f32 v7, v1;
	v2 =	vld [tilespmem:s12+$0x30];
	v10 =	vadd.f32 v3, v10  }
0x5a3: {  	v3 =	vld [tilespmem:s12+$0x8030]  }
0x5a4: {  	s14 =	simm.s32 $0x0;
	v7 =	vmul.f32 v8, v0;
	v9 =	vmul.f32 v9, v1;
	v8 =	vadd.f32 v11, v5;
	v5 =	vld [tilespmem:s12+$0x40];
	[tilespmem:s12+$0x70] =	vst v10  }
.LBB2_62:
0x5a5: {  	s14 =	sadd.s32 $0x8, s14;
	v4 =	vmul.f32 v4, v0;
	v10 =	vld [tilespmem:s12+$0x8040]  }
0x5a6: {  	s13 =	sadd.s32 $0x400, s13;
	s15 =	sshll.u32 s14, $0x4;
	p0 =	slt.u32 s14, $0x3F8;
	[tilespmem:s12+$0x0] =	vst v8;
	v7 =	vadd.f32 v9, v7;
	v6 =	vmul.f32 v6, v1;
	v8 =	vld [tilespmem:s12+$0x50]  }
0x5a7: {  	s16 =	sand.u32 $0x1C00, s13;
	s17 =	sshll.u32 s14, $0x1;
	s15 =	sand.u32 $0x2000, s15;
	v2 =	vmul.f32 v2, v0;
	v9 =	vld [tilespmem:s12+$0x8050]  }
0x5a8: {  	s15 =	sor.u32 s16, s15;
	s16 =	sand.u32 $0x380, s17;
	[tilespmem:s12+$0x10] =	vst v7;
	v4 =	vadd.f32 v6, v4;
	v3 =	vmul.f32 v3, v1;
	v6 =	vld [tilespmem:s12+$0x60]  }
0x5a9: {  	s15 =	sor.u32 s16, s15;
	v5 =	vmul.f32 v5, v0;
	v7 =	vld [tilespmem:s12+$0x8060]  }
0x5aa: {  	v11 =	vld [tilespmem:s15+$0x70];
	[tilespmem:s12+$0x20] =	vst v4;
	v2 =	vadd.f32 v3, v2;
	v3 =	vmul.f32 v10, v1  }
0x5ab: {  	v10 =	vld [tilespmem:s15+$0x8070];
	v4 =	vmul.f32 v8, v0  }
0x5ac: {  	v8 =	vld [tilespmem:s15+$0x0];
	[tilespmem:s12+$0x30] =	vst v2;
	v2 =	vadd.f32 v3, v5;
	v3 =	vmul.f32 v9, v1  }
0x5ad: {  	v5 =	vld [tilespmem:s15+$0x8000];
	v6 =	vmul.f32 v6, v0  }
0x5ae: {  	v9 =	vld [tilespmem:s15+$0x10];
	[tilespmem:s12+$0x40] =	vst v2;
	v2 =	vadd.f32 v3, v4;
	v3 =	vmul.f32 v7, v1  }
0x5af: {  	v12 =	vld [tilespmem:s15+$0x8010]  }
.Ltmp30:
0x5b0: {  	v7 =	vmul.f32 v11, v0;
	v4 =	vld [tilespmem:s15+$0x20];
	v10 =	vmul.f32 v10, v1;
	[tilespmem:s12+$0x50] =	vst v2;
	v3 =	vadd.f32 v3, v6;
	(pc) =	sbr.rel @p0 .LBB2_62-.Ltmp30, $4  }
0x5b1: {  	v8 =	vmul.f32 v8, v0;
	v6 =	vld [tilespmem:s15+$0x8020]  }
0x5b2: {  	v5 =	vmul.f32 v5, v1;
	v2 =	vld [tilespmem:s15+$0x30];
	v10 =	vadd.f32 v10, v7;
	[tilespmem:s12+$0x60] =	vst v3;
	s12 =	smov.u32 s15  }
0x5b3: {  	v7 =	vmul.f32 v9, v0;
	v3 =	vld [tilespmem:s12+$0x8030]  }
0x5b4: {  	v8 =	vadd.f32 v5, v8;
	v9 =	vmul.f32 v12, v1;
	v5 =	vld [tilespmem:s12+$0x40];
	[tilespmem:s12+$0x70] =	vst v10  }
0x5b5: {  	v10 =	vld [tilespmem:s12+$0x8040]  }
0x5b6: {  	v11 =	vld [tilespmem:s12+$0x50]  }
0x5b7: {  	v12 =	vld [tilespmem:s12+$0x8050]  }
0x5b8: {  	v13 =	vld [tilespmem:s12+$0x60]  }
0x5b9: {  	v14 =	vld [tilespmem:s12+$0x8060]  }
0x5ba: {  	v4 =	vmul.f32 v4, v0;
	v6 =	vmul.f32 v6, v1  }
0x5bb: {  	v7 =	vadd.f32 v9, v7;
	v2 =	vmul.f32 v2, v0;
	v3 =	vmul.f32 v3, v1  }
0x5bc: {  	[tilespmem:s12+$0x0] =	vst v8;
	v4 =	vadd.f32 v6, v4;
	v5 =	vmul.f32 v5, v0;
	v6 =	vmul.f32 v10, v1  }
0x5bd: {  	[tilespmem:s12+$0x10] =	vst v7;
	v2 =	vadd.f32 v3, v2;
	v3 =	vmul.f32 v11, v0;
	v7 =	vmul.f32 v12, v1  }
0x5be: {  	[tilespmem:s12+$0x20] =	vst v4;
	v4 =	vadd.f32 v6, v5;
	v5 =	vmul.f32 v13, v0;
	v6 =	vmul.f32 v14, v1  }
0x5bf: {  	[tilespmem:s12+$0x30] =	vst v2;
	v2 =	vadd.f32 v7, v3  }
0x5c0: {  	[tilespmem:s12+$0x40] =	vst v4;
	v3 =	vadd.f32 v6, v5  }
0x5c1: {  	[tilespmem:s12+$0x50] =	vst v2  }
0x5c2: {  	[tilespmem:s12+$0x60] =	vst v3  }
0x5c3: {  	s13 =	sld [smem:$0x7E7];
	_ =	sdelay $0x1  }
0x5c4: {  	s12 =	simm.s32 $0x0;
	s19 =	sld [smem:$0x7EA]  }
0x5c5: {  	[tilespmem:s30], [sflag:$0xA] =	stream.linear.gather [hbm4b:s13+s12], $0x4000, $0x38;
	[tilespmem:$0x1C080] =	vst v63  }
0x5c6: {  	_ = 	snop  }
0x5c7: {  	[tilespmem:s28], [sflag:$0xA] =	stream.linear.gather [hbm4b:s19+s12], $0x4000, $0x38;
	[tilespmem:$0x1C080] =	vst v63  }
0x5c8: {  	_ =	swait.ge [sflag:s9], $0x4000  }
0x5c9: {  	s20 =	sld [smem:$0x7EF]  }
0x5ca: {  	[sflag:s9] =	ssyncset.done $0x0  }
0x5cb: {  	s21 =	simm.s32 $0x0;
	s15 =	simm.s32 $0x0;
	[sflag:s9] =	ssyncadd.s32 $0xFFFFC000  }
0x5cc: {  	[tilespmem:s31], [sflag:$0x3] =	stream.linear.gather [hbm4b:s20+s12], $0x4000, $0x38;
	[tilespmem:$0x1C080] =	vst v63  }
0x5cd: {  	s14 =	sand.u32 $0x1C00, s12;
	s13 =	sand.u32 $0x2000, s21;
	_ =	swait.ge [sflag:s0], $0x4000  }
0x5ce: {  	s22 =	sand.u32 $0x380, s15;
	s13 =	sor.u32 s14, s13;
	[sflag:s0] =	ssyncset.done $0x0  }
0x5cf: {  	s15 =	sor.u32 s22, s13;
	[sflag:s0] =	ssyncadd.s32 $0xFFFFC000  }
0x5d0: {  	v2 =	vld [tilespmem:s15+$0x70]  }
0x5d1: {  	v7 =	vld [tilespmem:s15+$0x0]  }
0x5d2: {  	v8 =	vld [tilespmem:s15+$0x10]  }
0x5d3: {  	v6 =	vld [tilespmem:s15+$0x20]  }
0x5d4: {  	v3 =	vld [tilespmem:s15+$0x30]  }
0x5d5: {  	v5 =	vld [tilespmem:s15+$0x40]  }
0x5d6: {  	s13 =	sor.u32 $0xC070, s15;
	v4 =	vld [tilespmem:s15+$0x60]  }
0x5d7: {  	[tilespmem:s13+$0x0] =	vst.add.f32.msk $0xffff, v2  }
0x5d8: {  	s14 =	sor.u32 $0xC000, s15;
	s19 =	sor.u32 $0xC010, s15;
	v2 =	vld [tilespmem:s15+$0x50]  }
0x5d9: {  	s17 =	sor.u32 $0xC020, s15;
	s18 =	sor.u32 $0xC030, s15;
	s16 =	sor.u32 $0xC040, s15;
	[tilespmem:s14+$0x0] =	vst.add.f32.msk $0xffff, v7  }
0x5da: {  	s13 =	simm.s32 $0x0;
	s14 =	sor.u32 $0xC050, s15;
	s15 =	sor.u32 $0xC060, s15;
	[tilespmem:s19+$0x0] =	vst.add.f32.msk $0xffff, v8  }
.LBB2_64:
0x5db: {  	s13 =	sadd.s32 $0x8, s13;
	[tilespmem:s17+$0x0] =	vst.add.f32.msk $0xffff, v6  }
0x5dc: {  	s12 =	sadd.s32 $0x400, s12;
	s17 =	sshll.u32 s13, $0x4;
	p0 =	slt.u32 s13, $0x3F8;
	[tilespmem:s18+$0x0] =	vst.add.f32.msk $0xffff, v3  }
0x5dd: {  	s18 =	sand.u32 $0x1C00, s12;
	s19 =	sshll.u32 s13, $0x1;
	s17 =	sand.u32 $0x2000, s17;
	[tilespmem:s16+$0x0] =	vst.add.f32.msk $0xffff, v5  }
0x5de: {  	s16 =	sor.u32 s18, s17;
	s17 =	sand.u32 $0x380, s19;
	[tilespmem:s14+$0x0] =	vst.add.f32.msk $0xffff, v2  }
0x5df: {  	s19 =	sor.u32 s17, s16;
	[tilespmem:s15+$0x0] =	vst.add.f32.msk $0xffff, v4  }
0x5e0: {  	s20 =	sor.u32 $0xC000, s19;
	s21 =	sor.u32 $0xC010, s19;
	s17 =	sor.u32 $0xC020, s19;
	v2 =	vld [tilespmem:s19+$0x70]  }
0x5e1: {  	s18 =	sor.u32 $0xC030, s19;
	s16 =	sor.u32 $0xC040, s19;
	s14 =	sor.u32 $0xC050, s19;
	v7 =	vld [tilespmem:s19+$0x0]  }
0x5e2: {  	s15 =	sor.u32 $0xC060, s19;
	v8 =	vld [tilespmem:s19+$0x10]  }
0x5e3: {  	v6 =	vld [tilespmem:s19+$0x20]  }
0x5e4: {  	s22 =	sor.u32 $0xC070, s19;
	v3 =	vld [tilespmem:s19+$0x30]  }
0x5e5: {  	[tilespmem:s22+$0x0] =	vst.add.f32.msk $0xffff, v2  }
.Ltmp31:
0x5e6: {  	v5 =	vld [tilespmem:s19+$0x40];
	(pc) =	sbr.rel @p0 .LBB2_64-.Ltmp31, $4  }
0x5e7: {  	v2 =	vld [tilespmem:s19+$0x50]  }
0x5e8: {  	v4 =	vld [tilespmem:s19+$0x60]  }
0x5e9: {  	[tilespmem:s20+$0x0] =	vst.add.f32.msk $0xffff, v7  }
0x5ea: {  	[tilespmem:s21+$0x0] =	vst.add.f32.msk $0xffff, v8  }
0x5eb: {  	[tilespmem:s17+$0x0] =	vst.add.f32.msk $0xffff, v6  }
0x5ec: {  	[tilespmem:s18+$0x0] =	vst.add.f32.msk $0xffff, v3  }
0x5ed: {  	[tilespmem:s16+$0x0] =	vst.add.f32.msk $0xffff, v5  }
0x5ee: {  	[tilespmem:s14+$0x0] =	vst.add.f32.msk $0xffff, v2  }
0x5ef: {  	[tilespmem:s15+$0x0] =	vst.add.f32.msk $0xffff, v4  }
0x5f0: {  	s13 =	sld [smem:$0x7EC];
	_ =	sdelay $0x1  }
0x5f1: {  	s12 =	simm.s32 $0x0  }
0x5f2: {  	[hbm4b:s13+s12] =	stream.linear.scatter [tilespmem:s25], [sflag:$0x5], $0x4000, $0x38;
	[tilespmem:$0x1C080] =	vst v63  }
0x5f3: {  	_ =	swait.ge [sflag:s10], $0x4000  }
0x5f4: {  	s18 =	sld [smem:$0x7F1]  }
0x5f5: {  	[sflag:s10] =	ssyncset.done $0x0  }
0x5f6: {  	s19 =	simm.s32 $0x0;
	s21 =	simm.s32 $0x0;
	[sflag:s10] =	ssyncadd.s32 $0xFFFFC000  }
0x5f7: {  	[tilespmem:s2], [sflag:$0x4] =	stream.linear.gather [hbm4b:s18+s12], $0x4000, $0x38;
	[tilespmem:$0x1C080] =	vst v63  }
0x5f8: {  	s20 =	sand.u32 $0x1C00, s12;
	s13 =	sand.u32 $0x2000, s19;
	_ =	swait.ge [sflag:s3], $0x4000  }
0x5f9: {  	s22 =	sand.u32 $0x380, s21;
	s13 =	sor.u32 s20, s13;
	[sflag:s3] =	ssyncset.done $0x0  }
0x5fa: {  	s15 =	sor.u32 s22, s13;
	[sflag:s3] =	ssyncadd.s32 $0xFFFFC000  }
0x5fb: {  	v2 =	vld [tilespmem:s15+$0x70]  }
0x5fc: {  	v7 =	vld [tilespmem:s15+$0x0]  }
0x5fd: {  	v8 =	vld [tilespmem:s15+$0x10]  }
0x5fe: {  	v6 =	vld [tilespmem:s15+$0x20]  }
0x5ff: {  	v3 =	vld [tilespmem:s15+$0x30]  }
0x600: {  	v5 =	vld [tilespmem:s15+$0x40]  }
0x601: {  	s13 =	sor.u32 $0x10070, s15;
	v4 =	vld [tilespmem:s15+$0x60]  }
0x602: {  	[tilespmem:s13+$0x0] =	vst.add.f32.msk $0xffff, v2  }
0x603: {  	s14 =	sor.u32 $0x10000, s15;
	s19 =	sor.u32 $0x10010, s15;
	v2 =	vld [tilespmem:s15+$0x50]  }
0x604: {  	s17 =	sor.u32 $0x10020, s15;
	s16 =	sor.u32 $0x10040, s15;
	s18 =	sor.u32 $0x10030, s15;
	[tilespmem:s14+$0x0] =	vst.add.f32.msk $0xffff, v7  }
0x605: {  	s13 =	simm.s32 $0x0;
	s14 =	sor.u32 $0x10050, s15;
	s15 =	sor.u32 $0x10060, s15;
	[tilespmem:s19+$0x0] =	vst.add.f32.msk $0xffff, v8  }
.LBB2_66:
0x606: {  	s13 =	sadd.s32 $0x8, s13;
	[tilespmem:s17+$0x0] =	vst.add.f32.msk $0xffff, v6  }
0x607: {  	s12 =	sadd.s32 $0x400, s12;
	s17 =	sshll.u32 s13, $0x4;
	p0 =	slt.u32 s13, $0x3F8;
	[tilespmem:s18+$0x0] =	vst.add.f32.msk $0xffff, v3  }
0x608: {  	s18 =	sand.u32 $0x1C00, s12;
	s19 =	sshll.u32 s13, $0x1;
	s17 =	sand.u32 $0x2000, s17;
	[tilespmem:s16+$0x0] =	vst.add.f32.msk $0xffff, v5  }
0x609: {  	s16 =	sor.u32 s18, s17;
	s17 =	sand.u32 $0x380, s19;
	[tilespmem:s14+$0x0] =	vst.add.f32.msk $0xffff, v2  }
0x60a: {  	s19 =	sor.u32 s17, s16;
	[tilespmem:s15+$0x0] =	vst.add.f32.msk $0xffff, v4  }
0x60b: {  	s20 =	sor.u32 $0x10000, s19;
	s21 =	sor.u32 $0x10010, s19;
	s17 =	sor.u32 $0x10020, s19;
	v2 =	vld [tilespmem:s19+$0x70]  }
0x60c: {  	s18 =	sor.u32 $0x10030, s19;
	s16 =	sor.u32 $0x10040, s19;
	s14 =	sor.u32 $0x10050, s19;
	v7 =	vld [tilespmem:s19+$0x0]  }
0x60d: {  	s15 =	sor.u32 $0x10060, s19;
	v8 =	vld [tilespmem:s19+$0x10]  }
0x60e: {  	v6 =	vld [tilespmem:s19+$0x20]  }
0x60f: {  	s22 =	sor.u32 $0x10070, s19;
	v3 =	vld [tilespmem:s19+$0x30]  }
0x610: {  	[tilespmem:s22+$0x0] =	vst.add.f32.msk $0xffff, v2  }
.Ltmp32:
0x611: {  	v5 =	vld [tilespmem:s19+$0x40];
	(pc) =	sbr.rel @p0 .LBB2_66-.Ltmp32, $4  }
0x612: {  	v2 =	vld [tilespmem:s19+$0x50]  }
0x613: {  	v4 =	vld [tilespmem:s19+$0x60]  }
0x614: {  	[tilespmem:s20+$0x0] =	vst.add.f32.msk $0xffff, v7  }
0x615: {  	[tilespmem:s21+$0x0] =	vst.add.f32.msk $0xffff, v8  }
0x616: {  	[tilespmem:s17+$0x0] =	vst.add.f32.msk $0xffff, v6  }
0x617: {  	[tilespmem:s18+$0x0] =	vst.add.f32.msk $0xffff, v3  }
0x618: {  	[tilespmem:s16+$0x0] =	vst.add.f32.msk $0xffff, v5  }
0x619: {  	[tilespmem:s14+$0x0] =	vst.add.f32.msk $0xffff, v2  }
0x61a: {  	[tilespmem:s15+$0x0] =	vst.add.f32.msk $0xffff, v4  }
0x61b: {  	s13 =	sld [smem:$0x7EE];
	_ =	sdelay $0x1  }
0x61c: {  	s12 =	simm.s32 $0x0  }
0x61d: {  	[hbm4b:s13+s12] =	stream.linear.scatter [tilespmem:s26], [sflag:$0x6], $0x4000, $0x38;
	[tilespmem:$0x1C080] =	vst v63  }
0x61e: {  	_ =	swait.ge [sflag:s4], $0x4000  }
0x61f: {  	s18 =	sld [smem:$0x7F3]  }
0x620: {  	[sflag:s4] =	ssyncset.done $0x0  }
0x621: {  	s19 =	simm.s32 $0x0;
	s21 =	simm.s32 $0x0;
	[sflag:s4] =	ssyncadd.s32 $0xFFFFC000  }
0x622: {  	[tilespmem:s25], [sflag:$0x1] =	stream.linear.gather [hbm4b:s18+s12], $0x4000, $0x38;
	[tilespmem:$0x1C080] =	vst v63  }
0x623: {  	s20 =	sand.u32 $0x1C00, s12;
	s13 =	sand.u32 $0x2000, s19;
	_ =	swait.ge [sflag:s5], $0x4000  }
0x624: {  	s22 =	sand.u32 $0x380, s21;
	s13 =	sor.u32 s20, s13;
	[sflag:s5] =	ssyncset.done $0x0  }
0x625: {  	s15 =	sor.u32 s22, s13;
	[sflag:s5] =	ssyncadd.s32 $0xFFFFC000  }
0x626: {  	v2 =	vld [tilespmem:s15+$0x70]  }
0x627: {  	v7 =	vld [tilespmem:s15+$0x0]  }
0x628: {  	v8 =	vld [tilespmem:s15+$0x10]  }
0x629: {  	v6 =	vld [tilespmem:s15+$0x20]  }
0x62a: {  	v3 =	vld [tilespmem:s15+$0x30]  }
0x62b: {  	v5 =	vld [tilespmem:s15+$0x40]  }
0x62c: {  	s13 =	sor.u32 $0x14070, s15;
	v4 =	vld [tilespmem:s15+$0x60]  }
0x62d: {  	[tilespmem:s13+$0x0] =	vst.add.f32.msk $0xffff, v2  }
0x62e: {  	s14 =	sor.u32 $0x14000, s15;
	s19 =	sor.u32 $0x14010, s15;
	v2 =	vld [tilespmem:s15+$0x50]  }
0x62f: {  	s17 =	sor.u32 $0x14020, s15;
	s16 =	sor.u32 $0x14040, s15;
	s18 =	sor.u32 $0x14030, s15;
	[tilespmem:s14+$0x0] =	vst.add.f32.msk $0xffff, v7  }
0x630: {  	s13 =	simm.s32 $0x0;
	s14 =	sor.u32 $0x14050, s15;
	s15 =	sor.u32 $0x14060, s15;
	[tilespmem:s19+$0x0] =	vst.add.f32.msk $0xffff, v8  }
.LBB2_68:
0x631: {  	s13 =	sadd.s32 $0x8, s13;
	[tilespmem:s17+$0x0] =	vst.add.f32.msk $0xffff, v6  }
0x632: {  	s12 =	sadd.s32 $0x400, s12;
	s17 =	sshll.u32 s13, $0x4;
	p0 =	slt.u32 s13, $0x3F8;
	[tilespmem:s18+$0x0] =	vst.add.f32.msk $0xffff, v3  }
0x633: {  	s18 =	sand.u32 $0x1C00, s12;
	s19 =	sshll.u32 s13, $0x1;
	s17 =	sand.u32 $0x2000, s17;
	[tilespmem:s16+$0x0] =	vst.add.f32.msk $0xffff, v5  }
0x634: {  	s16 =	sor.u32 s18, s17;
	s17 =	sand.u32 $0x380, s19;
	[tilespmem:s14+$0x0] =	vst.add.f32.msk $0xffff, v2  }
0x635: {  	s19 =	sor.u32 s17, s16;
	[tilespmem:s15+$0x0] =	vst.add.f32.msk $0xffff, v4  }
0x636: {  	s20 =	sor.u32 $0x14000, s19;
	s21 =	sor.u32 $0x14010, s19;
	s17 =	sor.u32 $0x14020, s19;
	v2 =	vld [tilespmem:s19+$0x70]  }
0x637: {  	s18 =	sor.u32 $0x14030, s19;
	s16 =	sor.u32 $0x14040, s19;
	s14 =	sor.u32 $0x14050, s19;
	v7 =	vld [tilespmem:s19+$0x0]  }
0x638: {  	s15 =	sor.u32 $0x14060, s19;
	v8 =	vld [tilespmem:s19+$0x10]  }
0x639: {  	v6 =	vld [tilespmem:s19+$0x20]  }
0x63a: {  	s22 =	sor.u32 $0x14070, s19;
	v3 =	vld [tilespmem:s19+$0x30]  }
0x63b: {  	[tilespmem:s22+$0x0] =	vst.add.f32.msk $0xffff, v2  }
.Ltmp33:
0x63c: {  	v5 =	vld [tilespmem:s19+$0x40];
	(pc) =	sbr.rel @p0 .LBB2_68-.Ltmp33, $4  }
0x63d: {  	v2 =	vld [tilespmem:s19+$0x50]  }
0x63e: {  	v4 =	vld [tilespmem:s19+$0x60]  }
0x63f: {  	[tilespmem:s20+$0x0] =	vst.add.f32.msk $0xffff, v7  }
0x640: {  	[tilespmem:s21+$0x0] =	vst.add.f32.msk $0xffff, v8  }
0x641: {  	[tilespmem:s17+$0x0] =	vst.add.f32.msk $0xffff, v6  }
0x642: {  	[tilespmem:s18+$0x0] =	vst.add.f32.msk $0xffff, v3  }
0x643: {  	[tilespmem:s16+$0x0] =	vst.add.f32.msk $0xffff, v5  }
0x644: {  	[tilespmem:s14+$0x0] =	vst.add.f32.msk $0xffff, v2  }
0x645: {  	[tilespmem:s15+$0x0] =	vst.add.f32.msk $0xffff, v4  }
0x646: {  	s13 =	sld [smem:$0x7F0];
	_ =	sdelay $0x1  }
0x647: {  	s12 =	simm.s32 $0x0  }
0x648: {  	[hbm4b:s13+s12] =	stream.linear.scatter [tilespmem:s31], [sflag:$0x7], $0x4000, $0x38;
	[tilespmem:$0x1C080] =	vst v63  }
0x649: {  	_ =	swait.ge [sflag:s6], $0x4000  }
0x64a: {  	s18 =	sld [smem:$0x7F7]  }
0x64b: {  	[sflag:s6] =	ssyncset.done $0x0  }
0x64c: {  	s19 =	simm.s32 $0x0;
	s21 =	simm.s32 $0x0;
	[sflag:s6] =	ssyncadd.s32 $0xFFFFC000  }
0x64d: {  	[tilespmem:s26], [sflag:$0x2] =	stream.linear.gather [hbm4b:s18+s12], $0x4000, $0x38;
	[tilespmem:$0x1C080] =	vst v63  }
0x64e: {  	s20 =	sand.u32 $0x1C00, s12;
	s13 =	sand.u32 $0x2000, s19;
	_ =	swait.ge [sflag:s7], $0x4000  }
0x64f: {  	s22 =	sand.u32 $0x380, s21;
	s13 =	sor.u32 s20, s13;
	[sflag:s7] =	ssyncset.done $0x0  }
0x650: {  	s15 =	sor.u32 s22, s13;
	[sflag:s7] =	ssyncadd.s32 $0xFFFFC000  }
0x651: {  	v2 =	vld [tilespmem:s15+$0x70]  }
0x652: {  	v7 =	vld [tilespmem:s15+$0x0]  }
0x653: {  	v8 =	vld [tilespmem:s15+$0x10]  }
0x654: {  	v6 =	vld [tilespmem:s15+$0x20]  }
0x655: {  	v3 =	vld [tilespmem:s15+$0x30]  }
0x656: {  	v5 =	vld [tilespmem:s15+$0x40]  }
0x657: {  	s13 =	sor.u32 $0x18070, s15;
	v4 =	vld [tilespmem:s15+$0x60]  }
0x658: {  	[tilespmem:s13+$0x0] =	vst.add.f32.msk $0xffff, v2  }
0x659: {  	s14 =	sor.u32 $0x18000, s15;
	s19 =	sor.u32 $0x18010, s15;
	v2 =	vld [tilespmem:s15+$0x50]  }
0x65a: {  	s17 =	sor.u32 $0x18020, s15;
	s16 =	sor.u32 $0x18040, s15;
	s18 =	sor.u32 $0x18030, s15;
	[tilespmem:s14+$0x0] =	vst.add.f32.msk $0xffff, v7  }
0x65b: {  	s13 =	simm.s32 $0x0;
	s14 =	sor.u32 $0x18050, s15;
	s15 =	sor.u32 $0x18060, s15;
	[tilespmem:s19+$0x0] =	vst.add.f32.msk $0xffff, v8  }
.LBB2_70:
0x65c: {  	s13 =	sadd.s32 $0x8, s13;
	[tilespmem:s17+$0x0] =	vst.add.f32.msk $0xffff, v6  }
0x65d: {  	s12 =	sadd.s32 $0x400, s12;
	s17 =	sshll.u32 s13, $0x4;
	p0 =	slt.u32 s13, $0x3F8;
	[tilespmem:s18+$0x0] =	vst.add.f32.msk $0xffff, v3  }
0x65e: {  	s18 =	sand.u32 $0x1C00, s12;
	s19 =	sshll.u32 s13, $0x1;
	s17 =	sand.u32 $0x2000, s17;
	[tilespmem:s16+$0x0] =	vst.add.f32.msk $0xffff, v5  }
0x65f: {  	s16 =	sor.u32 s18, s17;
	s17 =	sand.u32 $0x380, s19;
	[tilespmem:s14+$0x0] =	vst.add.f32.msk $0xffff, v2  }
0x660: {  	s19 =	sor.u32 s17, s16;
	[tilespmem:s15+$0x0] =	vst.add.f32.msk $0xffff, v4  }
0x661: {  	s20 =	sor.u32 $0x18000, s19;
	s21 =	sor.u32 $0x18010, s19;
	s17 =	sor.u32 $0x18020, s19;
	v2 =	vld [tilespmem:s19+$0x70]  }
0x662: {  	s18 =	sor.u32 $0x18030, s19;
	s16 =	sor.u32 $0x18040, s19;
	s14 =	sor.u32 $0x18050, s19;
	v7 =	vld [tilespmem:s19+$0x0]  }
0x663: {  	s15 =	sor.u32 $0x18060, s19;
	v8 =	vld [tilespmem:s19+$0x10]  }
0x664: {  	v6 =	vld [tilespmem:s19+$0x20]  }
0x665: {  	s22 =	sor.u32 $0x18070, s19;
	v3 =	vld [tilespmem:s19+$0x30]  }
0x666: {  	[tilespmem:s22+$0x0] =	vst.add.f32.msk $0xffff, v2  }
.Ltmp34:
0x667: {  	v5 =	vld [tilespmem:s19+$0x40];
	(pc) =	sbr.rel @p0 .LBB2_70-.Ltmp34, $4  }
0x668: {  	v2 =	vld [tilespmem:s19+$0x50]  }
0x669: {  	v4 =	vld [tilespmem:s19+$0x60]  }
0x66a: {  	[tilespmem:s20+$0x0] =	vst.add.f32.msk $0xffff, v7  }
0x66b: {  	[tilespmem:s21+$0x0] =	vst.add.f32.msk $0xffff, v8  }
0x66c: {  	[tilespmem:s17+$0x0] =	vst.add.f32.msk $0xffff, v6  }
0x66d: {  	[tilespmem:s18+$0x0] =	vst.add.f32.msk $0xffff, v3  }
0x66e: {  	[tilespmem:s16+$0x0] =	vst.add.f32.msk $0xffff, v5  }
0x66f: {  	[tilespmem:s14+$0x0] =	vst.add.f32.msk $0xffff, v2  }
0x670: {  	[tilespmem:s15+$0x0] =	vst.add.f32.msk $0xffff, v4  }
0x671: {  	s12 =	sld [smem:$0x7F2];
	_ =	sdelay $0x1  }
0x672: {  	s13 =	simm.s32 $0x0  }
0x673: {  	[hbm4b:s12+s13] =	stream.linear.scatter [tilespmem:s2], [sflag:$0x8], $0x4000, $0x38;
	[tilespmem:$0x1C080] =	vst v63  }
0x674: {  	_ =	swait.ge [sflag:s8], $0x4000  }
0x675: {  	[sflag:s8] =	ssyncset.done $0x0  }
0x676: {  	s19 =	simm.s32 $0x0;
	s21 =	simm.s32 $0x0;
	[sflag:s8] =	ssyncadd.s32 $0xFFFFC000  }
0x677: {  	s20 =	sand.u32 $0x1C00, s13;
	s12 =	sand.u32 $0x2000, s19;
	_ =	swait.ge [sflag:s8], $0x4000  }
0x678: {  	s22 =	sand.u32 $0x380, s21;
	s12 =	sor.u32 s20, s12;
	[sflag:s8] =	ssyncset.done $0x0  }
0x679: {  	s12 =	sor.u32 s22, s12;
	[sflag:s8] =	ssyncadd.s32 $0xFFFFC000  }
0x67a: {  	v2 =	vld [tilespmem:s12+$0x4070]  }
0x67b: {  	v3 =	vld [tilespmem:s12+$0x8070]  }
0x67c: {  	v5 =	vld [tilespmem:s12+$0x4000]  }
0x67d: {  	v7 =	vld [tilespmem:s12+$0x8000]  }
0x67e: {  	v8 =	vld [tilespmem:s12+$0x4010]  }
0x67f: {  	v9 =	vld [tilespmem:s12+$0x8010]  }
0x680: {  	v4 =	vld [tilespmem:s12+$0x4020];
	v10 =	vmul.f32 v2, v0;
	v3 =	vmul.f32 v3, v1  }
0x681: {  	v6 =	vld [tilespmem:s12+$0x8020]  }
0x682: {  	v5 =	vmul.f32 v5, v0;
	v11 =	vmul.f32 v7, v1;
	v2 =	vld [tilespmem:s12+$0x4030];
	v10 =	vadd.f32 v3, v10  }
0x683: {  	v3 =	vld [tilespmem:s12+$0x8030]  }
0x684: {  	s14 =	simm.s32 $0x0;
	v7 =	vmul.f32 v8, v0;
	v9 =	vmul.f32 v9, v1;
	v8 =	vadd.f32 v11, v5;
	v5 =	vld [tilespmem:s12+$0x4040];
	[tilespmem:s12+$0x4070] =	vst v10  }
.LBB2_72:
0x685: {  	s14 =	sadd.s32 $0x8, s14;
	v4 =	vmul.f32 v4, v0;
	v10 =	vld [tilespmem:s12+$0x8040]  }
0x686: {  	s13 =	sadd.s32 $0x400, s13;
	s15 =	sshll.u32 s14, $0x4;
	p0 =	slt.u32 s14, $0x3F8;
	[tilespmem:s12+$0x4000] =	vst v8;
	v7 =	vadd.f32 v9, v7;
	v6 =	vmul.f32 v6, v1;
	v8 =	vld [tilespmem:s12+$0x4050]  }
0x687: {  	s16 =	sand.u32 $0x1C00, s13;
	s17 =	sshll.u32 s14, $0x1;
	s15 =	sand.u32 $0x2000, s15;
	v2 =	vmul.f32 v2, v0;
	v9 =	vld [tilespmem:s12+$0x8050]  }
0x688: {  	s15 =	sor.u32 s16, s15;
	s16 =	sand.u32 $0x380, s17;
	[tilespmem:s12+$0x4010] =	vst v7;
	v4 =	vadd.f32 v6, v4;
	v3 =	vmul.f32 v3, v1;
	v6 =	vld [tilespmem:s12+$0x4060]  }
0x689: {  	s15 =	sor.u32 s16, s15;
	v5 =	vmul.f32 v5, v0;
	v7 =	vld [tilespmem:s12+$0x8060]  }
0x68a: {  	v11 =	vld [tilespmem:s15+$0x4070];
	[tilespmem:s12+$0x4020] =	vst v4;
	v2 =	vadd.f32 v3, v2;
	v3 =	vmul.f32 v10, v1  }
0x68b: {  	v10 =	vld [tilespmem:s15+$0x8070];
	v4 =	vmul.f32 v8, v0  }
0x68c: {  	v8 =	vld [tilespmem:s15+$0x4000];
	[tilespmem:s12+$0x4030] =	vst v2;
	v2 =	vadd.f32 v3, v5;
	v3 =	vmul.f32 v9, v1  }
0x68d: {  	v5 =	vld [tilespmem:s15+$0x8000];
	v6 =	vmul.f32 v6, v0  }
0x68e: {  	v9 =	vld [tilespmem:s15+$0x4010];
	[tilespmem:s12+$0x4040] =	vst v2;
	v2 =	vadd.f32 v3, v4;
	v3 =	vmul.f32 v7, v1  }
0x68f: {  	v12 =	vld [tilespmem:s15+$0x8010]  }
.Ltmp35:
0x690: {  	v7 =	vmul.f32 v11, v0;
	v4 =	vld [tilespmem:s15+$0x4020];
	v10 =	vmul.f32 v10, v1;
	[tilespmem:s12+$0x4050] =	vst v2;
	v3 =	vadd.f32 v3, v6;
	(pc) =	sbr.rel @p0 .LBB2_72-.Ltmp35, $4  }
0x691: {  	v8 =	vmul.f32 v8, v0;
	v6 =	vld [tilespmem:s15+$0x8020]  }
0x692: {  	v5 =	vmul.f32 v5, v1;
	v2 =	vld [tilespmem:s15+$0x4030];
	v10 =	vadd.f32 v10, v7;
	[tilespmem:s12+$0x4060] =	vst v3;
	s12 =	smov.u32 s15  }
0x693: {  	v7 =	vmul.f32 v9, v0;
	v3 =	vld [tilespmem:s12+$0x8030]  }
0x694: {  	v8 =	vadd.f32 v5, v8;
	v9 =	vmul.f32 v12, v1;
	v5 =	vld [tilespmem:s12+$0x4040];
	[tilespmem:s12+$0x4070] =	vst v10  }
0x695: {  	v10 =	vld [tilespmem:s12+$0x8040]  }
0x696: {  	v11 =	vld [tilespmem:s12+$0x4050]  }
0x697: {  	v12 =	vld [tilespmem:s12+$0x8050]  }
0x698: {  	v13 =	vld [tilespmem:s12+$0x4060]  }
0x699: {  	v14 =	vld [tilespmem:s12+$0x8060]  }
0x69a: {  	v4 =	vmul.f32 v4, v0;
	v6 =	vmul.f32 v6, v1  }
0x69b: {  	v7 =	vadd.f32 v9, v7;
	v2 =	vmul.f32 v2, v0;
	v3 =	vmul.f32 v3, v1  }
0x69c: {  	[tilespmem:s12+$0x4000] =	vst v8;
	v4 =	vadd.f32 v6, v4;
	v5 =	vmul.f32 v5, v0;
	v6 =	vmul.f32 v10, v1  }
0x69d: {  	[tilespmem:s12+$0x4010] =	vst v7;
	v2 =	vadd.f32 v3, v2;
	v3 =	vmul.f32 v11, v0;
	v7 =	vmul.f32 v12, v1  }
0x69e: {  	[tilespmem:s12+$0x4020] =	vst v4;
	v0 =	vmul.f32 v13, v0;
	v1 =	vmul.f32 v14, v1;
	v4 =	vadd.f32 v6, v5  }
0x69f: {  	[tilespmem:s12+$0x4030] =	vst v2;
	v2 =	vadd.f32 v7, v3  }
0x6a0: {  	v0 =	vadd.f32 v1, v0;
	[tilespmem:s12+$0x4040] =	vst v4  }
0x6a1: {  	[tilespmem:s12+$0x4050] =	vst v2  }
0x6a2: {  	[tilespmem:s12+$0x4060] =	vst v0  }
0x6a3: {  	_ =	swait.ge [sflag:s9], $0x4000  }
0x6a4: {  	s13 =	sld [smem:$0x7F8]  }
0x6a5: {  	s21 =	simm.s32 $0x0;
	[sflag:s9] =	ssyncset.done $0x0  }
0x6a6: {  	s15 =	simm.s32 $0x0;
	s12 =	simm.s32 $0x0;
	[sflag:s9] =	ssyncadd.s32 $0xFFFFC000  }
0x6a7: {  	[tilespmem:s31], [sflag:$0x3] =	stream.linear.gather [hbm4b:s13+s12], $0x4000, $0x38;
	[tilespmem:$0x1C080] =	vst v63  }
0x6a8: {  	s14 =	sand.u32 $0x1C00, s12;
	s13 =	sand.u32 $0x2000, s21;
	_ =	swait.ge [sflag:s0], $0x4000  }
0x6a9: {  	s22 =	sand.u32 $0x380, s15;
	s13 =	sor.u32 s14, s13;
	[sflag:s0] =	ssyncset.done $0x0  }
0x6aa: {  	s15 =	sor.u32 s22, s13;
	[sflag:s0] =	ssyncadd.s32 $0xFFFFC000  }
0x6ab: {  	v0 =	vld [tilespmem:s15+$0x4070]  }
0x6ac: {  	v5 =	vld [tilespmem:s15+$0x4000]  }
0x6ad: {  	v6 =	vld [tilespmem:s15+$0x4010]  }
0x6ae: {  	v4 =	vld [tilespmem:s15+$0x4020]  }
0x6af: {  	v1 =	vld [tilespmem:s15+$0x4030]  }
0x6b0: {  	v3 =	vld [tilespmem:s15+$0x4040]  }
0x6b1: {  	s13 =	sor.u32 $0xC070, s15;
	v2 =	vld [tilespmem:s15+$0x4060]  }
0x6b2: {  	[tilespmem:s13+$0x0] =	vst.add.f32.msk $0xffff, v0  }
0x6b3: {  	s14 =	sor.u32 $0xC000, s15;
	s19 =	sor.u32 $0xC010, s15;
	v0 =	vld [tilespmem:s15+$0x4050]  }
0x6b4: {  	s17 =	sor.u32 $0xC020, s15;
	s18 =	sor.u32 $0xC030, s15;
	s16 =	sor.u32 $0xC040, s15;
	[tilespmem:s14+$0x0] =	vst.add.f32.msk $0xffff, v5  }
0x6b5: {  	s13 =	simm.s32 $0x0;
	s14 =	sor.u32 $0xC050, s15;
	s15 =	sor.u32 $0xC060, s15;
	[tilespmem:s19+$0x0] =	vst.add.f32.msk $0xffff, v6  }
.LBB2_74:
0x6b6: {  	s13 =	sadd.s32 $0x8, s13;
	[tilespmem:s17+$0x0] =	vst.add.f32.msk $0xffff, v4  }
0x6b7: {  	s12 =	sadd.s32 $0x400, s12;
	s17 =	sshll.u32 s13, $0x4;
	p0 =	slt.u32 s13, $0x3F8;
	[tilespmem:s18+$0x0] =	vst.add.f32.msk $0xffff, v1  }
0x6b8: {  	s18 =	sand.u32 $0x1C00, s12;
	s19 =	sshll.u32 s13, $0x1;
	s17 =	sand.u32 $0x2000, s17;
	[tilespmem:s16+$0x0] =	vst.add.f32.msk $0xffff, v3  }
0x6b9: {  	s16 =	sor.u32 s18, s17;
	s17 =	sand.u32 $0x380, s19;
	[tilespmem:s14+$0x0] =	vst.add.f32.msk $0xffff, v0  }
0x6ba: {  	s19 =	sor.u32 s17, s16;
	[tilespmem:s15+$0x0] =	vst.add.f32.msk $0xffff, v2  }
0x6bb: {  	s20 =	sor.u32 $0xC000, s19;
	s21 =	sor.u32 $0xC010, s19;
	s17 =	sor.u32 $0xC020, s19;
	v0 =	vld [tilespmem:s19+$0x4070]  }
0x6bc: {  	s18 =	sor.u32 $0xC030, s19;
	s16 =	sor.u32 $0xC040, s19;
	s14 =	sor.u32 $0xC050, s19;
	v5 =	vld [tilespmem:s19+$0x4000]  }
0x6bd: {  	s15 =	sor.u32 $0xC060, s19;
	v6 =	vld [tilespmem:s19+$0x4010]  }
0x6be: {  	v4 =	vld [tilespmem:s19+$0x4020]  }
0x6bf: {  	s22 =	sor.u32 $0xC070, s19;
	v1 =	vld [tilespmem:s19+$0x4030]  }
0x6c0: {  	[tilespmem:s22+$0x0] =	vst.add.f32.msk $0xffff, v0  }
.Ltmp36:
0x6c1: {  	v3 =	vld [tilespmem:s19+$0x4040];
	(pc) =	sbr.rel @p0 .LBB2_74-.Ltmp36, $4  }
0x6c2: {  	v0 =	vld [tilespmem:s19+$0x4050]  }
0x6c3: {  	v2 =	vld [tilespmem:s19+$0x4060]  }
0x6c4: {  	[tilespmem:s20+$0x0] =	vst.add.f32.msk $0xffff, v5  }
0x6c5: {  	[tilespmem:s21+$0x0] =	vst.add.f32.msk $0xffff, v6  }
0x6c6: {  	[tilespmem:s17+$0x0] =	vst.add.f32.msk $0xffff, v4  }
0x6c7: {  	[tilespmem:s18+$0x0] =	vst.add.f32.msk $0xffff, v1  }
0x6c8: {  	[tilespmem:s16+$0x0] =	vst.add.f32.msk $0xffff, v3  }
0x6c9: {  	[tilespmem:s14+$0x0] =	vst.add.f32.msk $0xffff, v0  }
0x6ca: {  	[tilespmem:s15+$0x0] =	vst.add.f32.msk $0xffff, v2  }
0x6cb: {  	s13 =	sld [smem:$0x7F4];
	_ =	sdelay $0x1  }
0x6cc: {  	s12 =	simm.s32 $0x0  }
0x6cd: {  	[hbm4b:s13+s12] =	stream.linear.scatter [tilespmem:s25], [sflag:$0x5], $0x4000, $0x38;
	[tilespmem:$0x1C080] =	vst v63  }
0x6ce: {  	_ =	swait.ge [sflag:s10], $0x4000  }
0x6cf: {  	s18 =	sld [smem:$0x7F9]  }
0x6d0: {  	[sflag:s10] =	ssyncset.done $0x0  }
0x6d1: {  	s19 =	simm.s32 $0x0;
	s21 =	simm.s32 $0x0;
	[sflag:s10] =	ssyncadd.s32 $0xFFFFC000  }
0x6d2: {  	[tilespmem:s2], [sflag:$0x4] =	stream.linear.gather [hbm4b:s18+s12], $0x4000, $0x38;
	[tilespmem:$0x1C080] =	vst v63  }
0x6d3: {  	s20 =	sand.u32 $0x1C00, s12;
	s13 =	sand.u32 $0x2000, s19;
	_ =	swait.ge [sflag:s3], $0x4000  }
0x6d4: {  	s22 =	sand.u32 $0x380, s21;
	s13 =	sor.u32 s20, s13;
	[sflag:s3] =	ssyncset.done $0x0  }
0x6d5: {  	s15 =	sor.u32 s22, s13;
	[sflag:s3] =	ssyncadd.s32 $0xFFFFC000  }
0x6d6: {  	v0 =	vld [tilespmem:s15+$0x4070]  }
0x6d7: {  	v5 =	vld [tilespmem:s15+$0x4000]  }
0x6d8: {  	v6 =	vld [tilespmem:s15+$0x4010]  }
0x6d9: {  	v4 =	vld [tilespmem:s15+$0x4020]  }
0x6da: {  	v1 =	vld [tilespmem:s15+$0x4030]  }
0x6db: {  	v3 =	vld [tilespmem:s15+$0x4040]  }
0x6dc: {  	s13 =	sor.u32 $0x10070, s15;
	v2 =	vld [tilespmem:s15+$0x4060]  }
0x6dd: {  	[tilespmem:s13+$0x0] =	vst.add.f32.msk $0xffff, v0  }
0x6de: {  	s14 =	sor.u32 $0x10000, s15;
	s19 =	sor.u32 $0x10010, s15;
	v0 =	vld [tilespmem:s15+$0x4050]  }
0x6df: {  	s17 =	sor.u32 $0x10020, s15;
	s16 =	sor.u32 $0x10040, s15;
	s18 =	sor.u32 $0x10030, s15;
	[tilespmem:s14+$0x0] =	vst.add.f32.msk $0xffff, v5  }
0x6e0: {  	s13 =	simm.s32 $0x0;
	s14 =	sor.u32 $0x10050, s15;
	s15 =	sor.u32 $0x10060, s15;
	[tilespmem:s19+$0x0] =	vst.add.f32.msk $0xffff, v6  }
.LBB2_76:
0x6e1: {  	s13 =	sadd.s32 $0x8, s13;
	[tilespmem:s17+$0x0] =	vst.add.f32.msk $0xffff, v4  }
0x6e2: {  	s12 =	sadd.s32 $0x400, s12;
	s17 =	sshll.u32 s13, $0x4;
	p0 =	slt.u32 s13, $0x3F8;
	[tilespmem:s18+$0x0] =	vst.add.f32.msk $0xffff, v1  }
0x6e3: {  	s18 =	sand.u32 $0x1C00, s12;
	s19 =	sshll.u32 s13, $0x1;
	s17 =	sand.u32 $0x2000, s17;
	[tilespmem:s16+$0x0] =	vst.add.f32.msk $0xffff, v3  }
0x6e4: {  	s16 =	sor.u32 s18, s17;
	s17 =	sand.u32 $0x380, s19;
	[tilespmem:s14+$0x0] =	vst.add.f32.msk $0xffff, v0  }
0x6e5: {  	s19 =	sor.u32 s17, s16;
	[tilespmem:s15+$0x0] =	vst.add.f32.msk $0xffff, v2  }
0x6e6: {  	s20 =	sor.u32 $0x10000, s19;
	s21 =	sor.u32 $0x10010, s19;
	s17 =	sor.u32 $0x10020, s19;
	v0 =	vld [tilespmem:s19+$0x4070]  }
0x6e7: {  	s18 =	sor.u32 $0x10030, s19;
	s16 =	sor.u32 $0x10040, s19;
	s14 =	sor.u32 $0x10050, s19;
	v5 =	vld [tilespmem:s19+$0x4000]  }
0x6e8: {  	s15 =	sor.u32 $0x10060, s19;
	v6 =	vld [tilespmem:s19+$0x4010]  }
0x6e9: {  	v4 =	vld [tilespmem:s19+$0x4020]  }
0x6ea: {  	s22 =	sor.u32 $0x10070, s19;
	v1 =	vld [tilespmem:s19+$0x4030]  }
0x6eb: {  	[tilespmem:s22+$0x0] =	vst.add.f32.msk $0xffff, v0  }
.Ltmp37:
0x6ec: {  	v3 =	vld [tilespmem:s19+$0x4040];
	(pc) =	sbr.rel @p0 .LBB2_76-.Ltmp37, $4  }
0x6ed: {  	v0 =	vld [tilespmem:s19+$0x4050]  }
0x6ee: {  	v2 =	vld [tilespmem:s19+$0x4060]  }
0x6ef: {  	[tilespmem:s20+$0x0] =	vst.add.f32.msk $0xffff, v5  }
0x6f0: {  	[tilespmem:s21+$0x0] =	vst.add.f32.msk $0xffff, v6  }
0x6f1: {  	[tilespmem:s17+$0x0] =	vst.add.f32.msk $0xffff, v4  }
0x6f2: {  	[tilespmem:s18+$0x0] =	vst.add.f32.msk $0xffff, v1  }
0x6f3: {  	[tilespmem:s16+$0x0] =	vst.add.f32.msk $0xffff, v3  }
0x6f4: {  	[tilespmem:s14+$0x0] =	vst.add.f32.msk $0xffff, v0  }
0x6f5: {  	[tilespmem:s15+$0x0] =	vst.add.f32.msk $0xffff, v2  }
0x6f6: {  	s13 =	sld [smem:$0x7FA];
	_ =	sdelay $0x1  }
0x6f7: {  	s12 =	simm.s32 $0x0;
	s19 =	simm.s32 $0x0;
	s21 =	simm.s32 $0x0  }
0x6f8: {  	[hbm4b:s13+s12] =	stream.linear.scatter [tilespmem:s26], [sflag:$0x6], $0x4000, $0x38;
	[tilespmem:$0x1C080] =	vst v63  }
0x6f9: {  	s20 =	sand.u32 $0x1C00, s12;
	s13 =	sand.u32 $0x2000, s19;
	_ =	swait.ge [sflag:s5], $0x4000  }
0x6fa: {  	s22 =	sand.u32 $0x380, s21;
	s13 =	sor.u32 s20, s13;
	[sflag:s5] =	ssyncset.done $0x0  }
0x6fb: {  	s15 =	sor.u32 s22, s13;
	[sflag:s5] =	ssyncadd.s32 $0xFFFFC000  }
0x6fc: {  	v0 =	vld [tilespmem:s15+$0x4070]  }
0x6fd: {  	v5 =	vld [tilespmem:s15+$0x4000]  }
0x6fe: {  	v6 =	vld [tilespmem:s15+$0x4010]  }
0x6ff: {  	v4 =	vld [tilespmem:s15+$0x4020]  }
0x700: {  	v1 =	vld [tilespmem:s15+$0x4030]  }
0x701: {  	v3 =	vld [tilespmem:s15+$0x4040]  }
0x702: {  	s13 =	sor.u32 $0x14070, s15;
	v2 =	vld [tilespmem:s15+$0x4060]  }
0x703: {  	[tilespmem:s13+$0x0] =	vst.add.f32.msk $0xffff, v0  }
0x704: {  	s14 =	sor.u32 $0x14000, s15;
	s19 =	sor.u32 $0x14010, s15;
	v0 =	vld [tilespmem:s15+$0x4050]  }
0x705: {  	s17 =	sor.u32 $0x14020, s15;
	s18 =	sor.u32 $0x14030, s15;
	s16 =	sor.u32 $0x14040, s15;
	[tilespmem:s14+$0x0] =	vst.add.f32.msk $0xffff, v5  }
0x706: {  	s13 =	simm.s32 $0x0;
	s14 =	sor.u32 $0x14050, s15;
	s15 =	sor.u32 $0x14060, s15;
	[tilespmem:s19+$0x0] =	vst.add.f32.msk $0xffff, v6  }
.LBB2_78:
0x707: {  	s13 =	sadd.s32 $0x8, s13;
	[tilespmem:s17+$0x0] =	vst.add.f32.msk $0xffff, v4  }
0x708: {  	s12 =	sadd.s32 $0x400, s12;
	s17 =	sshll.u32 s13, $0x4;
	p0 =	slt.u32 s13, $0x3F8;
	[tilespmem:s18+$0x0] =	vst.add.f32.msk $0xffff, v1  }
0x709: {  	s18 =	sand.u32 $0x1C00, s12;
	s19 =	sshll.u32 s13, $0x1;
	s17 =	sand.u32 $0x2000, s17;
	[tilespmem:s16+$0x0] =	vst.add.f32.msk $0xffff, v3  }
0x70a: {  	s16 =	sor.u32 s18, s17;
	s17 =	sand.u32 $0x380, s19;
	[tilespmem:s14+$0x0] =	vst.add.f32.msk $0xffff, v0  }
0x70b: {  	s19 =	sor.u32 s17, s16;
	[tilespmem:s15+$0x0] =	vst.add.f32.msk $0xffff, v2  }
0x70c: {  	s20 =	sor.u32 $0x14000, s19;
	s21 =	sor.u32 $0x14010, s19;
	s17 =	sor.u32 $0x14020, s19;
	v0 =	vld [tilespmem:s19+$0x4070]  }
0x70d: {  	s18 =	sor.u32 $0x14030, s19;
	s16 =	sor.u32 $0x14040, s19;
	s14 =	sor.u32 $0x14050, s19;
	v5 =	vld [tilespmem:s19+$0x4000]  }
0x70e: {  	s15 =	sor.u32 $0x14060, s19;
	v6 =	vld [tilespmem:s19+$0x4010]  }
0x70f: {  	v4 =	vld [tilespmem:s19+$0x4020]  }
0x710: {  	s22 =	sor.u32 $0x14070, s19;
	v1 =	vld [tilespmem:s19+$0x4030]  }
0x711: {  	[tilespmem:s22+$0x0] =	vst.add.f32.msk $0xffff, v0  }
.Ltmp38:
0x712: {  	v3 =	vld [tilespmem:s19+$0x4040];
	(pc) =	sbr.rel @p0 .LBB2_78-.Ltmp38, $4  }
0x713: {  	v0 =	vld [tilespmem:s19+$0x4050]  }
0x714: {  	v2 =	vld [tilespmem:s19+$0x4060]  }
0x715: {  	[tilespmem:s20+$0x0] =	vst.add.f32.msk $0xffff, v5  }
0x716: {  	[tilespmem:s21+$0x0] =	vst.add.f32.msk $0xffff, v6  }
0x717: {  	[tilespmem:s17+$0x0] =	vst.add.f32.msk $0xffff, v4  }
0x718: {  	[tilespmem:s18+$0x0] =	vst.add.f32.msk $0xffff, v1  }
0x719: {  	[tilespmem:s16+$0x0] =	vst.add.f32.msk $0xffff, v3  }
0x71a: {  	[tilespmem:s14+$0x0] =	vst.add.f32.msk $0xffff, v0  }
0x71b: {  	[tilespmem:s15+$0x0] =	vst.add.f32.msk $0xffff, v2  }
0x71c: {  	s13 =	sld [smem:$0x7FB];
	_ =	sdelay $0x1  }
0x71d: {  	s12 =	simm.s32 $0x0;
	s19 =	simm.s32 $0x0;
	s21 =	simm.s32 $0x0  }
0x71e: {  	[hbm4b:s13+s12] =	stream.linear.scatter [tilespmem:s31], [sflag:$0x7], $0x4000, $0x38;
	[tilespmem:$0x1C080] =	vst v63  }
0x71f: {  	s20 =	sand.u32 $0x1C00, s12;
	s13 =	sand.u32 $0x2000, s19;
	_ =	swait.ge [sflag:s7], $0x4000  }
0x720: {  	s22 =	sand.u32 $0x380, s21;
	s13 =	sor.u32 s20, s13;
	[sflag:s7] =	ssyncset.done $0x0  }
0x721: {  	s15 =	sor.u32 s22, s13;
	[sflag:s7] =	ssyncadd.s32 $0xFFFFC000  }
0x722: {  	v0 =	vld [tilespmem:s15+$0x4070]  }
0x723: {  	v5 =	vld [tilespmem:s15+$0x4000]  }
0x724: {  	v6 =	vld [tilespmem:s15+$0x4010]  }
0x725: {  	v4 =	vld [tilespmem:s15+$0x4020]  }
0x726: {  	v1 =	vld [tilespmem:s15+$0x4030]  }
0x727: {  	v3 =	vld [tilespmem:s15+$0x4040]  }
0x728: {  	s13 =	sor.u32 $0x18070, s15;
	v2 =	vld [tilespmem:s15+$0x4060]  }
0x729: {  	[tilespmem:s13+$0x0] =	vst.add.f32.msk $0xffff, v0  }
0x72a: {  	s14 =	sor.u32 $0x18000, s15;
	s19 =	sor.u32 $0x18010, s15;
	v0 =	vld [tilespmem:s15+$0x4050]  }
0x72b: {  	s17 =	sor.u32 $0x18020, s15;
	s18 =	sor.u32 $0x18030, s15;
	s16 =	sor.u32 $0x18040, s15;
	[tilespmem:s14+$0x0] =	vst.add.f32.msk $0xffff, v5  }
0x72c: {  	s13 =	simm.s32 $0x0;
	s14 =	sor.u32 $0x18050, s15;
	s15 =	sor.u32 $0x18060, s15;
	[tilespmem:s19+$0x0] =	vst.add.f32.msk $0xffff, v6  }
.LBB2_80:
0x72d: {  	s13 =	sadd.s32 $0x8, s13;
	[tilespmem:s17+$0x0] =	vst.add.f32.msk $0xffff, v4  }
0x72e: {  	s12 =	sadd.s32 $0x400, s12;
	s17 =	sshll.u32 s13, $0x4;
	p0 =	slt.u32 s13, $0x3F8;
	[tilespmem:s18+$0x0] =	vst.add.f32.msk $0xffff, v1  }
0x72f: {  	s18 =	sand.u32 $0x1C00, s12;
	s19 =	sshll.u32 s13, $0x1;
	s17 =	sand.u32 $0x2000, s17;
	[tilespmem:s16+$0x0] =	vst.add.f32.msk $0xffff, v3  }
0x730: {  	s16 =	sor.u32 s18, s17;
	s17 =	sand.u32 $0x380, s19;
	[tilespmem:s14+$0x0] =	vst.add.f32.msk $0xffff, v0  }
0x731: {  	s19 =	sor.u32 s17, s16;
	[tilespmem:s15+$0x0] =	vst.add.f32.msk $0xffff, v2  }
0x732: {  	s20 =	sor.u32 $0x18000, s19;
	s21 =	sor.u32 $0x18010, s19;
	s17 =	sor.u32 $0x18020, s19;
	v0 =	vld [tilespmem:s19+$0x4070]  }
0x733: {  	s18 =	sor.u32 $0x18030, s19;
	s16 =	sor.u32 $0x18040, s19;
	s14 =	sor.u32 $0x18050, s19;
	v5 =	vld [tilespmem:s19+$0x4000]  }
0x734: {  	s15 =	sor.u32 $0x18060, s19;
	v6 =	vld [tilespmem:s19+$0x4010]  }
0x735: {  	v4 =	vld [tilespmem:s19+$0x4020]  }
0x736: {  	s22 =	sor.u32 $0x18070, s19;
	v1 =	vld [tilespmem:s19+$0x4030]  }
0x737: {  	[tilespmem:s22+$0x0] =	vst.add.f32.msk $0xffff, v0  }
.Ltmp39:
0x738: {  	v3 =	vld [tilespmem:s19+$0x4040];
	(pc) =	sbr.rel @p0 .LBB2_80-.Ltmp39, $4  }
0x739: {  	v0 =	vld [tilespmem:s19+$0x4050]  }
0x73a: {  	v2 =	vld [tilespmem:s19+$0x4060]  }
0x73b: {  	[tilespmem:s20+$0x0] =	vst.add.f32.msk $0xffff, v5  }
0x73c: {  	[tilespmem:s21+$0x0] =	vst.add.f32.msk $0xffff, v6  }
0x73d: {  	[tilespmem:s17+$0x0] =	vst.add.f32.msk $0xffff, v4  }
0x73e: {  	[tilespmem:s18+$0x0] =	vst.add.f32.msk $0xffff, v1  }
0x73f: {  	[tilespmem:s16+$0x0] =	vst.add.f32.msk $0xffff, v3  }
0x740: {  	[tilespmem:s14+$0x0] =	vst.add.f32.msk $0xffff, v0  }
0x741: {  	[tilespmem:s15+$0x0] =	vst.add.f32.msk $0xffff, v2  }
0x742: {  	s12 =	sld [smem:$0x7FC];
	_ =	sdelay $0x2  }
0x743: {  	[hbm4b:s12+s1] =	stream.linear.scatter [tilespmem:s2], [sflag:$0x8], $0x4000, $0x38;
	[tilespmem:$0x1C080] =	vst v63  }
0x744: {  	_ =	swait.ge [sflag:s4], $0x4000  }
0x745: {  	[sflag:s4] =	ssyncset.done $0x0  }
0x746: {  	[sflag:s4] =	ssyncadd.s32 $0xFFFFC000  }
0x747: {  	_ =	swait.ge [sflag:s6], $0x4000  }
0x748: {  	[sflag:s6] =	ssyncset.done $0x0  }
0x749: {  	s11 =	sadd.s32 $0x1, s11;
	[sflag:s6] =	ssyncadd.s32 $0xFFFFC000  }
0x74a: {  	p0 =	sne.s32 s11, s23;
	_ =	swait.ge [sflag:s9], $0x4000  }
.Ltmp40:
0x74b: {  	[sflag:s9] =	ssyncset.done $0x0;
	(pc) =	sbr.rel @p0 .LBB2_1-.Ltmp40, $4  }
0x74c: {  	[sflag:s9] =	ssyncadd.s32 $0xFFFFC000  }
0x74d: {  	_ =	swait.ge [sflag:s10], $0x4000  }
0x74e: {  	[sflag:s10] =	ssyncset.done $0x0  }
0x74f: {  	[sflag:s10] =	ssyncadd.s32 $0xFFFFC000  }
0x750: {  	_ =	sfence.sel $0x180000  }
0x751: {  	[bflag:$0x0] =	sbarrier.arrive $0xFFFF  }
0x752: {  	_ =	strace $0x90000047  }
0x753: {  	s0 =	stileid.u32;
	[bflag:$0x2] =	sbarrier.arrive $0xFFFF  }
0x754: {  	p0 =	sne.s32 s0, $0x0;
	s0 =	rddreg [dreg:$0x5]  }
0x755: {  	s0 =	sadd.s32 @!p0 $0x100000, s0  }
0x756: {  	[sflag:s0] =	ssyncadd.tile.s32 @!p0 $0x1;
	_ =	shalt  }
.Lfunc_end2:
_tile_overlayer_lowered:
.L_overlay_start_2:
0x757: {  	(tag) =	ssettag $0x2  }
0x758: {  	s0 =	rddreg [dreg:$0x0];
	s2 =	stileid.u32  }
0x759: {  	s1 =	rddreg [dreg:$0x1];
	p0 =	sne.s32 s2, $0x0  }
0x75a: {  	s3 =	rddreg [dreg:$0x2];
	[bflag:$0x3] =	sbarrier.arrive $0xFFFF;
	s2 =	simm.s32 @!p0 $0x1C0B  }
0x75b: {  	[timem:s3], [sflag:s2] =	dma.local @!p0 [hbm:s0], s1  }
0x75c: {  	s0 =	simm.s32 @!p0 $0xB  }
0x75d: {  	_ =	swait.ge @!p0 [sflag:s0], s1  }
0x75e: {  	s1 =	ssub.s32 @!p0 $0x0, s1;
	[sflag:s0] =	ssyncset.done @!p0 $0x0  }
0x75f: {  	[sflag:s0] =	ssyncadd.s32 @!p0 s1  }
0x760: {  	[bflag:$0x3] =	sbarrier.arrive $0xFFFF  }
0x761: {  	_ =	shalt  }

</sc_bundles>
